<compile_context>
chip_gen: v7x
topology: tpu7x:2x2x1
jax: 0.10.2.dev20260603
libtpu: 0.0.44.dev20260713+nightly
codegen_flags: <defaults>
</compile_context>

<pallas_src>
import jax
import jax.numpy as jnp
from jax import lax
from jax.experimental import pallas as pl
from jax.experimental.pallas import tpu as pltpu
from jax.experimental.pallas import tpu_sc as plsc

N = 10000
D = 128
E = 320000

NC = 2
NS = 16
NW = NC * NS

EPW = E // NW
CH = 80
NCH = EPW // CH

NACC = 10240
RPT = NACC // NS
ZB = 80


def _make_agg(with_cnt: bool):
  out_type = [jax.ShapeDtypeStruct((NC, NACC, D), jnp.float32)]
  scratch = (
      [pltpu.VMEM((CH,), jnp.int32)] * 3 +
      [pltpu.VMEM((CH,), jnp.int32)] * 3 +
      [pltpu.VMEM((CH, D), jnp.float32)] * 3 +
      [pltpu.VMEM_SHARED((NACC, D), jnp.float32)] +
      [pltpu.SemaphoreType.DMA] * 9
  )
  if with_cnt:
    out_type.append(jax.ShapeDtypeStruct((NW, NACC), jnp.float32))
    scratch += [
        pltpu.VMEM((NACC,), jnp.float32),
    ]

  mesh = plsc.VectorSubcoreMesh(
      core_axis_name="c", subcore_axis_name="s",
      num_cores=NC, num_subcores=NS)

  def body(table_hbm, src_hbm, dst_hbm, z_hbm, zc_hbm, *refs):
    if with_cnt:
      (acc_out, cnt_out, s0, s1, s2, d0, d1, d2, r0_, r1_, r2_, accum,
       g0, g1, g2, i0, i1, i2, x0, x1, x2, hist) = refs
    else:
      (acc_out, s0, s1, s2, d0, d1, d2, r0_, r1_, r2_, accum,
       g0, g1, g2, i0, i1, i2, x0, x1, x2) = refs
    srcs, dsts, rows = [s0, s1, s2], [d0, d1, d2], [r0_, r1_, r2_]
    gsems, isems, ssems = [g0, g1, g2], [i0, i1, i2], [x0, x1, x2]
    c = lax.axis_index("c")
    s = lax.axis_index("s")
    w = s * NC + c

    def issue_idx(k, ch):
      pltpu.async_copy(src_hbm.at[w].at[ch].at[0], srcs[k], isems[k])
      pltpu.async_copy(dst_hbm.at[w].at[ch].at[0], dsts[k], isems[k])

    def wait_idx(k, ch):
      pltpu.make_async_copy(src_hbm.at[w].at[ch].at[0], srcs[k],
                            isems[k]).wait()
      pltpu.make_async_copy(dst_hbm.at[w].at[ch].at[0], dsts[k],
                            isems[k]).wait()

    def issue_gather(k):
      pltpu.async_copy(table_hbm.at[srcs[k]], rows[k], gsems[k])

    def wait_gather(k):
      pltpu.make_async_copy(table_hbm.at[srcs[k]], rows[k],
                            gsems[k]).wait()

    def scatter(k):
      pltpu.async_copy(rows[k], accum.at[dsts[k]], ssems[k], add=True)
      if with_cnt:
        ones16 = jnp.full((16,), 1.0, jnp.float32)
        for kk in range(CH // 16):
          idxv = dsts[k][pl.ds(kk * 16, 16)]
          plsc.addupdate_scatter(hist, [idxv], ones16)

    def wait_scatter(k):
      pltpu.make_async_copy(rows[k], accum.at[dsts[k]], ssems[k]).wait()

    if with_cnt:
      pltpu.async_copy(zc_hbm, hist, isems[0])
    pltpu.sync_copy(z_hbm, rows[0])
    for b in range(RPT // ZB):
      pltpu.async_copy(rows[0], accum.at[pl.ds(s * RPT + b * ZB, ZB)],
                       gsems[0])
    for b in range(RPT // ZB):
      pltpu.make_async_copy(rows[0], accum.at[pl.ds(s * RPT + b * ZB, ZB)],
                            gsems[0]).wait()
    if with_cnt:
      pltpu.make_async_copy(zc_hbm, hist, isems[0]).wait()
    plsc.subcore_barrier()

    issue_idx(0, 0)
    wait_idx(0, 0)
    issue_gather(0)
    issue_idx(1, 1)
    wait_idx(1, 1)
    issue_gather(1)
    issue_idx(2, 2)
    wait_gather(0)
    scatter(0)

    def step(i, carry):
      base = 3 * i + 1
      for k in range(3):
        ch = base + k
        kc = (1 + k) % 3
        kn = (2 + k) % 3
        kp = k % 3
        wait_idx(kn, ch + 1)
        issue_gather(kn)
        wait_scatter(kp)
        issue_idx(kp, jnp.minimum(ch + 2, NCH - 1))
        wait_gather(kc)
        scatter(kc)
      return carry
    lax.fori_loop(0, (NCH - 2) // 3, step, 0)

    wait_scatter(0)
    wait_gather(1)
    scatter(1)
    wait_scatter(1)
    wait_idx(2, NCH - 1)
    plsc.subcore_barrier()

    if with_cnt:
      pltpu.async_copy(hist, cnt_out.at[w], isems[0])

    def _wr(sl, b):
      return pltpu.make_async_copy(
          rows[sl], acc_out.at[c].at[pl.ds(s * RPT + b * ZB, ZB)],
          gsems[sl])

    nb = RPT // ZB
    for b in range(nb):
      sl = b % 3
      if b >= 3:
        _wr(sl, b - 3).wait()
      rr = s * RPT + b * ZB
      pltpu.sync_copy(accum.at[pl.ds(rr, ZB)], rows[sl])
      pltpu.async_copy(rows[sl], acc_out.at[c].at[pl.ds(rr, ZB)],
                       gsems[sl])
    for b in range(nb - 3, nb):
      _wr(b % 3, b).wait()
    if with_cnt:
      pltpu.make_async_copy(hist, cnt_out.at[w], isems[0]).wait()

  return pl.kernel(
      body, out_type=out_type, mesh=mesh, scratch_types=scratch,
      compiler_params=pltpu.CompilerParams(needs_layout_passes=False))


_agg_with_cnt = _make_agg(True)
_agg_no_cnt = _make_agg(False)


def _mm(acc, cnt2, xin, wl, wr, b, relu):
  BN = 1024
  grid = (N + BN - 1) // BN

  def mmbody(acc_ref, cnt_ref, x_ref, wl_ref, wr_ref, b_ref, o_ref):
    cnt = jnp.sum(cnt_ref[...], axis=0)[:, None]
    ssum = acc_ref[0] + acc_ref[1]
    mean = ssum / jnp.maximum(cnt, 1.0)
    r = (jnp.dot(mean, wl_ref[...], preferred_element_type=jnp.float32)
         + b_ref[...]
         + jnp.dot(x_ref[...], wr_ref[...],
                   preferred_element_type=jnp.float32))
    o_ref[...] = jnp.maximum(r, 0.0) if relu else r

  return pl.pallas_call(
      mmbody,
      grid=(grid,),
      in_specs=[
          pl.BlockSpec((2, BN, D), lambda i: (0, i, 0)),
          pl.BlockSpec((NW, BN), lambda i: (0, i)),
          pl.BlockSpec((BN, D), lambda i: (i, 0)),
          pl.BlockSpec((D, D), lambda i: (0, 0)),
          pl.BlockSpec((D, D), lambda i: (0, 0)),
          pl.BlockSpec((1, D), lambda i: (0, 0)),
      ],
      out_specs=pl.BlockSpec((BN, D), lambda i: (i, 0)),
      out_shape=jax.ShapeDtypeStruct((N, D), jnp.float32),
  )(acc, cnt2, xin, wl, wr, b.reshape(1, D))


@jax.jit
def kernel(x, edge_index, W1_l, W1_r, b1, W2_l, W2_r, b2):
  src = edge_index[0].reshape(NW, NCH, 1, CH)
  dst = edge_index[1].reshape(NW, NCH, 1, CH)
  z_hbm = jnp.zeros((ZB, D), jnp.float32)
  zc_hbm = jnp.zeros((NACC,), jnp.float32)

  acc1, cnt2 = _agg_with_cnt(x, src, dst, z_hbm, zc_hbm)
  h = _mm(acc1, cnt2, x, W1_l, W1_r, b1, relu=True)
  (acc2,) = _agg_no_cnt(h, src, dst, z_hbm, zc_hbm)
  out = _mm(acc2, cnt2, h, W2_l, W2_r, b2, relu=False)
  return out

# --- scband reference (transcript-rebuilt; emitter-appended) ---
"""Pipeline reference for scband-gnn-42391327211901 (READ-ONLY COPY).

The authoritative reference and input builder live on the scoring server;
editing this copy changes nothing except your own understanding.
"""

import jax, jax.numpy as jnp
import numpy as np

N = 10000
E = 320000
D_IN = 128
D_HID = 128
D_OUT = 128


def setup_inputs(seed: int = 0) -> dict:
    key = jax.random.key(seed)
    ks = jax.random.split(key, 9)
    x = jax.random.normal(ks[0], (N, D_IN), dtype=jnp.float32)
    edge_index = jax.random.randint(ks[1], (2, E), 0, N, dtype=jnp.int32)
    s1 = 1.0 / np.sqrt(D_IN)
    s2 = 1.0 / np.sqrt(D_HID)
    W1_l = jax.random.uniform(ks[2], (D_IN, D_HID), jnp.float32, -s1, s1)
    W1_r = jax.random.uniform(ks[3], (D_IN, D_HID), jnp.float32, -s1, s1)
    b1 = jax.random.uniform(ks[4], (D_HID,), jnp.float32, -s1, s1)
    W2_l = jax.random.uniform(ks[5], (D_HID, D_OUT), jnp.float32, -s2, s2)
    W2_r = jax.random.uniform(ks[6], (D_HID, D_OUT), jnp.float32, -s2, s2)
    b2 = jax.random.uniform(ks[7], (D_OUT,), jnp.float32, -s2, s2)
    return {"x": x, "edge_index": edge_index, "W1_l": W1_l, "W1_r": W1_r, "b1": b1, "W2_l": W2_l, "W2_r": W2_r, "b2": b2}


def _sage_conv(x, edge_index, W_l, W_r, b):
    # PyG SAGEConv (mean aggregation): out = lin_l(mean_j x_j) + lin_r(x_i)
    src = edge_index[0]
    dst = edge_index[1]
    msg = x[src]  # gather over source nodes
    summed = jax.ops.segment_sum(msg, dst, num_segments=N)
    cnt = jax.ops.segment_sum(jnp.ones((msg.shape[0], 1), dtype=x.dtype), dst, num_segments=N)
    mean = summed / jnp.clip(cnt, 1.0, None)
    return mean @ W_l + b + x @ W_r


def reference(x, edge_index, W1_l, W1_r, b1, W2_l, W2_r, b2):
    h = jax.nn.relu(_sage_conv(x, edge_index, W1_l, W1_r, b1))
    out = _sage_conv(h, edge_index, W2_l, W2_r, b2)
    return out

if __name__ == "__main__":
    import jax
    _d = setup_inputs()
    print(jax.jit(kernel)(*tuple(_d.values())))

</pallas_src>

<mosaic_0001>
#map = affine_map<(d0, d1) -> (0, 0)>
#map1 = affine_map<(d0, d1) -> (0, 0, 0, 0)>
#map2 = affine_map<(d0, d1) -> (0)>
#map3 = affine_map<(d0, d1) -> (0, 0, 0)>
module attributes {stable_mosaic.version = 14 : i64} {
  func.func @body(%arg0: i32, %arg1: i32, %arg2: memref<10000x128xf32, #tpu.memory_space<hbm>>, %arg3: memref<32x125x1x80xi32, #tpu.memory_space<hbm>>, %arg4: memref<32x125x1x80xi32, #tpu.memory_space<hbm>>, %arg5: memref<80x128xf32, #tpu.memory_space<hbm>>, %arg6: memref<10240xf32, #tpu.memory_space<hbm>>, %arg7: memref<2x10240x128xf32, #tpu.memory_space<hbm>>, %arg8: memref<32x10240xf32, #tpu.memory_space<hbm>>, %arg9: memref<80xi32, #tpu.memory_space<vmem>>, %arg10: memref<80xi32, #tpu.memory_space<vmem>>, %arg11: memref<80xi32, #tpu.memory_space<vmem>>, %arg12: memref<80xi32, #tpu.memory_space<vmem>>, %arg13: memref<80xi32, #tpu.memory_space<vmem>>, %arg14: memref<80xi32, #tpu.memory_space<vmem>>, %arg15: memref<80x128xf32, #tpu.memory_space<vmem>>, %arg16: memref<80x128xf32, #tpu.memory_space<vmem>>, %arg17: memref<80x128xf32, #tpu.memory_space<vmem>>, %arg18: memref<10240x128xf32, #tpu.memory_space<vmem_shared>>, %arg19: memref<!tpu.dma_semaphore, #tpu.memory_space<semaphore_mem>>, %arg20: memref<!tpu.dma_semaphore, #tpu.memory_space<semaphore_mem>>, %arg21: memref<!tpu.dma_semaphore, #tpu.memory_space<semaphore_mem>>, %arg22: memref<!tpu.dma_semaphore, #tpu.memory_space<semaphore_mem>>, %arg23: memref<!tpu.dma_semaphore, #tpu.memory_space<semaphore_mem>>, %arg24: memref<!tpu.dma_semaphore, #tpu.memory_space<semaphore_mem>>, %arg25: memref<!tpu.dma_semaphore, #tpu.memory_space<semaphore_mem>>, %arg26: memref<!tpu.dma_semaphore, #tpu.memory_space<semaphore_mem>>, %arg27: memref<!tpu.dma_semaphore, #tpu.memory_space<semaphore_mem>>, %arg28: memref<10240xf32, #tpu.memory_space<vmem>>) attributes {dimension_semantics = [#tpu.dimension_semantics<core_parallel>, #tpu.dimension_semantics<subcore_parallel>], iteration_bounds = array<i64: 2, 16>, scalar_prefetch = 0 : i64, scratch_operands = 20 : i64, tpu.core_type = #tpu.core_type<sc_vector_subcore>, window_params = [{transform_indices = #map}, {transform_indices = #map1}, {transform_indices = #map1}, {transform_indices = #map}, {transform_indices = #map2}, {transform_indices = #map3}, {transform_indices = #map}]} {
    %mul3A = arith.constant 2 : i32
    %mul3A_0 = arith.muli %arg1, %mul3A : i32
    %add3A = arith.addi %mul3A_0, %arg0 : i32
    tpu.enqueue_dma source(%arg6 : memref<10240xf32, #tpu.memory_space<hbm>>) target(%arg28 : memref<10240xf32, #tpu.memory_space<vmem>>) target_semaphore(%arg22 : memref<!tpu.dma_semaphore, #tpu.memory_space<semaphore_mem>>)
    "tpu.region"() ({
      %run_scoped3A = tpu.sem_alloc : memref<!tpu.dma_semaphore, #tpu.memory_space<semaphore_mem>>
      tpu.enqueue_dma source(%arg5 : memref<80x128xf32, #tpu.memory_space<hbm>>) target(%arg15 : memref<80x128xf32, #tpu.memory_space<vmem>>) target_semaphore(%run_scoped3A : memref<!tpu.dma_semaphore, #tpu.memory_space<semaphore_mem>>)
      tpu.wait_dma2 semaphore(%run_scoped3A : memref<!tpu.dma_semaphore, #tpu.memory_space<semaphore_mem>>) src(%arg5 : memref<80x128xf32, #tpu.memory_space<hbm>>) dst(%arg15 : memref<80x128xf32, #tpu.memory_space<vmem>>)
      tpu.yield
    }) : () -> ()
    %mul3A_1 = arith.constant 640 : i32
    %mul3A_2 = arith.muli %arg1, %mul3A_1 : i32
    %add3A_3 = arith.constant 0 : i32
    %add3A_4 = arith.addi %mul3A_2, %add3A_3 : i32
    %dma_start3A = arith.constant 0 : i32
    %dma_start3A_5 = tpu.memref_slice %arg18[%add3A_4, %dma_start3A] : memref<10240x128xf32, #tpu.memory_space<vmem_shared>> -> memref<80x128xf32, #tpu.memory_space<vmem_shared>>
    %dma_start3A_6 = arith.constant 0 : i32
    %dma_start3A_7 = tpu.memref_slice %arg18[%add3A_4, %dma_start3A_6] : memref<10240x128xf32, #tpu.memory_space<vmem_shared>> -> memref<80x128xf32, #tpu.memory_space<vmem_shared>>
    tpu.enqueue_dma source(%arg15 : memref<80x128xf32, #tpu.memory_space<vmem>>) target(%dma_start3A_7 : memref<80x128xf32, #tpu.memory_space<vmem_shared>>) target_semaphore(%arg19 : memref<!tpu.dma_semaphore, #tpu.memory_space<semaphore_mem>>)
    %mul3A_8 = arith.constant 640 : i32
    %mul3A_9 = arith.muli %arg1, %mul3A_8 : i32
    %add3A_10 = arith.constant 80 : i32
    %add3A_11 = arith.addi %mul3A_9, %add3A_10 : i32
    %dma_start3A_12 = arith.constant 0 : i32
    %dma_start3A_13 = tpu.memref_slice %arg18[%add3A_11, %dma_start3A_12] : memref<10240x128xf32, #tpu.memory_space<vmem_shared>> -> memref<80x128xf32, #tpu.memory_space<vmem_shared>>
    %dma_start3A_14 = arith.constant 0 : i32
    %dma_start3A_15 = tpu.memref_slice %arg18[%add3A_11, %dma_start3A_14] : memref<10240x128xf32, #tpu.memory_space<vmem_shared>> -> memref<80x128xf32, #tpu.memory_space<vmem_shared>>
    tpu.enqueue_dma source(%arg15 : memref<80x128xf32, #tpu.memory_space<vmem>>) target(%dma_start3A_15 : memref<80x128xf32, #tpu.memory_space<vmem_shared>>) target_semaphore(%arg19 : memref<!tpu.dma_semaphore, #tpu.memory_space<semaphore_mem>>)
    %mul3A_16 = arith.constant 640 : i32
    %mul3A_17 = arith.muli %arg1, %mul3A_16 : i32
    %add3A_18 = arith.constant 160 : i32
    %add3A_19 = arith.addi %mul3A_17, %add3A_18 : i32
    %dma_start3A_20 = arith.constant 0 : i32
    %dma_start3A_21 = tpu.memref_slice %arg18[%add3A_19, %dma_start3A_20] : memref<10240x128xf32, #tpu.memory_space<vmem_shared>> -> memref<80x128xf32, #tpu.memory_space<vmem_shared>>
    %dma_start3A_22 = arith.constant 0 : i32
    %dma_start3A_23 = tpu.memref_slice %arg18[%add3A_19, %dma_start3A_22] : memref<10240x128xf32, #tpu.memory_space<vmem_shared>> -> memref<80x128xf32, #tpu.memory_space<vmem_shared>>
    tpu.enqueue_dma source(%arg15 : memref<80x128xf32, #tpu.memory_space<vmem>>) target(%dma_start3A_23 : memref<80x128xf32, #tpu.memory_space<vmem_shared>>) target_semaphore(%arg19 : memref<!tpu.dma_semaphore, #tpu.memory_space<semaphore_mem>>)
    %mul3A_24 = arith.constant 640 : i32
    %mul3A_25 = arith.muli %arg1, %mul3A_24 : i32
    %add3A_26 = arith.constant 240 : i32
    %add3A_27 = arith.addi %mul3A_25, %add3A_26 : i32
    %dma_start3A_28 = arith.constant 0 : i32
    %dma_start3A_29 = tpu.memref_slice %arg18[%add3A_27, %dma_start3A_28] : memref<10240x128xf32, #tpu.memory_space<vmem_shared>> -> memref<80x128xf32, #tpu.memory_space<vmem_shared>>
    %dma_start3A_30 = arith.constant 0 : i32
    %dma_start3A_31 = tpu.memref_slice %arg18[%add3A_27, %dma_start3A_30] : memref<10240x128xf32, #tpu.memory_space<vmem_shared>> -> memref<80x128xf32, #tpu.memory_space<vmem_shared>>
    tpu.enqueue_dma source(%arg15 : memref<80x128xf32, #tpu.memory_space<vmem>>) target(%dma_start3A_31 : memref<80x128xf32, #tpu.memory_space<vmem_shared>>) target_semaphore(%arg19 : memref<!tpu.dma_semaphore, #tpu.memory_space<semaphore_mem>>)
    %mul3A_32 = arith.constant 640 : i32
    %mul3A_33 = arith.muli %arg1, %mul3A_32 : i32
    %add3A_34 = arith.constant 320 : i32
    %add3A_35 = arith.addi %mul3A_33, %add3A_34 : i32
    %dma_start3A_36 = arith.constant 0 : i32
    %dma_start3A_37 = tpu.memref_slice %arg18[%add3A_35, %dma_start3A_36] : memref<10240x128xf32, #tpu.memory_space<vmem_shared>> -> memref<80x128xf32, #tpu.memory_space<vmem_shared>>
    %dma_start3A_38 = arith.constant 0 : i32
    %dma_start3A_39 = tpu.memref_slice %arg18[%add3A_35, %dma_start3A_38] : memref<10240x128xf32, #tpu.memory_space<vmem_shared>> -> memref<80x128xf32, #tpu.memory_space<vmem_shared>>
    tpu.enqueue_dma source(%arg15 : memref<80x128xf32, #tpu.memory_space<vmem>>) target(%dma_start3A_39 : memref<80x128xf32, #tpu.memory_space<vmem_shared>>) target_semaphore(%arg19 : memref<!tpu.dma_semaphore, #tpu.memory_space<semaphore_mem>>)
    %mul3A_40 = arith.constant 640 : i32
    %mul3A_41 = arith.muli %arg1, %mul3A_40 : i32
    %add3A_42 = arith.constant 400 : i32
    %add3A_43 = arith.addi %mul3A_41, %add3A_42 : i32
    %dma_start3A_44 = arith.constant 0 : i32
    %dma_start3A_45 = tpu.memref_slice %arg18[%add3A_43, %dma_start3A_44] : memref<10240x128xf32, #tpu.memory_space<vmem_shared>> -> memref<80x128xf32, #tpu.memory_space<vmem_shared>>
    %dma_start3A_46 = arith.constant 0 : i32
    %dma_start3A_47 = tpu.memref_slice %arg18[%add3A_43, %dma_start3A_46] : memref<10240x128xf32, #tpu.memory_space<vmem_shared>> -> memref<80x128xf32, #tpu.memory_space<vmem_shared>>
    tpu.enqueue_dma source(%arg15 : memref<80x128xf32, #tpu.memory_space<vmem>>) target(%dma_start3A_47 : memref<80x128xf32, #tpu.memory_space<vmem_shared>>) target_semaphore(%arg19 : memref<!tpu.dma_semaphore, #tpu.memory_space<semaphore_mem>>)
    %mul3A_48 = arith.constant 640 : i32
    %mul3A_49 = arith.muli %arg1, %mul3A_48 : i32
    %add3A_50 = arith.constant 480 : i32
    %add3A_51 = arith.addi %mul3A_49, %add3A_50 : i32
    %dma_start3A_52 = arith.constant 0 : i32
    %dma_start3A_53 = tpu.memref_slice %arg18[%add3A_51, %dma_start3A_52] : memref<10240x128xf32, #tpu.memory_space<vmem_shared>> -> memref<80x128xf32, #tpu.memory_space<vmem_shared>>
    %dma_start3A_54 = arith.constant 0 : i32
    %dma_start3A_55 = tpu.memref_slice %arg18[%add3A_51, %dma_start3A_54] : memref<10240x128xf32, #tpu.memory_space<vmem_shared>> -> memref<80x128xf32, #tpu.memory_space<vmem_shared>>
    tpu.enqueue_dma source(%arg15 : memref<80x128xf32, #tpu.memory_space<vmem>>) target(%dma_start3A_55 : memref<80x128xf32, #tpu.memory_space<vmem_shared>>) target_semaphore(%arg19 : memref<!tpu.dma_semaphore, #tpu.memory_space<semaphore_mem>>)
    %mul3A_56 = arith.constant 640 : i32
    %mul3A_57 = arith.muli %arg1, %mul3A_56 : i32
    %add3A_58 = arith.constant 560 : i32
    %add3A_59 = arith.addi %mul3A_57, %add3A_58 : i32
    %dma_start3A_60 = arith.constant 0 : i32
    %dma_start3A_61 = tpu.memref_slice %arg18[%add3A_59, %dma_start3A_60] : memref<10240x128xf32, #tpu.memory_space<vmem_shared>> -> memref<80x128xf32, #tpu.memory_space<vmem_shared>>
    %dma_start3A_62 = arith.constant 0 : i32
    %dma_start3A_63 = tpu.memref_slice %arg18[%add3A_59, %dma_start3A_62] : memref<10240x128xf32, #tpu.memory_space<vmem_shared>> -> memref<80x128xf32, #tpu.memory_space<vmem_shared>>
    tpu.enqueue_dma source(%arg15 : memref<80x128xf32, #tpu.memory_space<vmem>>) target(%dma_start3A_63 : memref<80x128xf32, #tpu.memory_space<vmem_shared>>) target_semaphore(%arg19 : memref<!tpu.dma_semaphore, #tpu.memory_space<semaphore_mem>>)
    %mul3A_64 = arith.constant 640 : i32
    %mul3A_65 = arith.muli %arg1, %mul3A_64 : i32
    %add3A_66 = arith.constant 0 : i32
    %add3A_67 = arith.addi %mul3A_65, %add3A_66 : i32
    %dma_wait3A = arith.constant 0 : i32
    %dma_wait3A_68 = tpu.memref_slice %arg18[%add3A_67, %dma_wait3A] : memref<10240x128xf32, #tpu.memory_space<vmem_shared>> -> memref<80x128xf32, #tpu.memory_space<vmem_shared>>
    %dma_wait3A_69 = arith.constant 0 : i32
    %dma_wait3A_70 = tpu.memref_slice %arg18[%add3A_67, %dma_wait3A_69] : memref<10240x128xf32, #tpu.memory_space<vmem_shared>> -> memref<80x128xf32, #tpu.memory_space<vmem_shared>>
    tpu.wait_dma2 semaphore(%arg19 : memref<!tpu.dma_semaphore, #tpu.memory_space<semaphore_mem>>) src(%arg15 : memref<80x128xf32, #tpu.memory_space<vmem>>) dst(%dma_wait3A_70 : memref<80x128xf32, #tpu.memory_space<vmem_shared>>)
    %mul3A_71 = arith.constant 640 : i32
    %mul3A_72 = arith.muli %arg1, %mul3A_71 : i32
    %add3A_73 = arith.constant 80 : i32
    %add3A_74 = arith.addi %mul3A_72, %add3A_73 : i32
    %dma_wait3A_75 = arith.constant 0 : i32
    %dma_wait3A_76 = tpu.memref_slice %arg18[%add3A_74, %dma_wait3A_75] : memref<10240x128xf32, #tpu.memory_space<vmem_shared>> -> memref<80x128xf32, #tpu.memory_space<vmem_shared>>
    %dma_wait3A_77 = arith.constant 0 : i32
    %dma_wait3A_78 = tpu.memref_slice %arg18[%add3A_74, %dma_wait3A_77] : memref<10240x128xf32, #tpu.memory_space<vmem_shared>> -> memref<80x128xf32, #tpu.memory_space<vmem_shared>>
    tpu.wait_dma2 semaphore(%arg19 : memref<!tpu.dma_semaphore, #tpu.memory_space<semaphore_mem>>) src(%arg15 : memref<80x128xf32, #tpu.memory_space<vmem>>) dst(%dma_wait3A_78 : memref<80x128xf32, #tpu.memory_space<vmem_shared>>)
    %mul3A_79 = arith.constant 640 : i32
    %mul3A_80 = arith.muli %arg1, %mul3A_79 : i32
    %add3A_81 = arith.constant 160 : i32
    %add3A_82 = arith.addi %mul3A_80, %add3A_81 : i32
    %dma_wait3A_83 = arith.constant 0 : i32
    %dma_wait3A_84 = tpu.memref_slice %arg18[%add3A_82, %dma_wait3A_83] : memref<10240x128xf32, #tpu.memory_space<vmem_shared>> -> memref<80x128xf32, #tpu.memory_space<vmem_shared>>
    %dma_wait3A_85 = arith.constant 0 : i32
    %dma_wait3A_86 = tpu.memref_slice %arg18[%add3A_82, %dma_wait3A_85] : memref<10240x128xf32, #tpu.memory_space<vmem_shared>> -> memref<80x128xf32, #tpu.memory_space<vmem_shared>>
    tpu.wait_dma2 semaphore(%arg19 : memref<!tpu.dma_semaphore, #tpu.memory_space<semaphore_mem>>) src(%arg15 : memref<80x128xf32, #tpu.memory_space<vmem>>) dst(%dma_wait3A_86 : memref<80x128xf32, #tpu.memory_space<vmem_shared>>)
    %mul3A_87 = arith.constant 640 : i32
    %mul3A_88 = arith.muli %arg1, %mul3A_87 : i32
    %add3A_89 = arith.constant 240 : i32
    %add3A_90 = arith.addi %mul3A_88, %add3A_89 : i32
    %dma_wait3A_91 = arith.constant 0 : i32
    %dma_wait3A_92 = tpu.memref_slice %arg18[%add3A_90, %dma_wait3A_91] : memref<10240x128xf32, #tpu.memory_space<vmem_shared>> -> memref<80x128xf32, #tpu.memory_space<vmem_shared>>
    %dma_wait3A_93 = arith.constant 0 : i32
    %dma_wait3A_94 = tpu.memref_slice %arg18[%add3A_90, %dma_wait3A_93] : memref<10240x128xf32, #tpu.memory_space<vmem_shared>> -> memref<80x128xf32, #tpu.memory_space<vmem_shared>>
    tpu.wait_dma2 semaphore(%arg19 : memref<!tpu.dma_semaphore, #tpu.memory_space<semaphore_mem>>) src(%arg15 : memref<80x128xf32, #tpu.memory_space<vmem>>) dst(%dma_wait3A_94 : memref<80x128xf32, #tpu.memory_space<vmem_shared>>)
    %mul3A_95 = arith.constant 640 : i32
    %mul3A_96 = arith.muli %arg1, %mul3A_95 : i32
    %add3A_97 = arith.constant 320 : i32
    %add3A_98 = arith.addi %mul3A_96, %add3A_97 : i32
    %dma_wait3A_99 = arith.constant 0 : i32
    %dma_wait3A_100 = tpu.memref_slice %arg18[%add3A_98, %dma_wait3A_99] : memref<10240x128xf32, #tpu.memory_space<vmem_shared>> -> memref<80x128xf32, #tpu.memory_space<vmem_shared>>
    %dma_wait3A_101 = arith.constant 0 : i32
    %dma_wait3A_102 = tpu.memref_slice %arg18[%add3A_98, %dma_wait3A_101] : memref<10240x128xf32, #tpu.memory_space<vmem_shared>> -> memref<80x128xf32, #tpu.memory_space<vmem_shared>>
    tpu.wait_dma2 semaphore(%arg19 : memref<!tpu.dma_semaphore, #tpu.memory_space<semaphore_mem>>) src(%arg15 : memref<80x128xf32, #tpu.memory_space<vmem>>) dst(%dma_wait3A_102 : memref<80x128xf32, #tpu.memory_space<vmem_shared>>)
    %mul3A_103 = arith.constant 640 : i32
    %mul3A_104 = arith.muli %arg1, %mul3A_103 : i32
    %add3A_105 = arith.constant 400 : i32
    %add3A_106 = arith.addi %mul3A_104, %add3A_105 : i32
    %dma_wait3A_107 = arith.constant 0 : i32
    %dma_wait3A_108 = tpu.memref_slice %arg18[%add3A_106, %dma_wait3A_107] : memref<10240x128xf32, #tpu.memory_space<vmem_shared>> -> memref<80x128xf32, #tpu.memory_space<vmem_shared>>
    %dma_wait3A_109 = arith.constant 0 : i32
    %dma_wait3A_110 = tpu.memref_slice %arg18[%add3A_106, %dma_wait3A_109] : memref<10240x128xf32, #tpu.memory_space<vmem_shared>> -> memref<80x128xf32, #tpu.memory_space<vmem_shared>>
    tpu.wait_dma2 semaphore(%arg19 : memref<!tpu.dma_semaphore, #tpu.memory_space<semaphore_mem>>) src(%arg15 : memref<80x128xf32, #tpu.memory_space<vmem>>) dst(%dma_wait3A_110 : memref<80x128xf32, #tpu.memory_space<vmem_shared>>)
    %mul3A_111 = arith.constant 640 : i32
    %mul3A_112 = arith.muli %arg1, %mul3A_111 : i32
    %add3A_113 = arith.constant 480 : i32
    %add3A_114 = arith.addi %mul3A_112, %add3A_113 : i32
    %dma_wait3A_115 = arith.constant 0 : i32
    %dma_wait3A_116 = tpu.memref_slice %arg18[%add3A_114, %dma_wait3A_115] : memref<10240x128xf32, #tpu.memory_space<vmem_shared>> -> memref<80x128xf32, #tpu.memory_space<vmem_shared>>
    %dma_wait3A_117 = arith.constant 0 : i32
    %dma_wait3A_118 = tpu.memref_slice %arg18[%add3A_114, %dma_wait3A_117] : memref<10240x128xf32, #tpu.memory_space<vmem_shared>> -> memref<80x128xf32, #tpu.memory_space<vmem_shared>>
    tpu.wait_dma2 semaphore(%arg19 : memref<!tpu.dma_semaphore, #tpu.memory_space<semaphore_mem>>) src(%arg15 : memref<80x128xf32, #tpu.memory_space<vmem>>) dst(%dma_wait3A_118 : memref<80x128xf32, #tpu.memory_space<vmem_shared>>)
    %mul3A_119 = arith.constant 640 : i32
    %mul3A_120 = arith.muli %arg1, %mul3A_119 : i32
    %add3A_121 = arith.constant 560 : i32
    %add3A_122 = arith.addi %mul3A_120, %add3A_121 : i32
    %dma_wait3A_123 = arith.constant 0 : i32
    %dma_wait3A_124 = tpu.memref_slice %arg18[%add3A_122, %dma_wait3A_123] : memref<10240x128xf32, #tpu.memory_space<vmem_shared>> -> memref<80x128xf32, #tpu.memory_space<vmem_shared>>
    %dma_wait3A_125 = arith.constant 0 : i32
    %dma_wait3A_126 = tpu.memref_slice %arg18[%add3A_122, %dma_wait3A_125] : memref<10240x128xf32, #tpu.memory_space<vmem_shared>> -> memref<80x128xf32, #tpu.memory_space<vmem_shared>>
    tpu.wait_dma2 semaphore(%arg19 : memref<!tpu.dma_semaphore, #tpu.memory_space<semaphore_mem>>) src(%arg15 : memref<80x128xf32, #tpu.memory_space<vmem>>) dst(%dma_wait3A_126 : memref<80x128xf32, #tpu.memory_space<vmem_shared>>)
    tpu.wait_dma2 semaphore(%arg22 : memref<!tpu.dma_semaphore, #tpu.memory_space<semaphore_mem>>) src(%arg6 : memref<10240xf32, #tpu.memory_space<hbm>>) dst(%arg28 : memref<10240xf32, #tpu.memory_space<vmem>>)
    %barrier3A = arith.constant 0 : index
    tpu.barrier barrier_id(%barrier3A)
    %dma_start3A_127 = arith.constant 0 : i32
    %dma_start3A_128 = arith.constant 0 : i32
    %dma_start3A_129 = arith.constant 0 : i32
    %dma_start3A_130 = arith.constant 0 : i32
    %dma_start3A_131 = arith.constant 0 : i32
    %dma_start3A_132 = tpu.memref_slice %arg3[%add3A, %dma_start3A_129, %dma_start3A_130, %dma_start3A_131] : memref<32x125x1x80xi32, #tpu.memory_space<hbm>> -> memref<1x125x1x80xi32, #tpu.memory_space<hbm>>
    %dma_start3A_133 = tpu.memref_squeeze %dma_start3A_132 : memref<1x125x1x80xi32, #tpu.memory_space<hbm>> -> memref<125x1x80xi32, #tpu.memory_space<hbm>>
    %dma_start3A_134 = arith.constant 0 : i32
    %dma_start3A_135 = arith.constant 0 : i32
    %dma_start3A_136 = tpu.memref_slice %dma_start3A_133[%dma_start3A_127, %dma_start3A_134, %dma_start3A_135] : memref<125x1x80xi32, #tpu.memory_space<hbm>> -> memref<1x1x80xi32, #tpu.memory_space<hbm>>
    %dma_start3A_137 = tpu.memref_squeeze %dma_start3A_136 : memref<1x1x80xi32, #tpu.memory_space<hbm>> -> memref<1x80xi32, #tpu.memory_space<hbm>>
    %dma_start3A_138 = arith.constant 0 : i32
    %dma_start3A_139 = tpu.memref_slice %dma_start3A_137[%dma_start3A_128, %dma_start3A_138] : memref<1x80xi32, #tpu.memory_space<hbm>> -> memref<1x80xi32, #tpu.memory_space<hbm>>
    %dma_start3A_140 = tpu.memref_squeeze %dma_start3A_139 : memref<1x80xi32, #tpu.memory_space<hbm>> -> memref<80xi32, #tpu.memory_space<hbm>>
    %dma_start3A_141 = arith.constant 0 : i32
    %dma_start3A_142 = arith.constant 0 : i32
    %dma_start3A_143 = arith.constant 0 : i32
    %dma_start3A_144 = tpu.memref_slice %arg3[%add3A, %dma_start3A_141, %dma_start3A_142, %dma_start3A_143] : memref<32x125x1x80xi32, #tpu.memory_space<hbm>> -> memref<1x125x1x80xi32, #tpu.memory_space<hbm>>
    %dma_start3A_145 = tpu.memref_squeeze %dma_start3A_144 : memref<1x125x1x80xi32, #tpu.memory_space<hbm>> -> memref<125x1x80xi32, #tpu.memory_space<hbm>>
    %dma_start3A_146 = arith.constant 0 : i32
    %dma_start3A_147 = arith.constant 0 : i32
    %dma_start3A_148 = tpu.memref_slice %dma_start3A_145[%dma_start3A_127, %dma_start3A_146, %dma_start3A_147] : memref<125x1x80xi32, #tpu.memory_space<hbm>> -> memref<1x1x80xi32, #tpu.memory_space<hbm>>
    %dma_start3A_149 = tpu.memref_squeeze %dma_start3A_148 : memref<1x1x80xi32, #tpu.memory_space<hbm>> -> memref<1x80xi32, #tpu.memory_space<hbm>>
    %dma_start3A_150 = arith.constant 0 : i32
    %dma_start3A_151 = tpu.memref_slice %dma_start3A_149[%dma_start3A_128, %dma_start3A_150] : memref<1x80xi32, #tpu.memory_space<hbm>> -> memref<1x80xi32, #tpu.memory_space<hbm>>
    %dma_start3A_152 = tpu.memref_squeeze %dma_start3A_151 : memref<1x80xi32, #tpu.memory_space<hbm>> -> memref<80xi32, #tpu.memory_space<hbm>>
    tpu.enqueue_dma source(%dma_start3A_152 : memref<80xi32, #tpu.memory_space<hbm>>) target(%arg9 : memref<80xi32, #tpu.memory_space<vmem>>) target_semaphore(%arg22 : memref<!tpu.dma_semaphore, #tpu.memory_space<semaphore_mem>>)
    %dma_start3A_153 = arith.constant 0 : i32
    %dma_start3A_154 = arith.constant 0 : i32
    %dma_start3A_155 = arith.constant 0 : i32
    %dma_start3A_156 = arith.constant 0 : i32
    %dma_start3A_157 = arith.constant 0 : i32
    %dma_start3A_158 = tpu.memref_slice %arg4[%add3A, %dma_start3A_155, %dma_start3A_156, %dma_start3A_157] : memref<32x125x1x80xi32, #tpu.memory_space<hbm>> -> memref<1x125x1x80xi32, #tpu.memory_space<hbm>>
    %dma_start3A_159 = tpu.memref_squeeze %dma_start3A_158 : memref<1x125x1x80xi32, #tpu.memory_space<hbm>> -> memref<125x1x80xi32, #tpu.memory_space<hbm>>
    %dma_start3A_160 = arith.constant 0 : i32
    %dma_start3A_161 = arith.constant 0 : i32
    %dma_start3A_162 = tpu.memref_slice %dma_start3A_159[%dma_start3A_153, %dma_start3A_160, %dma_start3A_161] : memref<125x1x80xi32, #tpu.memory_space<hbm>> -> memref<1x1x80xi32, #tpu.memory_space<hbm>>
    %dma_start3A_163 = tpu.memref_squeeze %dma_start3A_162 : memref<1x1x80xi32, #tpu.memory_space<hbm>> -> memref<1x80xi32, #tpu.memory_space<hbm>>
    %dma_start3A_164 = arith.constant 0 : i32
    %dma_start3A_165 = tpu.memref_slice %dma_start3A_163[%dma_start3A_154, %dma_start3A_164] : memref<1x80xi32, #tpu.memory_space<hbm>> -> memref<1x80xi32, #tpu.memory_space<hbm>>
    %dma_start3A_166 = tpu.memref_squeeze %dma_start3A_165 : memref<1x80xi32, #tpu.memory_space<hbm>> -> memref<80xi32, #tpu.memory_space<hbm>>
    %dma_start3A_167 = arith.constant 0 : i32
    %dma_start3A_168 = arith.constant 0 : i32
    %dma_start3A_169 = arith.constant 0 : i32
    %dma_start3A_170 = tpu.memref_slice %arg4[%add3A, %dma_start3A_167, %dma_start3A_168, %dma_start3A_169] : memref<32x125x1x80xi32, #tpu.memory_space<hbm>> -> memref<1x125x1x80xi32, #tpu.memory_space<hbm>>
    %dma_start3A_171 = tpu.memref_squeeze %dma_start3A_170 : memref<1x125x1x80xi32, #tpu.memory_space<hbm>> -> memref<125x1x80xi32, #tpu.memory_space<hbm>>
    %dma_start3A_172 = arith.constant 0 : i32
    %dma_start3A_173 = arith.constant 0 : i32
    %dma_start3A_174 = tpu.memref_slice %dma_start3A_171[%dma_start3A_153, %dma_start3A_172, %dma_start3A_173] : memref<125x1x80xi32, #tpu.memory_space<hbm>> -> memref<1x1x80xi32, #tpu.memory_space<hbm>>
    %dma_start3A_175 = tpu.memref_squeeze %dma_start3A_174 : memref<1x1x80xi32, #tpu.memory_space<hbm>> -> memref<1x80xi32, #tpu.memory_space<hbm>>
    %dma_start3A_176 = arith.constant 0 : i32
    %dma_start3A_177 = tpu.memref_slice %dma_start3A_175[%dma_start3A_154, %dma_start3A_176] : memref<1x80xi32, #tpu.memory_space<hbm>> -> memref<1x80xi32, #tpu.memory_space<hbm>>
    %dma_start3A_178 = tpu.memref_squeeze %dma_start3A_177 : memref<1x80xi32, #tpu.memory_space<hbm>> -> memref<80xi32, #tpu.memory_space<hbm>>
    tpu.enqueue_dma source(%dma_start3A_178 : memref<80xi32, #tpu.memory_space<hbm>>) target(%arg12 : memref<80xi32, #tpu.memory_space<vmem>>) target_semaphore(%arg22 : memref<!tpu.dma_semaphore, #tpu.memory_space<semaphore_mem>>)
    %dma_wait3A_179 = arith.constant 0 : i32
    %dma_wait3A_180 = arith.constant 0 : i32
    %dma_wait3A_181 = arith.constant 0 : i32
    %dma_wait3A_182 = arith.constant 0 : i32
    %dma_wait3A_183 = arith.constant 0 : i32
    %dma_wait3A_184 = tpu.memref_slice %arg3[%add3A, %dma_wait3A_181, %dma_wait3A_182, %dma_wait3A_183] : memref<32x125x1x80xi32, #tpu.memory_space<hbm>> -> memref<1x125x1x80xi32, #tpu.memory_space<hbm>>
    %dma_wait3A_185 = tpu.memref_squeeze %dma_wait3A_184 : memref<1x125x1x80xi32, #tpu.memory_space<hbm>> -> memref<125x1x80xi32, #tpu.memory_space<hbm>>
    %dma_wait3A_186 = arith.constant 0 : i32
    %dma_wait3A_187 = arith.constant 0 : i32
    %dma_wait3A_188 = tpu.memref_slice %dma_wait3A_185[%dma_wait3A_179, %dma_wait3A_186, %dma_wait3A_187] : memref<125x1x80xi32, #tpu.memory_space<hbm>> -> memref<1x1x80xi32, #tpu.memory_space<hbm>>
    %dma_wait3A_189 = tpu.memref_squeeze %dma_wait3A_188 : memref<1x1x80xi32, #tpu.memory_space<hbm>> -> memref<1x80xi32, #tpu.memory_space<hbm>>
    %dma_wait3A_190 = arith.constant 0 : i32
    %dma_wait3A_191 = tpu.memref_slice %dma_wait3A_189[%dma_wait3A_180, %dma_wait3A_190] : memref<1x80xi32, #tpu.memory_space<hbm>> -> memref<1x80xi32, #tpu.memory_space<hbm>>
    %dma_wait3A_192 = tpu.memref_squeeze %dma_wait3A_191 : memref<1x80xi32, #tpu.memory_space<hbm>> -> memref<80xi32, #tpu.memory_space<hbm>>
    %dma_wait3A_193 = arith.constant 0 : i32
    %dma_wait3A_194 = arith.constant 0 : i32
    %dma_wait3A_195 = arith.constant 0 : i32
    %dma_wait3A_196 = tpu.memref_slice %arg3[%add3A, %dma_wait3A_193, %dma_wait3A_194, %dma_wait3A_195] : memref<32x125x1x80xi32, #tpu.memory_space<hbm>> -> memref<1x125x1x80xi32, #tpu.memory_space<hbm>>
    %dma_wait3A_197 = tpu.memref_squeeze %dma_wait3A_196 : memref<1x125x1x80xi32, #tpu.memory_space<hbm>> -> memref<125x1x80xi32, #tpu.memory_space<hbm>>
    %dma_wait3A_198 = arith.constant 0 : i32
    %dma_wait3A_199 = arith.constant 0 : i32
    %dma_wait3A_200 = tpu.memref_slice %dma_wait3A_197[%dma_wait3A_179, %dma_wait3A_198, %dma_wait3A_199] : memref<125x1x80xi32, #tpu.memory_space<hbm>> -> memref<1x1x80xi32, #tpu.memory_space<hbm>>
    %dma_wait3A_201 = tpu.memref_squeeze %dma_wait3A_200 : memref<1x1x80xi32, #tpu.memory_space<hbm>> -> memref<1x80xi32, #tpu.memory_space<hbm>>
    %dma_wait3A_202 = arith.constant 0 : i32
    %dma_wait3A_203 = tpu.memref_slice %dma_wait3A_201[%dma_wait3A_180, %dma_wait3A_202] : memref<1x80xi32, #tpu.memory_space<hbm>> -> memref<1x80xi32, #tpu.memory_space<hbm>>
    %dma_wait3A_204 = tpu.memref_squeeze %dma_wait3A_203 : memref<1x80xi32, #tpu.memory_space<hbm>> -> memref<80xi32, #tpu.memory_space<hbm>>
    tpu.wait_dma2 semaphore(%arg22 : memref<!tpu.dma_semaphore, #tpu.memory_space<semaphore_mem>>) src(%dma_wait3A_204 : memref<80xi32, #tpu.memory_space<hbm>>) dst(%arg9 : memref<80xi32, #tpu.memory_space<vmem>>)
    %dma_wait3A_205 = arith.constant 0 : i32
    %dma_wait3A_206 = arith.constant 0 : i32
    %dma_wait3A_207 = arith.constant 0 : i32
    %dma_wait3A_208 = arith.constant 0 : i32
    %dma_wait3A_209 = arith.constant 0 : i32
    %dma_wait3A_210 = tpu.memref_slice %arg4[%add3A, %dma_wait3A_207, %dma_wait3A_208, %dma_wait3A_209] : memref<32x125x1x80xi32, #tpu.memory_space<hbm>> -> memref<1x125x1x80xi32, #tpu.memory_space<hbm>>
    %dma_wait3A_211 = tpu.memref_squeeze %dma_wait3A_210 : memref<1x125x1x80xi32, #tpu.memory_space<hbm>> -> memref<125x1x80xi32, #tpu.memory_space<hbm>>
    %dma_wait3A_212 = arith.constant 0 : i32
    %dma_wait3A_213 = arith.constant 0 : i32
    %dma_wait3A_214 = tpu.memref_slice %dma_wait3A_211[%dma_wait3A_205, %dma_wait3A_212, %dma_wait3A_213] : memref<125x1x80xi32, #tpu.memory_space<hbm>> -> memref<1x1x80xi32, #tpu.memory_space<hbm>>
    %dma_wait3A_215 = tpu.memref_squeeze %dma_wait3A_214 : memref<1x1x80xi32, #tpu.memory_space<hbm>> -> memref<1x80xi32, #tpu.memory_space<hbm>>
    %dma_wait3A_216 = arith.constant 0 : i32
    %dma_wait3A_217 = tpu.memref_slice %dma_wait3A_215[%dma_wait3A_206, %dma_wait3A_216] : memref<1x80xi32, #tpu.memory_space<hbm>> -> memref<1x80xi32, #tpu.memory_space<hbm>>
    %dma_wait3A_218 = tpu.memref_squeeze %dma_wait3A_217 : memref<1x80xi32, #tpu.memory_space<hbm>> -> memref<80xi32, #tpu.memory_space<hbm>>
    %dma_wait3A_219 = arith.constant 0 : i32
    %dma_wait3A_220 = arith.constant 0 : i32
    %dma_wait3A_221 = arith.constant 0 : i32
    %dma_wait3A_222 = tpu.memref_slice %arg4[%add3A, %dma_wait3A_219, %dma_wait3A_220, %dma_wait3A_221] : memref<32x125x1x80xi32, #tpu.memory_space<hbm>> -> memref<1x125x1x80xi32, #tpu.memory_space<hbm>>
    %dma_wait3A_223 = tpu.memref_squeeze %dma_wait3A_222 : memref<1x125x1x80xi32, #tpu.memory_space<hbm>> -> memref<125x1x80xi32, #tpu.memory_space<hbm>>
    %dma_wait3A_224 = arith.constant 0 : i32
    %dma_wait3A_225 = arith.constant 0 : i32
    %dma_wait3A_226 = tpu.memref_slice %dma_wait3A_223[%dma_wait3A_205, %dma_wait3A_224, %dma_wait3A_225] : memref<125x1x80xi32, #tpu.memory_space<hbm>> -> memref<1x1x80xi32, #tpu.memory_space<hbm>>
    %dma_wait3A_227 = tpu.memref_squeeze %dma_wait3A_226 : memref<1x1x80xi32, #tpu.memory_space<hbm>> -> memref<1x80xi32, #tpu.memory_space<hbm>>
    %dma_wait3A_228 = arith.constant 0 : i32
    %dma_wait3A_229 = tpu.memref_slice %dma_wait3A_227[%dma_wait3A_206, %dma_wait3A_228] : memref<1x80xi32, #tpu.memory_space<hbm>> -> memref<1x80xi32, #tpu.memory_space<hbm>>
    %dma_wait3A_230 = tpu.memref_squeeze %dma_wait3A_229 : memref<1x80xi32, #tpu.memory_space<hbm>> -> memref<80xi32, #tpu.memory_space<hbm>>
    tpu.wait_dma2 semaphore(%arg22 : memref<!tpu.dma_semaphore, #tpu.memory_space<semaphore_mem>>) src(%dma_wait3A_230 : memref<80xi32, #tpu.memory_space<hbm>>) dst(%arg12 : memref<80xi32, #tpu.memory_space<vmem>>)
    %dma_start3A_231 = arith.constant 0 : i32
    %dma_start3A_232 = arith.constant 0 : i32
    %dma_start3A_233 = tpu.memref_slice %arg2[%dma_start3A_231, %dma_start3A_232] : memref<10000x128xf32, #tpu.memory_space<hbm>> -> memref<10000x128xf32, #tpu.memory_space<hbm>>
    tpu.enqueue_indirect_dma source(%dma_start3A_233 : memref<10000x128xf32, #tpu.memory_space<hbm>>) target(%arg15 : memref<80x128xf32, #tpu.memory_space<vmem>>) offsets(%arg9 : memref<80xi32, #tpu.memory_space<vmem>>) semaphore(%arg19 : memref<!tpu.dma_semaphore, #tpu.memory_space<semaphore_mem>>)
    %dma_start3A_234 = arith.constant 1 : i32
    %dma_start3A_235 = arith.constant 0 : i32
    %dma_start3A_236 = arith.constant 0 : i32
    %dma_start3A_237 = arith.constant 0 : i32
    %dma_start3A_238 = arith.constant 0 : i32
    %dma_start3A_239 = tpu.memref_slice %arg3[%add3A, %dma_start3A_236, %dma_start3A_237, %dma_start3A_238] : memref<32x125x1x80xi32, #tpu.memory_space<hbm>> -> memref<1x125x1x80xi32, #tpu.memory_space<hbm>>
    %dma_start3A_240 = tpu.memref_squeeze %dma_start3A_239 : memref<1x125x1x80xi32, #tpu.memory_space<hbm>> -> memref<125x1x80xi32, #tpu.memory_space<hbm>>
    %dma_start3A_241 = arith.constant 0 : i32
    %dma_start3A_242 = arith.constant 0 : i32
    %dma_start3A_243 = tpu.memref_slice %dma_start3A_240[%dma_start3A_234, %dma_start3A_241, %dma_start3A_242] : memref<125x1x80xi32, #tpu.memory_space<hbm>> -> memref<1x1x80xi32, #tpu.memory_space<hbm>>
    %dma_start3A_244 = tpu.memref_squeeze %dma_start3A_243 : memref<1x1x80xi32, #tpu.memory_space<hbm>> -> memref<1x80xi32, #tpu.memory_space<hbm>>
    %dma_start3A_245 = arith.constant 0 : i32
    %dma_start3A_246 = tpu.memref_slice %dma_start3A_244[%dma_start3A_235, %dma_start3A_245] : memref<1x80xi32, #tpu.memory_space<hbm>> -> memref<1x80xi32, #tpu.memory_space<hbm>>
    %dma_start3A_247 = tpu.memref_squeeze %dma_start3A_246 : memref<1x80xi32, #tpu.memory_space<hbm>> -> memref<80xi32, #tpu.memory_space<hbm>>
    %dma_start3A_248 = arith.constant 0 : i32
    %dma_start3A_249 = arith.constant 0 : i32
    %dma_start3A_250 = arith.constant 0 : i32
    %dma_start3A_251 = tpu.memref_slice %arg3[%add3A, %dma_start3A_248, %dma_start3A_249, %dma_start3A_250] : memref<32x125x1x80xi32, #tpu.memory_space<hbm>> -> memref<1x125x1x80xi32, #tpu.memory_space<hbm>>
    %dma_start3A_252 = tpu.memref_squeeze %dma_start3A_251 : memref<1x125x1x80xi32, #tpu.memory_space<hbm>> -> memref<125x1x80xi32, #tpu.memory_space<hbm>>
    %dma_start3A_253 = arith.constant 0 : i32
    %dma_start3A_254 = arith.constant 0 : i32
    %dma_start3A_255 = tpu.memref_slice %dma_start3A_252[%dma_start3A_234, %dma_start3A_253, %dma_start3A_254] : memref<125x1x80xi32, #tpu.memory_space<hbm>> -> memref<1x1x80xi32, #tpu.memory_space<hbm>>
    %dma_start3A_256 = tpu.memref_squeeze %dma_start3A_255 : memref<1x1x80xi32, #tpu.memory_space<hbm>> -> memref<1x80xi32, #tpu.memory_space<hbm>>
    %dma_start3A_257 = arith.constant 0 : i32
    %dma_start3A_258 = tpu.memref_slice %dma_start3A_256[%dma_start3A_235, %dma_start3A_257] : memref<1x80xi32, #tpu.memory_space<hbm>> -> memref<1x80xi32, #tpu.memory_space<hbm>>
    %dma_start3A_259 = tpu.memref_squeeze %dma_start3A_258 : memref<1x80xi32, #tpu.memory_space<hbm>> -> memref<80xi32, #tpu.memory_space<hbm>>
    tpu.enqueue_dma source(%dma_start3A_259 : memref<80xi32, #tpu.memory_space<hbm>>) target(%arg10 : memref<80xi32, #tpu.memory_space<vmem>>) target_semaphore(%arg23 : memref<!tpu.dma_semaphore, #tpu.memory_space<semaphore_mem>>)
    %dma_start3A_260 = arith.constant 1 : i32
    %dma_start3A_261 = arith.constant 0 : i32
    %dma_start3A_262 = arith.constant 0 : i32
    %dma_start3A_263 = arith.constant 0 : i32
    %dma_start3A_264 = arith.constant 0 : i32
    %dma_start3A_265 = tpu.memref_slice %arg4[%add3A, %dma_start3A_262, %dma_start3A_263, %dma_start3A_264] : memref<32x125x1x80xi32, #tpu.memory_space<hbm>> -> memref<1x125x1x80xi32, #tpu.memory_space<hbm>>
    %dma_start3A_266 = tpu.memref_squeeze %dma_start3A_265 : memref<1x125x1x80xi32, #tpu.memory_space<hbm>> -> memref<125x1x80xi32, #tpu.memory_space<hbm>>
    %dma_start3A_267 = arith.constant 0 : i32
    %dma_start3A_268 = arith.constant 0 : i32
    %dma_start3A_269 = tpu.memref_slice %dma_start3A_266[%dma_start3A_260, %dma_start3A_267, %dma_start3A_268] : memref<125x1x80xi32, #tpu.memory_space<hbm>> -> memref<1x1x80xi32, #tpu.memory_space<hbm>>
    %dma_start3A_270 = tpu.memref_squeeze %dma_start3A_269 : memref<1x1x80xi32, #tpu.memory_space<hbm>> -> memref<1x80xi32, #tpu.memory_space<hbm>>
    %dma_start3A_271 = arith.constant 0 : i32
    %dma_start3A_272 = tpu.memref_slice %dma_start3A_270[%dma_start3A_261, %dma_start3A_271] : memref<1x80xi32, #tpu.memory_space<hbm>> -> memref<1x80xi32, #tpu.memory_space<hbm>>
    %dma_start3A_273 = tpu.memref_squeeze %dma_start3A_272 : memref<1x80xi32, #tpu.memory_space<hbm>> -> memref<80xi32, #tpu.memory_space<hbm>>
    %dma_start3A_274 = arith.constant 0 : i32
    %dma_start3A_275 = arith.constant 0 : i32
    %dma_start3A_276 = arith.constant 0 : i32
    %dma_start3A_277 = tpu.memref_slice %arg4[%add3A, %dma_start3A_274, %dma_start3A_275, %dma_start3A_276] : memref<32x125x1x80xi32, #tpu.memory_space<hbm>> -> memref<1x125x1x80xi32, #tpu.memory_space<hbm>>
    %dma_start3A_278 = tpu.memref_squeeze %dma_start3A_277 : memref<1x125x1x80xi32, #tpu.memory_space<hbm>> -> memref<125x1x80xi32, #tpu.memory_space<hbm>>
    %dma_start3A_279 = arith.constant 0 : i32
    %dma_start3A_280 = arith.constant 0 : i32
    %dma_start3A_281 = tpu.memref_slice %dma_start3A_278[%dma_start3A_260, %dma_start3A_279, %dma_start3A_280] : memref<125x1x80xi32, #tpu.memory_space<hbm>> -> memref<1x1x80xi32, #tpu.memory_space<hbm>>
    %dma_start3A_282 = tpu.memref_squeeze %dma_start3A_281 : memref<1x1x80xi32, #tpu.memory_space<hbm>> -> memref<1x80xi32, #tpu.memory_space<hbm>>
    %dma_start3A_283 = arith.constant 0 : i32
    %dma_start3A_284 = tpu.memref_slice %dma_start3A_282[%dma_start3A_261, %dma_start3A_283] : memref<1x80xi32, #tpu.memory_space<hbm>> -> memref<1x80xi32, #tpu.memory_space<hbm>>
    %dma_start3A_285 = tpu.memref_squeeze %dma_start3A_284 : memref<1x80xi32, #tpu.memory_space<hbm>> -> memref<80xi32, #tpu.memory_space<hbm>>
    tpu.enqueue_dma source(%dma_start3A_285 : memref<80xi32, #tpu.memory_space<hbm>>) target(%arg13 : memref<80xi32, #tpu.memory_space<vmem>>) target_semaphore(%arg23 : memref<!tpu.dma_semaphore, #tpu.memory_space<semaphore_mem>>)
    %dma_wait3A_286 = arith.constant 1 : i32
    %dma_wait3A_287 = arith.constant 0 : i32
    %dma_wait3A_288 = arith.constant 0 : i32
    %dma_wait3A_289 = arith.constant 0 : i32
    %dma_wait3A_290 = arith.constant 0 : i32
    %dma_wait3A_291 = tpu.memref_slice %arg3[%add3A, %dma_wait3A_288, %dma_wait3A_289, %dma_wait3A_290] : memref<32x125x1x80xi32, #tpu.memory_space<hbm>> -> memref<1x125x1x80xi32, #tpu.memory_space<hbm>>
    %dma_wait3A_292 = tpu.memref_squeeze %dma_wait3A_291 : memref<1x125x1x80xi32, #tpu.memory_space<hbm>> -> memref<125x1x80xi32, #tpu.memory_space<hbm>>
    %dma_wait3A_293 = arith.constant 0 : i32
    %dma_wait3A_294 = arith.constant 0 : i32
    %dma_wait3A_295 = tpu.memref_slice %dma_wait3A_292[%dma_wait3A_286, %dma_wait3A_293, %dma_wait3A_294] : memref<125x1x80xi32, #tpu.memory_space<hbm>> -> memref<1x1x80xi32, #tpu.memory_space<hbm>>
    %dma_wait3A_296 = tpu.memref_squeeze %dma_wait3A_295 : memref<1x1x80xi32, #tpu.memory_space<hbm>> -> memref<1x80xi32, #tpu.memory_space<hbm>>
    %dma_wait3A_297 = arith.constant 0 : i32
    %dma_wait3A_298 = tpu.memref_slice %dma_wait3A_296[%dma_wait3A_287, %dma_wait3A_297] : memref<1x80xi32, #tpu.memory_space<hbm>> -> memref<1x80xi32, #tpu.memory_space<hbm>>
    %dma_wait3A_299 = tpu.memref_squeeze %dma_wait3A_298 : memref<1x80xi32, #tpu.memory_space<hbm>> -> memref<80xi32, #tpu.memory_space<hbm>>
    %dma_wait3A_300 = arith.constant 0 : i32
    %dma_wait3A_301 = arith.constant 0 : i32
    %dma_wait3A_302 = arith.constant 0 : i32
    %dma_wait3A_303 = tpu.memref_slice %arg3[%add3A, %dma_wait3A_300, %dma_wait3A_301, %dma_wait3A_302] : memref<32x125x1x80xi32, #tpu.memory_space<hbm>> -> memref<1x125x1x80xi32, #tpu.memory_space<hbm>>
    %dma_wait3A_304 = tpu.memref_squeeze %dma_wait3A_303 : memref<1x125x1x80xi32, #tpu.memory_space<hbm>> -> memref<125x1x80xi32, #tpu.memory_space<hbm>>
    %dma_wait3A_305 = arith.constant 0 : i32
    %dma_wait3A_306 = arith.constant 0 : i32
    %dma_wait3A_307 = tpu.memref_slice %dma_wait3A_304[%dma_wait3A_286, %dma_wait3A_305, %dma_wait3A_306] : memref<125x1x80xi32, #tpu.memory_space<hbm>> -> memref<1x1x80xi32, #tpu.memory_space<hbm>>
    %dma_wait3A_308 = tpu.memref_squeeze %dma_wait3A_307 : memref<1x1x80xi32, #tpu.memory_space<hbm>> -> memref<1x80xi32, #tpu.memory_space<hbm>>
    %dma_wait3A_309 = arith.constant 0 : i32
    %dma_wait3A_310 = tpu.memref_slice %dma_wait3A_308[%dma_wait3A_287, %dma_wait3A_309] : memref<1x80xi32, #tpu.memory_space<hbm>> -> memref<1x80xi32, #tpu.memory_space<hbm>>
    %dma_wait3A_311 = tpu.memref_squeeze %dma_wait3A_310 : memref<1x80xi32, #tpu.memory_space<hbm>> -> memref<80xi32, #tpu.memory_space<hbm>>
    tpu.wait_dma2 semaphore(%arg23 : memref<!tpu.dma_semaphore, #tpu.memory_space<semaphore_mem>>) src(%dma_wait3A_311 : memref<80xi32, #tpu.memory_space<hbm>>) dst(%arg10 : memref<80xi32, #tpu.memory_space<vmem>>)
    %dma_wait3A_312 = arith.constant 1 : i32
    %dma_wait3A_313 = arith.constant 0 : i32
    %dma_wait3A_314 = arith.constant 0 : i32
    %dma_wait3A_315 = arith.constant 0 : i32
    %dma_wait3A_316 = arith.constant 0 : i32
    %dma_wait3A_317 = tpu.memref_slice %arg4[%add3A, %dma_wait3A_314, %dma_wait3A_315, %dma_wait3A_316] : memref<32x125x1x80xi32, #tpu.memory_space<hbm>> -> memref<1x125x1x80xi32, #tpu.memory_space<hbm>>
    %dma_wait3A_318 = tpu.memref_squeeze %dma_wait3A_317 : memref<1x125x1x80xi32, #tpu.memory_space<hbm>> -> memref<125x1x80xi32, #tpu.memory_space<hbm>>
    %dma_wait3A_319 = arith.constant 0 : i32
    %dma_wait3A_320 = arith.constant 0 : i32
    %dma_wait3A_321 = tpu.memref_slice %dma_wait3A_318[%dma_wait3A_312, %dma_wait3A_319, %dma_wait3A_320] : memref<125x1x80xi32, #tpu.memory_space<hbm>> -> memref<1x1x80xi32, #tpu.memory_space<hbm>>
    %dma_wait3A_322 = tpu.memref_squeeze %dma_wait3A_321 : memref<1x1x80xi32, #tpu.memory_space<hbm>> -> memref<1x80xi32, #tpu.memory_space<hbm>>
    %dma_wait3A_323 = arith.constant 0 : i32
    %dma_wait3A_324 = tpu.memref_slice %dma_wait3A_322[%dma_wait3A_313, %dma_wait3A_323] : memref<1x80xi32, #tpu.memory_space<hbm>> -> memref<1x80xi32, #tpu.memory_space<hbm>>
    %dma_wait3A_325 = tpu.memref_squeeze %dma_wait3A_324 : memref<1x80xi32, #tpu.memory_space<hbm>> -> memref<80xi32, #tpu.memory_space<hbm>>
    %dma_wait3A_326 = arith.constant 0 : i32
    %dma_wait3A_327 = arith.constant 0 : i32
    %dma_wait3A_328 = arith.constant 0 : i32
    %dma_wait3A_329 = tpu.memref_slice %arg4[%add3A, %dma_wait3A_326, %dma_wait3A_327, %dma_wait3A_328] : memref<32x125x1x80xi32, #tpu.memory_space<hbm>> -> memref<1x125x1x80xi32, #tpu.memory_space<hbm>>
    %dma_wait3A_330 = tpu.memref_squeeze %dma_wait3A_329 : memref<1x125x1x80xi32, #tpu.memory_space<hbm>> -> memref<125x1x80xi32, #tpu.memory_space<hbm>>
    %dma_wait3A_331 = arith.constant 0 : i32
    %dma_wait3A_332 = arith.constant 0 : i32
    %dma_wait3A_333 = tpu.memref_slice %dma_wait3A_330[%dma_wait3A_312, %dma_wait3A_331, %dma_wait3A_332] : memref<125x1x80xi32, #tpu.memory_space<hbm>> -> memref<1x1x80xi32, #tpu.memory_space<hbm>>
    %dma_wait3A_334 = tpu.memref_squeeze %dma_wait3A_333 : memref<1x1x80xi32, #tpu.memory_space<hbm>> -> memref<1x80xi32, #tpu.memory_space<hbm>>
    %dma_wait3A_335 = arith.constant 0 : i32
    %dma_wait3A_336 = tpu.memref_slice %dma_wait3A_334[%dma_wait3A_313, %dma_wait3A_335] : memref<1x80xi32, #tpu.memory_space<hbm>> -> memref<1x80xi32, #tpu.memory_space<hbm>>
    %dma_wait3A_337 = tpu.memref_squeeze %dma_wait3A_336 : memref<1x80xi32, #tpu.memory_space<hbm>> -> memref<80xi32, #tpu.memory_space<hbm>>
    tpu.wait_dma2 semaphore(%arg23 : memref<!tpu.dma_semaphore, #tpu.memory_space<semaphore_mem>>) src(%dma_wait3A_337 : memref<80xi32, #tpu.memory_space<hbm>>) dst(%arg13 : memref<80xi32, #tpu.memory_space<vmem>>)
    %dma_start3A_338 = arith.constant 0 : i32
    %dma_start3A_339 = arith.constant 0 : i32
    %dma_start3A_340 = tpu.memref_slice %arg2[%dma_start3A_338, %dma_start3A_339] : memref<10000x128xf32, #tpu.memory_space<hbm>> -> memref<10000x128xf32, #tpu.memory_space<hbm>>
    tpu.enqueue_indirect_dma source(%dma_start3A_340 : memref<10000x128xf32, #tpu.memory_space<hbm>>) target(%arg16 : memref<80x128xf32, #tpu.memory_space<vmem>>) offsets(%arg10 : memref<80xi32, #tpu.memory_space<vmem>>) semaphore(%arg20 : memref<!tpu.dma_semaphore, #tpu.memory_space<semaphore_mem>>)
    %dma_start3A_341 = arith.constant 2 : i32
    %dma_start3A_342 = arith.constant 0 : i32
    %dma_start3A_343 = arith.constant 0 : i32
    %dma_start3A_344 = arith.constant 0 : i32
    %dma_start3A_345 = arith.constant 0 : i32
    %dma_start3A_346 = tpu.memref_slice %arg3[%add3A, %dma_start3A_343, %dma_start3A_344, %dma_start3A_345] : memref<32x125x1x80xi32, #tpu.memory_space<hbm>> -> memref<1x125x1x80xi32, #tpu.memory_space<hbm>>
    %dma_start3A_347 = tpu.memref_squeeze %dma_start3A_346 : memref<1x125x1x80xi32, #tpu.memory_space<hbm>> -> memref<125x1x80xi32, #tpu.memory_space<hbm>>
    %dma_start3A_348 = arith.constant 0 : i32
    %dma_start3A_349 = arith.constant 0 : i32
    %dma_start3A_350 = tpu.memref_slice %dma_start3A_347[%dma_start3A_341, %dma_start3A_348, %dma_start3A_349] : memref<125x1x80xi32, #tpu.memory_space<hbm>> -> memref<1x1x80xi32, #tpu.memory_space<hbm>>
    %dma_start3A_351 = tpu.memref_squeeze %dma_start3A_350 : memref<1x1x80xi32, #tpu.memory_space<hbm>> -> memref<1x80xi32, #tpu.memory_space<hbm>>
    %dma_start3A_352 = arith.constant 0 : i32
    %dma_start3A_353 = tpu.memref_slice %dma_start3A_351[%dma_start3A_342, %dma_start3A_352] : memref<1x80xi32, #tpu.memory_space<hbm>> -> memref<1x80xi32, #tpu.memory_space<hbm>>
    %dma_start3A_354 = tpu.memref_squeeze %dma_start3A_353 : memref<1x80xi32, #tpu.memory_space<hbm>> -> memref<80xi32, #tpu.memory_space<hbm>>
    %dma_start3A_355 = arith.constant 0 : i32
    %dma_start3A_356 = arith.constant 0 : i32
    %dma_start3A_357 = arith.constant 0 : i32
    %dma_start3A_358 = tpu.memref_slice %arg3[%add3A, %dma_start3A_355, %dma_start3A_356, %dma_start3A_357] : memref<32x125x1x80xi32, #tpu.memory_space<hbm>> -> memref<1x125x1x80xi32, #tpu.memory_space<hbm>>
    %dma_start3A_359 = tpu.memref_squeeze %dma_start3A_358 : memref<1x125x1x80xi32, #tpu.memory_space<hbm>> -> memref<125x1x80xi32, #tpu.memory_space<hbm>>
    %dma_start3A_360 = arith.constant 0 : i32
    %dma_start3A_361 = arith.constant 0 : i32
    %dma_start3A_362 = tpu.memref_slice %dma_start3A_359[%dma_start3A_341, %dma_start3A_360, %dma_start3A_361] : memref<125x1x80xi32, #tpu.memory_space<hbm>> -> memref<1x1x80xi32, #tpu.memory_space<hbm>>
    %dma_start3A_363 = tpu.memref_squeeze %dma_start3A_362 : memref<1x1x80xi32, #tpu.memory_space<hbm>> -> memref<1x80xi32, #tpu.memory_space<hbm>>
    %dma_start3A_364 = arith.constant 0 : i32
    %dma_start3A_365 = tpu.memref_slice %dma_start3A_363[%dma_start3A_342, %dma_start3A_364] : memref<1x80xi32, #tpu.memory_space<hbm>> -> memref<1x80xi32, #tpu.memory_space<hbm>>
    %dma_start3A_366 = tpu.memref_squeeze %dma_start3A_365 : memref<1x80xi32, #tpu.memory_space<hbm>> -> memref<80xi32, #tpu.memory_space<hbm>>
    tpu.enqueue_dma source(%dma_start3A_366 : memref<80xi32, #tpu.memory_space<hbm>>) target(%arg11 : memref<80xi32, #tpu.memory_space<vmem>>) target_semaphore(%arg24 : memref<!tpu.dma_semaphore, #tpu.memory_space<semaphore_mem>>)
    %dma_start3A_367 = arith.constant 2 : i32
    %dma_start3A_368 = arith.constant 0 : i32
    %dma_start3A_369 = arith.constant 0 : i32
    %dma_start3A_370 = arith.constant 0 : i32
    %dma_start3A_371 = arith.constant 0 : i32
    %dma_start3A_372 = tpu.memref_slice %arg4[%add3A, %dma_start3A_369, %dma_start3A_370, %dma_start3A_371] : memref<32x125x1x80xi32, #tpu.memory_space<hbm>> -> memref<1x125x1x80xi32, #tpu.memory_space<hbm>>
    %dma_start3A_373 = tpu.memref_squeeze %dma_start3A_372 : memref<1x125x1x80xi32, #tpu.memory_space<hbm>> -> memref<125x1x80xi32, #tpu.memory_space<hbm>>
    %dma_start3A_374 = arith.constant 0 : i32
    %dma_start3A_375 = arith.constant 0 : i32
    %dma_start3A_376 = tpu.memref_slice %dma_start3A_373[%dma_start3A_367, %dma_start3A_374, %dma_start3A_375] : memref<125x1x80xi32, #tpu.memory_space<hbm>> -> memref<1x1x80xi32, #tpu.memory_space<hbm>>
    %dma_start3A_377 = tpu.memref_squeeze %dma_start3A_376 : memref<1x1x80xi32, #tpu.memory_space<hbm>> -> memref<1x80xi32, #tpu.memory_space<hbm>>
    %dma_start3A_378 = arith.constant 0 : i32
    %dma_start3A_379 = tpu.memref_slice %dma_start3A_377[%dma_start3A_368, %dma_start3A_378] : memref<1x80xi32, #tpu.memory_space<hbm>> -> memref<1x80xi32, #tpu.memory_space<hbm>>
    %dma_start3A_380 = tpu.memref_squeeze %dma_start3A_379 : memref<1x80xi32, #tpu.memory_space<hbm>> -> memref<80xi32, #tpu.memory_space<hbm>>
    %dma_start3A_381 = arith.constant 0 : i32
    %dma_start3A_382 = arith.constant 0 : i32
    %dma_start3A_383 = arith.constant 0 : i32
    %dma_start3A_384 = tpu.memref_slice %arg4[%add3A, %dma_start3A_381, %dma_start3A_382, %dma_start3A_383] : memref<32x125x1x80xi32, #tpu.memory_space<hbm>> -> memref<1x125x1x80xi32, #tpu.memory_space<hbm>>
    %dma_start3A_385 = tpu.memref_squeeze %dma_start3A_384 : memref<1x125x1x80xi32, #tpu.memory_space<hbm>> -> memref<125x1x80xi32, #tpu.memory_space<hbm>>
    %dma_start3A_386 = arith.constant 0 : i32
    %dma_start3A_387 = arith.constant 0 : i32
    %dma_start3A_388 = tpu.memref_slice %dma_start3A_385[%dma_start3A_367, %dma_start3A_386, %dma_start3A_387] : memref<125x1x80xi32, #tpu.memory_space<hbm>> -> memref<1x1x80xi32, #tpu.memory_space<hbm>>
    %dma_start3A_389 = tpu.memref_squeeze %dma_start3A_388 : memref<1x1x80xi32, #tpu.memory_space<hbm>> -> memref<1x80xi32, #tpu.memory_space<hbm>>
    %dma_start3A_390 = arith.constant 0 : i32
    %dma_start3A_391 = tpu.memref_slice %dma_start3A_389[%dma_start3A_368, %dma_start3A_390] : memref<1x80xi32, #tpu.memory_space<hbm>> -> memref<1x80xi32, #tpu.memory_space<hbm>>
    %dma_start3A_392 = tpu.memref_squeeze %dma_start3A_391 : memref<1x80xi32, #tpu.memory_space<hbm>> -> memref<80xi32, #tpu.memory_space<hbm>>
    tpu.enqueue_dma source(%dma_start3A_392 : memref<80xi32, #tpu.memory_space<hbm>>) target(%arg14 : memref<80xi32, #tpu.memory_space<vmem>>) target_semaphore(%arg24 : memref<!tpu.dma_semaphore, #tpu.memory_space<semaphore_mem>>)
    %dma_wait3A_393 = arith.constant 0 : i32
    %dma_wait3A_394 = arith.constant 0 : i32
    %dma_wait3A_395 = tpu.memref_slice %arg2[%dma_wait3A_393, %dma_wait3A_394] : memref<10000x128xf32, #tpu.memory_space<hbm>> -> memref<10000x128xf32, #tpu.memory_space<hbm>>
    tpu.wait_indirect_dma semaphore(%arg19 : memref<!tpu.dma_semaphore, #tpu.memory_space<semaphore_mem>>) src(%dma_wait3A_395 : memref<10000x128xf32, #tpu.memory_space<hbm>>) dst(%arg15 : memref<80x128xf32, #tpu.memory_space<vmem>>)
    %dma_start3A_396 = arith.constant 0 : i32
    %dma_start3A_397 = arith.constant 0 : i32
    %dma_start3A_398 = tpu.memref_slice %arg18[%dma_start3A_396, %dma_start3A_397] : memref<10240x128xf32, #tpu.memory_space<vmem_shared>> -> memref<10240x128xf32, #tpu.memory_space<vmem_shared>>
    tpu.enqueue_indirect_dma source(%arg15 : memref<80x128xf32, #tpu.memory_space<vmem>>) target(%dma_start3A_398 : memref<10240x128xf32, #tpu.memory_space<vmem_shared>>) offsets(%arg12 : memref<80xi32, #tpu.memory_space<vmem>>) semaphore(%arg25 : memref<!tpu.dma_semaphore, #tpu.memory_space<semaphore_mem>>) {add = true}
    %broadcast_in_dim3A = arith.constant 1.000000e+00 : f32
    %broadcast_in_dim3A_399 = vector.broadcast %broadcast_in_dim3A : f32 to vector<16xf32>
    %get3A = arith.constant 0 : index
    %get3A_400 = tpu.vector_load %arg12[%get3A] {strides = array<i32>} : memref<80xi32, #tpu.memory_space<vmem>>, vector<16xi32>,
    tpu.vector_store_idx %arg28[%get3A_400], %broadcast_in_dim3A_399 {add = true} : memref<10240xf32, #tpu.memory_space<vmem>>[vector<16xi32>], vector<16xf32>,
    %get3A_401 = arith.constant 16 : index
    %get3A_402 = tpu.vector_load %arg12[%get3A_401] {strides = array<i32>} : memref<80xi32, #tpu.memory_space<vmem>>, vector<16xi32>,
    tpu.vector_store_idx %arg28[%get3A_402], %broadcast_in_dim3A_399 {add = true} : memref<10240xf32, #tpu.memory_space<vmem>>[vector<16xi32>], vector<16xf32>,
    %get3A_403 = arith.constant 32 : index
    %get3A_404 = tpu.vector_load %arg12[%get3A_403] {strides = array<i32>} : memref<80xi32, #tpu.memory_space<vmem>>, vector<16xi32>,
    tpu.vector_store_idx %arg28[%get3A_404], %broadcast_in_dim3A_399 {add = true} : memref<10240xf32, #tpu.memory_space<vmem>>[vector<16xi32>], vector<16xf32>,
    %get3A_405 = arith.constant 48 : index
    %get3A_406 = tpu.vector_load %arg12[%get3A_405] {strides = array<i32>} : memref<80xi32, #tpu.memory_space<vmem>>, vector<16xi32>,
    tpu.vector_store_idx %arg28[%get3A_406], %broadcast_in_dim3A_399 {add = true} : memref<10240xf32, #tpu.memory_space<vmem>>[vector<16xi32>], vector<16xf32>,
    %get3A_407 = arith.constant 64 : index
    %get3A_408 = tpu.vector_load %arg12[%get3A_407] {strides = array<i32>} : memref<80xi32, #tpu.memory_space<vmem>>, vector<16xi32>,
    tpu.vector_store_idx %arg28[%get3A_408], %broadcast_in_dim3A_399 {add = true} : memref<10240xf32, #tpu.memory_space<vmem>>[vector<16xi32>], vector<16xf32>,
    %scan3A = arith.constant 0 : i32
    %scan3A_409 = arith.constant 0 : i32
    %scan3A_410 = arith.constant 41 : i32
    %scan3A_411 = arith.addi %scan3A_409, %scan3A_410 : i32
    %scan3A_412 = arith.constant 1 : i32
    scf.for %scan3A_759 = %scan3A_409 to %scan3A_411 step %scan3A_412  : i32 {
      %mul3A_760 = arith.constant 3 : i32
      %mul3A_761 = arith.muli %mul3A_760, %scan3A_759 : i32
      %add3A_762 = arith.constant 1 : i32
      %add3A_763 = arith.addi %mul3A_761, %add3A_762 : i32
      %add3A_764 = arith.constant 0 : i32
      %add3A_765 = arith.addi %add3A_763, %add3A_764 : i32
      %add3A_766 = arith.constant 1 : i32
      %add3A_767 = arith.addi %add3A_765, %add3A_766 : i32
      %dma_wait3A_768 = arith.constant 0 : i32
      %dma_wait3A_769 = arith.constant 0 : i32
      %dma_wait3A_770 = arith.constant 0 : i32
      %dma_wait3A_771 = arith.constant 0 : i32
      %dma_wait3A_772 = tpu.memref_slice %arg3[%add3A, %dma_wait3A_769, %dma_wait3A_770, %dma_wait3A_771] : memref<32x125x1x80xi32, #tpu.memory_space<hbm>> -> memref<1x125x1x80xi32, #tpu.memory_space<hbm>>
      %dma_wait3A_773 = tpu.memref_squeeze %dma_wait3A_772 : memref<1x125x1x80xi32, #tpu.memory_space<hbm>> -> memref<125x1x80xi32, #tpu.memory_space<hbm>>
      %dma_wait3A_774 = arith.constant 0 : i32
      %dma_wait3A_775 = arith.constant 0 : i32
      %dma_wait3A_776 = tpu.memref_slice %dma_wait3A_773[%add3A_767, %dma_wait3A_774, %dma_wait3A_775] : memref<125x1x80xi32, #tpu.memory_space<hbm>> -> memref<1x1x80xi32, #tpu.memory_space<hbm>>
      %dma_wait3A_777 = tpu.memref_squeeze %dma_wait3A_776 : memref<1x1x80xi32, #tpu.memory_space<hbm>> -> memref<1x80xi32, #tpu.memory_space<hbm>>
      %dma_wait3A_778 = arith.constant 0 : i32
      %dma_wait3A_779 = tpu.memref_slice %dma_wait3A_777[%dma_wait3A_768, %dma_wait3A_778] : memref<1x80xi32, #tpu.memory_space<hbm>> -> memref<1x80xi32, #tpu.memory_space<hbm>>
      %dma_wait3A_780 = tpu.memref_squeeze %dma_wait3A_779 : memref<1x80xi32, #tpu.memory_space<hbm>> -> memref<80xi32, #tpu.memory_space<hbm>>
      %dma_wait3A_781 = arith.constant 0 : i32
      %dma_wait3A_782 = arith.constant 0 : i32
      %dma_wait3A_783 = arith.constant 0 : i32
      %dma_wait3A_784 = tpu.memref_slice %arg3[%add3A, %dma_wait3A_781, %dma_wait3A_782, %dma_wait3A_783] : memref<32x125x1x80xi32, #tpu.memory_space<hbm>> -> memref<1x125x1x80xi32, #tpu.memory_space<hbm>>
      %dma_wait3A_785 = tpu.memref_squeeze %dma_wait3A_784 : memref<1x125x1x80xi32, #tpu.memory_space<hbm>> -> memref<125x1x80xi32, #tpu.memory_space<hbm>>
      %dma_wait3A_786 = arith.constant 0 : i32
      %dma_wait3A_787 = arith.constant 0 : i32
      %dma_wait3A_788 = tpu.memref_slice %dma_wait3A_785[%add3A_767, %dma_wait3A_786, %dma_wait3A_787] : memref<125x1x80xi32, #tpu.memory_space<hbm>> -> memref<1x1x80xi32, #tpu.memory_space<hbm>>
      %dma_wait3A_789 = tpu.memref_squeeze %dma_wait3A_788 : memref<1x1x80xi32, #tpu.memory_space<hbm>> -> memref<1x80xi32, #tpu.memory_space<hbm>>
      %dma_wait3A_790 = arith.constant 0 : i32
      %dma_wait3A_791 = tpu.memref_slice %dma_wait3A_789[%dma_wait3A_768, %dma_wait3A_790] : memref<1x80xi32, #tpu.memory_space<hbm>> -> memref<1x80xi32, #tpu.memory_space<hbm>>
      %dma_wait3A_792 = tpu.memref_squeeze %dma_wait3A_791 : memref<1x80xi32, #tpu.memory_space<hbm>> -> memref<80xi32, #tpu.memory_space<hbm>>
      tpu.wait_dma2 semaphore(%arg24 : memref<!tpu.dma_semaphore, #tpu.memory_space<semaphore_mem>>) src(%dma_wait3A_792 : memref<80xi32, #tpu.memory_space<hbm>>) dst(%arg11 : memref<80xi32, #tpu.memory_space<vmem>>)
      %dma_wait3A_793 = arith.constant 0 : i32
      %dma_wait3A_794 = arith.constant 0 : i32
      %dma_wait3A_795 = arith.constant 0 : i32
      %dma_wait3A_796 = arith.constant 0 : i32
      %dma_wait3A_797 = tpu.memref_slice %arg4[%add3A, %dma_wait3A_794, %dma_wait3A_795, %dma_wait3A_796] : memref<32x125x1x80xi32, #tpu.memory_space<hbm>> -> memref<1x125x1x80xi32, #tpu.memory_space<hbm>>
      %dma_wait3A_798 = tpu.memref_squeeze %dma_wait3A_797 : memref<1x125x1x80xi32, #tpu.memory_space<hbm>> -> memref<125x1x80xi32, #tpu.memory_space<hbm>>
      %dma_wait3A_799 = arith.constant 0 : i32
      %dma_wait3A_800 = arith.constant 0 : i32
      %dma_wait3A_801 = tpu.memref_slice %dma_wait3A_798[%add3A_767, %dma_wait3A_799, %dma_wait3A_800] : memref<125x1x80xi32, #tpu.memory_space<hbm>> -> memref<1x1x80xi32, #tpu.memory_space<hbm>>
      %dma_wait3A_802 = tpu.memref_squeeze %dma_wait3A_801 : memref<1x1x80xi32, #tpu.memory_space<hbm>> -> memref<1x80xi32, #tpu.memory_space<hbm>>
      %dma_wait3A_803 = arith.constant 0 : i32
      %dma_wait3A_804 = tpu.memref_slice %dma_wait3A_802[%dma_wait3A_793, %dma_wait3A_803] : memref<1x80xi32, #tpu.memory_space<hbm>> -> memref<1x80xi32, #tpu.memory_space<hbm>>
      %dma_wait3A_805 = tpu.memref_squeeze %dma_wait3A_804 : memref<1x80xi32, #tpu.memory_space<hbm>> -> memref<80xi32, #tpu.memory_space<hbm>>
      %dma_wait3A_806 = arith.constant 0 : i32
      %dma_wait3A_807 = arith.constant 0 : i32
      %dma_wait3A_808 = arith.constant 0 : i32
      %dma_wait3A_809 = tpu.memref_slice %arg4[%add3A, %dma_wait3A_806, %dma_wait3A_807, %dma_wait3A_808] : memref<32x125x1x80xi32, #tpu.memory_space<hbm>> -> memref<1x125x1x80xi32, #tpu.memory_space<hbm>>
      %dma_wait3A_810 = tpu.memref_squeeze %dma_wait3A_809 : memref<1x125x1x80xi32, #tpu.memory_space<hbm>> -> memref<125x1x80xi32, #tpu.memory_space<hbm>>
      %dma_wait3A_811 = arith.constant 0 : i32
      %dma_wait3A_812 = arith.constant 0 : i32
      %dma_wait3A_813 = tpu.memref_slice %dma_wait3A_810[%add3A_767, %dma_wait3A_811, %dma_wait3A_812] : memref<125x1x80xi32, #tpu.memory_space<hbm>> -> memref<1x1x80xi32, #tpu.memory_space<hbm>>
      %dma_wait3A_814 = tpu.memref_squeeze %dma_wait3A_813 : memref<1x1x80xi32, #tpu.memory_space<hbm>> -> memref<1x80xi32, #tpu.memory_space<hbm>>
      %dma_wait3A_815 = arith.constant 0 : i32
      %dma_wait3A_816 = tpu.memref_slice %dma_wait3A_814[%dma_wait3A_793, %dma_wait3A_815] : memref<1x80xi32, #tpu.memory_space<hbm>> -> memref<1x80xi32, #tpu.memory_space<hbm>>
      %dma_wait3A_817 = tpu.memref_squeeze %dma_wait3A_816 : memref<1x80xi32, #tpu.memory_space<hbm>> -> memref<80xi32, #tpu.memory_space<hbm>>
      tpu.wait_dma2 semaphore(%arg24 : memref<!tpu.dma_semaphore, #tpu.memory_space<semaphore_mem>>) src(%dma_wait3A_817 : memref<80xi32, #tpu.memory_space<hbm>>) dst(%arg14 : memref<80xi32, #tpu.memory_space<vmem>>)
      %dma_start3A_818 = arith.constant 0 : i32
      %dma_start3A_819 = arith.constant 0 : i32
      %dma_start3A_820 = tpu.memref_slice %arg2[%dma_start3A_818, %dma_start3A_819] : memref<10000x128xf32, #tpu.memory_space<hbm>> -> memref<10000x128xf32, #tpu.memory_space<hbm>>
      tpu.enqueue_indirect_dma source(%dma_start3A_820 : memref<10000x128xf32, #tpu.memory_space<hbm>>) target(%arg17 : memref<80x128xf32, #tpu.memory_space<vmem>>) offsets(%arg11 : memref<80xi32, #tpu.memory_space<vmem>>) semaphore(%arg21 : memref<!tpu.dma_semaphore, #tpu.memory_space<semaphore_mem>>)
      %dma_wait3A_821 = arith.constant 0 : i32
      %dma_wait3A_822 = arith.constant 0 : i32
      %dma_wait3A_823 = tpu.memref_slice %arg18[%dma_wait3A_821, %dma_wait3A_822] : memref<10240x128xf32, #tpu.memory_space<vmem_shared>> -> memref<10240x128xf32, #tpu.memory_space<vmem_shared>>
      tpu.wait_indirect_dma semaphore(%arg25 : memref<!tpu.dma_semaphore, #tpu.memory_space<semaphore_mem>>) src(%arg15 : memref<80x128xf32, #tpu.memory_space<vmem>>) dst(%dma_wait3A_823 : memref<10240x128xf32, #tpu.memory_space<vmem_shared>>)
      %add3A_824 = arith.constant 2 : i32
      %add3A_825 = arith.addi %add3A_765, %add3A_824 : i32
      %min3A = arith.constant 124 : i32
      %min3A_826 = arith.minsi %add3A_825, %min3A : i32
      %dma_start3A_827 = arith.constant 0 : i32
      %dma_start3A_828 = arith.constant 0 : i32
      %dma_start3A_829 = arith.constant 0 : i32
      %dma_start3A_830 = arith.constant 0 : i32
      %dma_start3A_831 = tpu.memref_slice %arg3[%add3A, %dma_start3A_828, %dma_start3A_829, %dma_start3A_830] : memref<32x125x1x80xi32, #tpu.memory_space<hbm>> -> memref<1x125x1x80xi32, #tpu.memory_space<hbm>>
      %dma_start3A_832 = tpu.memref_squeeze %dma_start3A_831 : memref<1x125x1x80xi32, #tpu.memory_space<hbm>> -> memref<125x1x80xi32, #tpu.memory_space<hbm>>
      %dma_start3A_833 = arith.constant 0 : i32
      %dma_start3A_834 = arith.constant 0 : i32
      %dma_start3A_835 = tpu.memref_slice %dma_start3A_832[%min3A_826, %dma_start3A_833, %dma_start3A_834] : memref<125x1x80xi32, #tpu.memory_space<hbm>> -> memref<1x1x80xi32, #tpu.memory_space<hbm>>
      %dma_start3A_836 = tpu.memref_squeeze %dma_start3A_835 : memref<1x1x80xi32, #tpu.memory_space<hbm>> -> memref<1x80xi32, #tpu.memory_space<hbm>>
      %dma_start3A_837 = arith.constant 0 : i32
      %dma_start3A_838 = tpu.memref_slice %dma_start3A_836[%dma_start3A_827, %dma_start3A_837] : memref<1x80xi32, #tpu.memory_space<hbm>> -> memref<1x80xi32, #tpu.memory_space<hbm>>
      %dma_start3A_839 = tpu.memref_squeeze %dma_start3A_838 : memref<1x80xi32, #tpu.memory_space<hbm>> -> memref<80xi32, #tpu.memory_space<hbm>>
      %dma_start3A_840 = arith.constant 0 : i32
      %dma_start3A_841 = arith.constant 0 : i32
      %dma_start3A_842 = arith.constant 0 : i32
      %dma_start3A_843 = tpu.memref_slice %arg3[%add3A, %dma_start3A_840, %dma_start3A_841, %dma_start3A_842] : memref<32x125x1x80xi32, #tpu.memory_space<hbm>> -> memref<1x125x1x80xi32, #tpu.memory_space<hbm>>
      %dma_start3A_844 = tpu.memref_squeeze %dma_start3A_843 : memref<1x125x1x80xi32, #tpu.memory_space<hbm>> -> memref<125x1x80xi32, #tpu.memory_space<hbm>>
      %dma_start3A_845 = arith.constant 0 : i32
      %dma_start3A_846 = arith.constant 0 : i32
      %dma_start3A_847 = tpu.memref_slice %dma_start3A_844[%min3A_826, %dma_start3A_845, %dma_start3A_846] : memref<125x1x80xi32, #tpu.memory_space<hbm>> -> memref<1x1x80xi32, #tpu.memory_space<hbm>>
      %dma_start3A_848 = tpu.memref_squeeze %dma_start3A_847 : memref<1x1x80xi32, #tpu.memory_space<hbm>> -> memref<1x80xi32, #tpu.memory_space<hbm>>
      %dma_start3A_849 = arith.constant 0 : i32
      %dma_start3A_850 = tpu.memref_slice %dma_start3A_848[%dma_start3A_827, %dma_start3A_849] : memref<1x80xi32, #tpu.memory_space<hbm>> -> memref<1x80xi32, #tpu.memory_space<hbm>>
      %dma_start3A_851 = tpu.memref_squeeze %dma_start3A_850 : memref<1x80xi32, #tpu.memory_space<hbm>> -> memref<80xi32, #tpu.memory_space<hbm>>
      tpu.enqueue_dma source(%dma_start3A_851 : memref<80xi32, #tpu.memory_space<hbm>>) target(%arg9 : memref<80xi32, #tpu.memory_space<vmem>>) target_semaphore(%arg22 : memref<!tpu.dma_semaphore, #tpu.memory_space<semaphore_mem>>)
      %dma_start3A_852 = arith.constant 0 : i32
      %dma_start3A_853 = arith.constant 0 : i32
      %dma_start3A_854 = arith.constant 0 : i32
      %dma_start3A_855 = arith.constant 0 : i32
      %dma_start3A_856 = tpu.memref_slice %arg4[%add3A, %dma_start3A_853, %dma_start3A_854, %dma_start3A_855] : memref<32x125x1x80xi32, #tpu.memory_space<hbm>> -> memref<1x125x1x80xi32, #tpu.memory_space<hbm>>
      %dma_start3A_857 = tpu.memref_squeeze %dma_start3A_856 : memref<1x125x1x80xi32, #tpu.memory_space<hbm>> -> memref<125x1x80xi32, #tpu.memory_space<hbm>>
      %dma_start3A_858 = arith.constant 0 : i32
      %dma_start3A_859 = arith.constant 0 : i32
      %dma_start3A_860 = tpu.memref_slice %dma_start3A_857[%min3A_826, %dma_start3A_858, %dma_start3A_859] : memref<125x1x80xi32, #tpu.memory_space<hbm>> -> memref<1x1x80xi32, #tpu.memory_space<hbm>>
      %dma_start3A_861 = tpu.memref_squeeze %dma_start3A_860 : memref<1x1x80xi32, #tpu.memory_space<hbm>> -> memref<1x80xi32, #tpu.memory_space<hbm>>
      %dma_start3A_862 = arith.constant 0 : i32
      %dma_start3A_863 = tpu.memref_slice %dma_start3A_861[%dma_start3A_852, %dma_start3A_862] : memref<1x80xi32, #tpu.memory_space<hbm>> -> memref<1x80xi32, #tpu.memory_space<hbm>>
      %dma_start3A_864 = tpu.memref_squeeze %dma_start3A_863 : memref<1x80xi32, #tpu.memory_space<hbm>> -> memref<80xi32, #tpu.memory_space<hbm>>
      %dma_start3A_865 = arith.constant 0 : i32
      %dma_start3A_866 = arith.constant 0 : i32
      %dma_start3A_867 = arith.constant 0 : i32
      %dma_start3A_868 = tpu.memref_slice %arg4[%add3A, %dma_start3A_865, %dma_start3A_866, %dma_start3A_867] : memref<32x125x1x80xi32, #tpu.memory_space<hbm>> -> memref<1x125x1x80xi32, #tpu.memory_space<hbm>>
      %dma_start3A_869 = tpu.memref_squeeze %dma_start3A_868 : memref<1x125x1x80xi32, #tpu.memory_space<hbm>> -> memref<125x1x80xi32, #tpu.memory_space<hbm>>
      %dma_start3A_870 = arith.constant 0 : i32
      %dma_start3A_871 = arith.constant 0 : i32
      %dma_start3A_872 = tpu.memref_slice %dma_start3A_869[%min3A_826, %dma_start3A_870, %dma_start3A_871] : memref<125x1x80xi32, #tpu.memory_space<hbm>> -> memref<1x1x80xi32, #tpu.memory_space<hbm>>
      %dma_start3A_873 = tpu.memref_squeeze %dma_start3A_872 : memref<1x1x80xi32, #tpu.memory_space<hbm>> -> memref<1x80xi32, #tpu.memory_space<hbm>>
      %dma_start3A_874 = arith.constant 0 : i32
      %dma_start3A_875 = tpu.memref_slice %dma_start3A_873[%dma_start3A_852, %dma_start3A_874] : memref<1x80xi32, #tpu.memory_space<hbm>> -> memref<1x80xi32, #tpu.memory_space<hbm>>
      %dma_start3A_876 = tpu.memref_squeeze %dma_start3A_875 : memref<1x80xi32, #tpu.memory_space<hbm>> -> memref<80xi32, #tpu.memory_space<hbm>>
      tpu.enqueue_dma source(%dma_start3A_876 : memref<80xi32, #tpu.memory_space<hbm>>) target(%arg12 : memref<80xi32, #tpu.memory_space<vmem>>) target_semaphore(%arg22 : memref<!tpu.dma_semaphore, #tpu.memory_space<semaphore_mem>>)
      %dma_wait3A_877 = arith.constant 0 : i32
      %dma_wait3A_878 = arith.constant 0 : i32
      %dma_wait3A_879 = tpu.memref_slice %arg2[%dma_wait3A_877, %dma_wait3A_878] : memref<10000x128xf32, #tpu.memory_space<hbm>> -> memref<10000x128xf32, #tpu.memory_space<hbm>>
      tpu.wait_indirect_dma semaphore(%arg20 : memref<!tpu.dma_semaphore, #tpu.memory_space<semaphore_mem>>) src(%dma_wait3A_879 : memref<10000x128xf32, #tpu.memory_space<hbm>>) dst(%arg16 : memref<80x128xf32, #tpu.memory_space<vmem>>)
      %dma_start3A_880 = arith.constant 0 : i32
      %dma_start3A_881 = arith.constant 0 : i32
      %dma_start3A_882 = tpu.memref_slice %arg18[%dma_start3A_880, %dma_start3A_881] : memref<10240x128xf32, #tpu.memory_space<vmem_shared>> -> memref<10240x128xf32, #tpu.memory_space<vmem_shared>>
      tpu.enqueue_indirect_dma source(%arg16 : memref<80x128xf32, #tpu.memory_space<vmem>>) target(%dma_start3A_882 : memref<10240x128xf32, #tpu.memory_space<vmem_shared>>) offsets(%arg13 : memref<80xi32, #tpu.memory_space<vmem>>) semaphore(%arg26 : memref<!tpu.dma_semaphore, #tpu.memory_space<semaphore_mem>>) {add = true}
      %broadcast_in_dim3A_883 = arith.constant 1.000000e+00 : f32
      %broadcast_in_dim3A_884 = vector.broadcast %broadcast_in_dim3A_883 : f32 to vector<16xf32>
      %get3A_885 = arith.constant 0 : index
      %get3A_886 = tpu.vector_load %arg13[%get3A_885] {strides = array<i32>} : memref<80xi32, #tpu.memory_space<vmem>>, vector<16xi32>,
      tpu.vector_store_idx %arg28[%get3A_886], %broadcast_in_dim3A_884 {add = true} : memref<10240xf32, #tpu.memory_space<vmem>>[vector<16xi32>], vector<16xf32>,
      %get3A_887 = arith.constant 16 : index
      %get3A_888 = tpu.vector_load %arg13[%get3A_887] {strides = array<i32>} : memref<80xi32, #tpu.memory_space<vmem>>, vector<16xi32>,
      tpu.vector_store_idx %arg28[%get3A_888], %broadcast_in_dim3A_884 {add = true} : memref<10240xf32, #tpu.memory_space<vmem>>[vector<16xi32>], vector<16xf32>,
      %get3A_889 = arith.constant 32 : index
      %get3A_890 = tpu.vector_load %arg13[%get3A_889] {strides = array<i32>} : memref<80xi32, #tpu.memory_space<vmem>>, vector<16xi32>,
      tpu.vector_store_idx %arg28[%get3A_890], %broadcast_in_dim3A_884 {add = true} : memref<10240xf32, #tpu.memory_space<vmem>>[vector<16xi32>], vector<16xf32>,
      %get3A_891 = arith.constant 48 : index
      %get3A_892 = tpu.vector_load %arg13[%get3A_891] {strides = array<i32>} : memref<80xi32, #tpu.memory_space<vmem>>, vector<16xi32>,
      tpu.vector_store_idx %arg28[%get3A_892], %broadcast_in_dim3A_884 {add = true} : memref<10240xf32, #tpu.memory_space<vmem>>[vector<16xi32>], vector<16xf32>,
      %get3A_893 = arith.constant 64 : index
      %get3A_894 = tpu.vector_load %arg13[%get3A_893] {strides = array<i32>} : memref<80xi32, #tpu.memory_space<vmem>>, vector<16xi32>,
      tpu.vector_store_idx %arg28[%get3A_894], %broadcast_in_dim3A_884 {add = true} : memref<10240xf32, #tpu.memory_space<vmem>>[vector<16xi32>], vector<16xf32>,
      %add3A_895 = arith.constant 1 : i32
      %add3A_896 = arith.addi %add3A_763, %add3A_895 : i32
      %add3A_897 = arith.constant 1 : i32
      %add3A_898 = arith.addi %add3A_896, %add3A_897 : i32
      %dma_wait3A_899 = arith.constant 0 : i32
      %dma_wait3A_900 = arith.constant 0 : i32
      %dma_wait3A_901 = arith.constant 0 : i32
      %dma_wait3A_902 = arith.constant 0 : i32
      %dma_wait3A_903 = tpu.memref_slice %arg3[%add3A, %dma_wait3A_900, %dma_wait3A_901, %dma_wait3A_902] : memref<32x125x1x80xi32, #tpu.memory_space<hbm>> -> memref<1x125x1x80xi32, #tpu.memory_space<hbm>>
      %dma_wait3A_904 = tpu.memref_squeeze %dma_wait3A_903 : memref<1x125x1x80xi32, #tpu.memory_space<hbm>> -> memref<125x1x80xi32, #tpu.memory_space<hbm>>
      %dma_wait3A_905 = arith.constant 0 : i32
      %dma_wait3A_906 = arith.constant 0 : i32
      %dma_wait3A_907 = tpu.memref_slice %dma_wait3A_904[%add3A_898, %dma_wait3A_905, %dma_wait3A_906] : memref<125x1x80xi32, #tpu.memory_space<hbm>> -> memref<1x1x80xi32, #tpu.memory_space<hbm>>
      %dma_wait3A_908 = tpu.memref_squeeze %dma_wait3A_907 : memref<1x1x80xi32, #tpu.memory_space<hbm>> -> memref<1x80xi32, #tpu.memory_space<hbm>>
      %dma_wait3A_909 = arith.constant 0 : i32
      %dma_wait3A_910 = tpu.memref_slice %dma_wait3A_908[%dma_wait3A_899, %dma_wait3A_909] : memref<1x80xi32, #tpu.memory_space<hbm>> -> memref<1x80xi32, #tpu.memory_space<hbm>>
      %dma_wait3A_911 = tpu.memref_squeeze %dma_wait3A_910 : memref<1x80xi32, #tpu.memory_space<hbm>> -> memref<80xi32, #tpu.memory_space<hbm>>
      %dma_wait3A_912 = arith.constant 0 : i32
      %dma_wait3A_913 = arith.constant 0 : i32
      %dma_wait3A_914 = arith.constant 0 : i32
      %dma_wait3A_915 = tpu.memref_slice %arg3[%add3A, %dma_wait3A_912, %dma_wait3A_913, %dma_wait3A_914] : memref<32x125x1x80xi32, #tpu.memory_space<hbm>> -> memref<1x125x1x80xi32, #tpu.memory_space<hbm>>
      %dma_wait3A_916 = tpu.memref_squeeze %dma_wait3A_915 : memref<1x125x1x80xi32, #tpu.memory_space<hbm>> -> memref<125x1x80xi32, #tpu.memory_space<hbm>>
      %dma_wait3A_917 = arith.constant 0 : i32
      %dma_wait3A_918 = arith.constant 0 : i32
      %dma_wait3A_919 = tpu.memref_slice %dma_wait3A_916[%add3A_898, %dma_wait3A_917, %dma_wait3A_918] : memref<125x1x80xi32, #tpu.memory_space<hbm>> -> memref<1x1x80xi32, #tpu.memory_space<hbm>>
      %dma_wait3A_920 = tpu.memref_squeeze %dma_wait3A_919 : memref<1x1x80xi32, #tpu.memory_space<hbm>> -> memref<1x80xi32, #tpu.memory_space<hbm>>
      %dma_wait3A_921 = arith.constant 0 : i32
      %dma_wait3A_922 = tpu.memref_slice %dma_wait3A_920[%dma_wait3A_899, %dma_wait3A_921] : memref<1x80xi32, #tpu.memory_space<hbm>> -> memref<1x80xi32, #tpu.memory_space<hbm>>
      %dma_wait3A_923 = tpu.memref_squeeze %dma_wait3A_922 : memref<1x80xi32, #tpu.memory_space<hbm>> -> memref<80xi32, #tpu.memory_space<hbm>>
      tpu.wait_dma2 semaphore(%arg22 : memref<!tpu.dma_semaphore, #tpu.memory_space<semaphore_mem>>) src(%dma_wait3A_923 : memref<80xi32, #tpu.memory_space<hbm>>) dst(%arg9 : memref<80xi32, #tpu.memory_space<vmem>>)
      %dma_wait3A_924 = arith.constant 0 : i32
      %dma_wait3A_925 = arith.constant 0 : i32
      %dma_wait3A_926 = arith.constant 0 : i32
      %dma_wait3A_927 = arith.constant 0 : i32
      %dma_wait3A_928 = tpu.memref_slice %arg4[%add3A, %dma_wait3A_925, %dma_wait3A_926, %dma_wait3A_927] : memref<32x125x1x80xi32, #tpu.memory_space<hbm>> -> memref<1x125x1x80xi32, #tpu.memory_space<hbm>>
      %dma_wait3A_929 = tpu.memref_squeeze %dma_wait3A_928 : memref<1x125x1x80xi32, #tpu.memory_space<hbm>> -> memref<125x1x80xi32, #tpu.memory_space<hbm>>
      %dma_wait3A_930 = arith.constant 0 : i32
      %dma_wait3A_931 = arith.constant 0 : i32
      %dma_wait3A_932 = tpu.memref_slice %dma_wait3A_929[%add3A_898, %dma_wait3A_930, %dma_wait3A_931] : memref<125x1x80xi32, #tpu.memory_space<hbm>> -> memref<1x1x80xi32, #tpu.memory_space<hbm>>
      %dma_wait3A_933 = tpu.memref_squeeze %dma_wait3A_932 : memref<1x1x80xi32, #tpu.memory_space<hbm>> -> memref<1x80xi32, #tpu.memory_space<hbm>>
      %dma_wait3A_934 = arith.constant 0 : i32
      %dma_wait3A_935 = tpu.memref_slice %dma_wait3A_933[%dma_wait3A_924, %dma_wait3A_934] : memref<1x80xi32, #tpu.memory_space<hbm>> -> memref<1x80xi32, #tpu.memory_space<hbm>>
      %dma_wait3A_936 = tpu.memref_squeeze %dma_wait3A_935 : memref<1x80xi32, #tpu.memory_space<hbm>> -> memref<80xi32, #tpu.memory_space<hbm>>
      %dma_wait3A_937 = arith.constant 0 : i32
      %dma_wait3A_938 = arith.constant 0 : i32
      %dma_wait3A_939 = arith.constant 0 : i32
      %dma_wait3A_940 = tpu.memref_slice %arg4[%add3A, %dma_wait3A_937, %dma_wait3A_938, %dma_wait3A_939] : memref<32x125x1x80xi32, #tpu.memory_space<hbm>> -> memref<1x125x1x80xi32, #tpu.memory_space<hbm>>
      %dma_wait3A_941 = tpu.memref_squeeze %dma_wait3A_940 : memref<1x125x1x80xi32, #tpu.memory_space<hbm>> -> memref<125x1x80xi32, #tpu.memory_space<hbm>>
      %dma_wait3A_942 = arith.constant 0 : i32
      %dma_wait3A_943 = arith.constant 0 : i32
      %dma_wait3A_944 = tpu.memref_slice %dma_wait3A_941[%add3A_898, %dma_wait3A_942, %dma_wait3A_943] : memref<125x1x80xi32, #tpu.memory_space<hbm>> -> memref<1x1x80xi32, #tpu.memory_space<hbm>>
      %dma_wait3A_945 = tpu.memref_squeeze %dma_wait3A_944 : memref<1x1x80xi32, #tpu.memory_space<hbm>> -> memref<1x80xi32, #tpu.memory_space<hbm>>
      %dma_wait3A_946 = arith.constant 0 : i32
      %dma_wait3A_947 = tpu.memref_slice %dma_wait3A_945[%dma_wait3A_924, %dma_wait3A_946] : memref<1x80xi32, #tpu.memory_space<hbm>> -> memref<1x80xi32, #tpu.memory_space<hbm>>
      %dma_wait3A_948 = tpu.memref_squeeze %dma_wait3A_947 : memref<1x80xi32, #tpu.memory_space<hbm>> -> memref<80xi32, #tpu.memory_space<hbm>>
      tpu.wait_dma2 semaphore(%arg22 : memref<!tpu.dma_semaphore, #tpu.memory_space<semaphore_mem>>) src(%dma_wait3A_948 : memref<80xi32, #tpu.memory_space<hbm>>) dst(%arg12 : memref<80xi32, #tpu.memory_space<vmem>>)
      %dma_start3A_949 = arith.constant 0 : i32
      %dma_start3A_950 = arith.constant 0 : i32
      %dma_start3A_951 = tpu.memref_slice %arg2[%dma_start3A_949, %dma_start3A_950] : memref<10000x128xf32, #tpu.memory_space<hbm>> -> memref<10000x128xf32, #tpu.memory_space<hbm>>
      tpu.enqueue_indirect_dma source(%dma_start3A_951 : memref<10000x128xf32, #tpu.memory_space<hbm>>) target(%arg15 : memref<80x128xf32, #tpu.memory_space<vmem>>) offsets(%arg9 : memref<80xi32, #tpu.memory_space<vmem>>) semaphore(%arg19 : memref<!tpu.dma_semaphore, #tpu.memory_space<semaphore_mem>>)
      %dma_wait3A_952 = arith.constant 0 : i32
      %dma_wait3A_953 = arith.constant 0 : i32
      %dma_wait3A_954 = tpu.memref_slice %arg18[%dma_wait3A_952, %dma_wait3A_953] : memref<10240x128xf32, #tpu.memory_space<vmem_shared>> -> memref<10240x128xf32, #tpu.memory_space<vmem_shared>>
      tpu.wait_indirect_dma semaphore(%arg26 : memref<!tpu.dma_semaphore, #tpu.memory_space<semaphore_mem>>) src(%arg16 : memref<80x128xf32, #tpu.memory_space<vmem>>) dst(%dma_wait3A_954 : memref<10240x128xf32, #tpu.memory_space<vmem_shared>>)
      %add3A_955 = arith.constant 2 : i32
      %add3A_956 = arith.addi %add3A_896, %add3A_955 : i32
      %min3A_957 = arith.constant 124 : i32
      %min3A_958 = arith.minsi %add3A_956, %min3A_957 : i32
      %dma_start3A_959 = arith.constant 0 : i32
      %dma_start3A_960 = arith.constant 0 : i32
      %dma_start3A_961 = arith.constant 0 : i32
      %dma_start3A_962 = arith.constant 0 : i32
      %dma_start3A_963 = tpu.memref_slice %arg3[%add3A, %dma_start3A_960, %dma_start3A_961, %dma_start3A_962] : memref<32x125x1x80xi32, #tpu.memory_space<hbm>> -> memref<1x125x1x80xi32, #tpu.memory_space<hbm>>
      %dma_start3A_964 = tpu.memref_squeeze %dma_start3A_963 : memref<1x125x1x80xi32, #tpu.memory_space<hbm>> -> memref<125x1x80xi32, #tpu.memory_space<hbm>>
      %dma_start3A_965 = arith.constant 0 : i32
      %dma_start3A_966 = arith.constant 0 : i32
      %dma_start3A_967 = tpu.memref_slice %dma_start3A_964[%min3A_958, %dma_start3A_965, %dma_start3A_966] : memref<125x1x80xi32, #tpu.memory_space<hbm>> -> memref<1x1x80xi32, #tpu.memory_space<hbm>>
      %dma_start3A_968 = tpu.memref_squeeze %dma_start3A_967 : memref<1x1x80xi32, #tpu.memory_space<hbm>> -> memref<1x80xi32, #tpu.memory_space<hbm>>
      %dma_start3A_969 = arith.constant 0 : i32
      %dma_start3A_970 = tpu.memref_slice %dma_start3A_968[%dma_start3A_959, %dma_start3A_969] : memref<1x80xi32, #tpu.memory_space<hbm>> -> memref<1x80xi32, #tpu.memory_space<hbm>>
      %dma_start3A_971 = tpu.memref_squeeze %dma_start3A_970 : memref<1x80xi32, #tpu.memory_space<hbm>> -> memref<80xi32, #tpu.memory_space<hbm>>
      %dma_start3A_972 = arith.constant 0 : i32
      %dma_start3A_973 = arith.constant 0 : i32
      %dma_start3A_974 = arith.constant 0 : i32
      %dma_start3A_975 = tpu.memref_slice %arg3[%add3A, %dma_start3A_972, %dma_start3A_973, %dma_start3A_974] : memref<32x125x1x80xi32, #tpu.memory_space<hbm>> -> memref<1x125x1x80xi32, #tpu.memory_space<hbm>>
      %dma_start3A_976 = tpu.memref_squeeze %dma_start3A_975 : memref<1x125x1x80xi32, #tpu.memory_space<hbm>> -> memref<125x1x80xi32, #tpu.memory_space<hbm>>
      %dma_start3A_977 = arith.constant 0 : i32
      %dma_start3A_978 = arith.constant 0 : i32
      %dma_start3A_979 = tpu.memref_slice %dma_start3A_976[%min3A_958, %dma_start3A_977, %dma_start3A_978] : memref<125x1x80xi32, #tpu.memory_space<hbm>> -> memref<1x1x80xi32, #tpu.memory_space<hbm>>
      %dma_start3A_980 = tpu.memref_squeeze %dma_start3A_979 : memref<1x1x80xi32, #tpu.memory_space<hbm>> -> memref<1x80xi32, #tpu.memory_space<hbm>>
      %dma_start3A_981 = arith.constant 0 : i32
      %dma_start3A_982 = tpu.memref_slice %dma_start3A_980[%dma_start3A_959, %dma_start3A_981] : memref<1x80xi32, #tpu.memory_space<hbm>> -> memref<1x80xi32, #tpu.memory_space<hbm>>
      %dma_start3A_983 = tpu.memref_squeeze %dma_start3A_982 : memref<1x80xi32, #tpu.memory_space<hbm>> -> memref<80xi32, #tpu.memory_space<hbm>>
      tpu.enqueue_dma source(%dma_start3A_983 : memref<80xi32, #tpu.memory_space<hbm>>) target(%arg10 : memref<80xi32, #tpu.memory_space<vmem>>) target_semaphore(%arg23 : memref<!tpu.dma_semaphore, #tpu.memory_space<semaphore_mem>>)
      %dma_start3A_984 = arith.constant 0 : i32
      %dma_start3A_985 = arith.constant 0 : i32
      %dma_start3A_986 = arith.constant 0 : i32
      %dma_start3A_987 = arith.constant 0 : i32
      %dma_start3A_988 = tpu.memref_slice %arg4[%add3A, %dma_start3A_985, %dma_start3A_986, %dma_start3A_987] : memref<32x125x1x80xi32, #tpu.memory_space<hbm>> -> memref<1x125x1x80xi32, #tpu.memory_space<hbm>>
      %dma_start3A_989 = tpu.memref_squeeze %dma_start3A_988 : memref<1x125x1x80xi32, #tpu.memory_space<hbm>> -> memref<125x1x80xi32, #tpu.memory_space<hbm>>
      %dma_start3A_990 = arith.constant 0 : i32
      %dma_start3A_991 = arith.constant 0 : i32
      %dma_start3A_992 = tpu.memref_slice %dma_start3A_989[%min3A_958, %dma_start3A_990, %dma_start3A_991] : memref<125x1x80xi32, #tpu.memory_space<hbm>> -> memref<1x1x80xi32, #tpu.memory_space<hbm>>
      %dma_start3A_993 = tpu.memref_squeeze %dma_start3A_992 : memref<1x1x80xi32, #tpu.memory_space<hbm>> -> memref<1x80xi32, #tpu.memory_space<hbm>>
      %dma_start3A_994 = arith.constant 0 : i32
      %dma_start3A_995 = tpu.memref_slice %dma_start3A_993[%dma_start3A_984, %dma_start3A_994] : memref<1x80xi32, #tpu.memory_space<hbm>> -> memref<1x80xi32, #tpu.memory_space<hbm>>
      %dma_start3A_996 = tpu.memref_squeeze %dma_start3A_995 : memref<1x80xi32, #tpu.memory_space<hbm>> -> memref<80xi32, #tpu.memory_space<hbm>>
      %dma_start3A_997 = arith.constant 0 : i32
      %dma_start3A_998 = arith.constant 0 : i32
      %dma_start3A_999 = arith.constant 0 : i32
      %dma_start3A_1000 = tpu.memref_slice %arg4[%add3A, %dma_start3A_997, %dma_start3A_998, %dma_start3A_999] : memref<32x125x1x80xi32, #tpu.memory_space<hbm>> -> memref<1x125x1x80xi32, #tpu.memory_space<hbm>>
      %dma_start3A_1001 = tpu.memref_squeeze %dma_start3A_1000 : memref<1x125x1x80xi32, #tpu.memory_space<hbm>> -> memref<125x1x80xi32, #tpu.memory_space<hbm>>
      %dma_start3A_1002 = arith.constant 0 : i32
      %dma_start3A_1003 = arith.constant 0 : i32
      %dma_start3A_1004 = tpu.memref_slice %dma_start3A_1001[%min3A_958, %dma_start3A_1002, %dma_start3A_1003] : memref<125x1x80xi32, #tpu.memory_space<hbm>> -> memref<1x1x80xi32, #tpu.memory_space<hbm>>
      %dma_start3A_1005 = tpu.memref_squeeze %dma_start3A_1004 : memref<1x1x80xi32, #tpu.memory_space<hbm>> -> memref<1x80xi32, #tpu.memory_space<hbm>>
      %dma_start3A_1006 = arith.constant 0 : i32
      %dma_start3A_1007 = tpu.memref_slice %dma_start3A_1005[%dma_start3A_984, %dma_start3A_1006] : memref<1x80xi32, #tpu.memory_space<hbm>> -> memref<1x80xi32, #tpu.memory_space<hbm>>
      %dma_start3A_1008 = tpu.memref_squeeze %dma_start3A_1007 : memref<1x80xi32, #tpu.memory_space<hbm>> -> memref<80xi32, #tpu.memory_space<hbm>>
      tpu.enqueue_dma source(%dma_start3A_1008 : memref<80xi32, #tpu.memory_space<hbm>>) target(%arg13 : memref<80xi32, #tpu.memory_space<vmem>>) target_semaphore(%arg23 : memref<!tpu.dma_semaphore, #tpu.memory_space<semaphore_mem>>)
      %dma_wait3A_1009 = arith.constant 0 : i32
      %dma_wait3A_1010 = arith.constant 0 : i32
      %dma_wait3A_1011 = tpu.memref_slice %arg2[%dma_wait3A_1009, %dma_wait3A_1010] : memref<10000x128xf32, #tpu.memory_space<hbm>> -> memref<10000x128xf32, #tpu.memory_space<hbm>>
      tpu.wait_indirect_dma semaphore(%arg21 : memref<!tpu.dma_semaphore, #tpu.memory_space<semaphore_mem>>) src(%dma_wait3A_1011 : memref<10000x128xf32, #tpu.memory_space<hbm>>) dst(%arg17 : memref<80x128xf32, #tpu.memory_space<vmem>>)
      %dma_start3A_1012 = arith.constant 0 : i32
      %dma_start3A_1013 = arith.constant 0 : i32
      %dma_start3A_1014 = tpu.memref_slice %arg18[%dma_start3A_1012, %dma_start3A_1013] : memref<10240x128xf32, #tpu.memory_space<vmem_shared>> -> memref<10240x128xf32, #tpu.memory_space<vmem_shared>>
      tpu.enqueue_indirect_dma source(%arg17 : memref<80x128xf32, #tpu.memory_space<vmem>>) target(%dma_start3A_1014 : memref<10240x128xf32, #tpu.memory_space<vmem_shared>>) offsets(%arg14 : memref<80xi32, #tpu.memory_space<vmem>>) semaphore(%arg27 : memref<!tpu.dma_semaphore, #tpu.memory_space<semaphore_mem>>) {add = true}
      %broadcast_in_dim3A_1015 = arith.constant 1.000000e+00 : f32
      %broadcast_in_dim3A_1016 = vector.broadcast %broadcast_in_dim3A_1015 : f32 to vector<16xf32>
      %get3A_1017 = arith.constant 0 : index
      %get3A_1018 = tpu.vector_load %arg14[%get3A_1017] {strides = array<i32>} : memref<80xi32, #tpu.memory_space<vmem>>, vector<16xi32>,
      tpu.vector_store_idx %arg28[%get3A_1018], %broadcast_in_dim3A_1016 {add = true} : memref<10240xf32, #tpu.memory_space<vmem>>[vector<16xi32>], vector<16xf32>,
      %get3A_1019 = arith.constant 16 : index
      %get3A_1020 = tpu.vector_load %arg14[%get3A_1019] {strides = array<i32>} : memref<80xi32, #tpu.memory_space<vmem>>, vector<16xi32>,
      tpu.vector_store_idx %arg28[%get3A_1020], %broadcast_in_dim3A_1016 {add = true} : memref<10240xf32, #tpu.memory_space<vmem>>[vector<16xi32>], vector<16xf32>,
      %get3A_1021 = arith.constant 32 : index
      %get3A_1022 = tpu.vector_load %arg14[%get3A_1021] {strides = array<i32>} : memref<80xi32, #tpu.memory_space<vmem>>, vector<16xi32>,
      tpu.vector_store_idx %arg28[%get3A_1022], %broadcast_in_dim3A_1016 {add = true} : memref<10240xf32, #tpu.memory_space<vmem>>[vector<16xi32>], vector<16xf32>,
      %get3A_1023 = arith.constant 48 : index
      %get3A_1024 = tpu.vector_load %arg14[%get3A_1023] {strides = array<i32>} : memref<80xi32, #tpu.memory_space<vmem>>, vector<16xi32>,
      tpu.vector_store_idx %arg28[%get3A_1024], %broadcast_in_dim3A_1016 {add = true} : memref<10240xf32, #tpu.memory_space<vmem>>[vector<16xi32>], vector<16xf32>,
      %get3A_1025 = arith.constant 64 : index
      %get3A_1026 = tpu.vector_load %arg14[%get3A_1025] {strides = array<i32>} : memref<80xi32, #tpu.memory_space<vmem>>, vector<16xi32>,
      tpu.vector_store_idx %arg28[%get3A_1026], %broadcast_in_dim3A_1016 {add = true} : memref<10240xf32, #tpu.memory_space<vmem>>[vector<16xi32>], vector<16xf32>,
      %add3A_1027 = arith.constant 2 : i32
      %add3A_1028 = arith.addi %add3A_763, %add3A_1027 : i32
      %add3A_1029 = arith.constant 1 : i32
      %add3A_1030 = arith.addi %add3A_1028, %add3A_1029 : i32
      %dma_wait3A_1031 = arith.constant 0 : i32
      %dma_wait3A_1032 = arith.constant 0 : i32
      %dma_wait3A_1033 = arith.constant 0 : i32
      %dma_wait3A_1034 = arith.constant 0 : i32
      %dma_wait3A_1035 = tpu.memref_slice %arg3[%add3A, %dma_wait3A_1032, %dma_wait3A_1033, %dma_wait3A_1034] : memref<32x125x1x80xi32, #tpu.memory_space<hbm>> -> memref<1x125x1x80xi32, #tpu.memory_space<hbm>>
      %dma_wait3A_1036 = tpu.memref_squeeze %dma_wait3A_1035 : memref<1x125x1x80xi32, #tpu.memory_space<hbm>> -> memref<125x1x80xi32, #tpu.memory_space<hbm>>
      %dma_wait3A_1037 = arith.constant 0 : i32
      %dma_wait3A_1038 = arith.constant 0 : i32
      %dma_wait3A_1039 = tpu.memref_slice %dma_wait3A_1036[%add3A_1030, %dma_wait3A_1037, %dma_wait3A_1038] : memref<125x1x80xi32, #tpu.memory_space<hbm>> -> memref<1x1x80xi32, #tpu.memory_space<hbm>>
      %dma_wait3A_1040 = tpu.memref_squeeze %dma_wait3A_1039 : memref<1x1x80xi32, #tpu.memory_space<hbm>> -> memref<1x80xi32, #tpu.memory_space<hbm>>
      %dma_wait3A_1041 = arith.constant 0 : i32
      %dma_wait3A_1042 = tpu.memref_slice %dma_wait3A_1040[%dma_wait3A_1031, %dma_wait3A_1041] : memref<1x80xi32, #tpu.memory_space<hbm>> -> memref<1x80xi32, #tpu.memory_space<hbm>>
      %dma_wait3A_1043 = tpu.memref_squeeze %dma_wait3A_1042 : memref<1x80xi32, #tpu.memory_space<hbm>> -> memref<80xi32, #tpu.memory_space<hbm>>
      %dma_wait3A_1044 = arith.constant 0 : i32
      %dma_wait3A_1045 = arith.constant 0 : i32
      %dma_wait3A_1046 = arith.constant 0 : i32
      %dma_wait3A_1047 = tpu.memref_slice %arg3[%add3A, %dma_wait3A_1044, %dma_wait3A_1045, %dma_wait3A_1046] : memref<32x125x1x80xi32, #tpu.memory_space<hbm>> -> memref<1x125x1x80xi32, #tpu.memory_space<hbm>>
      %dma_wait3A_1048 = tpu.memref_squeeze %dma_wait3A_1047 : memref<1x125x1x80xi32, #tpu.memory_space<hbm>> -> memref<125x1x80xi32, #tpu.memory_space<hbm>>
      %dma_wait3A_1049 = arith.constant 0 : i32
      %dma_wait3A_1050 = arith.constant 0 : i32
      %dma_wait3A_1051 = tpu.memref_slice %dma_wait3A_1048[%add3A_1030, %dma_wait3A_1049, %dma_wait3A_1050] : memref<125x1x80xi32, #tpu.memory_space<hbm>> -> memref<1x1x80xi32, #tpu.memory_space<hbm>>
      %dma_wait3A_1052 = tpu.memref_squeeze %dma_wait3A_1051 : memref<1x1x80xi32, #tpu.memory_space<hbm>> -> memref<1x80xi32, #tpu.memory_space<hbm>>
      %dma_wait3A_1053 = arith.constant 0 : i32
      %dma_wait3A_1054 = tpu.memref_slice %dma_wait3A_1052[%dma_wait3A_1031, %dma_wait3A_1053] : memref<1x80xi32, #tpu.memory_space<hbm>> -> memref<1x80xi32, #tpu.memory_space<hbm>>
      %dma_wait3A_1055 = tpu.memref_squeeze %dma_wait3A_1054 : memref<1x80xi32, #tpu.memory_space<hbm>> -> memref<80xi32, #tpu.memory_space<hbm>>
      tpu.wait_dma2 semaphore(%arg23 : memref<!tpu.dma_semaphore, #tpu.memory_space<semaphore_mem>>) src(%dma_wait3A_1055 : memref<80xi32, #tpu.memory_space<hbm>>) dst(%arg10 : memref<80xi32, #tpu.memory_space<vmem>>)
      %dma_wait3A_1056 = arith.constant 0 : i32
      %dma_wait3A_1057 = arith.constant 0 : i32
      %dma_wait3A_1058 = arith.constant 0 : i32
      %dma_wait3A_1059 = arith.constant 0 : i32
      %dma_wait3A_1060 = tpu.memref_slice %arg4[%add3A, %dma_wait3A_1057, %dma_wait3A_1058, %dma_wait3A_1059] : memref<32x125x1x80xi32, #tpu.memory_space<hbm>> -> memref<1x125x1x80xi32, #tpu.memory_space<hbm>>
      %dma_wait3A_1061 = tpu.memref_squeeze %dma_wait3A_1060 : memref<1x125x1x80xi32, #tpu.memory_space<hbm>> -> memref<125x1x80xi32, #tpu.memory_space<hbm>>
      %dma_wait3A_1062 = arith.constant 0 : i32
      %dma_wait3A_1063 = arith.constant 0 : i32
      %dma_wait3A_1064 = tpu.memref_slice %dma_wait3A_1061[%add3A_1030, %dma_wait3A_1062, %dma_wait3A_1063] : memref<125x1x80xi32, #tpu.memory_space<hbm>> -> memref<1x1x80xi32, #tpu.memory_space<hbm>>
      %dma_wait3A_1065 = tpu.memref_squeeze %dma_wait3A_1064 : memref<1x1x80xi32, #tpu.memory_space<hbm>> -> memref<1x80xi32, #tpu.memory_space<hbm>>
      %dma_wait3A_1066 = arith.constant 0 : i32
      %dma_wait3A_1067 = tpu.memref_slice %dma_wait3A_1065[%dma_wait3A_1056, %dma_wait3A_1066] : memref<1x80xi32, #tpu.memory_space<hbm>> -> memref<1x80xi32, #tpu.memory_space<hbm>>
      %dma_wait3A_1068 = tpu.memref_squeeze %dma_wait3A_1067 : memref<1x80xi32, #tpu.memory_space<hbm>> -> memref<80xi32, #tpu.memory_space<hbm>>
      %dma_wait3A_1069 = arith.constant 0 : i32
      %dma_wait3A_1070 = arith.constant 0 : i32
      %dma_wait3A_1071 = arith.constant 0 : i32
      %dma_wait3A_1072 = tpu.memref_slice %arg4[%add3A, %dma_wait3A_1069, %dma_wait3A_1070, %dma_wait3A_1071] : memref<32x125x1x80xi32, #tpu.memory_space<hbm>> -> memref<1x125x1x80xi32, #tpu.memory_space<hbm>>
      %dma_wait3A_1073 = tpu.memref_squeeze %dma_wait3A_1072 : memref<1x125x1x80xi32, #tpu.memory_space<hbm>> -> memref<125x1x80xi32, #tpu.memory_space<hbm>>
      %dma_wait3A_1074 = arith.constant 0 : i32
      %dma_wait3A_1075 = arith.constant 0 : i32
      %dma_wait3A_1076 = tpu.memref_slice %dma_wait3A_1073[%add3A_1030, %dma_wait3A_1074, %dma_wait3A_1075] : memref<125x1x80xi32, #tpu.memory_space<hbm>> -> memref<1x1x80xi32, #tpu.memory_space<hbm>>
      %dma_wait3A_1077 = tpu.memref_squeeze %dma_wait3A_1076 : memref<1x1x80xi32, #tpu.memory_space<hbm>> -> memref<1x80xi32, #tpu.memory_space<hbm>>
      %dma_wait3A_1078 = arith.constant 0 : i32
      %dma_wait3A_1079 = tpu.memref_slice %dma_wait3A_1077[%dma_wait3A_1056, %dma_wait3A_1078] : memref<1x80xi32, #tpu.memory_space<hbm>> -> memref<1x80xi32, #tpu.memory_space<hbm>>
      %dma_wait3A_1080 = tpu.memref_squeeze %dma_wait3A_1079 : memref<1x80xi32, #tpu.memory_space<hbm>> -> memref<80xi32, #tpu.memory_space<hbm>>
      tpu.wait_dma2 semaphore(%arg23 : memref<!tpu.dma_semaphore, #tpu.memory_space<semaphore_mem>>) src(%dma_wait3A_1080 : memref<80xi32, #tpu.memory_space<hbm>>) dst(%arg13 : memref<80xi32, #tpu.memory_space<vmem>>)
      %dma_start3A_1081 = arith.constant 0 : i32
      %dma_start3A_1082 = arith.constant 0 : i32
      %dma_start3A_1083 = tpu.memref_slice %arg2[%dma_start3A_1081, %dma_start3A_1082] : memref<10000x128xf32, #tpu.memory_space<hbm>> -> memref<10000x128xf32, #tpu.memory_space<hbm>>
      tpu.enqueue_indirect_dma source(%dma_start3A_1083 : memref<10000x128xf32, #tpu.memory_space<hbm>>) target(%arg16 : memref<80x128xf32, #tpu.memory_space<vmem>>) offsets(%arg10 : memref<80xi32, #tpu.memory_space<vmem>>) semaphore(%arg20 : memref<!tpu.dma_semaphore, #tpu.memory_space<semaphore_mem>>)
      %dma_wait3A_1084 = arith.constant 0 : i32
      %dma_wait3A_1085 = arith.constant 0 : i32
      %dma_wait3A_1086 = tpu.memref_slice %arg18[%dma_wait3A_1084, %dma_wait3A_1085] : memref<10240x128xf32, #tpu.memory_space<vmem_shared>> -> memref<10240x128xf32, #tpu.memory_space<vmem_shared>>
      tpu.wait_indirect_dma semaphore(%arg27 : memref<!tpu.dma_semaphore, #tpu.memory_space<semaphore_mem>>) src(%arg17 : memref<80x128xf32, #tpu.memory_space<vmem>>) dst(%dma_wait3A_1086 : memref<10240x128xf32, #tpu.memory_space<vmem_shared>>)
      %add3A_1087 = arith.constant 2 : i32
      %add3A_1088 = arith.addi %add3A_1028, %add3A_1087 : i32
      %min3A_1089 = arith.constant 124 : i32
      %min3A_1090 = arith.minsi %add3A_1088, %min3A_1089 : i32
      %dma_start3A_1091 = arith.constant 0 : i32
      %dma_start3A_1092 = arith.constant 0 : i32
      %dma_start3A_1093 = arith.constant 0 : i32
      %dma_start3A_1094 = arith.constant 0 : i32
      %dma_start3A_1095 = tpu.memref_slice %arg3[%add3A, %dma_start3A_1092, %dma_start3A_1093, %dma_start3A_1094] : memref<32x125x1x80xi32, #tpu.memory_space<hbm>> -> memref<1x125x1x80xi32, #tpu.memory_space<hbm>>
      %dma_start3A_1096 = tpu.memref_squeeze %dma_start3A_1095 : memref<1x125x1x80xi32, #tpu.memory_space<hbm>> -> memref<125x1x80xi32, #tpu.memory_space<hbm>>
      %dma_start3A_1097 = arith.constant 0 : i32
      %dma_start3A_1098 = arith.constant 0 : i32
      %dma_start3A_1099 = tpu.memref_slice %dma_start3A_1096[%min3A_1090, %dma_start3A_1097, %dma_start3A_1098] : memref<125x1x80xi32, #tpu.memory_space<hbm>> -> memref<1x1x80xi32, #tpu.memory_space<hbm>>
      %dma_start3A_1100 = tpu.memref_squeeze %dma_start3A_1099 : memref<1x1x80xi32, #tpu.memory_space<hbm>> -> memref<1x80xi32, #tpu.memory_space<hbm>>
      %dma_start3A_1101 = arith.constant 0 : i32
      %dma_start3A_1102 = tpu.memref_slice %dma_start3A_1100[%dma_start3A_1091, %dma_start3A_1101] : memref<1x80xi32, #tpu.memory_space<hbm>> -> memref<1x80xi32, #tpu.memory_space<hbm>>
      %dma_start3A_1103 = tpu.memref_squeeze %dma_start3A_1102 : memref<1x80xi32, #tpu.memory_space<hbm>> -> memref<80xi32, #tpu.memory_space<hbm>>
      %dma_start3A_1104 = arith.constant 0 : i32
      %dma_start3A_1105 = arith.constant 0 : i32
      %dma_start3A_1106 = arith.constant 0 : i32
      %dma_start3A_1107 = tpu.memref_slice %arg3[%add3A, %dma_start3A_1104, %dma_start3A_1105, %dma_start3A_1106] : memref<32x125x1x80xi32, #tpu.memory_space<hbm>> -> memref<1x125x1x80xi32, #tpu.memory_space<hbm>>
      %dma_start3A_1108 = tpu.memref_squeeze %dma_start3A_1107 : memref<1x125x1x80xi32, #tpu.memory_space<hbm>> -> memref<125x1x80xi32, #tpu.memory_space<hbm>>
      %dma_start3A_1109 = arith.constant 0 : i32
      %dma_start3A_1110 = arith.constant 0 : i32
      %dma_start3A_1111 = tpu.memref_slice %dma_start3A_1108[%min3A_1090, %dma_start3A_1109, %dma_start3A_1110] : memref<125x1x80xi32, #tpu.memory_space<hbm>> -> memref<1x1x80xi32, #tpu.memory_space<hbm>>
      %dma_start3A_1112 = tpu.memref_squeeze %dma_start3A_1111 : memref<1x1x80xi32, #tpu.memory_space<hbm>> -> memref<1x80xi32, #tpu.memory_space<hbm>>
      %dma_start3A_1113 = arith.constant 0 : i32
      %dma_start3A_1114 = tpu.memref_slice %dma_start3A_1112[%dma_start3A_1091, %dma_start3A_1113] : memref<1x80xi32, #tpu.memory_space<hbm>> -> memref<1x80xi32, #tpu.memory_space<hbm>>
      %dma_start3A_1115 = tpu.memref_squeeze %dma_start3A_1114 : memref<1x80xi32, #tpu.memory_space<hbm>> -> memref<80xi32, #tpu.memory_space<hbm>>
      tpu.enqueue_dma source(%dma_start3A_1115 : memref<80xi32, #tpu.memory_space<hbm>>) target(%arg11 : memref<80xi32, #tpu.memory_space<vmem>>) target_semaphore(%arg24 : memref<!tpu.dma_semaphore, #tpu.memory_space<semaphore_mem>>)
      %dma_start3A_1116 = arith.constant 0 : i32
      %dma_start3A_1117 = arith.constant 0 : i32
      %dma_start3A_1118 = arith.constant 0 : i32
      %dma_start3A_1119 = arith.constant 0 : i32
      %dma_start3A_1120 = tpu.memref_slice %arg4[%add3A, %dma_start3A_1117, %dma_start3A_1118, %dma_start3A_1119] : memref<32x125x1x80xi32, #tpu.memory_space<hbm>> -> memref<1x125x1x80xi32, #tpu.memory_space<hbm>>
      %dma_start3A_1121 = tpu.memref_squeeze %dma_start3A_1120 : memref<1x125x1x80xi32, #tpu.memory_space<hbm>> -> memref<125x1x80xi32, #tpu.memory_space<hbm>>
      %dma_start3A_1122 = arith.constant 0 : i32
      %dma_start3A_1123 = arith.constant 0 : i32
      %dma_start3A_1124 = tpu.memref_slice %dma_start3A_1121[%min3A_1090, %dma_start3A_1122, %dma_start3A_1123] : memref<125x1x80xi32, #tpu.memory_space<hbm>> -> memref<1x1x80xi32, #tpu.memory_space<hbm>>
      %dma_start3A_1125 = tpu.memref_squeeze %dma_start3A_1124 : memref<1x1x80xi32, #tpu.memory_space<hbm>> -> memref<1x80xi32, #tpu.memory_space<hbm>>
      %dma_start3A_1126 = arith.constant 0 : i32
      %dma_start3A_1127 = tpu.memref_slice %dma_start3A_1125[%dma_start3A_1116, %dma_start3A_1126] : memref<1x80xi32, #tpu.memory_space<hbm>> -> memref<1x80xi32, #tpu.memory_space<hbm>>
      %dma_start3A_1128 = tpu.memref_squeeze %dma_start3A_1127 : memref<1x80xi32, #tpu.memory_space<hbm>> -> memref<80xi32, #tpu.memory_space<hbm>>
      %dma_start3A_1129 = arith.constant 0 : i32
      %dma_start3A_1130 = arith.constant 0 : i32
      %dma_start3A_1131 = arith.constant 0 : i32
      %dma_start3A_1132 = tpu.memref_slice %arg4[%add3A, %dma_start3A_1129, %dma_start3A_1130, %dma_start3A_1131] : memref<32x125x1x80xi32, #tpu.memory_space<hbm>> -> memref<1x125x1x80xi32, #tpu.memory_space<hbm>>
      %dma_start3A_1133 = tpu.memref_squeeze %dma_start3A_1132 : memref<1x125x1x80xi32, #tpu.memory_space<hbm>> -> memref<125x1x80xi32, #tpu.memory_space<hbm>>
      %dma_start3A_1134 = arith.constant 0 : i32
      %dma_start3A_1135 = arith.constant 0 : i32
      %dma_start3A_1136 = tpu.memref_slice %dma_start3A_1133[%min3A_1090, %dma_start3A_1134, %dma_start3A_1135] : memref<125x1x80xi32, #tpu.memory_space<hbm>> -> memref<1x1x80xi32, #tpu.memory_space<hbm>>
      %dma_start3A_1137 = tpu.memref_squeeze %dma_start3A_1136 : memref<1x1x80xi32, #tpu.memory_space<hbm>> -> memref<1x80xi32, #tpu.memory_space<hbm>>
      %dma_start3A_1138 = arith.constant 0 : i32
      %dma_start3A_1139 = tpu.memref_slice %dma_start3A_1137[%dma_start3A_1116, %dma_start3A_1138] : memref<1x80xi32, #tpu.memory_space<hbm>> -> memref<1x80xi32, #tpu.memory_space<hbm>>
      %dma_start3A_1140 = tpu.memref_squeeze %dma_start3A_1139 : memref<1x80xi32, #tpu.memory_space<hbm>> -> memref<80xi32, #tpu.memory_space<hbm>>
      tpu.enqueue_dma source(%dma_start3A_1140 : memref<80xi32, #tpu.memory_space<hbm>>) target(%arg14 : memref<80xi32, #tpu.memory_space<vmem>>) target_semaphore(%arg24 : memref<!tpu.dma_semaphore, #tpu.memory_space<semaphore_mem>>)
      %dma_wait3A_1141 = arith.constant 0 : i32
      %dma_wait3A_1142 = arith.constant 0 : i32
      %dma_wait3A_1143 = tpu.memref_slice %arg2[%dma_wait3A_1141, %dma_wait3A_1142] : memref<10000x128xf32, #tpu.memory_space<hbm>> -> memref<10000x128xf32, #tpu.memory_space<hbm>>
      tpu.wait_indirect_dma semaphore(%arg19 : memref<!tpu.dma_semaphore, #tpu.memory_space<semaphore_mem>>) src(%dma_wait3A_1143 : memref<10000x128xf32, #tpu.memory_space<hbm>>) dst(%arg15 : memref<80x128xf32, #tpu.memory_space<vmem>>)
      %dma_start3A_1144 = arith.constant 0 : i32
      %dma_start3A_1145 = arith.constant 0 : i32
      %dma_start3A_1146 = tpu.memref_slice %arg18[%dma_start3A_1144, %dma_start3A_1145] : memref<10240x128xf32, #tpu.memory_space<vmem_shared>> -> memref<10240x128xf32, #tpu.memory_space<vmem_shared>>
      tpu.enqueue_indirect_dma source(%arg15 : memref<80x128xf32, #tpu.memory_space<vmem>>) target(%dma_start3A_1146 : memref<10240x128xf32, #tpu.memory_space<vmem_shared>>) offsets(%arg12 : memref<80xi32, #tpu.memory_space<vmem>>) semaphore(%arg25 : memref<!tpu.dma_semaphore, #tpu.memory_space<semaphore_mem>>) {add = true}
      %broadcast_in_dim3A_1147 = arith.constant 1.000000e+00 : f32
      %broadcast_in_dim3A_1148 = vector.broadcast %broadcast_in_dim3A_1147 : f32 to vector<16xf32>
      %get3A_1149 = arith.constant 0 : index
      %get3A_1150 = tpu.vector_load %arg12[%get3A_1149] {strides = array<i32>} : memref<80xi32, #tpu.memory_space<vmem>>, vector<16xi32>,
      tpu.vector_store_idx %arg28[%get3A_1150], %broadcast_in_dim3A_1148 {add = true} : memref<10240xf32, #tpu.memory_space<vmem>>[vector<16xi32>], vector<16xf32>,
      %get3A_1151 = arith.constant 16 : index
      %get3A_1152 = tpu.vector_load %arg12[%get3A_1151] {strides = array<i32>} : memref<80xi32, #tpu.memory_space<vmem>>, vector<16xi32>,
      tpu.vector_store_idx %arg28[%get3A_1152], %broadcast_in_dim3A_1148 {add = true} : memref<10240xf32, #tpu.memory_space<vmem>>[vector<16xi32>], vector<16xf32>,
      %get3A_1153 = arith.constant 32 : index
      %get3A_1154 = tpu.vector_load %arg12[%get3A_1153] {strides = array<i32>} : memref<80xi32, #tpu.memory_space<vmem>>, vector<16xi32>,
      tpu.vector_store_idx %arg28[%get3A_1154], %broadcast_in_dim3A_1148 {add = true} : memref<10240xf32, #tpu.memory_space<vmem>>[vector<16xi32>], vector<16xf32>,
      %get3A_1155 = arith.constant 48 : index
      %get3A_1156 = tpu.vector_load %arg12[%get3A_1155] {strides = array<i32>} : memref<80xi32, #tpu.memory_space<vmem>>, vector<16xi32>,
      tpu.vector_store_idx %arg28[%get3A_1156], %broadcast_in_dim3A_1148 {add = true} : memref<10240xf32, #tpu.memory_space<vmem>>[vector<16xi32>], vector<16xf32>,
      %get3A_1157 = arith.constant 64 : index
      %get3A_1158 = tpu.vector_load %arg12[%get3A_1157] {strides = array<i32>} : memref<80xi32, #tpu.memory_space<vmem>>, vector<16xi32>,
      tpu.vector_store_idx %arg28[%get3A_1158], %broadcast_in_dim3A_1148 {add = true} : memref<10240xf32, #tpu.memory_space<vmem>>[vector<16xi32>], vector<16xf32>,
    }
    %scan3A_413 = arith.constant 41 : i32
    %dma_wait3A_414 = arith.constant 0 : i32
    %dma_wait3A_415 = arith.constant 0 : i32
    %dma_wait3A_416 = tpu.memref_slice %arg18[%dma_wait3A_414, %dma_wait3A_415] : memref<10240x128xf32, #tpu.memory_space<vmem_shared>> -> memref<10240x128xf32, #tpu.memory_space<vmem_shared>>
    tpu.wait_indirect_dma semaphore(%arg25 : memref<!tpu.dma_semaphore, #tpu.memory_space<semaphore_mem>>) src(%arg15 : memref<80x128xf32, #tpu.memory_space<vmem>>) dst(%dma_wait3A_416 : memref<10240x128xf32, #tpu.memory_space<vmem_shared>>)
    %dma_wait3A_417 = arith.constant 0 : i32
    %dma_wait3A_418 = arith.constant 0 : i32
    %dma_wait3A_419 = tpu.memref_slice %arg2[%dma_wait3A_417, %dma_wait3A_418] : memref<10000x128xf32, #tpu.memory_space<hbm>> -> memref<10000x128xf32, #tpu.memory_space<hbm>>
    tpu.wait_indirect_dma semaphore(%arg20 : memref<!tpu.dma_semaphore, #tpu.memory_space<semaphore_mem>>) src(%dma_wait3A_419 : memref<10000x128xf32, #tpu.memory_space<hbm>>) dst(%arg16 : memref<80x128xf32, #tpu.memory_space<vmem>>)
    %dma_start3A_420 = arith.constant 0 : i32
    %dma_start3A_421 = arith.constant 0 : i32
    %dma_start3A_422 = tpu.memref_slice %arg18[%dma_start3A_420, %dma_start3A_421] : memref<10240x128xf32, #tpu.memory_space<vmem_shared>> -> memref<10240x128xf32, #tpu.memory_space<vmem_shared>>
    tpu.enqueue_indirect_dma source(%arg16 : memref<80x128xf32, #tpu.memory_space<vmem>>) target(%dma_start3A_422 : memref<10240x128xf32, #tpu.memory_space<vmem_shared>>) offsets(%arg13 : memref<80xi32, #tpu.memory_space<vmem>>) semaphore(%arg26 : memref<!tpu.dma_semaphore, #tpu.memory_space<semaphore_mem>>) {add = true}
    %broadcast_in_dim3A_423 = arith.constant 1.000000e+00 : f32
    %broadcast_in_dim3A_424 = vector.broadcast %broadcast_in_dim3A_423 : f32 to vector<16xf32>
    %get3A_425 = arith.constant 0 : index
    %get3A_426 = tpu.vector_load %arg13[%get3A_425] {strides = array<i32>} : memref<80xi32, #tpu.memory_space<vmem>>, vector<16xi32>,
    tpu.vector_store_idx %arg28[%get3A_426], %broadcast_in_dim3A_424 {add = true} : memref<10240xf32, #tpu.memory_space<vmem>>[vector<16xi32>], vector<16xf32>,
    %get3A_427 = arith.constant 16 : index
    %get3A_428 = tpu.vector_load %arg13[%get3A_427] {strides = array<i32>} : memref<80xi32, #tpu.memory_space<vmem>>, vector<16xi32>,
    tpu.vector_store_idx %arg28[%get3A_428], %broadcast_in_dim3A_424 {add = true} : memref<10240xf32, #tpu.memory_space<vmem>>[vector<16xi32>], vector<16xf32>,
    %get3A_429 = arith.constant 32 : index
    %get3A_430 = tpu.vector_load %arg13[%get3A_429] {strides = array<i32>} : memref<80xi32, #tpu.memory_space<vmem>>, vector<16xi32>,
    tpu.vector_store_idx %arg28[%get3A_430], %broadcast_in_dim3A_424 {add = true} : memref<10240xf32, #tpu.memory_space<vmem>>[vector<16xi32>], vector<16xf32>,
    %get3A_431 = arith.constant 48 : index
    %get3A_432 = tpu.vector_load %arg13[%get3A_431] {strides = array<i32>} : memref<80xi32, #tpu.memory_space<vmem>>, vector<16xi32>,
    tpu.vector_store_idx %arg28[%get3A_432], %broadcast_in_dim3A_424 {add = true} : memref<10240xf32, #tpu.memory_space<vmem>>[vector<16xi32>], vector<16xf32>,
    %get3A_433 = arith.constant 64 : index
    %get3A_434 = tpu.vector_load %arg13[%get3A_433] {strides = array<i32>} : memref<80xi32, #tpu.memory_space<vmem>>, vector<16xi32>,
    tpu.vector_store_idx %arg28[%get3A_434], %broadcast_in_dim3A_424 {add = true} : memref<10240xf32, #tpu.memory_space<vmem>>[vector<16xi32>], vector<16xf32>,
    %dma_wait3A_435 = arith.constant 0 : i32
    %dma_wait3A_436 = arith.constant 0 : i32
    %dma_wait3A_437 = tpu.memref_slice %arg18[%dma_wait3A_435, %dma_wait3A_436] : memref<10240x128xf32, #tpu.memory_space<vmem_shared>> -> memref<10240x128xf32, #tpu.memory_space<vmem_shared>>
    tpu.wait_indirect_dma semaphore(%arg26 : memref<!tpu.dma_semaphore, #tpu.memory_space<semaphore_mem>>) src(%arg16 : memref<80x128xf32, #tpu.memory_space<vmem>>) dst(%dma_wait3A_437 : memref<10240x128xf32, #tpu.memory_space<vmem_shared>>)
    %dma_wait3A_438 = arith.constant 124 : i32
    %dma_wait3A_439 = arith.constant 0 : i32
    %dma_wait3A_440 = arith.constant 0 : i32
    %dma_wait3A_441 = arith.constant 0 : i32
    %dma_wait3A_442 = arith.constant 0 : i32
    %dma_wait3A_443 = tpu.memref_slice %arg3[%add3A, %dma_wait3A_440, %dma_wait3A_441, %dma_wait3A_442] : memref<32x125x1x80xi32, #tpu.memory_space<hbm>> -> memref<1x125x1x80xi32, #tpu.memory_space<hbm>>
    %dma_wait3A_444 = tpu.memref_squeeze %dma_wait3A_443 : memref<1x125x1x80xi32, #tpu.memory_space<hbm>> -> memref<125x1x80xi32, #tpu.memory_space<hbm>>
    %dma_wait3A_445 = arith.constant 0 : i32
    %dma_wait3A_446 = arith.constant 0 : i32
    %dma_wait3A_447 = tpu.memref_slice %dma_wait3A_444[%dma_wait3A_438, %dma_wait3A_445, %dma_wait3A_446] : memref<125x1x80xi32, #tpu.memory_space<hbm>> -> memref<1x1x80xi32, #tpu.memory_space<hbm>>
    %dma_wait3A_448 = tpu.memref_squeeze %dma_wait3A_447 : memref<1x1x80xi32, #tpu.memory_space<hbm>> -> memref<1x80xi32, #tpu.memory_space<hbm>>
    %dma_wait3A_449 = arith.constant 0 : i32
    %dma_wait3A_450 = tpu.memref_slice %dma_wait3A_448[%dma_wait3A_439, %dma_wait3A_449] : memref<1x80xi32, #tpu.memory_space<hbm>> -> memref<1x80xi32, #tpu.memory_space<hbm>>
    %dma_wait3A_451 = tpu.memref_squeeze %dma_wait3A_450 : memref<1x80xi32, #tpu.memory_space<hbm>> -> memref<80xi32, #tpu.memory_space<hbm>>
    %dma_wait3A_452 = arith.constant 0 : i32
    %dma_wait3A_453 = arith.constant 0 : i32
    %dma_wait3A_454 = arith.constant 0 : i32
    %dma_wait3A_455 = tpu.memref_slice %arg3[%add3A, %dma_wait3A_452, %dma_wait3A_453, %dma_wait3A_454] : memref<32x125x1x80xi32, #tpu.memory_space<hbm>> -> memref<1x125x1x80xi32, #tpu.memory_space<hbm>>
    %dma_wait3A_456 = tpu.memref_squeeze %dma_wait3A_455 : memref<1x125x1x80xi32, #tpu.memory_space<hbm>> -> memref<125x1x80xi32, #tpu.memory_space<hbm>>
    %dma_wait3A_457 = arith.constant 0 : i32
    %dma_wait3A_458 = arith.constant 0 : i32
    %dma_wait3A_459 = tpu.memref_slice %dma_wait3A_456[%dma_wait3A_438, %dma_wait3A_457, %dma_wait3A_458] : memref<125x1x80xi32, #tpu.memory_space<hbm>> -> memref<1x1x80xi32, #tpu.memory_space<hbm>>
    %dma_wait3A_460 = tpu.memref_squeeze %dma_wait3A_459 : memref<1x1x80xi32, #tpu.memory_space<hbm>> -> memref<1x80xi32, #tpu.memory_space<hbm>>
    %dma_wait3A_461 = arith.constant 0 : i32
    %dma_wait3A_462 = tpu.memref_slice %dma_wait3A_460[%dma_wait3A_439, %dma_wait3A_461] : memref<1x80xi32, #tpu.memory_space<hbm>> -> memref<1x80xi32, #tpu.memory_space<hbm>>
    %dma_wait3A_463 = tpu.memref_squeeze %dma_wait3A_462 : memref<1x80xi32, #tpu.memory_space<hbm>> -> memref<80xi32, #tpu.memory_space<hbm>>
    tpu.wait_dma2 semaphore(%arg24 : memref<!tpu.dma_semaphore, #tpu.memory_space<semaphore_mem>>) src(%dma_wait3A_463 : memref<80xi32, #tpu.memory_space<hbm>>) dst(%arg11 : memref<80xi32, #tpu.memory_space<vmem>>)
    %dma_wait3A_464 = arith.constant 124 : i32
    %dma_wait3A_465 = arith.constant 0 : i32
    %dma_wait3A_466 = arith.constant 0 : i32
    %dma_wait3A_467 = arith.constant 0 : i32
    %dma_wait3A_468 = arith.constant 0 : i32
    %dma_wait3A_469 = tpu.memref_slice %arg4[%add3A, %dma_wait3A_466, %dma_wait3A_467, %dma_wait3A_468] : memref<32x125x1x80xi32, #tpu.memory_space<hbm>> -> memref<1x125x1x80xi32, #tpu.memory_space<hbm>>
    %dma_wait3A_470 = tpu.memref_squeeze %dma_wait3A_469 : memref<1x125x1x80xi32, #tpu.memory_space<hbm>> -> memref<125x1x80xi32, #tpu.memory_space<hbm>>
    %dma_wait3A_471 = arith.constant 0 : i32
    %dma_wait3A_472 = arith.constant 0 : i32
    %dma_wait3A_473 = tpu.memref_slice %dma_wait3A_470[%dma_wait3A_464, %dma_wait3A_471, %dma_wait3A_472] : memref<125x1x80xi32, #tpu.memory_space<hbm>> -> memref<1x1x80xi32, #tpu.memory_space<hbm>>
    %dma_wait3A_474 = tpu.memref_squeeze %dma_wait3A_473 : memref<1x1x80xi32, #tpu.memory_space<hbm>> -> memref<1x80xi32, #tpu.memory_space<hbm>>
    %dma_wait3A_475 = arith.constant 0 : i32
    %dma_wait3A_476 = tpu.memref_slice %dma_wait3A_474[%dma_wait3A_465, %dma_wait3A_475] : memref<1x80xi32, #tpu.memory_space<hbm>> -> memref<1x80xi32, #tpu.memory_space<hbm>>
    %dma_wait3A_477 = tpu.memref_squeeze %dma_wait3A_476 : memref<1x80xi32, #tpu.memory_space<hbm>> -> memref<80xi32, #tpu.memory_space<hbm>>
    %dma_wait3A_478 = arith.constant 0 : i32
    %dma_wait3A_479 = arith.constant 0 : i32
    %dma_wait3A_480 = arith.constant 0 : i32
    %dma_wait3A_481 = tpu.memref_slice %arg4[%add3A, %dma_wait3A_478, %dma_wait3A_479, %dma_wait3A_480] : memref<32x125x1x80xi32, #tpu.memory_space<hbm>> -> memref<1x125x1x80xi32, #tpu.memory_space<hbm>>
    %dma_wait3A_482 = tpu.memref_squeeze %dma_wait3A_481 : memref<1x125x1x80xi32, #tpu.memory_space<hbm>> -> memref<125x1x80xi32, #tpu.memory_space<hbm>>
    %dma_wait3A_483 = arith.constant 0 : i32
    %dma_wait3A_484 = arith.constant 0 : i32
    %dma_wait3A_485 = tpu.memref_slice %dma_wait3A_482[%dma_wait3A_464, %dma_wait3A_483, %dma_wait3A_484] : memref<125x1x80xi32, #tpu.memory_space<hbm>> -> memref<1x1x80xi32, #tpu.memory_space<hbm>>
    %dma_wait3A_486 = tpu.memref_squeeze %dma_wait3A_485 : memref<1x1x80xi32, #tpu.memory_space<hbm>> -> memref<1x80xi32, #tpu.memory_space<hbm>>
    %dma_wait3A_487 = arith.constant 0 : i32
    %dma_wait3A_488 = tpu.memref_slice %dma_wait3A_486[%dma_wait3A_465, %dma_wait3A_487] : memref<1x80xi32, #tpu.memory_space<hbm>> -> memref<1x80xi32, #tpu.memory_space<hbm>>
    %dma_wait3A_489 = tpu.memref_squeeze %dma_wait3A_488 : memref<1x80xi32, #tpu.memory_space<hbm>> -> memref<80xi32, #tpu.memory_space<hbm>>
    tpu.wait_dma2 semaphore(%arg24 : memref<!tpu.dma_semaphore, #tpu.memory_space<semaphore_mem>>) src(%dma_wait3A_489 : memref<80xi32, #tpu.memory_space<hbm>>) dst(%arg14 : memref<80xi32, #tpu.memory_space<vmem>>)
    %barrier3A_490 = arith.constant 0 : index
    tpu.barrier barrier_id(%barrier3A_490)
    %dma_start3A_491 = arith.constant 0 : i32
    %dma_start3A_492 = tpu.memref_slice %arg8[%add3A, %dma_start3A_491] : memref<32x10240xf32, #tpu.memory_space<hbm>> -> memref<1x10240xf32, #tpu.memory_space<hbm>>
    %dma_start3A_493 = tpu.memref_squeeze %dma_start3A_492 : memref<1x10240xf32, #tpu.memory_space<hbm>> -> memref<10240xf32, #tpu.memory_space<hbm>>
    %dma_start3A_494 = arith.constant 0 : i32
    %dma_start3A_495 = tpu.memref_slice %arg8[%add3A, %dma_start3A_494] : memref<32x10240xf32, #tpu.memory_space<hbm>> -> memref<1x10240xf32, #tpu.memory_space<hbm>>
    %dma_start3A_496 = tpu.memref_squeeze %dma_start3A_495 : memref<1x10240xf32, #tpu.memory_space<hbm>> -> memref<10240xf32, #tpu.memory_space<hbm>>
    tpu.enqueue_dma source(%arg28 : memref<10240xf32, #tpu.memory_space<vmem>>) target(%dma_start3A_496 : memref<10240xf32, #tpu.memory_space<hbm>>) target_semaphore(%arg22 : memref<!tpu.dma_semaphore, #tpu.memory_space<semaphore_mem>>)
    %mul3A_497 = arith.constant 640 : i32
    %mul3A_498 = arith.muli %arg1, %mul3A_497 : i32
    %add3A_499 = arith.constant 0 : i32
    %add3A_500 = arith.addi %mul3A_498, %add3A_499 : i32
    "tpu.region"() ({
      %run_scoped3A = tpu.sem_alloc : memref<!tpu.dma_semaphore, #tpu.memory_space<semaphore_mem>>
      %dma_start3A_759 = arith.constant 0 : i32
      %dma_start3A_760 = tpu.memref_slice %arg18[%add3A_500, %dma_start3A_759] : memref<10240x128xf32, #tpu.memory_space<vmem_shared>> -> memref<80x128xf32, #tpu.memory_space<vmem_shared>>
      %dma_start3A_761 = arith.constant 0 : i32
      %dma_start3A_762 = tpu.memref_slice %arg18[%add3A_500, %dma_start3A_761] : memref<10240x128xf32, #tpu.memory_space<vmem_shared>> -> memref<80x128xf32, #tpu.memory_space<vmem_shared>>
      tpu.enqueue_dma source(%dma_start3A_762 : memref<80x128xf32, #tpu.memory_space<vmem_shared>>) target(%arg15 : memref<80x128xf32, #tpu.memory_space<vmem>>) target_semaphore(%run_scoped3A : memref<!tpu.dma_semaphore, #tpu.memory_space<semaphore_mem>>)
      %dma_wait3A_763 = arith.constant 0 : i32
      %dma_wait3A_764 = tpu.memref_slice %arg18[%add3A_500, %dma_wait3A_763] : memref<10240x128xf32, #tpu.memory_space<vmem_shared>> -> memref<80x128xf32, #tpu.memory_space<vmem_shared>>
      %dma_wait3A_765 = arith.constant 0 : i32
      %dma_wait3A_766 = tpu.memref_slice %arg18[%add3A_500, %dma_wait3A_765] : memref<10240x128xf32, #tpu.memory_space<vmem_shared>> -> memref<80x128xf32, #tpu.memory_space<vmem_shared>>
      tpu.wait_dma2 semaphore(%run_scoped3A : memref<!tpu.dma_semaphore, #tpu.memory_space<semaphore_mem>>) src(%dma_wait3A_766 : memref<80x128xf32, #tpu.memory_space<vmem_shared>>) dst(%arg15 : memref<80x128xf32, #tpu.memory_space<vmem>>)
      tpu.yield
    }) : () -> ()
    %dma_start3A_501 = arith.constant 0 : i32
    %dma_start3A_502 = arith.constant 0 : i32
    %dma_start3A_503 = tpu.memref_slice %arg7[%arg0, %dma_start3A_501, %dma_start3A_502] : memref<2x10240x128xf32, #tpu.memory_space<hbm>> -> memref<1x10240x128xf32, #tpu.memory_space<hbm>>
    %dma_start3A_504 = tpu.memref_squeeze %dma_start3A_503 : memref<1x10240x128xf32, #tpu.memory_space<hbm>> -> memref<10240x128xf32, #tpu.memory_space<hbm>>
    %dma_start3A_505 = arith.constant 0 : i32
    %dma_start3A_506 = tpu.memref_slice %dma_start3A_504[%add3A_500, %dma_start3A_505] : memref<10240x128xf32, #tpu.memory_space<hbm>> -> memref<80x128xf32, #tpu.memory_space<hbm>>
    %dma_start3A_507 = arith.constant 0 : i32
    %dma_start3A_508 = arith.constant 0 : i32
    %dma_start3A_509 = tpu.memref_slice %arg7[%arg0, %dma_start3A_507, %dma_start3A_508] : memref<2x10240x128xf32, #tpu.memory_space<hbm>> -> memref<1x10240x128xf32, #tpu.memory_space<hbm>>
    %dma_start3A_510 = tpu.memref_squeeze %dma_start3A_509 : memref<1x10240x128xf32, #tpu.memory_space<hbm>> -> memref<10240x128xf32, #tpu.memory_space<hbm>>
    %dma_start3A_511 = arith.constant 0 : i32
    %dma_start3A_512 = tpu.memref_slice %dma_start3A_510[%add3A_500, %dma_start3A_511] : memref<10240x128xf32, #tpu.memory_space<hbm>> -> memref<80x128xf32, #tpu.memory_space<hbm>>
    tpu.enqueue_dma source(%arg15 : memref<80x128xf32, #tpu.memory_space<vmem>>) target(%dma_start3A_512 : memref<80x128xf32, #tpu.memory_space<hbm>>) target_semaphore(%arg19 : memref<!tpu.dma_semaphore, #tpu.memory_space<semaphore_mem>>)
    %mul3A_513 = arith.constant 640 : i32
    %mul3A_514 = arith.muli %arg1, %mul3A_513 : i32
    %add3A_515 = arith.constant 80 : i32
    %add3A_516 = arith.addi %mul3A_514, %add3A_515 : i32
    "tpu.region"() ({
      %run_scoped3A = tpu.sem_alloc : memref<!tpu.dma_semaphore, #tpu.memory_space<semaphore_mem>>
      %dma_start3A_759 = arith.constant 0 : i32
      %dma_start3A_760 = tpu.memref_slice %arg18[%add3A_516, %dma_start3A_759] : memref<10240x128xf32, #tpu.memory_space<vmem_shared>> -> memref<80x128xf32, #tpu.memory_space<vmem_shared>>
      %dma_start3A_761 = arith.constant 0 : i32
      %dma_start3A_762 = tpu.memref_slice %arg18[%add3A_516, %dma_start3A_761] : memref<10240x128xf32, #tpu.memory_space<vmem_shared>> -> memref<80x128xf32, #tpu.memory_space<vmem_shared>>
      tpu.enqueue_dma source(%dma_start3A_762 : memref<80x128xf32, #tpu.memory_space<vmem_shared>>) target(%arg16 : memref<80x128xf32, #tpu.memory_space<vmem>>) target_semaphore(%run_scoped3A : memref<!tpu.dma_semaphore, #tpu.memory_space<semaphore_mem>>)
      %dma_wait3A_763 = arith.constant 0 : i32
      %dma_wait3A_764 = tpu.memref_slice %arg18[%add3A_516, %dma_wait3A_763] : memref<10240x128xf32, #tpu.memory_space<vmem_shared>> -> memref<80x128xf32, #tpu.memory_space<vmem_shared>>
      %dma_wait3A_765 = arith.constant 0 : i32
      %dma_wait3A_766 = tpu.memref_slice %arg18[%add3A_516, %dma_wait3A_765] : memref<10240x128xf32, #tpu.memory_space<vmem_shared>> -> memref<80x128xf32, #tpu.memory_space<vmem_shared>>
      tpu.wait_dma2 semaphore(%run_scoped3A : memref<!tpu.dma_semaphore, #tpu.memory_space<semaphore_mem>>) src(%dma_wait3A_766 : memref<80x128xf32, #tpu.memory_space<vmem_shared>>) dst(%arg16 : memref<80x128xf32, #tpu.memory_space<vmem>>)
      tpu.yield
    }) : () -> ()
    %dma_start3A_517 = arith.constant 0 : i32
    %dma_start3A_518 = arith.constant 0 : i32
    %dma_start3A_519 = tpu.memref_slice %arg7[%arg0, %dma_start3A_517, %dma_start3A_518] : memref<2x10240x128xf32, #tpu.memory_space<hbm>> -> memref<1x10240x128xf32, #tpu.memory_space<hbm>>
    %dma_start3A_520 = tpu.memref_squeeze %dma_start3A_519 : memref<1x10240x128xf32, #tpu.memory_space<hbm>> -> memref<10240x128xf32, #tpu.memory_space<hbm>>
    %dma_start3A_521 = arith.constant 0 : i32
    %dma_start3A_522 = tpu.memref_slice %dma_start3A_520[%add3A_516, %dma_start3A_521] : memref<10240x128xf32, #tpu.memory_space<hbm>> -> memref<80x128xf32, #tpu.memory_space<hbm>>
    %dma_start3A_523 = arith.constant 0 : i32
    %dma_start3A_524 = arith.constant 0 : i32
    %dma_start3A_525 = tpu.memref_slice %arg7[%arg0, %dma_start3A_523, %dma_start3A_524] : memref<2x10240x128xf32, #tpu.memory_space<hbm>> -> memref<1x10240x128xf32, #tpu.memory_space<hbm>>
    %dma_start3A_526 = tpu.memref_squeeze %dma_start3A_525 : memref<1x10240x128xf32, #tpu.memory_space<hbm>> -> memref<10240x128xf32, #tpu.memory_space<hbm>>
    %dma_start3A_527 = arith.constant 0 : i32
    %dma_start3A_528 = tpu.memref_slice %dma_start3A_526[%add3A_516, %dma_start3A_527] : memref<10240x128xf32, #tpu.memory_space<hbm>> -> memref<80x128xf32, #tpu.memory_space<hbm>>
    tpu.enqueue_dma source(%arg16 : memref<80x128xf32, #tpu.memory_space<vmem>>) target(%dma_start3A_528 : memref<80x128xf32, #tpu.memory_space<hbm>>) target_semaphore(%arg20 : memref<!tpu.dma_semaphore, #tpu.memory_space<semaphore_mem>>)
    %mul3A_529 = arith.constant 640 : i32
    %mul3A_530 = arith.muli %arg1, %mul3A_529 : i32
    %add3A_531 = arith.constant 160 : i32
    %add3A_532 = arith.addi %mul3A_530, %add3A_531 : i32
    "tpu.region"() ({
      %run_scoped3A = tpu.sem_alloc : memref<!tpu.dma_semaphore, #tpu.memory_space<semaphore_mem>>
      %dma_start3A_759 = arith.constant 0 : i32
      %dma_start3A_760 = tpu.memref_slice %arg18[%add3A_532, %dma_start3A_759] : memref<10240x128xf32, #tpu.memory_space<vmem_shared>> -> memref<80x128xf32, #tpu.memory_space<vmem_shared>>
      %dma_start3A_761 = arith.constant 0 : i32
      %dma_start3A_762 = tpu.memref_slice %arg18[%add3A_532, %dma_start3A_761] : memref<10240x128xf32, #tpu.memory_space<vmem_shared>> -> memref<80x128xf32, #tpu.memory_space<vmem_shared>>
      tpu.enqueue_dma source(%dma_start3A_762 : memref<80x128xf32, #tpu.memory_space<vmem_shared>>) target(%arg17 : memref<80x128xf32, #tpu.memory_space<vmem>>) target_semaphore(%run_scoped3A : memref<!tpu.dma_semaphore, #tpu.memory_space<semaphore_mem>>)
      %dma_wait3A_763 = arith.constant 0 : i32
      %dma_wait3A_764 = tpu.memref_slice %arg18[%add3A_532, %dma_wait3A_763] : memref<10240x128xf32, #tpu.memory_space<vmem_shared>> -> memref<80x128xf32, #tpu.memory_space<vmem_shared>>
      %dma_wait3A_765 = arith.constant 0 : i32
      %dma_wait3A_766 = tpu.memref_slice %arg18[%add3A_532, %dma_wait3A_765] : memref<10240x128xf32, #tpu.memory_space<vmem_shared>> -> memref<80x128xf32, #tpu.memory_space<vmem_shared>>
      tpu.wait_dma2 semaphore(%run_scoped3A : memref<!tpu.dma_semaphore, #tpu.memory_space<semaphore_mem>>) src(%dma_wait3A_766 : memref<80x128xf32, #tpu.memory_space<vmem_shared>>) dst(%arg17 : memref<80x128xf32, #tpu.memory_space<vmem>>)
      tpu.yield
    }) : () -> ()
    %dma_start3A_533 = arith.constant 0 : i32
    %dma_start3A_534 = arith.constant 0 : i32
    %dma_start3A_535 = tpu.memref_slice %arg7[%arg0, %dma_start3A_533, %dma_start3A_534] : memref<2x10240x128xf32, #tpu.memory_space<hbm>> -> memref<1x10240x128xf32, #tpu.memory_space<hbm>>
    %dma_start3A_536 = tpu.memref_squeeze %dma_start3A_535 : memref<1x10240x128xf32, #tpu.memory_space<hbm>> -> memref<10240x128xf32, #tpu.memory_space<hbm>>
    %dma_start3A_537 = arith.constant 0 : i32
    %dma_start3A_538 = tpu.memref_slice %dma_start3A_536[%add3A_532, %dma_start3A_537] : memref<10240x128xf32, #tpu.memory_space<hbm>> -> memref<80x128xf32, #tpu.memory_space<hbm>>
    %dma_start3A_539 = arith.constant 0 : i32
    %dma_start3A_540 = arith.constant 0 : i32
    %dma_start3A_541 = tpu.memref_slice %arg7[%arg0, %dma_start3A_539, %dma_start3A_540] : memref<2x10240x128xf32, #tpu.memory_space<hbm>> -> memref<1x10240x128xf32, #tpu.memory_space<hbm>>
    %dma_start3A_542 = tpu.memref_squeeze %dma_start3A_541 : memref<1x10240x128xf32, #tpu.memory_space<hbm>> -> memref<10240x128xf32, #tpu.memory_space<hbm>>
    %dma_start3A_543 = arith.constant 0 : i32
    %dma_start3A_544 = tpu.memref_slice %dma_start3A_542[%add3A_532, %dma_start3A_543] : memref<10240x128xf32, #tpu.memory_space<hbm>> -> memref<80x128xf32, #tpu.memory_space<hbm>>
    tpu.enqueue_dma source(%arg17 : memref<80x128xf32, #tpu.memory_space<vmem>>) target(%dma_start3A_544 : memref<80x128xf32, #tpu.memory_space<hbm>>) target_semaphore(%arg21 : memref<!tpu.dma_semaphore, #tpu.memory_space<semaphore_mem>>)
    %mul3A_545 = arith.constant 640 : i32
    %mul3A_546 = arith.muli %arg1, %mul3A_545 : i32
    %add3A_547 = arith.constant 0 : i32
    %add3A_548 = arith.addi %mul3A_546, %add3A_547 : i32
    %dma_wait3A_549 = arith.constant 0 : i32
    %dma_wait3A_550 = arith.constant 0 : i32
    %dma_wait3A_551 = tpu.memref_slice %arg7[%arg0, %dma_wait3A_549, %dma_wait3A_550] : memref<2x10240x128xf32, #tpu.memory_space<hbm>> -> memref<1x10240x128xf32, #tpu.memory_space<hbm>>
    %dma_wait3A_552 = tpu.memref_squeeze %dma_wait3A_551 : memref<1x10240x128xf32, #tpu.memory_space<hbm>> -> memref<10240x128xf32, #tpu.memory_space<hbm>>
    %dma_wait3A_553 = arith.constant 0 : i32
    %dma_wait3A_554 = tpu.memref_slice %dma_wait3A_552[%add3A_548, %dma_wait3A_553] : memref<10240x128xf32, #tpu.memory_space<hbm>> -> memref<80x128xf32, #tpu.memory_space<hbm>>
    %dma_wait3A_555 = arith.constant 0 : i32
    %dma_wait3A_556 = arith.constant 0 : i32
    %dma_wait3A_557 = tpu.memref_slice %arg7[%arg0, %dma_wait3A_555, %dma_wait3A_556] : memref<2x10240x128xf32, #tpu.memory_space<hbm>> -> memref<1x10240x128xf32, #tpu.memory_space<hbm>>
    %dma_wait3A_558 = tpu.memref_squeeze %dma_wait3A_557 : memref<1x10240x128xf32, #tpu.memory_space<hbm>> -> memref<10240x128xf32, #tpu.memory_space<hbm>>
    %dma_wait3A_559 = arith.constant 0 : i32
    %dma_wait3A_560 = tpu.memref_slice %dma_wait3A_558[%add3A_548, %dma_wait3A_559] : memref<10240x128xf32, #tpu.memory_space<hbm>> -> memref<80x128xf32, #tpu.memory_space<hbm>>
    tpu.wait_dma2 semaphore(%arg19 : memref<!tpu.dma_semaphore, #tpu.memory_space<semaphore_mem>>) src(%arg15 : memref<80x128xf32, #tpu.memory_space<vmem>>) dst(%dma_wait3A_560 : memref<80x128xf32, #tpu.memory_space<hbm>>)
    %mul3A_561 = arith.constant 640 : i32
    %mul3A_562 = arith.muli %arg1, %mul3A_561 : i32
    %add3A_563 = arith.constant 240 : i32
    %add3A_564 = arith.addi %mul3A_562, %add3A_563 : i32
    "tpu.region"() ({
      %run_scoped3A = tpu.sem_alloc : memref<!tpu.dma_semaphore, #tpu.memory_space<semaphore_mem>>
      %dma_start3A_759 = arith.constant 0 : i32
      %dma_start3A_760 = tpu.memref_slice %arg18[%add3A_564, %dma_start3A_759] : memref<10240x128xf32, #tpu.memory_space<vmem_shared>> -> memref<80x128xf32, #tpu.memory_space<vmem_shared>>
      %dma_start3A_761 = arith.constant 0 : i32
      %dma_start3A_762 = tpu.memref_slice %arg18[%add3A_564, %dma_start3A_761] : memref<10240x128xf32, #tpu.memory_space<vmem_shared>> -> memref<80x128xf32, #tpu.memory_space<vmem_shared>>
      tpu.enqueue_dma source(%dma_start3A_762 : memref<80x128xf32, #tpu.memory_space<vmem_shared>>) target(%arg15 : memref<80x128xf32, #tpu.memory_space<vmem>>) target_semaphore(%run_scoped3A : memref<!tpu.dma_semaphore, #tpu.memory_space<semaphore_mem>>)
      %dma_wait3A_763 = arith.constant 0 : i32
      %dma_wait3A_764 = tpu.memref_slice %arg18[%add3A_564, %dma_wait3A_763] : memref<10240x128xf32, #tpu.memory_space<vmem_shared>> -> memref<80x128xf32, #tpu.memory_space<vmem_shared>>
      %dma_wait3A_765 = arith.constant 0 : i32
      %dma_wait3A_766 = tpu.memref_slice %arg18[%add3A_564, %dma_wait3A_765] : memref<10240x128xf32, #tpu.memory_space<vmem_shared>> -> memref<80x128xf32, #tpu.memory_space<vmem_shared>>
      tpu.wait_dma2 semaphore(%run_scoped3A : memref<!tpu.dma_semaphore, #tpu.memory_space<semaphore_mem>>) src(%dma_wait3A_766 : memref<80x128xf32, #tpu.memory_space<vmem_shared>>) dst(%arg15 : memref<80x128xf32, #tpu.memory_space<vmem>>)
      tpu.yield
    }) : () -> ()
    %dma_start3A_565 = arith.constant 0 : i32
    %dma_start3A_566 = arith.constant 0 : i32
    %dma_start3A_567 = tpu.memref_slice %arg7[%arg0, %dma_start3A_565, %dma_start3A_566] : memref<2x10240x128xf32, #tpu.memory_space<hbm>> -> memref<1x10240x128xf32, #tpu.memory_space<hbm>>
    %dma_start3A_568 = tpu.memref_squeeze %dma_start3A_567 : memref<1x10240x128xf32, #tpu.memory_space<hbm>> -> memref<10240x128xf32, #tpu.memory_space<hbm>>
    %dma_start3A_569 = arith.constant 0 : i32
    %dma_start3A_570 = tpu.memref_slice %dma_start3A_568[%add3A_564, %dma_start3A_569] : memref<10240x128xf32, #tpu.memory_space<hbm>> -> memref<80x128xf32, #tpu.memory_space<hbm>>
    %dma_start3A_571 = arith.constant 0 : i32
    %dma_start3A_572 = arith.constant 0 : i32
    %dma_start3A_573 = tpu.memref_slice %arg7[%arg0, %dma_start3A_571, %dma_start3A_572] : memref<2x10240x128xf32, #tpu.memory_space<hbm>> -> memref<1x10240x128xf32, #tpu.memory_space<hbm>>
    %dma_start3A_574 = tpu.memref_squeeze %dma_start3A_573 : memref<1x10240x128xf32, #tpu.memory_space<hbm>> -> memref<10240x128xf32, #tpu.memory_space<hbm>>
    %dma_start3A_575 = arith.constant 0 : i32
    %dma_start3A_576 = tpu.memref_slice %dma_start3A_574[%add3A_564, %dma_start3A_575] : memref<10240x128xf32, #tpu.memory_space<hbm>> -> memref<80x128xf32, #tpu.memory_space<hbm>>
    tpu.enqueue_dma source(%arg15 : memref<80x128xf32, #tpu.memory_space<vmem>>) target(%dma_start3A_576 : memref<80x128xf32, #tpu.memory_space<hbm>>) target_semaphore(%arg19 : memref<!tpu.dma_semaphore, #tpu.memory_space<semaphore_mem>>)
    %mul3A_577 = arith.constant 640 : i32
    %mul3A_578 = arith.muli %arg1, %mul3A_577 : i32
    %add3A_579 = arith.constant 80 : i32
    %add3A_580 = arith.addi %mul3A_578, %add3A_579 : i32
    %dma_wait3A_581 = arith.constant 0 : i32
    %dma_wait3A_582 = arith.constant 0 : i32
    %dma_wait3A_583 = tpu.memref_slice %arg7[%arg0, %dma_wait3A_581, %dma_wait3A_582] : memref<2x10240x128xf32, #tpu.memory_space<hbm>> -> memref<1x10240x128xf32, #tpu.memory_space<hbm>>
    %dma_wait3A_584 = tpu.memref_squeeze %dma_wait3A_583 : memref<1x10240x128xf32, #tpu.memory_space<hbm>> -> memref<10240x128xf32, #tpu.memory_space<hbm>>
    %dma_wait3A_585 = arith.constant 0 : i32
    %dma_wait3A_586 = tpu.memref_slice %dma_wait3A_584[%add3A_580, %dma_wait3A_585] : memref<10240x128xf32, #tpu.memory_space<hbm>> -> memref<80x128xf32, #tpu.memory_space<hbm>>
    %dma_wait3A_587 = arith.constant 0 : i32
    %dma_wait3A_588 = arith.constant 0 : i32
    %dma_wait3A_589 = tpu.memref_slice %arg7[%arg0, %dma_wait3A_587, %dma_wait3A_588] : memref<2x10240x128xf32, #tpu.memory_space<hbm>> -> memref<1x10240x128xf32, #tpu.memory_space<hbm>>
    %dma_wait3A_590 = tpu.memref_squeeze %dma_wait3A_589 : memref<1x10240x128xf32, #tpu.memory_space<hbm>> -> memref<10240x128xf32, #tpu.memory_space<hbm>>
    %dma_wait3A_591 = arith.constant 0 : i32
    %dma_wait3A_592 = tpu.memref_slice %dma_wait3A_590[%add3A_580, %dma_wait3A_591] : memref<10240x128xf32, #tpu.memory_space<hbm>> -> memref<80x128xf32, #tpu.memory_space<hbm>>
    tpu.wait_dma2 semaphore(%arg20 : memref<!tpu.dma_semaphore, #tpu.memory_space<semaphore_mem>>) src(%arg16 : memref<80x128xf32, #tpu.memory_space<vmem>>) dst(%dma_wait3A_592 : memref<80x128xf32, #tpu.memory_space<hbm>>)
    %mul3A_593 = arith.constant 640 : i32
    %mul3A_594 = arith.muli %arg1, %mul3A_593 : i32
    %add3A_595 = arith.constant 320 : i32
    %add3A_596 = arith.addi %mul3A_594, %add3A_595 : i32
    "tpu.region"() ({
      %run_scoped3A = tpu.sem_alloc : memref<!tpu.dma_semaphore, #tpu.memory_space<semaphore_mem>>
      %dma_start3A_759 = arith.constant 0 : i32
      %dma_start3A_760 = tpu.memref_slice %arg18[%add3A_596, %dma_start3A_759] : memref<10240x128xf32, #tpu.memory_space<vmem_shared>> -> memref<80x128xf32, #tpu.memory_space<vmem_shared>>
      %dma_start3A_761 = arith.constant 0 : i32
      %dma_start3A_762 = tpu.memref_slice %arg18[%add3A_596, %dma_start3A_761] : memref<10240x128xf32, #tpu.memory_space<vmem_shared>> -> memref<80x128xf32, #tpu.memory_space<vmem_shared>>
      tpu.enqueue_dma source(%dma_start3A_762 : memref<80x128xf32, #tpu.memory_space<vmem_shared>>) target(%arg16 : memref<80x128xf32, #tpu.memory_space<vmem>>) target_semaphore(%run_scoped3A : memref<!tpu.dma_semaphore, #tpu.memory_space<semaphore_mem>>)
      %dma_wait3A_763 = arith.constant 0 : i32
      %dma_wait3A_764 = tpu.memref_slice %arg18[%add3A_596, %dma_wait3A_763] : memref<10240x128xf32, #tpu.memory_space<vmem_shared>> -> memref<80x128xf32, #tpu.memory_space<vmem_shared>>
      %dma_wait3A_765 = arith.constant 0 : i32
      %dma_wait3A_766 = tpu.memref_slice %arg18[%add3A_596, %dma_wait3A_765] : memref<10240x128xf32, #tpu.memory_space<vmem_shared>> -> memref<80x128xf32, #tpu.memory_space<vmem_shared>>
      tpu.wait_dma2 semaphore(%run_scoped3A : memref<!tpu.dma_semaphore, #tpu.memory_space<semaphore_mem>>) src(%dma_wait3A_766 : memref<80x128xf32, #tpu.memory_space<vmem_shared>>) dst(%arg16 : memref<80x128xf32, #tpu.memory_space<vmem>>)
      tpu.yield
    }) : () -> ()
    %dma_start3A_597 = arith.constant 0 : i32
    %dma_start3A_598 = arith.constant 0 : i32
    %dma_start3A_599 = tpu.memref_slice %arg7[%arg0, %dma_start3A_597, %dma_start3A_598] : memref<2x10240x128xf32, #tpu.memory_space<hbm>> -> memref<1x10240x128xf32, #tpu.memory_space<hbm>>
    %dma_start3A_600 = tpu.memref_squeeze %dma_start3A_599 : memref<1x10240x128xf32, #tpu.memory_space<hbm>> -> memref<10240x128xf32, #tpu.memory_space<hbm>>
    %dma_start3A_601 = arith.constant 0 : i32
    %dma_start3A_602 = tpu.memref_slice %dma_start3A_600[%add3A_596, %dma_start3A_601] : memref<10240x128xf32, #tpu.memory_space<hbm>> -> memref<80x128xf32, #tpu.memory_space<hbm>>
    %dma_start3A_603 = arith.constant 0 : i32
    %dma_start3A_604 = arith.constant 0 : i32
    %dma_start3A_605 = tpu.memref_slice %arg7[%arg0, %dma_start3A_603, %dma_start3A_604] : memref<2x10240x128xf32, #tpu.memory_space<hbm>> -> memref<1x10240x128xf32, #tpu.memory_space<hbm>>
    %dma_start3A_606 = tpu.memref_squeeze %dma_start3A_605 : memref<1x10240x128xf32, #tpu.memory_space<hbm>> -> memref<10240x128xf32, #tpu.memory_space<hbm>>
    %dma_start3A_607 = arith.constant 0 : i32
    %dma_start3A_608 = tpu.memref_slice %dma_start3A_606[%add3A_596, %dma_start3A_607] : memref<10240x128xf32, #tpu.memory_space<hbm>> -> memref<80x128xf32, #tpu.memory_space<hbm>>
    tpu.enqueue_dma source(%arg16 : memref<80x128xf32, #tpu.memory_space<vmem>>) target(%dma_start3A_608 : memref<80x128xf32, #tpu.memory_space<hbm>>) target_semaphore(%arg20 : memref<!tpu.dma_semaphore, #tpu.memory_space<semaphore_mem>>)
    %mul3A_609 = arith.constant 640 : i32
    %mul3A_610 = arith.muli %arg1, %mul3A_609 : i32
    %add3A_611 = arith.constant 160 : i32
    %add3A_612 = arith.addi %mul3A_610, %add3A_611 : i32
    %dma_wait3A_613 = arith.constant 0 : i32
    %dma_wait3A_614 = arith.constant 0 : i32
    %dma_wait3A_615 = tpu.memref_slice %arg7[%arg0, %dma_wait3A_613, %dma_wait3A_614] : memref<2x10240x128xf32, #tpu.memory_space<hbm>> -> memref<1x10240x128xf32, #tpu.memory_space<hbm>>
    %dma_wait3A_616 = tpu.memref_squeeze %dma_wait3A_615 : memref<1x10240x128xf32, #tpu.memory_space<hbm>> -> memref<10240x128xf32, #tpu.memory_space<hbm>>
    %dma_wait3A_617 = arith.constant 0 : i32
    %dma_wait3A_618 = tpu.memref_slice %dma_wait3A_616[%add3A_612, %dma_wait3A_617] : memref<10240x128xf32, #tpu.memory_space<hbm>> -> memref<80x128xf32, #tpu.memory_space<hbm>>
    %dma_wait3A_619 = arith.constant 0 : i32
    %dma_wait3A_620 = arith.constant 0 : i32
    %dma_wait3A_621 = tpu.memref_slice %arg7[%arg0, %dma_wait3A_619, %dma_wait3A_620] : memref<2x10240x128xf32, #tpu.memory_space<hbm>> -> memref<1x10240x128xf32, #tpu.memory_space<hbm>>
    %dma_wait3A_622 = tpu.memref_squeeze %dma_wait3A_621 : memref<1x10240x128xf32, #tpu.memory_space<hbm>> -> memref<10240x128xf32, #tpu.memory_space<hbm>>
    %dma_wait3A_623 = arith.constant 0 : i32
    %dma_wait3A_624 = tpu.memref_slice %dma_wait3A_622[%add3A_612, %dma_wait3A_623] : memref<10240x128xf32, #tpu.memory_space<hbm>> -> memref<80x128xf32, #tpu.memory_space<hbm>>
    tpu.wait_dma2 semaphore(%arg21 : memref<!tpu.dma_semaphore, #tpu.memory_space<semaphore_mem>>) src(%arg17 : memref<80x128xf32, #tpu.memory_space<vmem>>) dst(%dma_wait3A_624 : memref<80x128xf32, #tpu.memory_space<hbm>>)
    %mul3A_625 = arith.constant 640 : i32
    %mul3A_626 = arith.muli %arg1, %mul3A_625 : i32
    %add3A_627 = arith.constant 400 : i32
    %add3A_628 = arith.addi %mul3A_626, %add3A_627 : i32
    "tpu.region"() ({
      %run_scoped3A = tpu.sem_alloc : memref<!tpu.dma_semaphore, #tpu.memory_space<semaphore_mem>>
      %dma_start3A_759 = arith.constant 0 : i32
      %dma_start3A_760 = tpu.memref_slice %arg18[%add3A_628, %dma_start3A_759] : memref<10240x128xf32, #tpu.memory_space<vmem_shared>> -> memref<80x128xf32, #tpu.memory_space<vmem_shared>>
      %dma_start3A_761 = arith.constant 0 : i32
      %dma_start3A_762 = tpu.memref_slice %arg18[%add3A_628, %dma_start3A_761] : memref<10240x128xf32, #tpu.memory_space<vmem_shared>> -> memref<80x128xf32, #tpu.memory_space<vmem_shared>>
      tpu.enqueue_dma source(%dma_start3A_762 : memref<80x128xf32, #tpu.memory_space<vmem_shared>>) target(%arg17 : memref<80x128xf32, #tpu.memory_space<vmem>>) target_semaphore(%run_scoped3A : memref<!tpu.dma_semaphore, #tpu.memory_space<semaphore_mem>>)
      %dma_wait3A_763 = arith.constant 0 : i32
      %dma_wait3A_764 = tpu.memref_slice %arg18[%add3A_628, %dma_wait3A_763] : memref<10240x128xf32, #tpu.memory_space<vmem_shared>> -> memref<80x128xf32, #tpu.memory_space<vmem_shared>>
      %dma_wait3A_765 = arith.constant 0 : i32
      %dma_wait3A_766 = tpu.memref_slice %arg18[%add3A_628, %dma_wait3A_765] : memref<10240x128xf32, #tpu.memory_space<vmem_shared>> -> memref<80x128xf32, #tpu.memory_space<vmem_shared>>
      tpu.wait_dma2 semaphore(%run_scoped3A : memref<!tpu.dma_semaphore, #tpu.memory_space<semaphore_mem>>) src(%dma_wait3A_766 : memref<80x128xf32, #tpu.memory_space<vmem_shared>>) dst(%arg17 : memref<80x128xf32, #tpu.memory_space<vmem>>)
      tpu.yield
    }) : () -> ()
    %dma_start3A_629 = arith.constant 0 : i32
    %dma_start3A_630 = arith.constant 0 : i32
    %dma_start3A_631 = tpu.memref_slice %arg7[%arg0, %dma_start3A_629, %dma_start3A_630] : memref<2x10240x128xf32, #tpu.memory_space<hbm>> -> memref<1x10240x128xf32, #tpu.memory_space<hbm>>
    %dma_start3A_632 = tpu.memref_squeeze %dma_start3A_631 : memref<1x10240x128xf32, #tpu.memory_space<hbm>> -> memref<10240x128xf32, #tpu.memory_space<hbm>>
    %dma_start3A_633 = arith.constant 0 : i32
    %dma_start3A_634 = tpu.memref_slice %dma_start3A_632[%add3A_628, %dma_start3A_633] : memref<10240x128xf32, #tpu.memory_space<hbm>> -> memref<80x128xf32, #tpu.memory_space<hbm>>
    %dma_start3A_635 = arith.constant 0 : i32
    %dma_start3A_636 = arith.constant 0 : i32
    %dma_start3A_637 = tpu.memref_slice %arg7[%arg0, %dma_start3A_635, %dma_start3A_636] : memref<2x10240x128xf32, #tpu.memory_space<hbm>> -> memref<1x10240x128xf32, #tpu.memory_space<hbm>>
    %dma_start3A_638 = tpu.memref_squeeze %dma_start3A_637 : memref<1x10240x128xf32, #tpu.memory_space<hbm>> -> memref<10240x128xf32, #tpu.memory_space<hbm>>
    %dma_start3A_639 = arith.constant 0 : i32
    %dma_start3A_640 = tpu.memref_slice %dma_start3A_638[%add3A_628, %dma_start3A_639] : memref<10240x128xf32, #tpu.memory_space<hbm>> -> memref<80x128xf32, #tpu.memory_space<hbm>>
    tpu.enqueue_dma source(%arg17 : memref<80x128xf32, #tpu.memory_space<vmem>>) target(%dma_start3A_640 : memref<80x128xf32, #tpu.memory_space<hbm>>) target_semaphore(%arg21 : memref<!tpu.dma_semaphore, #tpu.memory_space<semaphore_mem>>)
    %mul3A_641 = arith.constant 640 : i32
    %mul3A_642 = arith.muli %arg1, %mul3A_641 : i32
    %add3A_643 = arith.constant 240 : i32
    %add3A_644 = arith.addi %mul3A_642, %add3A_643 : i32
    %dma_wait3A_645 = arith.constant 0 : i32
    %dma_wait3A_646 = arith.constant 0 : i32
    %dma_wait3A_647 = tpu.memref_slice %arg7[%arg0, %dma_wait3A_645, %dma_wait3A_646] : memref<2x10240x128xf32, #tpu.memory_space<hbm>> -> memref<1x10240x128xf32, #tpu.memory_space<hbm>>
    %dma_wait3A_648 = tpu.memref_squeeze %dma_wait3A_647 : memref<1x10240x128xf32, #tpu.memory_space<hbm>> -> memref<10240x128xf32, #tpu.memory_space<hbm>>
    %dma_wait3A_649 = arith.constant 0 : i32
    %dma_wait3A_650 = tpu.memref_slice %dma_wait3A_648[%add3A_644, %dma_wait3A_649] : memref<10240x128xf32, #tpu.memory_space<hbm>> -> memref<80x128xf32, #tpu.memory_space<hbm>>
    %dma_wait3A_651 = arith.constant 0 : i32
    %dma_wait3A_652 = arith.constant 0 : i32
    %dma_wait3A_653 = tpu.memref_slice %arg7[%arg0, %dma_wait3A_651, %dma_wait3A_652] : memref<2x10240x128xf32, #tpu.memory_space<hbm>> -> memref<1x10240x128xf32, #tpu.memory_space<hbm>>
    %dma_wait3A_654 = tpu.memref_squeeze %dma_wait3A_653 : memref<1x10240x128xf32, #tpu.memory_space<hbm>> -> memref<10240x128xf32, #tpu.memory_space<hbm>>
    %dma_wait3A_655 = arith.constant 0 : i32
    %dma_wait3A_656 = tpu.memref_slice %dma_wait3A_654[%add3A_644, %dma_wait3A_655] : memref<10240x128xf32, #tpu.memory_space<hbm>> -> memref<80x128xf32, #tpu.memory_space<hbm>>
    tpu.wait_dma2 semaphore(%arg19 : memref<!tpu.dma_semaphore, #tpu.memory_space<semaphore_mem>>) src(%arg15 : memref<80x128xf32, #tpu.memory_space<vmem>>) dst(%dma_wait3A_656 : memref<80x128xf32, #tpu.memory_space<hbm>>)
    %mul3A_657 = arith.constant 640 : i32
    %mul3A_658 = arith.muli %arg1, %mul3A_657 : i32
    %add3A_659 = arith.constant 480 : i32
    %add3A_660 = arith.addi %mul3A_658, %add3A_659 : i32
    "tpu.region"() ({
      %run_scoped3A = tpu.sem_alloc : memref<!tpu.dma_semaphore, #tpu.memory_space<semaphore_mem>>
      %dma_start3A_759 = arith.constant 0 : i32
      %dma_start3A_760 = tpu.memref_slice %arg18[%add3A_660, %dma_start3A_759] : memref<10240x128xf32, #tpu.memory_space<vmem_shared>> -> memref<80x128xf32, #tpu.memory_space<vmem_shared>>
      %dma_start3A_761 = arith.constant 0 : i32
      %dma_start3A_762 = tpu.memref_slice %arg18[%add3A_660, %dma_start3A_761] : memref<10240x128xf32, #tpu.memory_space<vmem_shared>> -> memref<80x128xf32, #tpu.memory_space<vmem_shared>>
      tpu.enqueue_dma source(%dma_start3A_762 : memref<80x128xf32, #tpu.memory_space<vmem_shared>>) target(%arg15 : memref<80x128xf32, #tpu.memory_space<vmem>>) target_semaphore(%run_scoped3A : memref<!tpu.dma_semaphore, #tpu.memory_space<semaphore_mem>>)
      %dma_wait3A_763 = arith.constant 0 : i32
      %dma_wait3A_764 = tpu.memref_slice %arg18[%add3A_660, %dma_wait3A_763] : memref<10240x128xf32, #tpu.memory_space<vmem_shared>> -> memref<80x128xf32, #tpu.memory_space<vmem_shared>>
      %dma_wait3A_765 = arith.constant 0 : i32
      %dma_wait3A_766 = tpu.memref_slice %arg18[%add3A_660, %dma_wait3A_765] : memref<10240x128xf32, #tpu.memory_space<vmem_shared>> -> memref<80x128xf32, #tpu.memory_space<vmem_shared>>
      tpu.wait_dma2 semaphore(%run_scoped3A : memref<!tpu.dma_semaphore, #tpu.memory_space<semaphore_mem>>) src(%dma_wait3A_766 : memref<80x128xf32, #tpu.memory_space<vmem_shared>>) dst(%arg15 : memref<80x128xf32, #tpu.memory_space<vmem>>)
      tpu.yield
    }) : () -> ()
    %dma_start3A_661 = arith.constant 0 : i32
    %dma_start3A_662 = arith.constant 0 : i32
    %dma_start3A_663 = tpu.memref_slice %arg7[%arg0, %dma_start3A_661, %dma_start3A_662] : memref<2x10240x128xf32, #tpu.memory_space<hbm>> -> memref<1x10240x128xf32, #tpu.memory_space<hbm>>
    %dma_start3A_664 = tpu.memref_squeeze %dma_start3A_663 : memref<1x10240x128xf32, #tpu.memory_space<hbm>> -> memref<10240x128xf32, #tpu.memory_space<hbm>>
    %dma_start3A_665 = arith.constant 0 : i32
    %dma_start3A_666 = tpu.memref_slice %dma_start3A_664[%add3A_660, %dma_start3A_665] : memref<10240x128xf32, #tpu.memory_space<hbm>> -> memref<80x128xf32, #tpu.memory_space<hbm>>
    %dma_start3A_667 = arith.constant 0 : i32
    %dma_start3A_668 = arith.constant 0 : i32
    %dma_start3A_669 = tpu.memref_slice %arg7[%arg0, %dma_start3A_667, %dma_start3A_668] : memref<2x10240x128xf32, #tpu.memory_space<hbm>> -> memref<1x10240x128xf32, #tpu.memory_space<hbm>>
    %dma_start3A_670 = tpu.memref_squeeze %dma_start3A_669 : memref<1x10240x128xf32, #tpu.memory_space<hbm>> -> memref<10240x128xf32, #tpu.memory_space<hbm>>
    %dma_start3A_671 = arith.constant 0 : i32
    %dma_start3A_672 = tpu.memref_slice %dma_start3A_670[%add3A_660, %dma_start3A_671] : memref<10240x128xf32, #tpu.memory_space<hbm>> -> memref<80x128xf32, #tpu.memory_space<hbm>>
    tpu.enqueue_dma source(%arg15 : memref<80x128xf32, #tpu.memory_space<vmem>>) target(%dma_start3A_672 : memref<80x128xf32, #tpu.memory_space<hbm>>) target_semaphore(%arg19 : memref<!tpu.dma_semaphore, #tpu.memory_space<semaphore_mem>>)
    %mul3A_673 = arith.constant 640 : i32
    %mul3A_674 = arith.muli %arg1, %mul3A_673 : i32
    %add3A_675 = arith.constant 320 : i32
    %add3A_676 = arith.addi %mul3A_674, %add3A_675 : i32
    %dma_wait3A_677 = arith.constant 0 : i32
    %dma_wait3A_678 = arith.constant 0 : i32
    %dma_wait3A_679 = tpu.memref_slice %arg7[%arg0, %dma_wait3A_677, %dma_wait3A_678] : memref<2x10240x128xf32, #tpu.memory_space<hbm>> -> memref<1x10240x128xf32, #tpu.memory_space<hbm>>
    %dma_wait3A_680 = tpu.memref_squeeze %dma_wait3A_679 : memref<1x10240x128xf32, #tpu.memory_space<hbm>> -> memref<10240x128xf32, #tpu.memory_space<hbm>>
    %dma_wait3A_681 = arith.constant 0 : i32
    %dma_wait3A_682 = tpu.memref_slice %dma_wait3A_680[%add3A_676, %dma_wait3A_681] : memref<10240x128xf32, #tpu.memory_space<hbm>> -> memref<80x128xf32, #tpu.memory_space<hbm>>
    %dma_wait3A_683 = arith.constant 0 : i32
    %dma_wait3A_684 = arith.constant 0 : i32
    %dma_wait3A_685 = tpu.memref_slice %arg7[%arg0, %dma_wait3A_683, %dma_wait3A_684] : memref<2x10240x128xf32, #tpu.memory_space<hbm>> -> memref<1x10240x128xf32, #tpu.memory_space<hbm>>
    %dma_wait3A_686 = tpu.memref_squeeze %dma_wait3A_685 : memref<1x10240x128xf32, #tpu.memory_space<hbm>> -> memref<10240x128xf32, #tpu.memory_space<hbm>>
    %dma_wait3A_687 = arith.constant 0 : i32
    %dma_wait3A_688 = tpu.memref_slice %dma_wait3A_686[%add3A_676, %dma_wait3A_687] : memref<10240x128xf32, #tpu.memory_space<hbm>> -> memref<80x128xf32, #tpu.memory_space<hbm>>
    tpu.wait_dma2 semaphore(%arg20 : memref<!tpu.dma_semaphore, #tpu.memory_space<semaphore_mem>>) src(%arg16 : memref<80x128xf32, #tpu.memory_space<vmem>>) dst(%dma_wait3A_688 : memref<80x128xf32, #tpu.memory_space<hbm>>)
    %mul3A_689 = arith.constant 640 : i32
    %mul3A_690 = arith.muli %arg1, %mul3A_689 : i32
    %add3A_691 = arith.constant 560 : i32
    %add3A_692 = arith.addi %mul3A_690, %add3A_691 : i32
    "tpu.region"() ({
      %run_scoped3A = tpu.sem_alloc : memref<!tpu.dma_semaphore, #tpu.memory_space<semaphore_mem>>
      %dma_start3A_759 = arith.constant 0 : i32
      %dma_start3A_760 = tpu.memref_slice %arg18[%add3A_692, %dma_start3A_759] : memref<10240x128xf32, #tpu.memory_space<vmem_shared>> -> memref<80x128xf32, #tpu.memory_space<vmem_shared>>
      %dma_start3A_761 = arith.constant 0 : i32
      %dma_start3A_762 = tpu.memref_slice %arg18[%add3A_692, %dma_start3A_761] : memref<10240x128xf32, #tpu.memory_space<vmem_shared>> -> memref<80x128xf32, #tpu.memory_space<vmem_shared>>
      tpu.enqueue_dma source(%dma_start3A_762 : memref<80x128xf32, #tpu.memory_space<vmem_shared>>) target(%arg16 : memref<80x128xf32, #tpu.memory_space<vmem>>) target_semaphore(%run_scoped3A : memref<!tpu.dma_semaphore, #tpu.memory_space<semaphore_mem>>)
      %dma_wait3A_763 = arith.constant 0 : i32
      %dma_wait3A_764 = tpu.memref_slice %arg18[%add3A_692, %dma_wait3A_763] : memref<10240x128xf32, #tpu.memory_space<vmem_shared>> -> memref<80x128xf32, #tpu.memory_space<vmem_shared>>
      %dma_wait3A_765 = arith.constant 0 : i32
      %dma_wait3A_766 = tpu.memref_slice %arg18[%add3A_692, %dma_wait3A_765] : memref<10240x128xf32, #tpu.memory_space<vmem_shared>> -> memref<80x128xf32, #tpu.memory_space<vmem_shared>>
      tpu.wait_dma2 semaphore(%run_scoped3A : memref<!tpu.dma_semaphore, #tpu.memory_space<semaphore_mem>>) src(%dma_wait3A_766 : memref<80x128xf32, #tpu.memory_space<vmem_shared>>) dst(%arg16 : memref<80x128xf32, #tpu.memory_space<vmem>>)
      tpu.yield
    }) : () -> ()
    %dma_start3A_693 = arith.constant 0 : i32
    %dma_start3A_694 = arith.constant 0 : i32
    %dma_start3A_695 = tpu.memref_slice %arg7[%arg0, %dma_start3A_693, %dma_start3A_694] : memref<2x10240x128xf32, #tpu.memory_space<hbm>> -> memref<1x10240x128xf32, #tpu.memory_space<hbm>>
    %dma_start3A_696 = tpu.memref_squeeze %dma_start3A_695 : memref<1x10240x128xf32, #tpu.memory_space<hbm>> -> memref<10240x128xf32, #tpu.memory_space<hbm>>
    %dma_start3A_697 = arith.constant 0 : i32
    %dma_start3A_698 = tpu.memref_slice %dma_start3A_696[%add3A_692, %dma_start3A_697] : memref<10240x128xf32, #tpu.memory_space<hbm>> -> memref<80x128xf32, #tpu.memory_space<hbm>>
    %dma_start3A_699 = arith.constant 0 : i32
    %dma_start3A_700 = arith.constant 0 : i32
    %dma_start3A_701 = tpu.memref_slice %arg7[%arg0, %dma_start3A_699, %dma_start3A_700] : memref<2x10240x128xf32, #tpu.memory_space<hbm>> -> memref<1x10240x128xf32, #tpu.memory_space<hbm>>
    %dma_start3A_702 = tpu.memref_squeeze %dma_start3A_701 : memref<1x10240x128xf32, #tpu.memory_space<hbm>> -> memref<10240x128xf32, #tpu.memory_space<hbm>>
    %dma_start3A_703 = arith.constant 0 : i32
    %dma_start3A_704 = tpu.memref_slice %dma_start3A_702[%add3A_692, %dma_start3A_703] : memref<10240x128xf32, #tpu.memory_space<hbm>> -> memref<80x128xf32, #tpu.memory_space<hbm>>
    tpu.enqueue_dma source(%arg16 : memref<80x128xf32, #tpu.memory_space<vmem>>) target(%dma_start3A_704 : memref<80x128xf32, #tpu.memory_space<hbm>>) target_semaphore(%arg20 : memref<!tpu.dma_semaphore, #tpu.memory_space<semaphore_mem>>)
    %mul3A_705 = arith.constant 640 : i32
    %mul3A_706 = arith.muli %arg1, %mul3A_705 : i32
    %add3A_707 = arith.constant 400 : i32
    %add3A_708 = arith.addi %mul3A_706, %add3A_707 : i32
    %dma_wait3A_709 = arith.constant 0 : i32
    %dma_wait3A_710 = arith.constant 0 : i32
    %dma_wait3A_711 = tpu.memref_slice %arg7[%arg0, %dma_wait3A_709, %dma_wait3A_710] : memref<2x10240x128xf32, #tpu.memory_space<hbm>> -> memref<1x10240x128xf32, #tpu.memory_space<hbm>>
    %dma_wait3A_712 = tpu.memref_squeeze %dma_wait3A_711 : memref<1x10240x128xf32, #tpu.memory_space<hbm>> -> memref<10240x128xf32, #tpu.memory_space<hbm>>
    %dma_wait3A_713 = arith.constant 0 : i32
    %dma_wait3A_714 = tpu.memref_slice %dma_wait3A_712[%add3A_708, %dma_wait3A_713] : memref<10240x128xf32, #tpu.memory_space<hbm>> -> memref<80x128xf32, #tpu.memory_space<hbm>>
    %dma_wait3A_715 = arith.constant 0 : i32
    %dma_wait3A_716 = arith.constant 0 : i32
    %dma_wait3A_717 = tpu.memref_slice %arg7[%arg0, %dma_wait3A_715, %dma_wait3A_716] : memref<2x10240x128xf32, #tpu.memory_space<hbm>> -> memref<1x10240x128xf32, #tpu.memory_space<hbm>>
    %dma_wait3A_718 = tpu.memref_squeeze %dma_wait3A_717 : memref<1x10240x128xf32, #tpu.memory_space<hbm>> -> memref<10240x128xf32, #tpu.memory_space<hbm>>
    %dma_wait3A_719 = arith.constant 0 : i32
    %dma_wait3A_720 = tpu.memref_slice %dma_wait3A_718[%add3A_708, %dma_wait3A_719] : memref<10240x128xf32, #tpu.memory_space<hbm>> -> memref<80x128xf32, #tpu.memory_space<hbm>>
    tpu.wait_dma2 semaphore(%arg21 : memref<!tpu.dma_semaphore, #tpu.memory_space<semaphore_mem>>) src(%arg17 : memref<80x128xf32, #tpu.memory_space<vmem>>) dst(%dma_wait3A_720 : memref<80x128xf32, #tpu.memory_space<hbm>>)
    %mul3A_721 = arith.constant 640 : i32
    %mul3A_722 = arith.muli %arg1, %mul3A_721 : i32
    %add3A_723 = arith.constant 480 : i32
    %add3A_724 = arith.addi %mul3A_722, %add3A_723 : i32
    %dma_wait3A_725 = arith.constant 0 : i32
    %dma_wait3A_726 = arith.constant 0 : i32
    %dma_wait3A_727 = tpu.memref_slice %arg7[%arg0, %dma_wait3A_725, %dma_wait3A_726] : memref<2x10240x128xf32, #tpu.memory_space<hbm>> -> memref<1x10240x128xf32, #tpu.memory_space<hbm>>
    %dma_wait3A_728 = tpu.memref_squeeze %dma_wait3A_727 : memref<1x10240x128xf32, #tpu.memory_space<hbm>> -> memref<10240x128xf32, #tpu.memory_space<hbm>>
    %dma_wait3A_729 = arith.constant 0 : i32
    %dma_wait3A_730 = tpu.memref_slice %dma_wait3A_728[%add3A_724, %dma_wait3A_729] : memref<10240x128xf32, #tpu.memory_space<hbm>> -> memref<80x128xf32, #tpu.memory_space<hbm>>
    %dma_wait3A_731 = arith.constant 0 : i32
    %dma_wait3A_732 = arith.constant 0 : i32
    %dma_wait3A_733 = tpu.memref_slice %arg7[%arg0, %dma_wait3A_731, %dma_wait3A_732] : memref<2x10240x128xf32, #tpu.memory_space<hbm>> -> memref<1x10240x128xf32, #tpu.memory_space<hbm>>
    %dma_wait3A_734 = tpu.memref_squeeze %dma_wait3A_733 : memref<1x10240x128xf32, #tpu.memory_space<hbm>> -> memref<10240x128xf32, #tpu.memory_space<hbm>>
    %dma_wait3A_735 = arith.constant 0 : i32
    %dma_wait3A_736 = tpu.memref_slice %dma_wait3A_734[%add3A_724, %dma_wait3A_735] : memref<10240x128xf32, #tpu.memory_space<hbm>> -> memref<80x128xf32, #tpu.memory_space<hbm>>
    tpu.wait_dma2 semaphore(%arg19 : memref<!tpu.dma_semaphore, #tpu.memory_space<semaphore_mem>>) src(%arg15 : memref<80x128xf32, #tpu.memory_space<vmem>>) dst(%dma_wait3A_736 : memref<80x128xf32, #tpu.memory_space<hbm>>)
    %mul3A_737 = arith.constant 640 : i32
    %mul3A_738 = arith.muli %arg1, %mul3A_737 : i32
    %add3A_739 = arith.constant 560 : i32
    %add3A_740 = arith.addi %mul3A_738, %add3A_739 : i32
    %dma_wait3A_741 = arith.constant 0 : i32
    %dma_wait3A_742 = arith.constant 0 : i32
    %dma_wait3A_743 = tpu.memref_slice %arg7[%arg0, %dma_wait3A_741, %dma_wait3A_742] : memref<2x10240x128xf32, #tpu.memory_space<hbm>> -> memref<1x10240x128xf32, #tpu.memory_space<hbm>>
    %dma_wait3A_744 = tpu.memref_squeeze %dma_wait3A_743 : memref<1x10240x128xf32, #tpu.memory_space<hbm>> -> memref<10240x128xf32, #tpu.memory_space<hbm>>
    %dma_wait3A_745 = arith.constant 0 : i32
    %dma_wait3A_746 = tpu.memref_slice %dma_wait3A_744[%add3A_740, %dma_wait3A_745] : memref<10240x128xf32, #tpu.memory_space<hbm>> -> memref<80x128xf32, #tpu.memory_space<hbm>>
    %dma_wait3A_747 = arith.constant 0 : i32
    %dma_wait3A_748 = arith.constant 0 : i32
    %dma_wait3A_749 = tpu.memref_slice %arg7[%arg0, %dma_wait3A_747, %dma_wait3A_748] : memref<2x10240x128xf32, #tpu.memory_space<hbm>> -> memref<1x10240x128xf32, #tpu.memory_space<hbm>>
    %dma_wait3A_750 = tpu.memref_squeeze %dma_wait3A_749 : memref<1x10240x128xf32, #tpu.memory_space<hbm>> -> memref<10240x128xf32, #tpu.memory_space<hbm>>
    %dma_wait3A_751 = arith.constant 0 : i32
    %dma_wait3A_752 = tpu.memref_slice %dma_wait3A_750[%add3A_740, %dma_wait3A_751] : memref<10240x128xf32, #tpu.memory_space<hbm>> -> memref<80x128xf32, #tpu.memory_space<hbm>>
    tpu.wait_dma2 semaphore(%arg20 : memref<!tpu.dma_semaphore, #tpu.memory_space<semaphore_mem>>) src(%arg16 : memref<80x128xf32, #tpu.memory_space<vmem>>) dst(%dma_wait3A_752 : memref<80x128xf32, #tpu.memory_space<hbm>>)
    %dma_wait3A_753 = arith.constant 0 : i32
    %dma_wait3A_754 = tpu.memref_slice %arg8[%add3A, %dma_wait3A_753] : memref<32x10240xf32, #tpu.memory_space<hbm>> -> memref<1x10240xf32, #tpu.memory_space<hbm>>
    %dma_wait3A_755 = tpu.memref_squeeze %dma_wait3A_754 : memref<1x10240xf32, #tpu.memory_space<hbm>> -> memref<10240xf32, #tpu.memory_space<hbm>>
    %dma_wait3A_756 = arith.constant 0 : i32
    %dma_wait3A_757 = tpu.memref_slice %arg8[%add3A, %dma_wait3A_756] : memref<32x10240xf32, #tpu.memory_space<hbm>> -> memref<1x10240xf32, #tpu.memory_space<hbm>>
    %dma_wait3A_758 = tpu.memref_squeeze %dma_wait3A_757 : memref<1x10240xf32, #tpu.memory_space<hbm>> -> memref<10240xf32, #tpu.memory_space<hbm>>
    tpu.wait_dma2 semaphore(%arg22 : memref<!tpu.dma_semaphore, #tpu.memory_space<semaphore_mem>>) src(%arg28 : memref<10240xf32, #tpu.memory_space<vmem>>) dst(%dma_wait3A_758 : memref<10240xf32, #tpu.memory_space<hbm>>)
    return
  }
}

#map = affine_map<(d0, d1) -> (0, 0)>
#map1 = affine_map<(d0, d1) -> (0, 0, 0, 0)>
#map2 = affine_map<(d0, d1) -> (0)>
#map3 = affine_map<(d0, d1) -> (0, 0, 0)>
module attributes {stable_mosaic.version = 14 : i64} {
  func.func @body(%arg0: i32, %arg1: i32, %arg2: memref<10000x128xf32, #tpu.memory_space<hbm>>, %arg3: memref<32x125x1x80xi32, #tpu.memory_space<hbm>>, %arg4: memref<32x125x1x80xi32, #tpu.memory_space<hbm>>, %arg5: memref<80x128xf32, #tpu.memory_space<hbm>>, %arg6: memref<10240xf32, #tpu.memory_space<hbm>>, %arg7: memref<2x10240x128xf32, #tpu.memory_space<hbm>>, %arg8: memref<80xi32, #tpu.memory_space<vmem>>, %arg9: memref<80xi32, #tpu.memory_space<vmem>>, %arg10: memref<80xi32, #tpu.memory_space<vmem>>, %arg11: memref<80xi32, #tpu.memory_space<vmem>>, %arg12: memref<80xi32, #tpu.memory_space<vmem>>, %arg13: memref<80xi32, #tpu.memory_space<vmem>>, %arg14: memref<80x128xf32, #tpu.memory_space<vmem>>, %arg15: memref<80x128xf32, #tpu.memory_space<vmem>>, %arg16: memref<80x128xf32, #tpu.memory_space<vmem>>, %arg17: memref<10240x128xf32, #tpu.memory_space<vmem_shared>>, %arg18: memref<!tpu.dma_semaphore, #tpu.memory_space<semaphore_mem>>, %arg19: memref<!tpu.dma_semaphore, #tpu.memory_space<semaphore_mem>>, %arg20: memref<!tpu.dma_semaphore, #tpu.memory_space<semaphore_mem>>, %arg21: memref<!tpu.dma_semaphore, #tpu.memory_space<semaphore_mem>>, %arg22: memref<!tpu.dma_semaphore, #tpu.memory_space<semaphore_mem>>, %arg23: memref<!tpu.dma_semaphore, #tpu.memory_space<semaphore_mem>>, %arg24: memref<!tpu.dma_semaphore, #tpu.memory_space<semaphore_mem>>, %arg25: memref<!tpu.dma_semaphore, #tpu.memory_space<semaphore_mem>>, %arg26: memref<!tpu.dma_semaphore, #tpu.memory_space<semaphore_mem>>) attributes {dimension_semantics = [#tpu.dimension_semantics<core_parallel>, #tpu.dimension_semantics<subcore_parallel>], iteration_bounds = array<i64: 2, 16>, scalar_prefetch = 0 : i64, scratch_operands = 19 : i64, tpu.core_type = #tpu.core_type<sc_vector_subcore>, window_params = [{transform_indices = #map}, {transform_indices = #map1}, {transform_indices = #map1}, {transform_indices = #map}, {transform_indices = #map2}, {transform_indices = #map3}]} {
    %mul3A = arith.constant 2 : i32
    %mul3A_0 = arith.muli %arg1, %mul3A : i32
    %add3A = arith.addi %mul3A_0, %arg0 : i32
    "tpu.region"() ({
      %run_scoped3A = tpu.sem_alloc : memref<!tpu.dma_semaphore, #tpu.memory_space<semaphore_mem>>
      tpu.enqueue_dma source(%arg5 : memref<80x128xf32, #tpu.memory_space<hbm>>) target(%arg14 : memref<80x128xf32, #tpu.memory_space<vmem>>) target_semaphore(%run_scoped3A : memref<!tpu.dma_semaphore, #tpu.memory_space<semaphore_mem>>)
      tpu.wait_dma2 semaphore(%run_scoped3A : memref<!tpu.dma_semaphore, #tpu.memory_space<semaphore_mem>>) src(%arg5 : memref<80x128xf32, #tpu.memory_space<hbm>>) dst(%arg14 : memref<80x128xf32, #tpu.memory_space<vmem>>)
      tpu.yield
    }) : () -> ()
    %mul3A_1 = arith.constant 640 : i32
    %mul3A_2 = arith.muli %arg1, %mul3A_1 : i32
    %add3A_3 = arith.constant 0 : i32
    %add3A_4 = arith.addi %mul3A_2, %add3A_3 : i32
    %dma_start3A = arith.constant 0 : i32
    %dma_start3A_5 = tpu.memref_slice %arg17[%add3A_4, %dma_start3A] : memref<10240x128xf32, #tpu.memory_space<vmem_shared>> -> memref<80x128xf32, #tpu.memory_space<vmem_shared>>
    %dma_start3A_6 = arith.constant 0 : i32
    %dma_start3A_7 = tpu.memref_slice %arg17[%add3A_4, %dma_start3A_6] : memref<10240x128xf32, #tpu.memory_space<vmem_shared>> -> memref<80x128xf32, #tpu.memory_space<vmem_shared>>
    tpu.enqueue_dma source(%arg14 : memref<80x128xf32, #tpu.memory_space<vmem>>) target(%dma_start3A_7 : memref<80x128xf32, #tpu.memory_space<vmem_shared>>) target_semaphore(%arg18 : memref<!tpu.dma_semaphore, #tpu.memory_space<semaphore_mem>>)
    %mul3A_8 = arith.constant 640 : i32
    %mul3A_9 = arith.muli %arg1, %mul3A_8 : i32
    %add3A_10 = arith.constant 80 : i32
    %add3A_11 = arith.addi %mul3A_9, %add3A_10 : i32
    %dma_start3A_12 = arith.constant 0 : i32
    %dma_start3A_13 = tpu.memref_slice %arg17[%add3A_11, %dma_start3A_12] : memref<10240x128xf32, #tpu.memory_space<vmem_shared>> -> memref<80x128xf32, #tpu.memory_space<vmem_shared>>
    %dma_start3A_14 = arith.constant 0 : i32
    %dma_start3A_15 = tpu.memref_slice %arg17[%add3A_11, %dma_start3A_14] : memref<10240x128xf32, #tpu.memory_space<vmem_shared>> -> memref<80x128xf32, #tpu.memory_space<vmem_shared>>
    tpu.enqueue_dma source(%arg14 : memref<80x128xf32, #tpu.memory_space<vmem>>) target(%dma_start3A_15 : memref<80x128xf32, #tpu.memory_space<vmem_shared>>) target_semaphore(%arg18 : memref<!tpu.dma_semaphore, #tpu.memory_space<semaphore_mem>>)
    %mul3A_16 = arith.constant 640 : i32
    %mul3A_17 = arith.muli %arg1, %mul3A_16 : i32
    %add3A_18 = arith.constant 160 : i32
    %add3A_19 = arith.addi %mul3A_17, %add3A_18 : i32
    %dma_start3A_20 = arith.constant 0 : i32
    %dma_start3A_21 = tpu.memref_slice %arg17[%add3A_19, %dma_start3A_20] : memref<10240x128xf32, #tpu.memory_space<vmem_shared>> -> memref<80x128xf32, #tpu.memory_space<vmem_shared>>
    %dma_start3A_22 = arith.constant 0 : i32
    %dma_start3A_23 = tpu.memref_slice %arg17[%add3A_19, %dma_start3A_22] : memref<10240x128xf32, #tpu.memory_space<vmem_shared>> -> memref<80x128xf32, #tpu.memory_space<vmem_shared>>
    tpu.enqueue_dma source(%arg14 : memref<80x128xf32, #tpu.memory_space<vmem>>) target(%dma_start3A_23 : memref<80x128xf32, #tpu.memory_space<vmem_shared>>) target_semaphore(%arg18 : memref<!tpu.dma_semaphore, #tpu.memory_space<semaphore_mem>>)
    %mul3A_24 = arith.constant 640 : i32
    %mul3A_25 = arith.muli %arg1, %mul3A_24 : i32
    %add3A_26 = arith.constant 240 : i32
    %add3A_27 = arith.addi %mul3A_25, %add3A_26 : i32
    %dma_start3A_28 = arith.constant 0 : i32
    %dma_start3A_29 = tpu.memref_slice %arg17[%add3A_27, %dma_start3A_28] : memref<10240x128xf32, #tpu.memory_space<vmem_shared>> -> memref<80x128xf32, #tpu.memory_space<vmem_shared>>
    %dma_start3A_30 = arith.constant 0 : i32
    %dma_start3A_31 = tpu.memref_slice %arg17[%add3A_27, %dma_start3A_30] : memref<10240x128xf32, #tpu.memory_space<vmem_shared>> -> memref<80x128xf32, #tpu.memory_space<vmem_shared>>
    tpu.enqueue_dma source(%arg14 : memref<80x128xf32, #tpu.memory_space<vmem>>) target(%dma_start3A_31 : memref<80x128xf32, #tpu.memory_space<vmem_shared>>) target_semaphore(%arg18 : memref<!tpu.dma_semaphore, #tpu.memory_space<semaphore_mem>>)
    %mul3A_32 = arith.constant 640 : i32
    %mul3A_33 = arith.muli %arg1, %mul3A_32 : i32
    %add3A_34 = arith.constant 320 : i32
    %add3A_35 = arith.addi %mul3A_33, %add3A_34 : i32
    %dma_start3A_36 = arith.constant 0 : i32
    %dma_start3A_37 = tpu.memref_slice %arg17[%add3A_35, %dma_start3A_36] : memref<10240x128xf32, #tpu.memory_space<vmem_shared>> -> memref<80x128xf32, #tpu.memory_space<vmem_shared>>
    %dma_start3A_38 = arith.constant 0 : i32
    %dma_start3A_39 = tpu.memref_slice %arg17[%add3A_35, %dma_start3A_38] : memref<10240x128xf32, #tpu.memory_space<vmem_shared>> -> memref<80x128xf32, #tpu.memory_space<vmem_shared>>
    tpu.enqueue_dma source(%arg14 : memref<80x128xf32, #tpu.memory_space<vmem>>) target(%dma_start3A_39 : memref<80x128xf32, #tpu.memory_space<vmem_shared>>) target_semaphore(%arg18 : memref<!tpu.dma_semaphore, #tpu.memory_space<semaphore_mem>>)
    %mul3A_40 = arith.constant 640 : i32
    %mul3A_41 = arith.muli %arg1, %mul3A_40 : i32
    %add3A_42 = arith.constant 400 : i32
    %add3A_43 = arith.addi %mul3A_41, %add3A_42 : i32
    %dma_start3A_44 = arith.constant 0 : i32
    %dma_start3A_45 = tpu.memref_slice %arg17[%add3A_43, %dma_start3A_44] : memref<10240x128xf32, #tpu.memory_space<vmem_shared>> -> memref<80x128xf32, #tpu.memory_space<vmem_shared>>
    %dma_start3A_46 = arith.constant 0 : i32
    %dma_start3A_47 = tpu.memref_slice %arg17[%add3A_43, %dma_start3A_46] : memref<10240x128xf32, #tpu.memory_space<vmem_shared>> -> memref<80x128xf32, #tpu.memory_space<vmem_shared>>
    tpu.enqueue_dma source(%arg14 : memref<80x128xf32, #tpu.memory_space<vmem>>) target(%dma_start3A_47 : memref<80x128xf32, #tpu.memory_space<vmem_shared>>) target_semaphore(%arg18 : memref<!tpu.dma_semaphore, #tpu.memory_space<semaphore_mem>>)
    %mul3A_48 = arith.constant 640 : i32
    %mul3A_49 = arith.muli %arg1, %mul3A_48 : i32
    %add3A_50 = arith.constant 480 : i32
    %add3A_51 = arith.addi %mul3A_49, %add3A_50 : i32
    %dma_start3A_52 = arith.constant 0 : i32
    %dma_start3A_53 = tpu.memref_slice %arg17[%add3A_51, %dma_start3A_52] : memref<10240x128xf32, #tpu.memory_space<vmem_shared>> -> memref<80x128xf32, #tpu.memory_space<vmem_shared>>
    %dma_start3A_54 = arith.constant 0 : i32
    %dma_start3A_55 = tpu.memref_slice %arg17[%add3A_51, %dma_start3A_54] : memref<10240x128xf32, #tpu.memory_space<vmem_shared>> -> memref<80x128xf32, #tpu.memory_space<vmem_shared>>
    tpu.enqueue_dma source(%arg14 : memref<80x128xf32, #tpu.memory_space<vmem>>) target(%dma_start3A_55 : memref<80x128xf32, #tpu.memory_space<vmem_shared>>) target_semaphore(%arg18 : memref<!tpu.dma_semaphore, #tpu.memory_space<semaphore_mem>>)
    %mul3A_56 = arith.constant 640 : i32
    %mul3A_57 = arith.muli %arg1, %mul3A_56 : i32
    %add3A_58 = arith.constant 560 : i32
    %add3A_59 = arith.addi %mul3A_57, %add3A_58 : i32
    %dma_start3A_60 = arith.constant 0 : i32
    %dma_start3A_61 = tpu.memref_slice %arg17[%add3A_59, %dma_start3A_60] : memref<10240x128xf32, #tpu.memory_space<vmem_shared>> -> memref<80x128xf32, #tpu.memory_space<vmem_shared>>
    %dma_start3A_62 = arith.constant 0 : i32
    %dma_start3A_63 = tpu.memref_slice %arg17[%add3A_59, %dma_start3A_62] : memref<10240x128xf32, #tpu.memory_space<vmem_shared>> -> memref<80x128xf32, #tpu.memory_space<vmem_shared>>
    tpu.enqueue_dma source(%arg14 : memref<80x128xf32, #tpu.memory_space<vmem>>) target(%dma_start3A_63 : memref<80x128xf32, #tpu.memory_space<vmem_shared>>) target_semaphore(%arg18 : memref<!tpu.dma_semaphore, #tpu.memory_space<semaphore_mem>>)
    %mul3A_64 = arith.constant 640 : i32
    %mul3A_65 = arith.muli %arg1, %mul3A_64 : i32
    %add3A_66 = arith.constant 0 : i32
    %add3A_67 = arith.addi %mul3A_65, %add3A_66 : i32
    %dma_wait3A = arith.constant 0 : i32
    %dma_wait3A_68 = tpu.memref_slice %arg17[%add3A_67, %dma_wait3A] : memref<10240x128xf32, #tpu.memory_space<vmem_shared>> -> memref<80x128xf32, #tpu.memory_space<vmem_shared>>
    %dma_wait3A_69 = arith.constant 0 : i32
    %dma_wait3A_70 = tpu.memref_slice %arg17[%add3A_67, %dma_wait3A_69] : memref<10240x128xf32, #tpu.memory_space<vmem_shared>> -> memref<80x128xf32, #tpu.memory_space<vmem_shared>>
    tpu.wait_dma2 semaphore(%arg18 : memref<!tpu.dma_semaphore, #tpu.memory_space<semaphore_mem>>) src(%arg14 : memref<80x128xf32, #tpu.memory_space<vmem>>) dst(%dma_wait3A_70 : memref<80x128xf32, #tpu.memory_space<vmem_shared>>)
    %mul3A_71 = arith.constant 640 : i32
    %mul3A_72 = arith.muli %arg1, %mul3A_71 : i32
    %add3A_73 = arith.constant 80 : i32
    %add3A_74 = arith.addi %mul3A_72, %add3A_73 : i32
    %dma_wait3A_75 = arith.constant 0 : i32
    %dma_wait3A_76 = tpu.memref_slice %arg17[%add3A_74, %dma_wait3A_75] : memref<10240x128xf32, #tpu.memory_space<vmem_shared>> -> memref<80x128xf32, #tpu.memory_space<vmem_shared>>
    %dma_wait3A_77 = arith.constant 0 : i32
    %dma_wait3A_78 = tpu.memref_slice %arg17[%add3A_74, %dma_wait3A_77] : memref<10240x128xf32, #tpu.memory_space<vmem_shared>> -> memref<80x128xf32, #tpu.memory_space<vmem_shared>>
    tpu.wait_dma2 semaphore(%arg18 : memref<!tpu.dma_semaphore, #tpu.memory_space<semaphore_mem>>) src(%arg14 : memref<80x128xf32, #tpu.memory_space<vmem>>) dst(%dma_wait3A_78 : memref<80x128xf32, #tpu.memory_space<vmem_shared>>)
    %mul3A_79 = arith.constant 640 : i32
    %mul3A_80 = arith.muli %arg1, %mul3A_79 : i32
    %add3A_81 = arith.constant 160 : i32
    %add3A_82 = arith.addi %mul3A_80, %add3A_81 : i32
    %dma_wait3A_83 = arith.constant 0 : i32
    %dma_wait3A_84 = tpu.memref_slice %arg17[%add3A_82, %dma_wait3A_83] : memref<10240x128xf32, #tpu.memory_space<vmem_shared>> -> memref<80x128xf32, #tpu.memory_space<vmem_shared>>
    %dma_wait3A_85 = arith.constant 0 : i32
    %dma_wait3A_86 = tpu.memref_slice %arg17[%add3A_82, %dma_wait3A_85] : memref<10240x128xf32, #tpu.memory_space<vmem_shared>> -> memref<80x128xf32, #tpu.memory_space<vmem_shared>>
    tpu.wait_dma2 semaphore(%arg18 : memref<!tpu.dma_semaphore, #tpu.memory_space<semaphore_mem>>) src(%arg14 : memref<80x128xf32, #tpu.memory_space<vmem>>) dst(%dma_wait3A_86 : memref<80x128xf32, #tpu.memory_space<vmem_shared>>)
    %mul3A_87 = arith.constant 640 : i32
    %mul3A_88 = arith.muli %arg1, %mul3A_87 : i32
    %add3A_89 = arith.constant 240 : i32
    %add3A_90 = arith.addi %mul3A_88, %add3A_89 : i32
    %dma_wait3A_91 = arith.constant 0 : i32
    %dma_wait3A_92 = tpu.memref_slice %arg17[%add3A_90, %dma_wait3A_91] : memref<10240x128xf32, #tpu.memory_space<vmem_shared>> -> memref<80x128xf32, #tpu.memory_space<vmem_shared>>
    %dma_wait3A_93 = arith.constant 0 : i32
    %dma_wait3A_94 = tpu.memref_slice %arg17[%add3A_90, %dma_wait3A_93] : memref<10240x128xf32, #tpu.memory_space<vmem_shared>> -> memref<80x128xf32, #tpu.memory_space<vmem_shared>>
    tpu.wait_dma2 semaphore(%arg18 : memref<!tpu.dma_semaphore, #tpu.memory_space<semaphore_mem>>) src(%arg14 : memref<80x128xf32, #tpu.memory_space<vmem>>) dst(%dma_wait3A_94 : memref<80x128xf32, #tpu.memory_space<vmem_shared>>)
    %mul3A_95 = arith.constant 640 : i32
    %mul3A_96 = arith.muli %arg1, %mul3A_95 : i32
    %add3A_97 = arith.constant 320 : i32
    %add3A_98 = arith.addi %mul3A_96, %add3A_97 : i32
    %dma_wait3A_99 = arith.constant 0 : i32
    %dma_wait3A_100 = tpu.memref_slice %arg17[%add3A_98, %dma_wait3A_99] : memref<10240x128xf32, #tpu.memory_space<vmem_shared>> -> memref<80x128xf32, #tpu.memory_space<vmem_shared>>
    %dma_wait3A_101 = arith.constant 0 : i32
    %dma_wait3A_102 = tpu.memref_slice %arg17[%add3A_98, %dma_wait3A_101] : memref<10240x128xf32, #tpu.memory_space<vmem_shared>> -> memref<80x128xf32, #tpu.memory_space<vmem_shared>>
    tpu.wait_dma2 semaphore(%arg18 : memref<!tpu.dma_semaphore, #tpu.memory_space<semaphore_mem>>) src(%arg14 : memref<80x128xf32, #tpu.memory_space<vmem>>) dst(%dma_wait3A_102 : memref<80x128xf32, #tpu.memory_space<vmem_shared>>)
    %mul3A_103 = arith.constant 640 : i32
    %mul3A_104 = arith.muli %arg1, %mul3A_103 : i32
    %add3A_105 = arith.constant 400 : i32
    %add3A_106 = arith.addi %mul3A_104, %add3A_105 : i32
    %dma_wait3A_107 = arith.constant 0 : i32
    %dma_wait3A_108 = tpu.memref_slice %arg17[%add3A_106, %dma_wait3A_107] : memref<10240x128xf32, #tpu.memory_space<vmem_shared>> -> memref<80x128xf32, #tpu.memory_space<vmem_shared>>
    %dma_wait3A_109 = arith.constant 0 : i32
    %dma_wait3A_110 = tpu.memref_slice %arg17[%add3A_106, %dma_wait3A_109] : memref<10240x128xf32, #tpu.memory_space<vmem_shared>> -> memref<80x128xf32, #tpu.memory_space<vmem_shared>>
    tpu.wait_dma2 semaphore(%arg18 : memref<!tpu.dma_semaphore, #tpu.memory_space<semaphore_mem>>) src(%arg14 : memref<80x128xf32, #tpu.memory_space<vmem>>) dst(%dma_wait3A_110 : memref<80x128xf32, #tpu.memory_space<vmem_shared>>)
    %mul3A_111 = arith.constant 640 : i32
    %mul3A_112 = arith.muli %arg1, %mul3A_111 : i32
    %add3A_113 = arith.constant 480 : i32
    %add3A_114 = arith.addi %mul3A_112, %add3A_113 : i32
    %dma_wait3A_115 = arith.constant 0 : i32
    %dma_wait3A_116 = tpu.memref_slice %arg17[%add3A_114, %dma_wait3A_115] : memref<10240x128xf32, #tpu.memory_space<vmem_shared>> -> memref<80x128xf32, #tpu.memory_space<vmem_shared>>
    %dma_wait3A_117 = arith.constant 0 : i32
    %dma_wait3A_118 = tpu.memref_slice %arg17[%add3A_114, %dma_wait3A_117] : memref<10240x128xf32, #tpu.memory_space<vmem_shared>> -> memref<80x128xf32, #tpu.memory_space<vmem_shared>>
    tpu.wait_dma2 semaphore(%arg18 : memref<!tpu.dma_semaphore, #tpu.memory_space<semaphore_mem>>) src(%arg14 : memref<80x128xf32, #tpu.memory_space<vmem>>) dst(%dma_wait3A_118 : memref<80x128xf32, #tpu.memory_space<vmem_shared>>)
    %mul3A_119 = arith.constant 640 : i32
    %mul3A_120 = arith.muli %arg1, %mul3A_119 : i32
    %add3A_121 = arith.constant 560 : i32
    %add3A_122 = arith.addi %mul3A_120, %add3A_121 : i32
    %dma_wait3A_123 = arith.constant 0 : i32
    %dma_wait3A_124 = tpu.memref_slice %arg17[%add3A_122, %dma_wait3A_123] : memref<10240x128xf32, #tpu.memory_space<vmem_shared>> -> memref<80x128xf32, #tpu.memory_space<vmem_shared>>
    %dma_wait3A_125 = arith.constant 0 : i32
    %dma_wait3A_126 = tpu.memref_slice %arg17[%add3A_122, %dma_wait3A_125] : memref<10240x128xf32, #tpu.memory_space<vmem_shared>> -> memref<80x128xf32, #tpu.memory_space<vmem_shared>>
    tpu.wait_dma2 semaphore(%arg18 : memref<!tpu.dma_semaphore, #tpu.memory_space<semaphore_mem>>) src(%arg14 : memref<80x128xf32, #tpu.memory_space<vmem>>) dst(%dma_wait3A_126 : memref<80x128xf32, #tpu.memory_space<vmem_shared>>)
    %barrier3A = arith.constant 0 : index
    tpu.barrier barrier_id(%barrier3A)
    %dma_start3A_127 = arith.constant 0 : i32
    %dma_start3A_128 = arith.constant 0 : i32
    %dma_start3A_129 = arith.constant 0 : i32
    %dma_start3A_130 = arith.constant 0 : i32
    %dma_start3A_131 = arith.constant 0 : i32
    %dma_start3A_132 = tpu.memref_slice %arg3[%add3A, %dma_start3A_129, %dma_start3A_130, %dma_start3A_131] : memref<32x125x1x80xi32, #tpu.memory_space<hbm>> -> memref<1x125x1x80xi32, #tpu.memory_space<hbm>>
    %dma_start3A_133 = tpu.memref_squeeze %dma_start3A_132 : memref<1x125x1x80xi32, #tpu.memory_space<hbm>> -> memref<125x1x80xi32, #tpu.memory_space<hbm>>
    %dma_start3A_134 = arith.constant 0 : i32
    %dma_start3A_135 = arith.constant 0 : i32
    %dma_start3A_136 = tpu.memref_slice %dma_start3A_133[%dma_start3A_127, %dma_start3A_134, %dma_start3A_135] : memref<125x1x80xi32, #tpu.memory_space<hbm>> -> memref<1x1x80xi32, #tpu.memory_space<hbm>>
    %dma_start3A_137 = tpu.memref_squeeze %dma_start3A_136 : memref<1x1x80xi32, #tpu.memory_space<hbm>> -> memref<1x80xi32, #tpu.memory_space<hbm>>
    %dma_start3A_138 = arith.constant 0 : i32
    %dma_start3A_139 = tpu.memref_slice %dma_start3A_137[%dma_start3A_128, %dma_start3A_138] : memref<1x80xi32, #tpu.memory_space<hbm>> -> memref<1x80xi32, #tpu.memory_space<hbm>>
    %dma_start3A_140 = tpu.memref_squeeze %dma_start3A_139 : memref<1x80xi32, #tpu.memory_space<hbm>> -> memref<80xi32, #tpu.memory_space<hbm>>
    %dma_start3A_141 = arith.constant 0 : i32
    %dma_start3A_142 = arith.constant 0 : i32
    %dma_start3A_143 = arith.constant 0 : i32
    %dma_start3A_144 = tpu.memref_slice %arg3[%add3A, %dma_start3A_141, %dma_start3A_142, %dma_start3A_143] : memref<32x125x1x80xi32, #tpu.memory_space<hbm>> -> memref<1x125x1x80xi32, #tpu.memory_space<hbm>>
    %dma_start3A_145 = tpu.memref_squeeze %dma_start3A_144 : memref<1x125x1x80xi32, #tpu.memory_space<hbm>> -> memref<125x1x80xi32, #tpu.memory_space<hbm>>
    %dma_start3A_146 = arith.constant 0 : i32
    %dma_start3A_147 = arith.constant 0 : i32
    %dma_start3A_148 = tpu.memref_slice %dma_start3A_145[%dma_start3A_127, %dma_start3A_146, %dma_start3A_147] : memref<125x1x80xi32, #tpu.memory_space<hbm>> -> memref<1x1x80xi32, #tpu.memory_space<hbm>>
    %dma_start3A_149 = tpu.memref_squeeze %dma_start3A_148 : memref<1x1x80xi32, #tpu.memory_space<hbm>> -> memref<1x80xi32, #tpu.memory_space<hbm>>
    %dma_start3A_150 = arith.constant 0 : i32
    %dma_start3A_151 = tpu.memref_slice %dma_start3A_149[%dma_start3A_128, %dma_start3A_150] : memref<1x80xi32, #tpu.memory_space<hbm>> -> memref<1x80xi32, #tpu.memory_space<hbm>>
    %dma_start3A_152 = tpu.memref_squeeze %dma_start3A_151 : memref<1x80xi32, #tpu.memory_space<hbm>> -> memref<80xi32, #tpu.memory_space<hbm>>
    tpu.enqueue_dma source(%dma_start3A_152 : memref<80xi32, #tpu.memory_space<hbm>>) target(%arg8 : memref<80xi32, #tpu.memory_space<vmem>>) target_semaphore(%arg21 : memref<!tpu.dma_semaphore, #tpu.memory_space<semaphore_mem>>)
    %dma_start3A_153 = arith.constant 0 : i32
    %dma_start3A_154 = arith.constant 0 : i32
    %dma_start3A_155 = arith.constant 0 : i32
    %dma_start3A_156 = arith.constant 0 : i32
    %dma_start3A_157 = arith.constant 0 : i32
    %dma_start3A_158 = tpu.memref_slice %arg4[%add3A, %dma_start3A_155, %dma_start3A_156, %dma_start3A_157] : memref<32x125x1x80xi32, #tpu.memory_space<hbm>> -> memref<1x125x1x80xi32, #tpu.memory_space<hbm>>
    %dma_start3A_159 = tpu.memref_squeeze %dma_start3A_158 : memref<1x125x1x80xi32, #tpu.memory_space<hbm>> -> memref<125x1x80xi32, #tpu.memory_space<hbm>>
    %dma_start3A_160 = arith.constant 0 : i32
    %dma_start3A_161 = arith.constant 0 : i32
    %dma_start3A_162 = tpu.memref_slice %dma_start3A_159[%dma_start3A_153, %dma_start3A_160, %dma_start3A_161] : memref<125x1x80xi32, #tpu.memory_space<hbm>> -> memref<1x1x80xi32, #tpu.memory_space<hbm>>
    %dma_start3A_163 = tpu.memref_squeeze %dma_start3A_162 : memref<1x1x80xi32, #tpu.memory_space<hbm>> -> memref<1x80xi32, #tpu.memory_space<hbm>>
    %dma_start3A_164 = arith.constant 0 : i32
    %dma_start3A_165 = tpu.memref_slice %dma_start3A_163[%dma_start3A_154, %dma_start3A_164] : memref<1x80xi32, #tpu.memory_space<hbm>> -> memref<1x80xi32, #tpu.memory_space<hbm>>
    %dma_start3A_166 = tpu.memref_squeeze %dma_start3A_165 : memref<1x80xi32, #tpu.memory_space<hbm>> -> memref<80xi32, #tpu.memory_space<hbm>>
    %dma_start3A_167 = arith.constant 0 : i32
    %dma_start3A_168 = arith.constant 0 : i32
    %dma_start3A_169 = arith.constant 0 : i32
    %dma_start3A_170 = tpu.memref_slice %arg4[%add3A, %dma_start3A_167, %dma_start3A_168, %dma_start3A_169] : memref<32x125x1x80xi32, #tpu.memory_space<hbm>> -> memref<1x125x1x80xi32, #tpu.memory_space<hbm>>
    %dma_start3A_171 = tpu.memref_squeeze %dma_start3A_170 : memref<1x125x1x80xi32, #tpu.memory_space<hbm>> -> memref<125x1x80xi32, #tpu.memory_space<hbm>>
    %dma_start3A_172 = arith.constant 0 : i32
    %dma_start3A_173 = arith.constant 0 : i32
    %dma_start3A_174 = tpu.memref_slice %dma_start3A_171[%dma_start3A_153, %dma_start3A_172, %dma_start3A_173] : memref<125x1x80xi32, #tpu.memory_space<hbm>> -> memref<1x1x80xi32, #tpu.memory_space<hbm>>
    %dma_start3A_175 = tpu.memref_squeeze %dma_start3A_174 : memref<1x1x80xi32, #tpu.memory_space<hbm>> -> memref<1x80xi32, #tpu.memory_space<hbm>>
    %dma_start3A_176 = arith.constant 0 : i32
    %dma_start3A_177 = tpu.memref_slice %dma_start3A_175[%dma_start3A_154, %dma_start3A_176] : memref<1x80xi32, #tpu.memory_space<hbm>> -> memref<1x80xi32, #tpu.memory_space<hbm>>
    %dma_start3A_178 = tpu.memref_squeeze %dma_start3A_177 : memref<1x80xi32, #tpu.memory_space<hbm>> -> memref<80xi32, #tpu.memory_space<hbm>>
    tpu.enqueue_dma source(%dma_start3A_178 : memref<80xi32, #tpu.memory_space<hbm>>) target(%arg11 : memref<80xi32, #tpu.memory_space<vmem>>) target_semaphore(%arg21 : memref<!tpu.dma_semaphore, #tpu.memory_space<semaphore_mem>>)
    %dma_wait3A_179 = arith.constant 0 : i32
    %dma_wait3A_180 = arith.constant 0 : i32
    %dma_wait3A_181 = arith.constant 0 : i32
    %dma_wait3A_182 = arith.constant 0 : i32
    %dma_wait3A_183 = arith.constant 0 : i32
    %dma_wait3A_184 = tpu.memref_slice %arg3[%add3A, %dma_wait3A_181, %dma_wait3A_182, %dma_wait3A_183] : memref<32x125x1x80xi32, #tpu.memory_space<hbm>> -> memref<1x125x1x80xi32, #tpu.memory_space<hbm>>
    %dma_wait3A_185 = tpu.memref_squeeze %dma_wait3A_184 : memref<1x125x1x80xi32, #tpu.memory_space<hbm>> -> memref<125x1x80xi32, #tpu.memory_space<hbm>>
    %dma_wait3A_186 = arith.constant 0 : i32
    %dma_wait3A_187 = arith.constant 0 : i32
    %dma_wait3A_188 = tpu.memref_slice %dma_wait3A_185[%dma_wait3A_179, %dma_wait3A_186, %dma_wait3A_187] : memref<125x1x80xi32, #tpu.memory_space<hbm>> -> memref<1x1x80xi32, #tpu.memory_space<hbm>>
    %dma_wait3A_189 = tpu.memref_squeeze %dma_wait3A_188 : memref<1x1x80xi32, #tpu.memory_space<hbm>> -> memref<1x80xi32, #tpu.memory_space<hbm>>
    %dma_wait3A_190 = arith.constant 0 : i32
    %dma_wait3A_191 = tpu.memref_slice %dma_wait3A_189[%dma_wait3A_180, %dma_wait3A_190] : memref<1x80xi32, #tpu.memory_space<hbm>> -> memref<1x80xi32, #tpu.memory_space<hbm>>
    %dma_wait3A_192 = tpu.memref_squeeze %dma_wait3A_191 : memref<1x80xi32, #tpu.memory_space<hbm>> -> memref<80xi32, #tpu.memory_space<hbm>>
    %dma_wait3A_193 = arith.constant 0 : i32
    %dma_wait3A_194 = arith.constant 0 : i32
    %dma_wait3A_195 = arith.constant 0 : i32
    %dma_wait3A_196 = tpu.memref_slice %arg3[%add3A, %dma_wait3A_193, %dma_wait3A_194, %dma_wait3A_195] : memref<32x125x1x80xi32, #tpu.memory_space<hbm>> -> memref<1x125x1x80xi32, #tpu.memory_space<hbm>>
    %dma_wait3A_197 = tpu.memref_squeeze %dma_wait3A_196 : memref<1x125x1x80xi32, #tpu.memory_space<hbm>> -> memref<125x1x80xi32, #tpu.memory_space<hbm>>
    %dma_wait3A_198 = arith.constant 0 : i32
    %dma_wait3A_199 = arith.constant 0 : i32
    %dma_wait3A_200 = tpu.memref_slice %dma_wait3A_197[%dma_wait3A_179, %dma_wait3A_198, %dma_wait3A_199] : memref<125x1x80xi32, #tpu.memory_space<hbm>> -> memref<1x1x80xi32, #tpu.memory_space<hbm>>
    %dma_wait3A_201 = tpu.memref_squeeze %dma_wait3A_200 : memref<1x1x80xi32, #tpu.memory_space<hbm>> -> memref<1x80xi32, #tpu.memory_space<hbm>>
    %dma_wait3A_202 = arith.constant 0 : i32
    %dma_wait3A_203 = tpu.memref_slice %dma_wait3A_201[%dma_wait3A_180, %dma_wait3A_202] : memref<1x80xi32, #tpu.memory_space<hbm>> -> memref<1x80xi32, #tpu.memory_space<hbm>>
    %dma_wait3A_204 = tpu.memref_squeeze %dma_wait3A_203 : memref<1x80xi32, #tpu.memory_space<hbm>> -> memref<80xi32, #tpu.memory_space<hbm>>
    tpu.wait_dma2 semaphore(%arg21 : memref<!tpu.dma_semaphore, #tpu.memory_space<semaphore_mem>>) src(%dma_wait3A_204 : memref<80xi32, #tpu.memory_space<hbm>>) dst(%arg8 : memref<80xi32, #tpu.memory_space<vmem>>)
    %dma_wait3A_205 = arith.constant 0 : i32
    %dma_wait3A_206 = arith.constant 0 : i32
    %dma_wait3A_207 = arith.constant 0 : i32
    %dma_wait3A_208 = arith.constant 0 : i32
    %dma_wait3A_209 = arith.constant 0 : i32
    %dma_wait3A_210 = tpu.memref_slice %arg4[%add3A, %dma_wait3A_207, %dma_wait3A_208, %dma_wait3A_209] : memref<32x125x1x80xi32, #tpu.memory_space<hbm>> -> memref<1x125x1x80xi32, #tpu.memory_space<hbm>>
    %dma_wait3A_211 = tpu.memref_squeeze %dma_wait3A_210 : memref<1x125x1x80xi32, #tpu.memory_space<hbm>> -> memref<125x1x80xi32, #tpu.memory_space<hbm>>
    %dma_wait3A_212 = arith.constant 0 : i32
    %dma_wait3A_213 = arith.constant 0 : i32
    %dma_wait3A_214 = tpu.memref_slice %dma_wait3A_211[%dma_wait3A_205, %dma_wait3A_212, %dma_wait3A_213] : memref<125x1x80xi32, #tpu.memory_space<hbm>> -> memref<1x1x80xi32, #tpu.memory_space<hbm>>
    %dma_wait3A_215 = tpu.memref_squeeze %dma_wait3A_214 : memref<1x1x80xi32, #tpu.memory_space<hbm>> -> memref<1x80xi32, #tpu.memory_space<hbm>>
    %dma_wait3A_216 = arith.constant 0 : i32
    %dma_wait3A_217 = tpu.memref_slice %dma_wait3A_215[%dma_wait3A_206, %dma_wait3A_216] : memref<1x80xi32, #tpu.memory_space<hbm>> -> memref<1x80xi32, #tpu.memory_space<hbm>>
    %dma_wait3A_218 = tpu.memref_squeeze %dma_wait3A_217 : memref<1x80xi32, #tpu.memory_space<hbm>> -> memref<80xi32, #tpu.memory_space<hbm>>
    %dma_wait3A_219 = arith.constant 0 : i32
    %dma_wait3A_220 = arith.constant 0 : i32
    %dma_wait3A_221 = arith.constant 0 : i32
    %dma_wait3A_222 = tpu.memref_slice %arg4[%add3A, %dma_wait3A_219, %dma_wait3A_220, %dma_wait3A_221] : memref<32x125x1x80xi32, #tpu.memory_space<hbm>> -> memref<1x125x1x80xi32, #tpu.memory_space<hbm>>
    %dma_wait3A_223 = tpu.memref_squeeze %dma_wait3A_222 : memref<1x125x1x80xi32, #tpu.memory_space<hbm>> -> memref<125x1x80xi32, #tpu.memory_space<hbm>>
    %dma_wait3A_224 = arith.constant 0 : i32
    %dma_wait3A_225 = arith.constant 0 : i32
    %dma_wait3A_226 = tpu.memref_slice %dma_wait3A_223[%dma_wait3A_205, %dma_wait3A_224, %dma_wait3A_225] : memref<125x1x80xi32, #tpu.memory_space<hbm>> -> memref<1x1x80xi32, #tpu.memory_space<hbm>>
    %dma_wait3A_227 = tpu.memref_squeeze %dma_wait3A_226 : memref<1x1x80xi32, #tpu.memory_space<hbm>> -> memref<1x80xi32, #tpu.memory_space<hbm>>
    %dma_wait3A_228 = arith.constant 0 : i32
    %dma_wait3A_229 = tpu.memref_slice %dma_wait3A_227[%dma_wait3A_206, %dma_wait3A_228] : memref<1x80xi32, #tpu.memory_space<hbm>> -> memref<1x80xi32, #tpu.memory_space<hbm>>
    %dma_wait3A_230 = tpu.memref_squeeze %dma_wait3A_229 : memref<1x80xi32, #tpu.memory_space<hbm>> -> memref<80xi32, #tpu.memory_space<hbm>>
    tpu.wait_dma2 semaphore(%arg21 : memref<!tpu.dma_semaphore, #tpu.memory_space<semaphore_mem>>) src(%dma_wait3A_230 : memref<80xi32, #tpu.memory_space<hbm>>) dst(%arg11 : memref<80xi32, #tpu.memory_space<vmem>>)
    %dma_start3A_231 = arith.constant 0 : i32
    %dma_start3A_232 = arith.constant 0 : i32
    %dma_start3A_233 = tpu.memref_slice %arg2[%dma_start3A_231, %dma_start3A_232] : memref<10000x128xf32, #tpu.memory_space<hbm>> -> memref<10000x128xf32, #tpu.memory_space<hbm>>
    tpu.enqueue_indirect_dma source(%dma_start3A_233 : memref<10000x128xf32, #tpu.memory_space<hbm>>) target(%arg14 : memref<80x128xf32, #tpu.memory_space<vmem>>) offsets(%arg8 : memref<80xi32, #tpu.memory_space<vmem>>) semaphore(%arg18 : memref<!tpu.dma_semaphore, #tpu.memory_space<semaphore_mem>>)
    %dma_start3A_234 = arith.constant 1 : i32
    %dma_start3A_235 = arith.constant 0 : i32
    %dma_start3A_236 = arith.constant 0 : i32
    %dma_start3A_237 = arith.constant 0 : i32
    %dma_start3A_238 = arith.constant 0 : i32
    %dma_start3A_239 = tpu.memref_slice %arg3[%add3A, %dma_start3A_236, %dma_start3A_237, %dma_start3A_238] : memref<32x125x1x80xi32, #tpu.memory_space<hbm>> -> memref<1x125x1x80xi32, #tpu.memory_space<hbm>>
    %dma_start3A_240 = tpu.memref_squeeze %dma_start3A_239 : memref<1x125x1x80xi32, #tpu.memory_space<hbm>> -> memref<125x1x80xi32, #tpu.memory_space<hbm>>
    %dma_start3A_241 = arith.constant 0 : i32
    %dma_start3A_242 = arith.constant 0 : i32
    %dma_start3A_243 = tpu.memref_slice %dma_start3A_240[%dma_start3A_234, %dma_start3A_241, %dma_start3A_242] : memref<125x1x80xi32, #tpu.memory_space<hbm>> -> memref<1x1x80xi32, #tpu.memory_space<hbm>>
    %dma_start3A_244 = tpu.memref_squeeze %dma_start3A_243 : memref<1x1x80xi32, #tpu.memory_space<hbm>> -> memref<1x80xi32, #tpu.memory_space<hbm>>
    %dma_start3A_245 = arith.constant 0 : i32
    %dma_start3A_246 = tpu.memref_slice %dma_start3A_244[%dma_start3A_235, %dma_start3A_245] : memref<1x80xi32, #tpu.memory_space<hbm>> -> memref<1x80xi32, #tpu.memory_space<hbm>>
    %dma_start3A_247 = tpu.memref_squeeze %dma_start3A_246 : memref<1x80xi32, #tpu.memory_space<hbm>> -> memref<80xi32, #tpu.memory_space<hbm>>
    %dma_start3A_248 = arith.constant 0 : i32
    %dma_start3A_249 = arith.constant 0 : i32
    %dma_start3A_250 = arith.constant 0 : i32
    %dma_start3A_251 = tpu.memref_slice %arg3[%add3A, %dma_start3A_248, %dma_start3A_249, %dma_start3A_250] : memref<32x125x1x80xi32, #tpu.memory_space<hbm>> -> memref<1x125x1x80xi32, #tpu.memory_space<hbm>>
    %dma_start3A_252 = tpu.memref_squeeze %dma_start3A_251 : memref<1x125x1x80xi32, #tpu.memory_space<hbm>> -> memref<125x1x80xi32, #tpu.memory_space<hbm>>
    %dma_start3A_253 = arith.constant 0 : i32
    %dma_start3A_254 = arith.constant 0 : i32
    %dma_start3A_255 = tpu.memref_slice %dma_start3A_252[%dma_start3A_234, %dma_start3A_253, %dma_start3A_254] : memref<125x1x80xi32, #tpu.memory_space<hbm>> -> memref<1x1x80xi32, #tpu.memory_space<hbm>>
    %dma_start3A_256 = tpu.memref_squeeze %dma_start3A_255 : memref<1x1x80xi32, #tpu.memory_space<hbm>> -> memref<1x80xi32, #tpu.memory_space<hbm>>
    %dma_start3A_257 = arith.constant 0 : i32
    %dma_start3A_258 = tpu.memref_slice %dma_start3A_256[%dma_start3A_235, %dma_start3A_257] : memref<1x80xi32, #tpu.memory_space<hbm>> -> memref<1x80xi32, #tpu.memory_space<hbm>>
    %dma_start3A_259 = tpu.memref_squeeze %dma_start3A_258 : memref<1x80xi32, #tpu.memory_space<hbm>> -> memref<80xi32, #tpu.memory_space<hbm>>
    tpu.enqueue_dma source(%dma_start3A_259 : memref<80xi32, #tpu.memory_space<hbm>>) target(%arg9 : memref<80xi32, #tpu.memory_space<vmem>>) target_semaphore(%arg22 : memref<!tpu.dma_semaphore, #tpu.memory_space<semaphore_mem>>)
    %dma_start3A_260 = arith.constant 1 : i32
    %dma_start3A_261 = arith.constant 0 : i32
    %dma_start3A_262 = arith.constant 0 : i32
    %dma_start3A_263 = arith.constant 0 : i32
    %dma_start3A_264 = arith.constant 0 : i32
    %dma_start3A_265 = tpu.memref_slice %arg4[%add3A, %dma_start3A_262, %dma_start3A_263, %dma_start3A_264] : memref<32x125x1x80xi32, #tpu.memory_space<hbm>> -> memref<1x125x1x80xi32, #tpu.memory_space<hbm>>
    %dma_start3A_266 = tpu.memref_squeeze %dma_start3A_265 : memref<1x125x1x80xi32, #tpu.memory_space<hbm>> -> memref<125x1x80xi32, #tpu.memory_space<hbm>>
    %dma_start3A_267 = arith.constant 0 : i32
    %dma_start3A_268 = arith.constant 0 : i32
    %dma_start3A_269 = tpu.memref_slice %dma_start3A_266[%dma_start3A_260, %dma_start3A_267, %dma_start3A_268] : memref<125x1x80xi32, #tpu.memory_space<hbm>> -> memref<1x1x80xi32, #tpu.memory_space<hbm>>
    %dma_start3A_270 = tpu.memref_squeeze %dma_start3A_269 : memref<1x1x80xi32, #tpu.memory_space<hbm>> -> memref<1x80xi32, #tpu.memory_space<hbm>>
    %dma_start3A_271 = arith.constant 0 : i32
    %dma_start3A_272 = tpu.memref_slice %dma_start3A_270[%dma_start3A_261, %dma_start3A_271] : memref<1x80xi32, #tpu.memory_space<hbm>> -> memref<1x80xi32, #tpu.memory_space<hbm>>
    %dma_start3A_273 = tpu.memref_squeeze %dma_start3A_272 : memref<1x80xi32, #tpu.memory_space<hbm>> -> memref<80xi32, #tpu.memory_space<hbm>>
    %dma_start3A_274 = arith.constant 0 : i32
    %dma_start3A_275 = arith.constant 0 : i32
    %dma_start3A_276 = arith.constant 0 : i32
    %dma_start3A_277 = tpu.memref_slice %arg4[%add3A, %dma_start3A_274, %dma_start3A_275, %dma_start3A_276] : memref<32x125x1x80xi32, #tpu.memory_space<hbm>> -> memref<1x125x1x80xi32, #tpu.memory_space<hbm>>
    %dma_start3A_278 = tpu.memref_squeeze %dma_start3A_277 : memref<1x125x1x80xi32, #tpu.memory_space<hbm>> -> memref<125x1x80xi32, #tpu.memory_space<hbm>>
    %dma_start3A_279 = arith.constant 0 : i32
    %dma_start3A_280 = arith.constant 0 : i32
    %dma_start3A_281 = tpu.memref_slice %dma_start3A_278[%dma_start3A_260, %dma_start3A_279, %dma_start3A_280] : memref<125x1x80xi32, #tpu.memory_space<hbm>> -> memref<1x1x80xi32, #tpu.memory_space<hbm>>
    %dma_start3A_282 = tpu.memref_squeeze %dma_start3A_281 : memref<1x1x80xi32, #tpu.memory_space<hbm>> -> memref<1x80xi32, #tpu.memory_space<hbm>>
    %dma_start3A_283 = arith.constant 0 : i32
    %dma_start3A_284 = tpu.memref_slice %dma_start3A_282[%dma_start3A_261, %dma_start3A_283] : memref<1x80xi32, #tpu.memory_space<hbm>> -> memref<1x80xi32, #tpu.memory_space<hbm>>
    %dma_start3A_285 = tpu.memref_squeeze %dma_start3A_284 : memref<1x80xi32, #tpu.memory_space<hbm>> -> memref<80xi32, #tpu.memory_space<hbm>>
    tpu.enqueue_dma source(%dma_start3A_285 : memref<80xi32, #tpu.memory_space<hbm>>) target(%arg12 : memref<80xi32, #tpu.memory_space<vmem>>) target_semaphore(%arg22 : memref<!tpu.dma_semaphore, #tpu.memory_space<semaphore_mem>>)
    %dma_wait3A_286 = arith.constant 1 : i32
    %dma_wait3A_287 = arith.constant 0 : i32
    %dma_wait3A_288 = arith.constant 0 : i32
    %dma_wait3A_289 = arith.constant 0 : i32
    %dma_wait3A_290 = arith.constant 0 : i32
    %dma_wait3A_291 = tpu.memref_slice %arg3[%add3A, %dma_wait3A_288, %dma_wait3A_289, %dma_wait3A_290] : memref<32x125x1x80xi32, #tpu.memory_space<hbm>> -> memref<1x125x1x80xi32, #tpu.memory_space<hbm>>
    %dma_wait3A_292 = tpu.memref_squeeze %dma_wait3A_291 : memref<1x125x1x80xi32, #tpu.memory_space<hbm>> -> memref<125x1x80xi32, #tpu.memory_space<hbm>>
    %dma_wait3A_293 = arith.constant 0 : i32
    %dma_wait3A_294 = arith.constant 0 : i32
    %dma_wait3A_295 = tpu.memref_slice %dma_wait3A_292[%dma_wait3A_286, %dma_wait3A_293, %dma_wait3A_294] : memref<125x1x80xi32, #tpu.memory_space<hbm>> -> memref<1x1x80xi32, #tpu.memory_space<hbm>>
    %dma_wait3A_296 = tpu.memref_squeeze %dma_wait3A_295 : memref<1x1x80xi32, #tpu.memory_space<hbm>> -> memref<1x80xi32, #tpu.memory_space<hbm>>
    %dma_wait3A_297 = arith.constant 0 : i32
    %dma_wait3A_298 = tpu.memref_slice %dma_wait3A_296[%dma_wait3A_287, %dma_wait3A_297] : memref<1x80xi32, #tpu.memory_space<hbm>> -> memref<1x80xi32, #tpu.memory_space<hbm>>
    %dma_wait3A_299 = tpu.memref_squeeze %dma_wait3A_298 : memref<1x80xi32, #tpu.memory_space<hbm>> -> memref<80xi32, #tpu.memory_space<hbm>>
    %dma_wait3A_300 = arith.constant 0 : i32
    %dma_wait3A_301 = arith.constant 0 : i32
    %dma_wait3A_302 = arith.constant 0 : i32
    %dma_wait3A_303 = tpu.memref_slice %arg3[%add3A, %dma_wait3A_300, %dma_wait3A_301, %dma_wait3A_302] : memref<32x125x1x80xi32, #tpu.memory_space<hbm>> -> memref<1x125x1x80xi32, #tpu.memory_space<hbm>>
    %dma_wait3A_304 = tpu.memref_squeeze %dma_wait3A_303 : memref<1x125x1x80xi32, #tpu.memory_space<hbm>> -> memref<125x1x80xi32, #tpu.memory_space<hbm>>
    %dma_wait3A_305 = arith.constant 0 : i32
    %dma_wait3A_306 = arith.constant 0 : i32
    %dma_wait3A_307 = tpu.memref_slice %dma_wait3A_304[%dma_wait3A_286, %dma_wait3A_305, %dma_wait3A_306] : memref<125x1x80xi32, #tpu.memory_space<hbm>> -> memref<1x1x80xi32, #tpu.memory_space<hbm>>
    %dma_wait3A_308 = tpu.memref_squeeze %dma_wait3A_307 : memref<1x1x80xi32, #tpu.memory_space<hbm>> -> memref<1x80xi32, #tpu.memory_space<hbm>>
    %dma_wait3A_309 = arith.constant 0 : i32
    %dma_wait3A_310 = tpu.memref_slice %dma_wait3A_308[%dma_wait3A_287, %dma_wait3A_309] : memref<1x80xi32, #tpu.memory_space<hbm>> -> memref<1x80xi32, #tpu.memory_space<hbm>>
    %dma_wait3A_311 = tpu.memref_squeeze %dma_wait3A_310 : memref<1x80xi32, #tpu.memory_space<hbm>> -> memref<80xi32, #tpu.memory_space<hbm>>
    tpu.wait_dma2 semaphore(%arg22 : memref<!tpu.dma_semaphore, #tpu.memory_space<semaphore_mem>>) src(%dma_wait3A_311 : memref<80xi32, #tpu.memory_space<hbm>>) dst(%arg9 : memref<80xi32, #tpu.memory_space<vmem>>)
    %dma_wait3A_312 = arith.constant 1 : i32
    %dma_wait3A_313 = arith.constant 0 : i32
    %dma_wait3A_314 = arith.constant 0 : i32
    %dma_wait3A_315 = arith.constant 0 : i32
    %dma_wait3A_316 = arith.constant 0 : i32
    %dma_wait3A_317 = tpu.memref_slice %arg4[%add3A, %dma_wait3A_314, %dma_wait3A_315, %dma_wait3A_316] : memref<32x125x1x80xi32, #tpu.memory_space<hbm>> -> memref<1x125x1x80xi32, #tpu.memory_space<hbm>>
    %dma_wait3A_318 = tpu.memref_squeeze %dma_wait3A_317 : memref<1x125x1x80xi32, #tpu.memory_space<hbm>> -> memref<125x1x80xi32, #tpu.memory_space<hbm>>
    %dma_wait3A_319 = arith.constant 0 : i32
    %dma_wait3A_320 = arith.constant 0 : i32
    %dma_wait3A_321 = tpu.memref_slice %dma_wait3A_318[%dma_wait3A_312, %dma_wait3A_319, %dma_wait3A_320] : memref<125x1x80xi32, #tpu.memory_space<hbm>> -> memref<1x1x80xi32, #tpu.memory_space<hbm>>
    %dma_wait3A_322 = tpu.memref_squeeze %dma_wait3A_321 : memref<1x1x80xi32, #tpu.memory_space<hbm>> -> memref<1x80xi32, #tpu.memory_space<hbm>>
    %dma_wait3A_323 = arith.constant 0 : i32
    %dma_wait3A_324 = tpu.memref_slice %dma_wait3A_322[%dma_wait3A_313, %dma_wait3A_323] : memref<1x80xi32, #tpu.memory_space<hbm>> -> memref<1x80xi32, #tpu.memory_space<hbm>>
    %dma_wait3A_325 = tpu.memref_squeeze %dma_wait3A_324 : memref<1x80xi32, #tpu.memory_space<hbm>> -> memref<80xi32, #tpu.memory_space<hbm>>
    %dma_wait3A_326 = arith.constant 0 : i32
    %dma_wait3A_327 = arith.constant 0 : i32
    %dma_wait3A_328 = arith.constant 0 : i32
    %dma_wait3A_329 = tpu.memref_slice %arg4[%add3A, %dma_wait3A_326, %dma_wait3A_327, %dma_wait3A_328] : memref<32x125x1x80xi32, #tpu.memory_space<hbm>> -> memref<1x125x1x80xi32, #tpu.memory_space<hbm>>
    %dma_wait3A_330 = tpu.memref_squeeze %dma_wait3A_329 : memref<1x125x1x80xi32, #tpu.memory_space<hbm>> -> memref<125x1x80xi32, #tpu.memory_space<hbm>>
    %dma_wait3A_331 = arith.constant 0 : i32
    %dma_wait3A_332 = arith.constant 0 : i32
    %dma_wait3A_333 = tpu.memref_slice %dma_wait3A_330[%dma_wait3A_312, %dma_wait3A_331, %dma_wait3A_332] : memref<125x1x80xi32, #tpu.memory_space<hbm>> -> memref<1x1x80xi32, #tpu.memory_space<hbm>>
    %dma_wait3A_334 = tpu.memref_squeeze %dma_wait3A_333 : memref<1x1x80xi32, #tpu.memory_space<hbm>> -> memref<1x80xi32, #tpu.memory_space<hbm>>
    %dma_wait3A_335 = arith.constant 0 : i32
    %dma_wait3A_336 = tpu.memref_slice %dma_wait3A_334[%dma_wait3A_313, %dma_wait3A_335] : memref<1x80xi32, #tpu.memory_space<hbm>> -> memref<1x80xi32, #tpu.memory_space<hbm>>
    %dma_wait3A_337 = tpu.memref_squeeze %dma_wait3A_336 : memref<1x80xi32, #tpu.memory_space<hbm>> -> memref<80xi32, #tpu.memory_space<hbm>>
    tpu.wait_dma2 semaphore(%arg22 : memref<!tpu.dma_semaphore, #tpu.memory_space<semaphore_mem>>) src(%dma_wait3A_337 : memref<80xi32, #tpu.memory_space<hbm>>) dst(%arg12 : memref<80xi32, #tpu.memory_space<vmem>>)
    %dma_start3A_338 = arith.constant 0 : i32
    %dma_start3A_339 = arith.constant 0 : i32
    %dma_start3A_340 = tpu.memref_slice %arg2[%dma_start3A_338, %dma_start3A_339] : memref<10000x128xf32, #tpu.memory_space<hbm>> -> memref<10000x128xf32, #tpu.memory_space<hbm>>
    tpu.enqueue_indirect_dma source(%dma_start3A_340 : memref<10000x128xf32, #tpu.memory_space<hbm>>) target(%arg15 : memref<80x128xf32, #tpu.memory_space<vmem>>) offsets(%arg9 : memref<80xi32, #tpu.memory_space<vmem>>) semaphore(%arg19 : memref<!tpu.dma_semaphore, #tpu.memory_space<semaphore_mem>>)
    %dma_start3A_341 = arith.constant 2 : i32
    %dma_start3A_342 = arith.constant 0 : i32
    %dma_start3A_343 = arith.constant 0 : i32
    %dma_start3A_344 = arith.constant 0 : i32
    %dma_start3A_345 = arith.constant 0 : i32
    %dma_start3A_346 = tpu.memref_slice %arg3[%add3A, %dma_start3A_343, %dma_start3A_344, %dma_start3A_345] : memref<32x125x1x80xi32, #tpu.memory_space<hbm>> -> memref<1x125x1x80xi32, #tpu.memory_space<hbm>>
    %dma_start3A_347 = tpu.memref_squeeze %dma_start3A_346 : memref<1x125x1x80xi32, #tpu.memory_space<hbm>> -> memref<125x1x80xi32, #tpu.memory_space<hbm>>
    %dma_start3A_348 = arith.constant 0 : i32
    %dma_start3A_349 = arith.constant 0 : i32
    %dma_start3A_350 = tpu.memref_slice %dma_start3A_347[%dma_start3A_341, %dma_start3A_348, %dma_start3A_349] : memref<125x1x80xi32, #tpu.memory_space<hbm>> -> memref<1x1x80xi32, #tpu.memory_space<hbm>>
    %dma_start3A_351 = tpu.memref_squeeze %dma_start3A_350 : memref<1x1x80xi32, #tpu.memory_space<hbm>> -> memref<1x80xi32, #tpu.memory_space<hbm>>
    %dma_start3A_352 = arith.constant 0 : i32
    %dma_start3A_353 = tpu.memref_slice %dma_start3A_351[%dma_start3A_342, %dma_start3A_352] : memref<1x80xi32, #tpu.memory_space<hbm>> -> memref<1x80xi32, #tpu.memory_space<hbm>>
    %dma_start3A_354 = tpu.memref_squeeze %dma_start3A_353 : memref<1x80xi32, #tpu.memory_space<hbm>> -> memref<80xi32, #tpu.memory_space<hbm>>
    %dma_start3A_355 = arith.constant 0 : i32
    %dma_start3A_356 = arith.constant 0 : i32
    %dma_start3A_357 = arith.constant 0 : i32
    %dma_start3A_358 = tpu.memref_slice %arg3[%add3A, %dma_start3A_355, %dma_start3A_356, %dma_start3A_357] : memref<32x125x1x80xi32, #tpu.memory_space<hbm>> -> memref<1x125x1x80xi32, #tpu.memory_space<hbm>>
    %dma_start3A_359 = tpu.memref_squeeze %dma_start3A_358 : memref<1x125x1x80xi32, #tpu.memory_space<hbm>> -> memref<125x1x80xi32, #tpu.memory_space<hbm>>
    %dma_start3A_360 = arith.constant 0 : i32
    %dma_start3A_361 = arith.constant 0 : i32
    %dma_start3A_362 = tpu.memref_slice %dma_start3A_359[%dma_start3A_341, %dma_start3A_360, %dma_start3A_361] : memref<125x1x80xi32, #tpu.memory_space<hbm>> -> memref<1x1x80xi32, #tpu.memory_space<hbm>>
    %dma_start3A_363 = tpu.memref_squeeze %dma_start3A_362 : memref<1x1x80xi32, #tpu.memory_space<hbm>> -> memref<1x80xi32, #tpu.memory_space<hbm>>
    %dma_start3A_364 = arith.constant 0 : i32
    %dma_start3A_365 = tpu.memref_slice %dma_start3A_363[%dma_start3A_342, %dma_start3A_364] : memref<1x80xi32, #tpu.memory_space<hbm>> -> memref<1x80xi32, #tpu.memory_space<hbm>>
    %dma_start3A_366 = tpu.memref_squeeze %dma_start3A_365 : memref<1x80xi32, #tpu.memory_space<hbm>> -> memref<80xi32, #tpu.memory_space<hbm>>
    tpu.enqueue_dma source(%dma_start3A_366 : memref<80xi32, #tpu.memory_space<hbm>>) target(%arg10 : memref<80xi32, #tpu.memory_space<vmem>>) target_semaphore(%arg23 : memref<!tpu.dma_semaphore, #tpu.memory_space<semaphore_mem>>)
    %dma_start3A_367 = arith.constant 2 : i32
    %dma_start3A_368 = arith.constant 0 : i32
    %dma_start3A_369 = arith.constant 0 : i32
    %dma_start3A_370 = arith.constant 0 : i32
    %dma_start3A_371 = arith.constant 0 : i32
    %dma_start3A_372 = tpu.memref_slice %arg4[%add3A, %dma_start3A_369, %dma_start3A_370, %dma_start3A_371] : memref<32x125x1x80xi32, #tpu.memory_space<hbm>> -> memref<1x125x1x80xi32, #tpu.memory_space<hbm>>
    %dma_start3A_373 = tpu.memref_squeeze %dma_start3A_372 : memref<1x125x1x80xi32, #tpu.memory_space<hbm>> -> memref<125x1x80xi32, #tpu.memory_space<hbm>>
    %dma_start3A_374 = arith.constant 0 : i32
    %dma_start3A_375 = arith.constant 0 : i32
    %dma_start3A_376 = tpu.memref_slice %dma_start3A_373[%dma_start3A_367, %dma_start3A_374, %dma_start3A_375] : memref<125x1x80xi32, #tpu.memory_space<hbm>> -> memref<1x1x80xi32, #tpu.memory_space<hbm>>
    %dma_start3A_377 = tpu.memref_squeeze %dma_start3A_376 : memref<1x1x80xi32, #tpu.memory_space<hbm>> -> memref<1x80xi32, #tpu.memory_space<hbm>>
    %dma_start3A_378 = arith.constant 0 : i32
    %dma_start3A_379 = tpu.memref_slice %dma_start3A_377[%dma_start3A_368, %dma_start3A_378] : memref<1x80xi32, #tpu.memory_space<hbm>> -> memref<1x80xi32, #tpu.memory_space<hbm>>
    %dma_start3A_380 = tpu.memref_squeeze %dma_start3A_379 : memref<1x80xi32, #tpu.memory_space<hbm>> -> memref<80xi32, #tpu.memory_space<hbm>>
    %dma_start3A_381 = arith.constant 0 : i32
    %dma_start3A_382 = arith.constant 0 : i32
    %dma_start3A_383 = arith.constant 0 : i32
    %dma_start3A_384 = tpu.memref_slice %arg4[%add3A, %dma_start3A_381, %dma_start3A_382, %dma_start3A_383] : memref<32x125x1x80xi32, #tpu.memory_space<hbm>> -> memref<1x125x1x80xi32, #tpu.memory_space<hbm>>
    %dma_start3A_385 = tpu.memref_squeeze %dma_start3A_384 : memref<1x125x1x80xi32, #tpu.memory_space<hbm>> -> memref<125x1x80xi32, #tpu.memory_space<hbm>>
    %dma_start3A_386 = arith.constant 0 : i32
    %dma_start3A_387 = arith.constant 0 : i32
    %dma_start3A_388 = tpu.memref_slice %dma_start3A_385[%dma_start3A_367, %dma_start3A_386, %dma_start3A_387] : memref<125x1x80xi32, #tpu.memory_space<hbm>> -> memref<1x1x80xi32, #tpu.memory_space<hbm>>
    %dma_start3A_389 = tpu.memref_squeeze %dma_start3A_388 : memref<1x1x80xi32, #tpu.memory_space<hbm>> -> memref<1x80xi32, #tpu.memory_space<hbm>>
    %dma_start3A_390 = arith.constant 0 : i32
    %dma_start3A_391 = tpu.memref_slice %dma_start3A_389[%dma_start3A_368, %dma_start3A_390] : memref<1x80xi32, #tpu.memory_space<hbm>> -> memref<1x80xi32, #tpu.memory_space<hbm>>
    %dma_start3A_392 = tpu.memref_squeeze %dma_start3A_391 : memref<1x80xi32, #tpu.memory_space<hbm>> -> memref<80xi32, #tpu.memory_space<hbm>>
    tpu.enqueue_dma source(%dma_start3A_392 : memref<80xi32, #tpu.memory_space<hbm>>) target(%arg13 : memref<80xi32, #tpu.memory_space<vmem>>) target_semaphore(%arg23 : memref<!tpu.dma_semaphore, #tpu.memory_space<semaphore_mem>>)
    %dma_wait3A_393 = arith.constant 0 : i32
    %dma_wait3A_394 = arith.constant 0 : i32
    %dma_wait3A_395 = tpu.memref_slice %arg2[%dma_wait3A_393, %dma_wait3A_394] : memref<10000x128xf32, #tpu.memory_space<hbm>> -> memref<10000x128xf32, #tpu.memory_space<hbm>>
    tpu.wait_indirect_dma semaphore(%arg18 : memref<!tpu.dma_semaphore, #tpu.memory_space<semaphore_mem>>) src(%dma_wait3A_395 : memref<10000x128xf32, #tpu.memory_space<hbm>>) dst(%arg14 : memref<80x128xf32, #tpu.memory_space<vmem>>)
    %dma_start3A_396 = arith.constant 0 : i32
    %dma_start3A_397 = arith.constant 0 : i32
    %dma_start3A_398 = tpu.memref_slice %arg17[%dma_start3A_396, %dma_start3A_397] : memref<10240x128xf32, #tpu.memory_space<vmem_shared>> -> memref<10240x128xf32, #tpu.memory_space<vmem_shared>>
    tpu.enqueue_indirect_dma source(%arg14 : memref<80x128xf32, #tpu.memory_space<vmem>>) target(%dma_start3A_398 : memref<10240x128xf32, #tpu.memory_space<vmem_shared>>) offsets(%arg11 : memref<80xi32, #tpu.memory_space<vmem>>) semaphore(%arg24 : memref<!tpu.dma_semaphore, #tpu.memory_space<semaphore_mem>>) {add = true}
    %scan3A = arith.constant 0 : i32
    %scan3A_399 = arith.constant 0 : i32
    %scan3A_400 = arith.constant 41 : i32
    %scan3A_401 = arith.addi %scan3A_399, %scan3A_400 : i32
    %scan3A_402 = arith.constant 1 : i32
    scf.for %scan3A_725 = %scan3A_399 to %scan3A_401 step %scan3A_402  : i32 {
      %mul3A_726 = arith.constant 3 : i32
      %mul3A_727 = arith.muli %mul3A_726, %scan3A_725 : i32
      %add3A_728 = arith.constant 1 : i32
      %add3A_729 = arith.addi %mul3A_727, %add3A_728 : i32
      %add3A_730 = arith.constant 0 : i32
      %add3A_731 = arith.addi %add3A_729, %add3A_730 : i32
      %add3A_732 = arith.constant 1 : i32
      %add3A_733 = arith.addi %add3A_731, %add3A_732 : i32
      %dma_wait3A_734 = arith.constant 0 : i32
      %dma_wait3A_735 = arith.constant 0 : i32
      %dma_wait3A_736 = arith.constant 0 : i32
      %dma_wait3A_737 = arith.constant 0 : i32
      %dma_wait3A_738 = tpu.memref_slice %arg3[%add3A, %dma_wait3A_735, %dma_wait3A_736, %dma_wait3A_737] : memref<32x125x1x80xi32, #tpu.memory_space<hbm>> -> memref<1x125x1x80xi32, #tpu.memory_space<hbm>>
      %dma_wait3A_739 = tpu.memref_squeeze %dma_wait3A_738 : memref<1x125x1x80xi32, #tpu.memory_space<hbm>> -> memref<125x1x80xi32, #tpu.memory_space<hbm>>
      %dma_wait3A_740 = arith.constant 0 : i32
      %dma_wait3A_741 = arith.constant 0 : i32
      %dma_wait3A_742 = tpu.memref_slice %dma_wait3A_739[%add3A_733, %dma_wait3A_740, %dma_wait3A_741] : memref<125x1x80xi32, #tpu.memory_space<hbm>> -> memref<1x1x80xi32, #tpu.memory_space<hbm>>
      %dma_wait3A_743 = tpu.memref_squeeze %dma_wait3A_742 : memref<1x1x80xi32, #tpu.memory_space<hbm>> -> memref<1x80xi32, #tpu.memory_space<hbm>>
      %dma_wait3A_744 = arith.constant 0 : i32
      %dma_wait3A_745 = tpu.memref_slice %dma_wait3A_743[%dma_wait3A_734, %dma_wait3A_744] : memref<1x80xi32, #tpu.memory_space<hbm>> -> memref<1x80xi32, #tpu.memory_space<hbm>>
      %dma_wait3A_746 = tpu.memref_squeeze %dma_wait3A_745 : memref<1x80xi32, #tpu.memory_space<hbm>> -> memref<80xi32, #tpu.memory_space<hbm>>
      %dma_wait3A_747 = arith.constant 0 : i32
      %dma_wait3A_748 = arith.constant 0 : i32
      %dma_wait3A_749 = arith.constant 0 : i32
      %dma_wait3A_750 = tpu.memref_slice %arg3[%add3A, %dma_wait3A_747, %dma_wait3A_748, %dma_wait3A_749] : memref<32x125x1x80xi32, #tpu.memory_space<hbm>> -> memref<1x125x1x80xi32, #tpu.memory_space<hbm>>
      %dma_wait3A_751 = tpu.memref_squeeze %dma_wait3A_750 : memref<1x125x1x80xi32, #tpu.memory_space<hbm>> -> memref<125x1x80xi32, #tpu.memory_space<hbm>>
      %dma_wait3A_752 = arith.constant 0 : i32
      %dma_wait3A_753 = arith.constant 0 : i32
      %dma_wait3A_754 = tpu.memref_slice %dma_wait3A_751[%add3A_733, %dma_wait3A_752, %dma_wait3A_753] : memref<125x1x80xi32, #tpu.memory_space<hbm>> -> memref<1x1x80xi32, #tpu.memory_space<hbm>>
      %dma_wait3A_755 = tpu.memref_squeeze %dma_wait3A_754 : memref<1x1x80xi32, #tpu.memory_space<hbm>> -> memref<1x80xi32, #tpu.memory_space<hbm>>
      %dma_wait3A_756 = arith.constant 0 : i32
      %dma_wait3A_757 = tpu.memref_slice %dma_wait3A_755[%dma_wait3A_734, %dma_wait3A_756] : memref<1x80xi32, #tpu.memory_space<hbm>> -> memref<1x80xi32, #tpu.memory_space<hbm>>
      %dma_wait3A_758 = tpu.memref_squeeze %dma_wait3A_757 : memref<1x80xi32, #tpu.memory_space<hbm>> -> memref<80xi32, #tpu.memory_space<hbm>>
      tpu.wait_dma2 semaphore(%arg23 : memref<!tpu.dma_semaphore, #tpu.memory_space<semaphore_mem>>) src(%dma_wait3A_758 : memref<80xi32, #tpu.memory_space<hbm>>) dst(%arg10 : memref<80xi32, #tpu.memory_space<vmem>>)
      %dma_wait3A_759 = arith.constant 0 : i32
      %dma_wait3A_760 = arith.constant 0 : i32
      %dma_wait3A_761 = arith.constant 0 : i32
      %dma_wait3A_762 = arith.constant 0 : i32
      %dma_wait3A_763 = tpu.memref_slice %arg4[%add3A, %dma_wait3A_760, %dma_wait3A_761, %dma_wait3A_762] : memref<32x125x1x80xi32, #tpu.memory_space<hbm>> -> memref<1x125x1x80xi32, #tpu.memory_space<hbm>>
      %dma_wait3A_764 = tpu.memref_squeeze %dma_wait3A_763 : memref<1x125x1x80xi32, #tpu.memory_space<hbm>> -> memref<125x1x80xi32, #tpu.memory_space<hbm>>
      %dma_wait3A_765 = arith.constant 0 : i32
      %dma_wait3A_766 = arith.constant 0 : i32
      %dma_wait3A_767 = tpu.memref_slice %dma_wait3A_764[%add3A_733, %dma_wait3A_765, %dma_wait3A_766] : memref<125x1x80xi32, #tpu.memory_space<hbm>> -> memref<1x1x80xi32, #tpu.memory_space<hbm>>
      %dma_wait3A_768 = tpu.memref_squeeze %dma_wait3A_767 : memref<1x1x80xi32, #tpu.memory_space<hbm>> -> memref<1x80xi32, #tpu.memory_space<hbm>>
      %dma_wait3A_769 = arith.constant 0 : i32
      %dma_wait3A_770 = tpu.memref_slice %dma_wait3A_768[%dma_wait3A_759, %dma_wait3A_769] : memref<1x80xi32, #tpu.memory_space<hbm>> -> memref<1x80xi32, #tpu.memory_space<hbm>>
      %dma_wait3A_771 = tpu.memref_squeeze %dma_wait3A_770 : memref<1x80xi32, #tpu.memory_space<hbm>> -> memref<80xi32, #tpu.memory_space<hbm>>
      %dma_wait3A_772 = arith.constant 0 : i32
      %dma_wait3A_773 = arith.constant 0 : i32
      %dma_wait3A_774 = arith.constant 0 : i32
      %dma_wait3A_775 = tpu.memref_slice %arg4[%add3A, %dma_wait3A_772, %dma_wait3A_773, %dma_wait3A_774] : memref<32x125x1x80xi32, #tpu.memory_space<hbm>> -> memref<1x125x1x80xi32, #tpu.memory_space<hbm>>
      %dma_wait3A_776 = tpu.memref_squeeze %dma_wait3A_775 : memref<1x125x1x80xi32, #tpu.memory_space<hbm>> -> memref<125x1x80xi32, #tpu.memory_space<hbm>>
      %dma_wait3A_777 = arith.constant 0 : i32
      %dma_wait3A_778 = arith.constant 0 : i32
      %dma_wait3A_779 = tpu.memref_slice %dma_wait3A_776[%add3A_733, %dma_wait3A_777, %dma_wait3A_778] : memref<125x1x80xi32, #tpu.memory_space<hbm>> -> memref<1x1x80xi32, #tpu.memory_space<hbm>>
      %dma_wait3A_780 = tpu.memref_squeeze %dma_wait3A_779 : memref<1x1x80xi32, #tpu.memory_space<hbm>> -> memref<1x80xi32, #tpu.memory_space<hbm>>
      %dma_wait3A_781 = arith.constant 0 : i32
      %dma_wait3A_782 = tpu.memref_slice %dma_wait3A_780[%dma_wait3A_759, %dma_wait3A_781] : memref<1x80xi32, #tpu.memory_space<hbm>> -> memref<1x80xi32, #tpu.memory_space<hbm>>
      %dma_wait3A_783 = tpu.memref_squeeze %dma_wait3A_782 : memref<1x80xi32, #tpu.memory_space<hbm>> -> memref<80xi32, #tpu.memory_space<hbm>>
      tpu.wait_dma2 semaphore(%arg23 : memref<!tpu.dma_semaphore, #tpu.memory_space<semaphore_mem>>) src(%dma_wait3A_783 : memref<80xi32, #tpu.memory_space<hbm>>) dst(%arg13 : memref<80xi32, #tpu.memory_space<vmem>>)
      %dma_start3A_784 = arith.constant 0 : i32
      %dma_start3A_785 = arith.constant 0 : i32
      %dma_start3A_786 = tpu.memref_slice %arg2[%dma_start3A_784, %dma_start3A_785] : memref<10000x128xf32, #tpu.memory_space<hbm>> -> memref<10000x128xf32, #tpu.memory_space<hbm>>
      tpu.enqueue_indirect_dma source(%dma_start3A_786 : memref<10000x128xf32, #tpu.memory_space<hbm>>) target(%arg16 : memref<80x128xf32, #tpu.memory_space<vmem>>) offsets(%arg10 : memref<80xi32, #tpu.memory_space<vmem>>) semaphore(%arg20 : memref<!tpu.dma_semaphore, #tpu.memory_space<semaphore_mem>>)
      %dma_wait3A_787 = arith.constant 0 : i32
      %dma_wait3A_788 = arith.constant 0 : i32
      %dma_wait3A_789 = tpu.memref_slice %arg17[%dma_wait3A_787, %dma_wait3A_788] : memref<10240x128xf32, #tpu.memory_space<vmem_shared>> -> memref<10240x128xf32, #tpu.memory_space<vmem_shared>>
      tpu.wait_indirect_dma semaphore(%arg24 : memref<!tpu.dma_semaphore, #tpu.memory_space<semaphore_mem>>) src(%arg14 : memref<80x128xf32, #tpu.memory_space<vmem>>) dst(%dma_wait3A_789 : memref<10240x128xf32, #tpu.memory_space<vmem_shared>>)
      %add3A_790 = arith.constant 2 : i32
      %add3A_791 = arith.addi %add3A_731, %add3A_790 : i32
      %min3A = arith.constant 124 : i32
      %min3A_792 = arith.minsi %add3A_791, %min3A : i32
      %dma_start3A_793 = arith.constant 0 : i32
      %dma_start3A_794 = arith.constant 0 : i32
      %dma_start3A_795 = arith.constant 0 : i32
      %dma_start3A_796 = arith.constant 0 : i32
      %dma_start3A_797 = tpu.memref_slice %arg3[%add3A, %dma_start3A_794, %dma_start3A_795, %dma_start3A_796] : memref<32x125x1x80xi32, #tpu.memory_space<hbm>> -> memref<1x125x1x80xi32, #tpu.memory_space<hbm>>
      %dma_start3A_798 = tpu.memref_squeeze %dma_start3A_797 : memref<1x125x1x80xi32, #tpu.memory_space<hbm>> -> memref<125x1x80xi32, #tpu.memory_space<hbm>>
      %dma_start3A_799 = arith.constant 0 : i32
      %dma_start3A_800 = arith.constant 0 : i32
      %dma_start3A_801 = tpu.memref_slice %dma_start3A_798[%min3A_792, %dma_start3A_799, %dma_start3A_800] : memref<125x1x80xi32, #tpu.memory_space<hbm>> -> memref<1x1x80xi32, #tpu.memory_space<hbm>>
      %dma_start3A_802 = tpu.memref_squeeze %dma_start3A_801 : memref<1x1x80xi32, #tpu.memory_space<hbm>> -> memref<1x80xi32, #tpu.memory_space<hbm>>
      %dma_start3A_803 = arith.constant 0 : i32
      %dma_start3A_804 = tpu.memref_slice %dma_start3A_802[%dma_start3A_793, %dma_start3A_803] : memref<1x80xi32, #tpu.memory_space<hbm>> -> memref<1x80xi32, #tpu.memory_space<hbm>>
      %dma_start3A_805 = tpu.memref_squeeze %dma_start3A_804 : memref<1x80xi32, #tpu.memory_space<hbm>> -> memref<80xi32, #tpu.memory_space<hbm>>
      %dma_start3A_806 = arith.constant 0 : i32
      %dma_start3A_807 = arith.constant 0 : i32
      %dma_start3A_808 = arith.constant 0 : i32
      %dma_start3A_809 = tpu.memref_slice %arg3[%add3A, %dma_start3A_806, %dma_start3A_807, %dma_start3A_808] : memref<32x125x1x80xi32, #tpu.memory_space<hbm>> -> memref<1x125x1x80xi32, #tpu.memory_space<hbm>>
      %dma_start3A_810 = tpu.memref_squeeze %dma_start3A_809 : memref<1x125x1x80xi32, #tpu.memory_space<hbm>> -> memref<125x1x80xi32, #tpu.memory_space<hbm>>
      %dma_start3A_811 = arith.constant 0 : i32
      %dma_start3A_812 = arith.constant 0 : i32
      %dma_start3A_813 = tpu.memref_slice %dma_start3A_810[%min3A_792, %dma_start3A_811, %dma_start3A_812] : memref<125x1x80xi32, #tpu.memory_space<hbm>> -> memref<1x1x80xi32, #tpu.memory_space<hbm>>
      %dma_start3A_814 = tpu.memref_squeeze %dma_start3A_813 : memref<1x1x80xi32, #tpu.memory_space<hbm>> -> memref<1x80xi32, #tpu.memory_space<hbm>>
      %dma_start3A_815 = arith.constant 0 : i32
      %dma_start3A_816 = tpu.memref_slice %dma_start3A_814[%dma_start3A_793, %dma_start3A_815] : memref<1x80xi32, #tpu.memory_space<hbm>> -> memref<1x80xi32, #tpu.memory_space<hbm>>
      %dma_start3A_817 = tpu.memref_squeeze %dma_start3A_816 : memref<1x80xi32, #tpu.memory_space<hbm>> -> memref<80xi32, #tpu.memory_space<hbm>>
      tpu.enqueue_dma source(%dma_start3A_817 : memref<80xi32, #tpu.memory_space<hbm>>) target(%arg8 : memref<80xi32, #tpu.memory_space<vmem>>) target_semaphore(%arg21 : memref<!tpu.dma_semaphore, #tpu.memory_space<semaphore_mem>>)
      %dma_start3A_818 = arith.constant 0 : i32
      %dma_start3A_819 = arith.constant 0 : i32
      %dma_start3A_820 = arith.constant 0 : i32
      %dma_start3A_821 = arith.constant 0 : i32
      %dma_start3A_822 = tpu.memref_slice %arg4[%add3A, %dma_start3A_819, %dma_start3A_820, %dma_start3A_821] : memref<32x125x1x80xi32, #tpu.memory_space<hbm>> -> memref<1x125x1x80xi32, #tpu.memory_space<hbm>>
      %dma_start3A_823 = tpu.memref_squeeze %dma_start3A_822 : memref<1x125x1x80xi32, #tpu.memory_space<hbm>> -> memref<125x1x80xi32, #tpu.memory_space<hbm>>
      %dma_start3A_824 = arith.constant 0 : i32
      %dma_start3A_825 = arith.constant 0 : i32
      %dma_start3A_826 = tpu.memref_slice %dma_start3A_823[%min3A_792, %dma_start3A_824, %dma_start3A_825] : memref<125x1x80xi32, #tpu.memory_space<hbm>> -> memref<1x1x80xi32, #tpu.memory_space<hbm>>
      %dma_start3A_827 = tpu.memref_squeeze %dma_start3A_826 : memref<1x1x80xi32, #tpu.memory_space<hbm>> -> memref<1x80xi32, #tpu.memory_space<hbm>>
      %dma_start3A_828 = arith.constant 0 : i32
      %dma_start3A_829 = tpu.memref_slice %dma_start3A_827[%dma_start3A_818, %dma_start3A_828] : memref<1x80xi32, #tpu.memory_space<hbm>> -> memref<1x80xi32, #tpu.memory_space<hbm>>
      %dma_start3A_830 = tpu.memref_squeeze %dma_start3A_829 : memref<1x80xi32, #tpu.memory_space<hbm>> -> memref<80xi32, #tpu.memory_space<hbm>>
      %dma_start3A_831 = arith.constant 0 : i32
      %dma_start3A_832 = arith.constant 0 : i32
      %dma_start3A_833 = arith.constant 0 : i32
      %dma_start3A_834 = tpu.memref_slice %arg4[%add3A, %dma_start3A_831, %dma_start3A_832, %dma_start3A_833] : memref<32x125x1x80xi32, #tpu.memory_space<hbm>> -> memref<1x125x1x80xi32, #tpu.memory_space<hbm>>
      %dma_start3A_835 = tpu.memref_squeeze %dma_start3A_834 : memref<1x125x1x80xi32, #tpu.memory_space<hbm>> -> memref<125x1x80xi32, #tpu.memory_space<hbm>>
      %dma_start3A_836 = arith.constant 0 : i32
      %dma_start3A_837 = arith.constant 0 : i32
      %dma_start3A_838 = tpu.memref_slice %dma_start3A_835[%min3A_792, %dma_start3A_836, %dma_start3A_837] : memref<125x1x80xi32, #tpu.memory_space<hbm>> -> memref<1x1x80xi32, #tpu.memory_space<hbm>>
      %dma_start3A_839 = tpu.memref_squeeze %dma_start3A_838 : memref<1x1x80xi32, #tpu.memory_space<hbm>> -> memref<1x80xi32, #tpu.memory_space<hbm>>
      %dma_start3A_840 = arith.constant 0 : i32
      %dma_start3A_841 = tpu.memref_slice %dma_start3A_839[%dma_start3A_818, %dma_start3A_840] : memref<1x80xi32, #tpu.memory_space<hbm>> -> memref<1x80xi32, #tpu.memory_space<hbm>>
      %dma_start3A_842 = tpu.memref_squeeze %dma_start3A_841 : memref<1x80xi32, #tpu.memory_space<hbm>> -> memref<80xi32, #tpu.memory_space<hbm>>
      tpu.enqueue_dma source(%dma_start3A_842 : memref<80xi32, #tpu.memory_space<hbm>>) target(%arg11 : memref<80xi32, #tpu.memory_space<vmem>>) target_semaphore(%arg21 : memref<!tpu.dma_semaphore, #tpu.memory_space<semaphore_mem>>)
      %dma_wait3A_843 = arith.constant 0 : i32
      %dma_wait3A_844 = arith.constant 0 : i32
      %dma_wait3A_845 = tpu.memref_slice %arg2[%dma_wait3A_843, %dma_wait3A_844] : memref<10000x128xf32, #tpu.memory_space<hbm>> -> memref<10000x128xf32, #tpu.memory_space<hbm>>
      tpu.wait_indirect_dma semaphore(%arg19 : memref<!tpu.dma_semaphore, #tpu.memory_space<semaphore_mem>>) src(%dma_wait3A_845 : memref<10000x128xf32, #tpu.memory_space<hbm>>) dst(%arg15 : memref<80x128xf32, #tpu.memory_space<vmem>>)
      %dma_start3A_846 = arith.constant 0 : i32
      %dma_start3A_847 = arith.constant 0 : i32
      %dma_start3A_848 = tpu.memref_slice %arg17[%dma_start3A_846, %dma_start3A_847] : memref<10240x128xf32, #tpu.memory_space<vmem_shared>> -> memref<10240x128xf32, #tpu.memory_space<vmem_shared>>
      tpu.enqueue_indirect_dma source(%arg15 : memref<80x128xf32, #tpu.memory_space<vmem>>) target(%dma_start3A_848 : memref<10240x128xf32, #tpu.memory_space<vmem_shared>>) offsets(%arg12 : memref<80xi32, #tpu.memory_space<vmem>>) semaphore(%arg25 : memref<!tpu.dma_semaphore, #tpu.memory_space<semaphore_mem>>) {add = true}
      %add3A_849 = arith.constant 1 : i32
      %add3A_850 = arith.addi %add3A_729, %add3A_849 : i32
      %add3A_851 = arith.constant 1 : i32
      %add3A_852 = arith.addi %add3A_850, %add3A_851 : i32
      %dma_wait3A_853 = arith.constant 0 : i32
      %dma_wait3A_854 = arith.constant 0 : i32
      %dma_wait3A_855 = arith.constant 0 : i32
      %dma_wait3A_856 = arith.constant 0 : i32
      %dma_wait3A_857 = tpu.memref_slice %arg3[%add3A, %dma_wait3A_854, %dma_wait3A_855, %dma_wait3A_856] : memref<32x125x1x80xi32, #tpu.memory_space<hbm>> -> memref<1x125x1x80xi32, #tpu.memory_space<hbm>>
      %dma_wait3A_858 = tpu.memref_squeeze %dma_wait3A_857 : memref<1x125x1x80xi32, #tpu.memory_space<hbm>> -> memref<125x1x80xi32, #tpu.memory_space<hbm>>
      %dma_wait3A_859 = arith.constant 0 : i32
      %dma_wait3A_860 = arith.constant 0 : i32
      %dma_wait3A_861 = tpu.memref_slice %dma_wait3A_858[%add3A_852, %dma_wait3A_859, %dma_wait3A_860] : memref<125x1x80xi32, #tpu.memory_space<hbm>> -> memref<1x1x80xi32, #tpu.memory_space<hbm>>
      %dma_wait3A_862 = tpu.memref_squeeze %dma_wait3A_861 : memref<1x1x80xi32, #tpu.memory_space<hbm>> -> memref<1x80xi32, #tpu.memory_space<hbm>>
      %dma_wait3A_863 = arith.constant 0 : i32
      %dma_wait3A_864 = tpu.memref_slice %dma_wait3A_862[%dma_wait3A_853, %dma_wait3A_863] : memref<1x80xi32, #tpu.memory_space<hbm>> -> memref<1x80xi32, #tpu.memory_space<hbm>>
      %dma_wait3A_865 = tpu.memref_squeeze %dma_wait3A_864 : memref<1x80xi32, #tpu.memory_space<hbm>> -> memref<80xi32, #tpu.memory_space<hbm>>
      %dma_wait3A_866 = arith.constant 0 : i32
      %dma_wait3A_867 = arith.constant 0 : i32
      %dma_wait3A_868 = arith.constant 0 : i32
      %dma_wait3A_869 = tpu.memref_slice %arg3[%add3A, %dma_wait3A_866, %dma_wait3A_867, %dma_wait3A_868] : memref<32x125x1x80xi32, #tpu.memory_space<hbm>> -> memref<1x125x1x80xi32, #tpu.memory_space<hbm>>
      %dma_wait3A_870 = tpu.memref_squeeze %dma_wait3A_869 : memref<1x125x1x80xi32, #tpu.memory_space<hbm>> -> memref<125x1x80xi32, #tpu.memory_space<hbm>>
      %dma_wait3A_871 = arith.constant 0 : i32
      %dma_wait3A_872 = arith.constant 0 : i32
      %dma_wait3A_873 = tpu.memref_slice %dma_wait3A_870[%add3A_852, %dma_wait3A_871, %dma_wait3A_872] : memref<125x1x80xi32, #tpu.memory_space<hbm>> -> memref<1x1x80xi32, #tpu.memory_space<hbm>>
      %dma_wait3A_874 = tpu.memref_squeeze %dma_wait3A_873 : memref<1x1x80xi32, #tpu.memory_space<hbm>> -> memref<1x80xi32, #tpu.memory_space<hbm>>
      %dma_wait3A_875 = arith.constant 0 : i32
      %dma_wait3A_876 = tpu.memref_slice %dma_wait3A_874[%dma_wait3A_853, %dma_wait3A_875] : memref<1x80xi32, #tpu.memory_space<hbm>> -> memref<1x80xi32, #tpu.memory_space<hbm>>
      %dma_wait3A_877 = tpu.memref_squeeze %dma_wait3A_876 : memref<1x80xi32, #tpu.memory_space<hbm>> -> memref<80xi32, #tpu.memory_space<hbm>>
      tpu.wait_dma2 semaphore(%arg21 : memref<!tpu.dma_semaphore, #tpu.memory_space<semaphore_mem>>) src(%dma_wait3A_877 : memref<80xi32, #tpu.memory_space<hbm>>) dst(%arg8 : memref<80xi32, #tpu.memory_space<vmem>>)
      %dma_wait3A_878 = arith.constant 0 : i32
      %dma_wait3A_879 = arith.constant 0 : i32
      %dma_wait3A_880 = arith.constant 0 : i32
      %dma_wait3A_881 = arith.constant 0 : i32
      %dma_wait3A_882 = tpu.memref_slice %arg4[%add3A, %dma_wait3A_879, %dma_wait3A_880, %dma_wait3A_881] : memref<32x125x1x80xi32, #tpu.memory_space<hbm>> -> memref<1x125x1x80xi32, #tpu.memory_space<hbm>>
      %dma_wait3A_883 = tpu.memref_squeeze %dma_wait3A_882 : memref<1x125x1x80xi32, #tpu.memory_space<hbm>> -> memref<125x1x80xi32, #tpu.memory_space<hbm>>
      %dma_wait3A_884 = arith.constant 0 : i32
      %dma_wait3A_885 = arith.constant 0 : i32
      %dma_wait3A_886 = tpu.memref_slice %dma_wait3A_883[%add3A_852, %dma_wait3A_884, %dma_wait3A_885] : memref<125x1x80xi32, #tpu.memory_space<hbm>> -> memref<1x1x80xi32, #tpu.memory_space<hbm>>
      %dma_wait3A_887 = tpu.memref_squeeze %dma_wait3A_886 : memref<1x1x80xi32, #tpu.memory_space<hbm>> -> memref<1x80xi32, #tpu.memory_space<hbm>>
      %dma_wait3A_888 = arith.constant 0 : i32
      %dma_wait3A_889 = tpu.memref_slice %dma_wait3A_887[%dma_wait3A_878, %dma_wait3A_888] : memref<1x80xi32, #tpu.memory_space<hbm>> -> memref<1x80xi32, #tpu.memory_space<hbm>>
      %dma_wait3A_890 = tpu.memref_squeeze %dma_wait3A_889 : memref<1x80xi32, #tpu.memory_space<hbm>> -> memref<80xi32, #tpu.memory_space<hbm>>
      %dma_wait3A_891 = arith.constant 0 : i32
      %dma_wait3A_892 = arith.constant 0 : i32
      %dma_wait3A_893 = arith.constant 0 : i32
      %dma_wait3A_894 = tpu.memref_slice %arg4[%add3A, %dma_wait3A_891, %dma_wait3A_892, %dma_wait3A_893] : memref<32x125x1x80xi32, #tpu.memory_space<hbm>> -> memref<1x125x1x80xi32, #tpu.memory_space<hbm>>
      %dma_wait3A_895 = tpu.memref_squeeze %dma_wait3A_894 : memref<1x125x1x80xi32, #tpu.memory_space<hbm>> -> memref<125x1x80xi32, #tpu.memory_space<hbm>>
      %dma_wait3A_896 = arith.constant 0 : i32
      %dma_wait3A_897 = arith.constant 0 : i32
      %dma_wait3A_898 = tpu.memref_slice %dma_wait3A_895[%add3A_852, %dma_wait3A_896, %dma_wait3A_897] : memref<125x1x80xi32, #tpu.memory_space<hbm>> -> memref<1x1x80xi32, #tpu.memory_space<hbm>>
      %dma_wait3A_899 = tpu.memref_squeeze %dma_wait3A_898 : memref<1x1x80xi32, #tpu.memory_space<hbm>> -> memref<1x80xi32, #tpu.memory_space<hbm>>
      %dma_wait3A_900 = arith.constant 0 : i32
      %dma_wait3A_901 = tpu.memref_slice %dma_wait3A_899[%dma_wait3A_878, %dma_wait3A_900] : memref<1x80xi32, #tpu.memory_space<hbm>> -> memref<1x80xi32, #tpu.memory_space<hbm>>
      %dma_wait3A_902 = tpu.memref_squeeze %dma_wait3A_901 : memref<1x80xi32, #tpu.memory_space<hbm>> -> memref<80xi32, #tpu.memory_space<hbm>>
      tpu.wait_dma2 semaphore(%arg21 : memref<!tpu.dma_semaphore, #tpu.memory_space<semaphore_mem>>) src(%dma_wait3A_902 : memref<80xi32, #tpu.memory_space<hbm>>) dst(%arg11 : memref<80xi32, #tpu.memory_space<vmem>>)
      %dma_start3A_903 = arith.constant 0 : i32
      %dma_start3A_904 = arith.constant 0 : i32
      %dma_start3A_905 = tpu.memref_slice %arg2[%dma_start3A_903, %dma_start3A_904] : memref<10000x128xf32, #tpu.memory_space<hbm>> -> memref<10000x128xf32, #tpu.memory_space<hbm>>
      tpu.enqueue_indirect_dma source(%dma_start3A_905 : memref<10000x128xf32, #tpu.memory_space<hbm>>) target(%arg14 : memref<80x128xf32, #tpu.memory_space<vmem>>) offsets(%arg8 : memref<80xi32, #tpu.memory_space<vmem>>) semaphore(%arg18 : memref<!tpu.dma_semaphore, #tpu.memory_space<semaphore_mem>>)
      %dma_wait3A_906 = arith.constant 0 : i32
      %dma_wait3A_907 = arith.constant 0 : i32
      %dma_wait3A_908 = tpu.memref_slice %arg17[%dma_wait3A_906, %dma_wait3A_907] : memref<10240x128xf32, #tpu.memory_space<vmem_shared>> -> memref<10240x128xf32, #tpu.memory_space<vmem_shared>>
      tpu.wait_indirect_dma semaphore(%arg25 : memref<!tpu.dma_semaphore, #tpu.memory_space<semaphore_mem>>) src(%arg15 : memref<80x128xf32, #tpu.memory_space<vmem>>) dst(%dma_wait3A_908 : memref<10240x128xf32, #tpu.memory_space<vmem_shared>>)
      %add3A_909 = arith.constant 2 : i32
      %add3A_910 = arith.addi %add3A_850, %add3A_909 : i32
      %min3A_911 = arith.constant 124 : i32
      %min3A_912 = arith.minsi %add3A_910, %min3A_911 : i32
      %dma_start3A_913 = arith.constant 0 : i32
      %dma_start3A_914 = arith.constant 0 : i32
      %dma_start3A_915 = arith.constant 0 : i32
      %dma_start3A_916 = arith.constant 0 : i32
      %dma_start3A_917 = tpu.memref_slice %arg3[%add3A, %dma_start3A_914, %dma_start3A_915, %dma_start3A_916] : memref<32x125x1x80xi32, #tpu.memory_space<hbm>> -> memref<1x125x1x80xi32, #tpu.memory_space<hbm>>
      %dma_start3A_918 = tpu.memref_squeeze %dma_start3A_917 : memref<1x125x1x80xi32, #tpu.memory_space<hbm>> -> memref<125x1x80xi32, #tpu.memory_space<hbm>>
      %dma_start3A_919 = arith.constant 0 : i32
      %dma_start3A_920 = arith.constant 0 : i32
      %dma_start3A_921 = tpu.memref_slice %dma_start3A_918[%min3A_912, %dma_start3A_919, %dma_start3A_920] : memref<125x1x80xi32, #tpu.memory_space<hbm>> -> memref<1x1x80xi32, #tpu.memory_space<hbm>>
      %dma_start3A_922 = tpu.memref_squeeze %dma_start3A_921 : memref<1x1x80xi32, #tpu.memory_space<hbm>> -> memref<1x80xi32, #tpu.memory_space<hbm>>
      %dma_start3A_923 = arith.constant 0 : i32
      %dma_start3A_924 = tpu.memref_slice %dma_start3A_922[%dma_start3A_913, %dma_start3A_923] : memref<1x80xi32, #tpu.memory_space<hbm>> -> memref<1x80xi32, #tpu.memory_space<hbm>>
      %dma_start3A_925 = tpu.memref_squeeze %dma_start3A_924 : memref<1x80xi32, #tpu.memory_space<hbm>> -> memref<80xi32, #tpu.memory_space<hbm>>
      %dma_start3A_926 = arith.constant 0 : i32
      %dma_start3A_927 = arith.constant 0 : i32
      %dma_start3A_928 = arith.constant 0 : i32
      %dma_start3A_929 = tpu.memref_slice %arg3[%add3A, %dma_start3A_926, %dma_start3A_927, %dma_start3A_928] : memref<32x125x1x80xi32, #tpu.memory_space<hbm>> -> memref<1x125x1x80xi32, #tpu.memory_space<hbm>>
      %dma_start3A_930 = tpu.memref_squeeze %dma_start3A_929 : memref<1x125x1x80xi32, #tpu.memory_space<hbm>> -> memref<125x1x80xi32, #tpu.memory_space<hbm>>
      %dma_start3A_931 = arith.constant 0 : i32
      %dma_start3A_932 = arith.constant 0 : i32
      %dma_start3A_933 = tpu.memref_slice %dma_start3A_930[%min3A_912, %dma_start3A_931, %dma_start3A_932] : memref<125x1x80xi32, #tpu.memory_space<hbm>> -> memref<1x1x80xi32, #tpu.memory_space<hbm>>
      %dma_start3A_934 = tpu.memref_squeeze %dma_start3A_933 : memref<1x1x80xi32, #tpu.memory_space<hbm>> -> memref<1x80xi32, #tpu.memory_space<hbm>>
      %dma_start3A_935 = arith.constant 0 : i32
      %dma_start3A_936 = tpu.memref_slice %dma_start3A_934[%dma_start3A_913, %dma_start3A_935] : memref<1x80xi32, #tpu.memory_space<hbm>> -> memref<1x80xi32, #tpu.memory_space<hbm>>
      %dma_start3A_937 = tpu.memref_squeeze %dma_start3A_936 : memref<1x80xi32, #tpu.memory_space<hbm>> -> memref<80xi32, #tpu.memory_space<hbm>>
      tpu.enqueue_dma source(%dma_start3A_937 : memref<80xi32, #tpu.memory_space<hbm>>) target(%arg9 : memref<80xi32, #tpu.memory_space<vmem>>) target_semaphore(%arg22 : memref<!tpu.dma_semaphore, #tpu.memory_space<semaphore_mem>>)
      %dma_start3A_938 = arith.constant 0 : i32
      %dma_start3A_939 = arith.constant 0 : i32
      %dma_start3A_940 = arith.constant 0 : i32
      %dma_start3A_941 = arith.constant 0 : i32
      %dma_start3A_942 = tpu.memref_slice %arg4[%add3A, %dma_start3A_939, %dma_start3A_940, %dma_start3A_941] : memref<32x125x1x80xi32, #tpu.memory_space<hbm>> -> memref<1x125x1x80xi32, #tpu.memory_space<hbm>>
      %dma_start3A_943 = tpu.memref_squeeze %dma_start3A_942 : memref<1x125x1x80xi32, #tpu.memory_space<hbm>> -> memref<125x1x80xi32, #tpu.memory_space<hbm>>
      %dma_start3A_944 = arith.constant 0 : i32
      %dma_start3A_945 = arith.constant 0 : i32
      %dma_start3A_946 = tpu.memref_slice %dma_start3A_943[%min3A_912, %dma_start3A_944, %dma_start3A_945] : memref<125x1x80xi32, #tpu.memory_space<hbm>> -> memref<1x1x80xi32, #tpu.memory_space<hbm>>
      %dma_start3A_947 = tpu.memref_squeeze %dma_start3A_946 : memref<1x1x80xi32, #tpu.memory_space<hbm>> -> memref<1x80xi32, #tpu.memory_space<hbm>>
      %dma_start3A_948 = arith.constant 0 : i32
      %dma_start3A_949 = tpu.memref_slice %dma_start3A_947[%dma_start3A_938, %dma_start3A_948] : memref<1x80xi32, #tpu.memory_space<hbm>> -> memref<1x80xi32, #tpu.memory_space<hbm>>
      %dma_start3A_950 = tpu.memref_squeeze %dma_start3A_949 : memref<1x80xi32, #tpu.memory_space<hbm>> -> memref<80xi32, #tpu.memory_space<hbm>>
      %dma_start3A_951 = arith.constant 0 : i32
      %dma_start3A_952 = arith.constant 0 : i32
      %dma_start3A_953 = arith.constant 0 : i32
      %dma_start3A_954 = tpu.memref_slice %arg4[%add3A, %dma_start3A_951, %dma_start3A_952, %dma_start3A_953] : memref<32x125x1x80xi32, #tpu.memory_space<hbm>> -> memref<1x125x1x80xi32, #tpu.memory_space<hbm>>
      %dma_start3A_955 = tpu.memref_squeeze %dma_start3A_954 : memref<1x125x1x80xi32, #tpu.memory_space<hbm>> -> memref<125x1x80xi32, #tpu.memory_space<hbm>>
      %dma_start3A_956 = arith.constant 0 : i32
      %dma_start3A_957 = arith.constant 0 : i32
      %dma_start3A_958 = tpu.memref_slice %dma_start3A_955[%min3A_912, %dma_start3A_956, %dma_start3A_957] : memref<125x1x80xi32, #tpu.memory_space<hbm>> -> memref<1x1x80xi32, #tpu.memory_space<hbm>>
      %dma_start3A_959 = tpu.memref_squeeze %dma_start3A_958 : memref<1x1x80xi32, #tpu.memory_space<hbm>> -> memref<1x80xi32, #tpu.memory_space<hbm>>
      %dma_start3A_960 = arith.constant 0 : i32
      %dma_start3A_961 = tpu.memref_slice %dma_start3A_959[%dma_start3A_938, %dma_start3A_960] : memref<1x80xi32, #tpu.memory_space<hbm>> -> memref<1x80xi32, #tpu.memory_space<hbm>>
      %dma_start3A_962 = tpu.memref_squeeze %dma_start3A_961 : memref<1x80xi32, #tpu.memory_space<hbm>> -> memref<80xi32, #tpu.memory_space<hbm>>
      tpu.enqueue_dma source(%dma_start3A_962 : memref<80xi32, #tpu.memory_space<hbm>>) target(%arg12 : memref<80xi32, #tpu.memory_space<vmem>>) target_semaphore(%arg22 : memref<!tpu.dma_semaphore, #tpu.memory_space<semaphore_mem>>)
      %dma_wait3A_963 = arith.constant 0 : i32
      %dma_wait3A_964 = arith.constant 0 : i32
      %dma_wait3A_965 = tpu.memref_slice %arg2[%dma_wait3A_963, %dma_wait3A_964] : memref<10000x128xf32, #tpu.memory_space<hbm>> -> memref<10000x128xf32, #tpu.memory_space<hbm>>
      tpu.wait_indirect_dma semaphore(%arg20 : memref<!tpu.dma_semaphore, #tpu.memory_space<semaphore_mem>>) src(%dma_wait3A_965 : memref<10000x128xf32, #tpu.memory_space<hbm>>) dst(%arg16 : memref<80x128xf32, #tpu.memory_space<vmem>>)
      %dma_start3A_966 = arith.constant 0 : i32
      %dma_start3A_967 = arith.constant 0 : i32
      %dma_start3A_968 = tpu.memref_slice %arg17[%dma_start3A_966, %dma_start3A_967] : memref<10240x128xf32, #tpu.memory_space<vmem_shared>> -> memref<10240x128xf32, #tpu.memory_space<vmem_shared>>
      tpu.enqueue_indirect_dma source(%arg16 : memref<80x128xf32, #tpu.memory_space<vmem>>) target(%dma_start3A_968 : memref<10240x128xf32, #tpu.memory_space<vmem_shared>>) offsets(%arg13 : memref<80xi32, #tpu.memory_space<vmem>>) semaphore(%arg26 : memref<!tpu.dma_semaphore, #tpu.memory_space<semaphore_mem>>) {add = true}
      %add3A_969 = arith.constant 2 : i32
      %add3A_970 = arith.addi %add3A_729, %add3A_969 : i32
      %add3A_971 = arith.constant 1 : i32
      %add3A_972 = arith.addi %add3A_970, %add3A_971 : i32
      %dma_wait3A_973 = arith.constant 0 : i32
      %dma_wait3A_974 = arith.constant 0 : i32
      %dma_wait3A_975 = arith.constant 0 : i32
      %dma_wait3A_976 = arith.constant 0 : i32
      %dma_wait3A_977 = tpu.memref_slice %arg3[%add3A, %dma_wait3A_974, %dma_wait3A_975, %dma_wait3A_976] : memref<32x125x1x80xi32, #tpu.memory_space<hbm>> -> memref<1x125x1x80xi32, #tpu.memory_space<hbm>>
      %dma_wait3A_978 = tpu.memref_squeeze %dma_wait3A_977 : memref<1x125x1x80xi32, #tpu.memory_space<hbm>> -> memref<125x1x80xi32, #tpu.memory_space<hbm>>
      %dma_wait3A_979 = arith.constant 0 : i32
      %dma_wait3A_980 = arith.constant 0 : i32
      %dma_wait3A_981 = tpu.memref_slice %dma_wait3A_978[%add3A_972, %dma_wait3A_979, %dma_wait3A_980] : memref<125x1x80xi32, #tpu.memory_space<hbm>> -> memref<1x1x80xi32, #tpu.memory_space<hbm>>
      %dma_wait3A_982 = tpu.memref_squeeze %dma_wait3A_981 : memref<1x1x80xi32, #tpu.memory_space<hbm>> -> memref<1x80xi32, #tpu.memory_space<hbm>>
      %dma_wait3A_983 = arith.constant 0 : i32
      %dma_wait3A_984 = tpu.memref_slice %dma_wait3A_982[%dma_wait3A_973, %dma_wait3A_983] : memref<1x80xi32, #tpu.memory_space<hbm>> -> memref<1x80xi32, #tpu.memory_space<hbm>>
      %dma_wait3A_985 = tpu.memref_squeeze %dma_wait3A_984 : memref<1x80xi32, #tpu.memory_space<hbm>> -> memref<80xi32, #tpu.memory_space<hbm>>
      %dma_wait3A_986 = arith.constant 0 : i32
      %dma_wait3A_987 = arith.constant 0 : i32
      %dma_wait3A_988 = arith.constant 0 : i32
      %dma_wait3A_989 = tpu.memref_slice %arg3[%add3A, %dma_wait3A_986, %dma_wait3A_987, %dma_wait3A_988] : memref<32x125x1x80xi32, #tpu.memory_space<hbm>> -> memref<1x125x1x80xi32, #tpu.memory_space<hbm>>
      %dma_wait3A_990 = tpu.memref_squeeze %dma_wait3A_989 : memref<1x125x1x80xi32, #tpu.memory_space<hbm>> -> memref<125x1x80xi32, #tpu.memory_space<hbm>>
      %dma_wait3A_991 = arith.constant 0 : i32
      %dma_wait3A_992 = arith.constant 0 : i32
      %dma_wait3A_993 = tpu.memref_slice %dma_wait3A_990[%add3A_972, %dma_wait3A_991, %dma_wait3A_992] : memref<125x1x80xi32, #tpu.memory_space<hbm>> -> memref<1x1x80xi32, #tpu.memory_space<hbm>>
      %dma_wait3A_994 = tpu.memref_squeeze %dma_wait3A_993 : memref<1x1x80xi32, #tpu.memory_space<hbm>> -> memref<1x80xi32, #tpu.memory_space<hbm>>
      %dma_wait3A_995 = arith.constant 0 : i32
      %dma_wait3A_996 = tpu.memref_slice %dma_wait3A_994[%dma_wait3A_973, %dma_wait3A_995] : memref<1x80xi32, #tpu.memory_space<hbm>> -> memref<1x80xi32, #tpu.memory_space<hbm>>
      %dma_wait3A_997 = tpu.memref_squeeze %dma_wait3A_996 : memref<1x80xi32, #tpu.memory_space<hbm>> -> memref<80xi32, #tpu.memory_space<hbm>>
      tpu.wait_dma2 semaphore(%arg22 : memref<!tpu.dma_semaphore, #tpu.memory_space<semaphore_mem>>) src(%dma_wait3A_997 : memref<80xi32, #tpu.memory_space<hbm>>) dst(%arg9 : memref<80xi32, #tpu.memory_space<vmem>>)
      %dma_wait3A_998 = arith.constant 0 : i32
      %dma_wait3A_999 = arith.constant 0 : i32
      %dma_wait3A_1000 = arith.constant 0 : i32
      %dma_wait3A_1001 = arith.constant 0 : i32
      %dma_wait3A_1002 = tpu.memref_slice %arg4[%add3A, %dma_wait3A_999, %dma_wait3A_1000, %dma_wait3A_1001] : memref<32x125x1x80xi32, #tpu.memory_space<hbm>> -> memref<1x125x1x80xi32, #tpu.memory_space<hbm>>
      %dma_wait3A_1003 = tpu.memref_squeeze %dma_wait3A_1002 : memref<1x125x1x80xi32, #tpu.memory_space<hbm>> -> memref<125x1x80xi32, #tpu.memory_space<hbm>>
      %dma_wait3A_1004 = arith.constant 0 : i32
      %dma_wait3A_1005 = arith.constant 0 : i32
      %dma_wait3A_1006 = tpu.memref_slice %dma_wait3A_1003[%add3A_972, %dma_wait3A_1004, %dma_wait3A_1005] : memref<125x1x80xi32, #tpu.memory_space<hbm>> -> memref<1x1x80xi32, #tpu.memory_space<hbm>>
      %dma_wait3A_1007 = tpu.memref_squeeze %dma_wait3A_1006 : memref<1x1x80xi32, #tpu.memory_space<hbm>> -> memref<1x80xi32, #tpu.memory_space<hbm>>
      %dma_wait3A_1008 = arith.constant 0 : i32
      %dma_wait3A_1009 = tpu.memref_slice %dma_wait3A_1007[%dma_wait3A_998, %dma_wait3A_1008] : memref<1x80xi32, #tpu.memory_space<hbm>> -> memref<1x80xi32, #tpu.memory_space<hbm>>
      %dma_wait3A_1010 = tpu.memref_squeeze %dma_wait3A_1009 : memref<1x80xi32, #tpu.memory_space<hbm>> -> memref<80xi32, #tpu.memory_space<hbm>>
      %dma_wait3A_1011 = arith.constant 0 : i32
      %dma_wait3A_1012 = arith.constant 0 : i32
      %dma_wait3A_1013 = arith.constant 0 : i32
      %dma_wait3A_1014 = tpu.memref_slice %arg4[%add3A, %dma_wait3A_1011, %dma_wait3A_1012, %dma_wait3A_1013] : memref<32x125x1x80xi32, #tpu.memory_space<hbm>> -> memref<1x125x1x80xi32, #tpu.memory_space<hbm>>
      %dma_wait3A_1015 = tpu.memref_squeeze %dma_wait3A_1014 : memref<1x125x1x80xi32, #tpu.memory_space<hbm>> -> memref<125x1x80xi32, #tpu.memory_space<hbm>>
      %dma_wait3A_1016 = arith.constant 0 : i32
      %dma_wait3A_1017 = arith.constant 0 : i32
      %dma_wait3A_1018 = tpu.memref_slice %dma_wait3A_1015[%add3A_972, %dma_wait3A_1016, %dma_wait3A_1017] : memref<125x1x80xi32, #tpu.memory_space<hbm>> -> memref<1x1x80xi32, #tpu.memory_space<hbm>>
      %dma_wait3A_1019 = tpu.memref_squeeze %dma_wait3A_1018 : memref<1x1x80xi32, #tpu.memory_space<hbm>> -> memref<1x80xi32, #tpu.memory_space<hbm>>
      %dma_wait3A_1020 = arith.constant 0 : i32
      %dma_wait3A_1021 = tpu.memref_slice %dma_wait3A_1019[%dma_wait3A_998, %dma_wait3A_1020] : memref<1x80xi32, #tpu.memory_space<hbm>> -> memref<1x80xi32, #tpu.memory_space<hbm>>
      %dma_wait3A_1022 = tpu.memref_squeeze %dma_wait3A_1021 : memref<1x80xi32, #tpu.memory_space<hbm>> -> memref<80xi32, #tpu.memory_space<hbm>>
      tpu.wait_dma2 semaphore(%arg22 : memref<!tpu.dma_semaphore, #tpu.memory_space<semaphore_mem>>) src(%dma_wait3A_1022 : memref<80xi32, #tpu.memory_space<hbm>>) dst(%arg12 : memref<80xi32, #tpu.memory_space<vmem>>)
      %dma_start3A_1023 = arith.constant 0 : i32
      %dma_start3A_1024 = arith.constant 0 : i32
      %dma_start3A_1025 = tpu.memref_slice %arg2[%dma_start3A_1023, %dma_start3A_1024] : memref<10000x128xf32, #tpu.memory_space<hbm>> -> memref<10000x128xf32, #tpu.memory_space<hbm>>
      tpu.enqueue_indirect_dma source(%dma_start3A_1025 : memref<10000x128xf32, #tpu.memory_space<hbm>>) target(%arg15 : memref<80x128xf32, #tpu.memory_space<vmem>>) offsets(%arg9 : memref<80xi32, #tpu.memory_space<vmem>>) semaphore(%arg19 : memref<!tpu.dma_semaphore, #tpu.memory_space<semaphore_mem>>)
      %dma_wait3A_1026 = arith.constant 0 : i32
      %dma_wait3A_1027 = arith.constant 0 : i32
      %dma_wait3A_1028 = tpu.memref_slice %arg17[%dma_wait3A_1026, %dma_wait3A_1027] : memref<10240x128xf32, #tpu.memory_space<vmem_shared>> -> memref<10240x128xf32, #tpu.memory_space<vmem_shared>>
      tpu.wait_indirect_dma semaphore(%arg26 : memref<!tpu.dma_semaphore, #tpu.memory_space<semaphore_mem>>) src(%arg16 : memref<80x128xf32, #tpu.memory_space<vmem>>) dst(%dma_wait3A_1028 : memref<10240x128xf32, #tpu.memory_space<vmem_shared>>)
      %add3A_1029 = arith.constant 2 : i32
      %add3A_1030 = arith.addi %add3A_970, %add3A_1029 : i32
      %min3A_1031 = arith.constant 124 : i32
      %min3A_1032 = arith.minsi %add3A_1030, %min3A_1031 : i32
      %dma_start3A_1033 = arith.constant 0 : i32
      %dma_start3A_1034 = arith.constant 0 : i32
      %dma_start3A_1035 = arith.constant 0 : i32
      %dma_start3A_1036 = arith.constant 0 : i32
      %dma_start3A_1037 = tpu.memref_slice %arg3[%add3A, %dma_start3A_1034, %dma_start3A_1035, %dma_start3A_1036] : memref<32x125x1x80xi32, #tpu.memory_space<hbm>> -> memref<1x125x1x80xi32, #tpu.memory_space<hbm>>
      %dma_start3A_1038 = tpu.memref_squeeze %dma_start3A_1037 : memref<1x125x1x80xi32, #tpu.memory_space<hbm>> -> memref<125x1x80xi32, #tpu.memory_space<hbm>>
      %dma_start3A_1039 = arith.constant 0 : i32
      %dma_start3A_1040 = arith.constant 0 : i32
      %dma_start3A_1041 = tpu.memref_slice %dma_start3A_1038[%min3A_1032, %dma_start3A_1039, %dma_start3A_1040] : memref<125x1x80xi32, #tpu.memory_space<hbm>> -> memref<1x1x80xi32, #tpu.memory_space<hbm>>
      %dma_start3A_1042 = tpu.memref_squeeze %dma_start3A_1041 : memref<1x1x80xi32, #tpu.memory_space<hbm>> -> memref<1x80xi32, #tpu.memory_space<hbm>>
      %dma_start3A_1043 = arith.constant 0 : i32
      %dma_start3A_1044 = tpu.memref_slice %dma_start3A_1042[%dma_start3A_1033, %dma_start3A_1043] : memref<1x80xi32, #tpu.memory_space<hbm>> -> memref<1x80xi32, #tpu.memory_space<hbm>>
      %dma_start3A_1045 = tpu.memref_squeeze %dma_start3A_1044 : memref<1x80xi32, #tpu.memory_space<hbm>> -> memref<80xi32, #tpu.memory_space<hbm>>
      %dma_start3A_1046 = arith.constant 0 : i32
      %dma_start3A_1047 = arith.constant 0 : i32
      %dma_start3A_1048 = arith.constant 0 : i32
      %dma_start3A_1049 = tpu.memref_slice %arg3[%add3A, %dma_start3A_1046, %dma_start3A_1047, %dma_start3A_1048] : memref<32x125x1x80xi32, #tpu.memory_space<hbm>> -> memref<1x125x1x80xi32, #tpu.memory_space<hbm>>
      %dma_start3A_1050 = tpu.memref_squeeze %dma_start3A_1049 : memref<1x125x1x80xi32, #tpu.memory_space<hbm>> -> memref<125x1x80xi32, #tpu.memory_space<hbm>>
      %dma_start3A_1051 = arith.constant 0 : i32
      %dma_start3A_1052 = arith.constant 0 : i32
      %dma_start3A_1053 = tpu.memref_slice %dma_start3A_1050[%min3A_1032, %dma_start3A_1051, %dma_start3A_1052] : memref<125x1x80xi32, #tpu.memory_space<hbm>> -> memref<1x1x80xi32, #tpu.memory_space<hbm>>
      %dma_start3A_1054 = tpu.memref_squeeze %dma_start3A_1053 : memref<1x1x80xi32, #tpu.memory_space<hbm>> -> memref<1x80xi32, #tpu.memory_space<hbm>>
      %dma_start3A_1055 = arith.constant 0 : i32
      %dma_start3A_1056 = tpu.memref_slice %dma_start3A_1054[%dma_start3A_1033, %dma_start3A_1055] : memref<1x80xi32, #tpu.memory_space<hbm>> -> memref<1x80xi32, #tpu.memory_space<hbm>>
      %dma_start3A_1057 = tpu.memref_squeeze %dma_start3A_1056 : memref<1x80xi32, #tpu.memory_space<hbm>> -> memref<80xi32, #tpu.memory_space<hbm>>
      tpu.enqueue_dma source(%dma_start3A_1057 : memref<80xi32, #tpu.memory_space<hbm>>) target(%arg10 : memref<80xi32, #tpu.memory_space<vmem>>) target_semaphore(%arg23 : memref<!tpu.dma_semaphore, #tpu.memory_space<semaphore_mem>>)
      %dma_start3A_1058 = arith.constant 0 : i32
      %dma_start3A_1059 = arith.constant 0 : i32
      %dma_start3A_1060 = arith.constant 0 : i32
      %dma_start3A_1061 = arith.constant 0 : i32
      %dma_start3A_1062 = tpu.memref_slice %arg4[%add3A, %dma_start3A_1059, %dma_start3A_1060, %dma_start3A_1061] : memref<32x125x1x80xi32, #tpu.memory_space<hbm>> -> memref<1x125x1x80xi32, #tpu.memory_space<hbm>>
      %dma_start3A_1063 = tpu.memref_squeeze %dma_start3A_1062 : memref<1x125x1x80xi32, #tpu.memory_space<hbm>> -> memref<125x1x80xi32, #tpu.memory_space<hbm>>
      %dma_start3A_1064 = arith.constant 0 : i32
      %dma_start3A_1065 = arith.constant 0 : i32
      %dma_start3A_1066 = tpu.memref_slice %dma_start3A_1063[%min3A_1032, %dma_start3A_1064, %dma_start3A_1065] : memref<125x1x80xi32, #tpu.memory_space<hbm>> -> memref<1x1x80xi32, #tpu.memory_space<hbm>>
      %dma_start3A_1067 = tpu.memref_squeeze %dma_start3A_1066 : memref<1x1x80xi32, #tpu.memory_space<hbm>> -> memref<1x80xi32, #tpu.memory_space<hbm>>
      %dma_start3A_1068 = arith.constant 0 : i32
      %dma_start3A_1069 = tpu.memref_slice %dma_start3A_1067[%dma_start3A_1058, %dma_start3A_1068] : memref<1x80xi32, #tpu.memory_space<hbm>> -> memref<1x80xi32, #tpu.memory_space<hbm>>
      %dma_start3A_1070 = tpu.memref_squeeze %dma_start3A_1069 : memref<1x80xi32, #tpu.memory_space<hbm>> -> memref<80xi32, #tpu.memory_space<hbm>>
      %dma_start3A_1071 = arith.constant 0 : i32
      %dma_start3A_1072 = arith.constant 0 : i32
      %dma_start3A_1073 = arith.constant 0 : i32
      %dma_start3A_1074 = tpu.memref_slice %arg4[%add3A, %dma_start3A_1071, %dma_start3A_1072, %dma_start3A_1073] : memref<32x125x1x80xi32, #tpu.memory_space<hbm>> -> memref<1x125x1x80xi32, #tpu.memory_space<hbm>>
      %dma_start3A_1075 = tpu.memref_squeeze %dma_start3A_1074 : memref<1x125x1x80xi32, #tpu.memory_space<hbm>> -> memref<125x1x80xi32, #tpu.memory_space<hbm>>
      %dma_start3A_1076 = arith.constant 0 : i32
      %dma_start3A_1077 = arith.constant 0 : i32
      %dma_start3A_1078 = tpu.memref_slice %dma_start3A_1075[%min3A_1032, %dma_start3A_1076, %dma_start3A_1077] : memref<125x1x80xi32, #tpu.memory_space<hbm>> -> memref<1x1x80xi32, #tpu.memory_space<hbm>>
      %dma_start3A_1079 = tpu.memref_squeeze %dma_start3A_1078 : memref<1x1x80xi32, #tpu.memory_space<hbm>> -> memref<1x80xi32, #tpu.memory_space<hbm>>
      %dma_start3A_1080 = arith.constant 0 : i32
      %dma_start3A_1081 = tpu.memref_slice %dma_start3A_1079[%dma_start3A_1058, %dma_start3A_1080] : memref<1x80xi32, #tpu.memory_space<hbm>> -> memref<1x80xi32, #tpu.memory_space<hbm>>
      %dma_start3A_1082 = tpu.memref_squeeze %dma_start3A_1081 : memref<1x80xi32, #tpu.memory_space<hbm>> -> memref<80xi32, #tpu.memory_space<hbm>>
      tpu.enqueue_dma source(%dma_start3A_1082 : memref<80xi32, #tpu.memory_space<hbm>>) target(%arg13 : memref<80xi32, #tpu.memory_space<vmem>>) target_semaphore(%arg23 : memref<!tpu.dma_semaphore, #tpu.memory_space<semaphore_mem>>)
      %dma_wait3A_1083 = arith.constant 0 : i32
      %dma_wait3A_1084 = arith.constant 0 : i32
      %dma_wait3A_1085 = tpu.memref_slice %arg2[%dma_wait3A_1083, %dma_wait3A_1084] : memref<10000x128xf32, #tpu.memory_space<hbm>> -> memref<10000x128xf32, #tpu.memory_space<hbm>>
      tpu.wait_indirect_dma semaphore(%arg18 : memref<!tpu.dma_semaphore, #tpu.memory_space<semaphore_mem>>) src(%dma_wait3A_1085 : memref<10000x128xf32, #tpu.memory_space<hbm>>) dst(%arg14 : memref<80x128xf32, #tpu.memory_space<vmem>>)
      %dma_start3A_1086 = arith.constant 0 : i32
      %dma_start3A_1087 = arith.constant 0 : i32
      %dma_start3A_1088 = tpu.memref_slice %arg17[%dma_start3A_1086, %dma_start3A_1087] : memref<10240x128xf32, #tpu.memory_space<vmem_shared>> -> memref<10240x128xf32, #tpu.memory_space<vmem_shared>>
      tpu.enqueue_indirect_dma source(%arg14 : memref<80x128xf32, #tpu.memory_space<vmem>>) target(%dma_start3A_1088 : memref<10240x128xf32, #tpu.memory_space<vmem_shared>>) offsets(%arg11 : memref<80xi32, #tpu.memory_space<vmem>>) semaphore(%arg24 : memref<!tpu.dma_semaphore, #tpu.memory_space<semaphore_mem>>) {add = true}
    }
    %scan3A_403 = arith.constant 41 : i32
    %dma_wait3A_404 = arith.constant 0 : i32
    %dma_wait3A_405 = arith.constant 0 : i32
    %dma_wait3A_406 = tpu.memref_slice %arg17[%dma_wait3A_404, %dma_wait3A_405] : memref<10240x128xf32, #tpu.memory_space<vmem_shared>> -> memref<10240x128xf32, #tpu.memory_space<vmem_shared>>
    tpu.wait_indirect_dma semaphore(%arg24 : memref<!tpu.dma_semaphore, #tpu.memory_space<semaphore_mem>>) src(%arg14 : memref<80x128xf32, #tpu.memory_space<vmem>>) dst(%dma_wait3A_406 : memref<10240x128xf32, #tpu.memory_space<vmem_shared>>)
    %dma_wait3A_407 = arith.constant 0 : i32
    %dma_wait3A_408 = arith.constant 0 : i32
    %dma_wait3A_409 = tpu.memref_slice %arg2[%dma_wait3A_407, %dma_wait3A_408] : memref<10000x128xf32, #tpu.memory_space<hbm>> -> memref<10000x128xf32, #tpu.memory_space<hbm>>
    tpu.wait_indirect_dma semaphore(%arg19 : memref<!tpu.dma_semaphore, #tpu.memory_space<semaphore_mem>>) src(%dma_wait3A_409 : memref<10000x128xf32, #tpu.memory_space<hbm>>) dst(%arg15 : memref<80x128xf32, #tpu.memory_space<vmem>>)
    %dma_start3A_410 = arith.constant 0 : i32
    %dma_start3A_411 = arith.constant 0 : i32
    %dma_start3A_412 = tpu.memref_slice %arg17[%dma_start3A_410, %dma_start3A_411] : memref<10240x128xf32, #tpu.memory_space<vmem_shared>> -> memref<10240x128xf32, #tpu.memory_space<vmem_shared>>
    tpu.enqueue_indirect_dma source(%arg15 : memref<80x128xf32, #tpu.memory_space<vmem>>) target(%dma_start3A_412 : memref<10240x128xf32, #tpu.memory_space<vmem_shared>>) offsets(%arg12 : memref<80xi32, #tpu.memory_space<vmem>>) semaphore(%arg25 : memref<!tpu.dma_semaphore, #tpu.memory_space<semaphore_mem>>) {add = true}
    %dma_wait3A_413 = arith.constant 0 : i32
    %dma_wait3A_414 = arith.constant 0 : i32
    %dma_wait3A_415 = tpu.memref_slice %arg17[%dma_wait3A_413, %dma_wait3A_414] : memref<10240x128xf32, #tpu.memory_space<vmem_shared>> -> memref<10240x128xf32, #tpu.memory_space<vmem_shared>>
    tpu.wait_indirect_dma semaphore(%arg25 : memref<!tpu.dma_semaphore, #tpu.memory_space<semaphore_mem>>) src(%arg15 : memref<80x128xf32, #tpu.memory_space<vmem>>) dst(%dma_wait3A_415 : memref<10240x128xf32, #tpu.memory_space<vmem_shared>>)
    %dma_wait3A_416 = arith.constant 124 : i32
    %dma_wait3A_417 = arith.constant 0 : i32
    %dma_wait3A_418 = arith.constant 0 : i32
    %dma_wait3A_419 = arith.constant 0 : i32
    %dma_wait3A_420 = arith.constant 0 : i32
    %dma_wait3A_421 = tpu.memref_slice %arg3[%add3A, %dma_wait3A_418, %dma_wait3A_419, %dma_wait3A_420] : memref<32x125x1x80xi32, #tpu.memory_space<hbm>> -> memref<1x125x1x80xi32, #tpu.memory_space<hbm>>
    %dma_wait3A_422 = tpu.memref_squeeze %dma_wait3A_421 : memref<1x125x1x80xi32, #tpu.memory_space<hbm>> -> memref<125x1x80xi32, #tpu.memory_space<hbm>>
    %dma_wait3A_423 = arith.constant 0 : i32
    %dma_wait3A_424 = arith.constant 0 : i32
    %dma_wait3A_425 = tpu.memref_slice %dma_wait3A_422[%dma_wait3A_416, %dma_wait3A_423, %dma_wait3A_424] : memref<125x1x80xi32, #tpu.memory_space<hbm>> -> memref<1x1x80xi32, #tpu.memory_space<hbm>>
    %dma_wait3A_426 = tpu.memref_squeeze %dma_wait3A_425 : memref<1x1x80xi32, #tpu.memory_space<hbm>> -> memref<1x80xi32, #tpu.memory_space<hbm>>
    %dma_wait3A_427 = arith.constant 0 : i32
    %dma_wait3A_428 = tpu.memref_slice %dma_wait3A_426[%dma_wait3A_417, %dma_wait3A_427] : memref<1x80xi32, #tpu.memory_space<hbm>> -> memref<1x80xi32, #tpu.memory_space<hbm>>
    %dma_wait3A_429 = tpu.memref_squeeze %dma_wait3A_428 : memref<1x80xi32, #tpu.memory_space<hbm>> -> memref<80xi32, #tpu.memory_space<hbm>>
    %dma_wait3A_430 = arith.constant 0 : i32
    %dma_wait3A_431 = arith.constant 0 : i32
    %dma_wait3A_432 = arith.constant 0 : i32
    %dma_wait3A_433 = tpu.memref_slice %arg3[%add3A, %dma_wait3A_430, %dma_wait3A_431, %dma_wait3A_432] : memref<32x125x1x80xi32, #tpu.memory_space<hbm>> -> memref<1x125x1x80xi32, #tpu.memory_space<hbm>>
    %dma_wait3A_434 = tpu.memref_squeeze %dma_wait3A_433 : memref<1x125x1x80xi32, #tpu.memory_space<hbm>> -> memref<125x1x80xi32, #tpu.memory_space<hbm>>
    %dma_wait3A_435 = arith.constant 0 : i32
    %dma_wait3A_436 = arith.constant 0 : i32
    %dma_wait3A_437 = tpu.memref_slice %dma_wait3A_434[%dma_wait3A_416, %dma_wait3A_435, %dma_wait3A_436] : memref<125x1x80xi32, #tpu.memory_space<hbm>> -> memref<1x1x80xi32, #tpu.memory_space<hbm>>
    %dma_wait3A_438 = tpu.memref_squeeze %dma_wait3A_437 : memref<1x1x80xi32, #tpu.memory_space<hbm>> -> memref<1x80xi32, #tpu.memory_space<hbm>>
    %dma_wait3A_439 = arith.constant 0 : i32
    %dma_wait3A_440 = tpu.memref_slice %dma_wait3A_438[%dma_wait3A_417, %dma_wait3A_439] : memref<1x80xi32, #tpu.memory_space<hbm>> -> memref<1x80xi32, #tpu.memory_space<hbm>>
    %dma_wait3A_441 = tpu.memref_squeeze %dma_wait3A_440 : memref<1x80xi32, #tpu.memory_space<hbm>> -> memref<80xi32, #tpu.memory_space<hbm>>
    tpu.wait_dma2 semaphore(%arg23 : memref<!tpu.dma_semaphore, #tpu.memory_space<semaphore_mem>>) src(%dma_wait3A_441 : memref<80xi32, #tpu.memory_space<hbm>>) dst(%arg10 : memref<80xi32, #tpu.memory_space<vmem>>)
    %dma_wait3A_442 = arith.constant 124 : i32
    %dma_wait3A_443 = arith.constant 0 : i32
    %dma_wait3A_444 = arith.constant 0 : i32
    %dma_wait3A_445 = arith.constant 0 : i32
    %dma_wait3A_446 = arith.constant 0 : i32
    %dma_wait3A_447 = tpu.memref_slice %arg4[%add3A, %dma_wait3A_444, %dma_wait3A_445, %dma_wait3A_446] : memref<32x125x1x80xi32, #tpu.memory_space<hbm>> -> memref<1x125x1x80xi32, #tpu.memory_space<hbm>>
    %dma_wait3A_448 = tpu.memref_squeeze %dma_wait3A_447 : memref<1x125x1x80xi32, #tpu.memory_space<hbm>> -> memref<125x1x80xi32, #tpu.memory_space<hbm>>
    %dma_wait3A_449 = arith.constant 0 : i32
    %dma_wait3A_450 = arith.constant 0 : i32
    %dma_wait3A_451 = tpu.memref_slice %dma_wait3A_448[%dma_wait3A_442, %dma_wait3A_449, %dma_wait3A_450] : memref<125x1x80xi32, #tpu.memory_space<hbm>> -> memref<1x1x80xi32, #tpu.memory_space<hbm>>
    %dma_wait3A_452 = tpu.memref_squeeze %dma_wait3A_451 : memref<1x1x80xi32, #tpu.memory_space<hbm>> -> memref<1x80xi32, #tpu.memory_space<hbm>>
    %dma_wait3A_453 = arith.constant 0 : i32
    %dma_wait3A_454 = tpu.memref_slice %dma_wait3A_452[%dma_wait3A_443, %dma_wait3A_453] : memref<1x80xi32, #tpu.memory_space<hbm>> -> memref<1x80xi32, #tpu.memory_space<hbm>>
    %dma_wait3A_455 = tpu.memref_squeeze %dma_wait3A_454 : memref<1x80xi32, #tpu.memory_space<hbm>> -> memref<80xi32, #tpu.memory_space<hbm>>
    %dma_wait3A_456 = arith.constant 0 : i32
    %dma_wait3A_457 = arith.constant 0 : i32
    %dma_wait3A_458 = arith.constant 0 : i32
    %dma_wait3A_459 = tpu.memref_slice %arg4[%add3A, %dma_wait3A_456, %dma_wait3A_457, %dma_wait3A_458] : memref<32x125x1x80xi32, #tpu.memory_space<hbm>> -> memref<1x125x1x80xi32, #tpu.memory_space<hbm>>
    %dma_wait3A_460 = tpu.memref_squeeze %dma_wait3A_459 : memref<1x125x1x80xi32, #tpu.memory_space<hbm>> -> memref<125x1x80xi32, #tpu.memory_space<hbm>>
    %dma_wait3A_461 = arith.constant 0 : i32
    %dma_wait3A_462 = arith.constant 0 : i32
    %dma_wait3A_463 = tpu.memref_slice %dma_wait3A_460[%dma_wait3A_442, %dma_wait3A_461, %dma_wait3A_462] : memref<125x1x80xi32, #tpu.memory_space<hbm>> -> memref<1x1x80xi32, #tpu.memory_space<hbm>>
    %dma_wait3A_464 = tpu.memref_squeeze %dma_wait3A_463 : memref<1x1x80xi32, #tpu.memory_space<hbm>> -> memref<1x80xi32, #tpu.memory_space<hbm>>
    %dma_wait3A_465 = arith.constant 0 : i32
    %dma_wait3A_466 = tpu.memref_slice %dma_wait3A_464[%dma_wait3A_443, %dma_wait3A_465] : memref<1x80xi32, #tpu.memory_space<hbm>> -> memref<1x80xi32, #tpu.memory_space<hbm>>
    %dma_wait3A_467 = tpu.memref_squeeze %dma_wait3A_466 : memref<1x80xi32, #tpu.memory_space<hbm>> -> memref<80xi32, #tpu.memory_space<hbm>>
    tpu.wait_dma2 semaphore(%arg23 : memref<!tpu.dma_semaphore, #tpu.memory_space<semaphore_mem>>) src(%dma_wait3A_467 : memref<80xi32, #tpu.memory_space<hbm>>) dst(%arg13 : memref<80xi32, #tpu.memory_space<vmem>>)
    %barrier3A_468 = arith.constant 0 : index
    tpu.barrier barrier_id(%barrier3A_468)
    %mul3A_469 = arith.constant 640 : i32
    %mul3A_470 = arith.muli %arg1, %mul3A_469 : i32
    %add3A_471 = arith.constant 0 : i32
    %add3A_472 = arith.addi %mul3A_470, %add3A_471 : i32
    "tpu.region"() ({
      %run_scoped3A = tpu.sem_alloc : memref<!tpu.dma_semaphore, #tpu.memory_space<semaphore_mem>>
      %dma_start3A_725 = arith.constant 0 : i32
      %dma_start3A_726 = tpu.memref_slice %arg17[%add3A_472, %dma_start3A_725] : memref<10240x128xf32, #tpu.memory_space<vmem_shared>> -> memref<80x128xf32, #tpu.memory_space<vmem_shared>>
      %dma_start3A_727 = arith.constant 0 : i32
      %dma_start3A_728 = tpu.memref_slice %arg17[%add3A_472, %dma_start3A_727] : memref<10240x128xf32, #tpu.memory_space<vmem_shared>> -> memref<80x128xf32, #tpu.memory_space<vmem_shared>>
      tpu.enqueue_dma source(%dma_start3A_728 : memref<80x128xf32, #tpu.memory_space<vmem_shared>>) target(%arg14 : memref<80x128xf32, #tpu.memory_space<vmem>>) target_semaphore(%run_scoped3A : memref<!tpu.dma_semaphore, #tpu.memory_space<semaphore_mem>>)
      %dma_wait3A_729 = arith.constant 0 : i32
      %dma_wait3A_730 = tpu.memref_slice %arg17[%add3A_472, %dma_wait3A_729] : memref<10240x128xf32, #tpu.memory_space<vmem_shared>> -> memref<80x128xf32, #tpu.memory_space<vmem_shared>>
      %dma_wait3A_731 = arith.constant 0 : i32
      %dma_wait3A_732 = tpu.memref_slice %arg17[%add3A_472, %dma_wait3A_731] : memref<10240x128xf32, #tpu.memory_space<vmem_shared>> -> memref<80x128xf32, #tpu.memory_space<vmem_shared>>
      tpu.wait_dma2 semaphore(%run_scoped3A : memref<!tpu.dma_semaphore, #tpu.memory_space<semaphore_mem>>) src(%dma_wait3A_732 : memref<80x128xf32, #tpu.memory_space<vmem_shared>>) dst(%arg14 : memref<80x128xf32, #tpu.memory_space<vmem>>)
      tpu.yield
    }) : () -> ()
    %dma_start3A_473 = arith.constant 0 : i32
    %dma_start3A_474 = arith.constant 0 : i32
    %dma_start3A_475 = tpu.memref_slice %arg7[%arg0, %dma_start3A_473, %dma_start3A_474] : memref<2x10240x128xf32, #tpu.memory_space<hbm>> -> memref<1x10240x128xf32, #tpu.memory_space<hbm>>
    %dma_start3A_476 = tpu.memref_squeeze %dma_start3A_475 : memref<1x10240x128xf32, #tpu.memory_space<hbm>> -> memref<10240x128xf32, #tpu.memory_space<hbm>>
    %dma_start3A_477 = arith.constant 0 : i32
    %dma_start3A_478 = tpu.memref_slice %dma_start3A_476[%add3A_472, %dma_start3A_477] : memref<10240x128xf32, #tpu.memory_space<hbm>> -> memref<80x128xf32, #tpu.memory_space<hbm>>
    %dma_start3A_479 = arith.constant 0 : i32
    %dma_start3A_480 = arith.constant 0 : i32
    %dma_start3A_481 = tpu.memref_slice %arg7[%arg0, %dma_start3A_479, %dma_start3A_480] : memref<2x10240x128xf32, #tpu.memory_space<hbm>> -> memref<1x10240x128xf32, #tpu.memory_space<hbm>>
    %dma_start3A_482 = tpu.memref_squeeze %dma_start3A_481 : memref<1x10240x128xf32, #tpu.memory_space<hbm>> -> memref<10240x128xf32, #tpu.memory_space<hbm>>
    %dma_start3A_483 = arith.constant 0 : i32
    %dma_start3A_484 = tpu.memref_slice %dma_start3A_482[%add3A_472, %dma_start3A_483] : memref<10240x128xf32, #tpu.memory_space<hbm>> -> memref<80x128xf32, #tpu.memory_space<hbm>>
    tpu.enqueue_dma source(%arg14 : memref<80x128xf32, #tpu.memory_space<vmem>>) target(%dma_start3A_484 : memref<80x128xf32, #tpu.memory_space<hbm>>) target_semaphore(%arg18 : memref<!tpu.dma_semaphore, #tpu.memory_space<semaphore_mem>>)
    %mul3A_485 = arith.constant 640 : i32
    %mul3A_486 = arith.muli %arg1, %mul3A_485 : i32
    %add3A_487 = arith.constant 80 : i32
    %add3A_488 = arith.addi %mul3A_486, %add3A_487 : i32
    "tpu.region"() ({
      %run_scoped3A = tpu.sem_alloc : memref<!tpu.dma_semaphore, #tpu.memory_space<semaphore_mem>>
      %dma_start3A_725 = arith.constant 0 : i32
      %dma_start3A_726 = tpu.memref_slice %arg17[%add3A_488, %dma_start3A_725] : memref<10240x128xf32, #tpu.memory_space<vmem_shared>> -> memref<80x128xf32, #tpu.memory_space<vmem_shared>>
      %dma_start3A_727 = arith.constant 0 : i32
      %dma_start3A_728 = tpu.memref_slice %arg17[%add3A_488, %dma_start3A_727] : memref<10240x128xf32, #tpu.memory_space<vmem_shared>> -> memref<80x128xf32, #tpu.memory_space<vmem_shared>>
      tpu.enqueue_dma source(%dma_start3A_728 : memref<80x128xf32, #tpu.memory_space<vmem_shared>>) target(%arg15 : memref<80x128xf32, #tpu.memory_space<vmem>>) target_semaphore(%run_scoped3A : memref<!tpu.dma_semaphore, #tpu.memory_space<semaphore_mem>>)
      %dma_wait3A_729 = arith.constant 0 : i32
      %dma_wait3A_730 = tpu.memref_slice %arg17[%add3A_488, %dma_wait3A_729] : memref<10240x128xf32, #tpu.memory_space<vmem_shared>> -> memref<80x128xf32, #tpu.memory_space<vmem_shared>>
      %dma_wait3A_731 = arith.constant 0 : i32
      %dma_wait3A_732 = tpu.memref_slice %arg17[%add3A_488, %dma_wait3A_731] : memref<10240x128xf32, #tpu.memory_space<vmem_shared>> -> memref<80x128xf32, #tpu.memory_space<vmem_shared>>
      tpu.wait_dma2 semaphore(%run_scoped3A : memref<!tpu.dma_semaphore, #tpu.memory_space<semaphore_mem>>) src(%dma_wait3A_732 : memref<80x128xf32, #tpu.memory_space<vmem_shared>>) dst(%arg15 : memref<80x128xf32, #tpu.memory_space<vmem>>)
      tpu.yield
    }) : () -> ()
    %dma_start3A_489 = arith.constant 0 : i32
    %dma_start3A_490 = arith.constant 0 : i32
    %dma_start3A_491 = tpu.memref_slice %arg7[%arg0, %dma_start3A_489, %dma_start3A_490] : memref<2x10240x128xf32, #tpu.memory_space<hbm>> -> memref<1x10240x128xf32, #tpu.memory_space<hbm>>
    %dma_start3A_492 = tpu.memref_squeeze %dma_start3A_491 : memref<1x10240x128xf32, #tpu.memory_space<hbm>> -> memref<10240x128xf32, #tpu.memory_space<hbm>>
    %dma_start3A_493 = arith.constant 0 : i32
    %dma_start3A_494 = tpu.memref_slice %dma_start3A_492[%add3A_488, %dma_start3A_493] : memref<10240x128xf32, #tpu.memory_space<hbm>> -> memref<80x128xf32, #tpu.memory_space<hbm>>
    %dma_start3A_495 = arith.constant 0 : i32
    %dma_start3A_496 = arith.constant 0 : i32
    %dma_start3A_497 = tpu.memref_slice %arg7[%arg0, %dma_start3A_495, %dma_start3A_496] : memref<2x10240x128xf32, #tpu.memory_space<hbm>> -> memref<1x10240x128xf32, #tpu.memory_space<hbm>>
    %dma_start3A_498 = tpu.memref_squeeze %dma_start3A_497 : memref<1x10240x128xf32, #tpu.memory_space<hbm>> -> memref<10240x128xf32, #tpu.memory_space<hbm>>
    %dma_start3A_499 = arith.constant 0 : i32
    %dma_start3A_500 = tpu.memref_slice %dma_start3A_498[%add3A_488, %dma_start3A_499] : memref<10240x128xf32, #tpu.memory_space<hbm>> -> memref<80x128xf32, #tpu.memory_space<hbm>>
    tpu.enqueue_dma source(%arg15 : memref<80x128xf32, #tpu.memory_space<vmem>>) target(%dma_start3A_500 : memref<80x128xf32, #tpu.memory_space<hbm>>) target_semaphore(%arg19 : memref<!tpu.dma_semaphore, #tpu.memory_space<semaphore_mem>>)
    %mul3A_501 = arith.constant 640 : i32
    %mul3A_502 = arith.muli %arg1, %mul3A_501 : i32
    %add3A_503 = arith.constant 160 : i32
    %add3A_504 = arith.addi %mul3A_502, %add3A_503 : i32
    "tpu.region"() ({
      %run_scoped3A = tpu.sem_alloc : memref<!tpu.dma_semaphore, #tpu.memory_space<semaphore_mem>>
      %dma_start3A_725 = arith.constant 0 : i32
      %dma_start3A_726 = tpu.memref_slice %arg17[%add3A_504, %dma_start3A_725] : memref<10240x128xf32, #tpu.memory_space<vmem_shared>> -> memref<80x128xf32, #tpu.memory_space<vmem_shared>>
      %dma_start3A_727 = arith.constant 0 : i32
      %dma_start3A_728 = tpu.memref_slice %arg17[%add3A_504, %dma_start3A_727] : memref<10240x128xf32, #tpu.memory_space<vmem_shared>> -> memref<80x128xf32, #tpu.memory_space<vmem_shared>>
      tpu.enqueue_dma source(%dma_start3A_728 : memref<80x128xf32, #tpu.memory_space<vmem_shared>>) target(%arg16 : memref<80x128xf32, #tpu.memory_space<vmem>>) target_semaphore(%run_scoped3A : memref<!tpu.dma_semaphore, #tpu.memory_space<semaphore_mem>>)
      %dma_wait3A_729 = arith.constant 0 : i32
      %dma_wait3A_730 = tpu.memref_slice %arg17[%add3A_504, %dma_wait3A_729] : memref<10240x128xf32, #tpu.memory_space<vmem_shared>> -> memref<80x128xf32, #tpu.memory_space<vmem_shared>>
      %dma_wait3A_731 = arith.constant 0 : i32
      %dma_wait3A_732 = tpu.memref_slice %arg17[%add3A_504, %dma_wait3A_731] : memref<10240x128xf32, #tpu.memory_space<vmem_shared>> -> memref<80x128xf32, #tpu.memory_space<vmem_shared>>
      tpu.wait_dma2 semaphore(%run_scoped3A : memref<!tpu.dma_semaphore, #tpu.memory_space<semaphore_mem>>) src(%dma_wait3A_732 : memref<80x128xf32, #tpu.memory_space<vmem_shared>>) dst(%arg16 : memref<80x128xf32, #tpu.memory_space<vmem>>)
      tpu.yield
    }) : () -> ()
    %dma_start3A_505 = arith.constant 0 : i32
    %dma_start3A_506 = arith.constant 0 : i32
    %dma_start3A_507 = tpu.memref_slice %arg7[%arg0, %dma_start3A_505, %dma_start3A_506] : memref<2x10240x128xf32, #tpu.memory_space<hbm>> -> memref<1x10240x128xf32, #tpu.memory_space<hbm>>
    %dma_start3A_508 = tpu.memref_squeeze %dma_start3A_507 : memref<1x10240x128xf32, #tpu.memory_space<hbm>> -> memref<10240x128xf32, #tpu.memory_space<hbm>>
    %dma_start3A_509 = arith.constant 0 : i32
    %dma_start3A_510 = tpu.memref_slice %dma_start3A_508[%add3A_504, %dma_start3A_509] : memref<10240x128xf32, #tpu.memory_space<hbm>> -> memref<80x128xf32, #tpu.memory_space<hbm>>
    %dma_start3A_511 = arith.constant 0 : i32
    %dma_start3A_512 = arith.constant 0 : i32
    %dma_start3A_513 = tpu.memref_slice %arg7[%arg0, %dma_start3A_511, %dma_start3A_512] : memref<2x10240x128xf32, #tpu.memory_space<hbm>> -> memref<1x10240x128xf32, #tpu.memory_space<hbm>>
    %dma_start3A_514 = tpu.memref_squeeze %dma_start3A_513 : memref<1x10240x128xf32, #tpu.memory_space<hbm>> -> memref<10240x128xf32, #tpu.memory_space<hbm>>
    %dma_start3A_515 = arith.constant 0 : i32
    %dma_start3A_516 = tpu.memref_slice %dma_start3A_514[%add3A_504, %dma_start3A_515] : memref<10240x128xf32, #tpu.memory_space<hbm>> -> memref<80x128xf32, #tpu.memory_space<hbm>>
    tpu.enqueue_dma source(%arg16 : memref<80x128xf32, #tpu.memory_space<vmem>>) target(%dma_start3A_516 : memref<80x128xf32, #tpu.memory_space<hbm>>) target_semaphore(%arg20 : memref<!tpu.dma_semaphore, #tpu.memory_space<semaphore_mem>>)
    %mul3A_517 = arith.constant 640 : i32
    %mul3A_518 = arith.muli %arg1, %mul3A_517 : i32
    %add3A_519 = arith.constant 0 : i32
    %add3A_520 = arith.addi %mul3A_518, %add3A_519 : i32
    %dma_wait3A_521 = arith.constant 0 : i32
    %dma_wait3A_522 = arith.constant 0 : i32
    %dma_wait3A_523 = tpu.memref_slice %arg7[%arg0, %dma_wait3A_521, %dma_wait3A_522] : memref<2x10240x128xf32, #tpu.memory_space<hbm>> -> memref<1x10240x128xf32, #tpu.memory_space<hbm>>
    %dma_wait3A_524 = tpu.memref_squeeze %dma_wait3A_523 : memref<1x10240x128xf32, #tpu.memory_space<hbm>> -> memref<10240x128xf32, #tpu.memory_space<hbm>>
    %dma_wait3A_525 = arith.constant 0 : i32
    %dma_wait3A_526 = tpu.memref_slice %dma_wait3A_524[%add3A_520, %dma_wait3A_525] : memref<10240x128xf32, #tpu.memory_space<hbm>> -> memref<80x128xf32, #tpu.memory_space<hbm>>
    %dma_wait3A_527 = arith.constant 0 : i32
    %dma_wait3A_528 = arith.constant 0 : i32
    %dma_wait3A_529 = tpu.memref_slice %arg7[%arg0, %dma_wait3A_527, %dma_wait3A_528] : memref<2x10240x128xf32, #tpu.memory_space<hbm>> -> memref<1x10240x128xf32, #tpu.memory_space<hbm>>
    %dma_wait3A_530 = tpu.memref_squeeze %dma_wait3A_529 : memref<1x10240x128xf32, #tpu.memory_space<hbm>> -> memref<10240x128xf32, #tpu.memory_space<hbm>>
    %dma_wait3A_531 = arith.constant 0 : i32
    %dma_wait3A_532 = tpu.memref_slice %dma_wait3A_530[%add3A_520, %dma_wait3A_531] : memref<10240x128xf32, #tpu.memory_space<hbm>> -> memref<80x128xf32, #tpu.memory_space<hbm>>
    tpu.wait_dma2 semaphore(%arg18 : memref<!tpu.dma_semaphore, #tpu.memory_space<semaphore_mem>>) src(%arg14 : memref<80x128xf32, #tpu.memory_space<vmem>>) dst(%dma_wait3A_532 : memref<80x128xf32, #tpu.memory_space<hbm>>)
    %mul3A_533 = arith.constant 640 : i32
    %mul3A_534 = arith.muli %arg1, %mul3A_533 : i32
    %add3A_535 = arith.constant 240 : i32
    %add3A_536 = arith.addi %mul3A_534, %add3A_535 : i32
    "tpu.region"() ({
      %run_scoped3A = tpu.sem_alloc : memref<!tpu.dma_semaphore, #tpu.memory_space<semaphore_mem>>
      %dma_start3A_725 = arith.constant 0 : i32
      %dma_start3A_726 = tpu.memref_slice %arg17[%add3A_536, %dma_start3A_725] : memref<10240x128xf32, #tpu.memory_space<vmem_shared>> -> memref<80x128xf32, #tpu.memory_space<vmem_shared>>
      %dma_start3A_727 = arith.constant 0 : i32
      %dma_start3A_728 = tpu.memref_slice %arg17[%add3A_536, %dma_start3A_727] : memref<10240x128xf32, #tpu.memory_space<vmem_shared>> -> memref<80x128xf32, #tpu.memory_space<vmem_shared>>
      tpu.enqueue_dma source(%dma_start3A_728 : memref<80x128xf32, #tpu.memory_space<vmem_shared>>) target(%arg14 : memref<80x128xf32, #tpu.memory_space<vmem>>) target_semaphore(%run_scoped3A : memref<!tpu.dma_semaphore, #tpu.memory_space<semaphore_mem>>)
      %dma_wait3A_729 = arith.constant 0 : i32
      %dma_wait3A_730 = tpu.memref_slice %arg17[%add3A_536, %dma_wait3A_729] : memref<10240x128xf32, #tpu.memory_space<vmem_shared>> -> memref<80x128xf32, #tpu.memory_space<vmem_shared>>
      %dma_wait3A_731 = arith.constant 0 : i32
      %dma_wait3A_732 = tpu.memref_slice %arg17[%add3A_536, %dma_wait3A_731] : memref<10240x128xf32, #tpu.memory_space<vmem_shared>> -> memref<80x128xf32, #tpu.memory_space<vmem_shared>>
      tpu.wait_dma2 semaphore(%run_scoped3A : memref<!tpu.dma_semaphore, #tpu.memory_space<semaphore_mem>>) src(%dma_wait3A_732 : memref<80x128xf32, #tpu.memory_space<vmem_shared>>) dst(%arg14 : memref<80x128xf32, #tpu.memory_space<vmem>>)
      tpu.yield
    }) : () -> ()
    %dma_start3A_537 = arith.constant 0 : i32
    %dma_start3A_538 = arith.constant 0 : i32
    %dma_start3A_539 = tpu.memref_slice %arg7[%arg0, %dma_start3A_537, %dma_start3A_538] : memref<2x10240x128xf32, #tpu.memory_space<hbm>> -> memref<1x10240x128xf32, #tpu.memory_space<hbm>>
    %dma_start3A_540 = tpu.memref_squeeze %dma_start3A_539 : memref<1x10240x128xf32, #tpu.memory_space<hbm>> -> memref<10240x128xf32, #tpu.memory_space<hbm>>
    %dma_start3A_541 = arith.constant 0 : i32
    %dma_start3A_542 = tpu.memref_slice %dma_start3A_540[%add3A_536, %dma_start3A_541] : memref<10240x128xf32, #tpu.memory_space<hbm>> -> memref<80x128xf32, #tpu.memory_space<hbm>>
    %dma_start3A_543 = arith.constant 0 : i32
    %dma_start3A_544 = arith.constant 0 : i32
    %dma_start3A_545 = tpu.memref_slice %arg7[%arg0, %dma_start3A_543, %dma_start3A_544] : memref<2x10240x128xf32, #tpu.memory_space<hbm>> -> memref<1x10240x128xf32, #tpu.memory_space<hbm>>
    %dma_start3A_546 = tpu.memref_squeeze %dma_start3A_545 : memref<1x10240x128xf32, #tpu.memory_space<hbm>> -> memref<10240x128xf32, #tpu.memory_space<hbm>>
    %dma_start3A_547 = arith.constant 0 : i32
    %dma_start3A_548 = tpu.memref_slice %dma_start3A_546[%add3A_536, %dma_start3A_547] : memref<10240x128xf32, #tpu.memory_space<hbm>> -> memref<80x128xf32, #tpu.memory_space<hbm>>
    tpu.enqueue_dma source(%arg14 : memref<80x128xf32, #tpu.memory_space<vmem>>) target(%dma_start3A_548 : memref<80x128xf32, #tpu.memory_space<hbm>>) target_semaphore(%arg18 : memref<!tpu.dma_semaphore, #tpu.memory_space<semaphore_mem>>)
    %mul3A_549 = arith.constant 640 : i32
    %mul3A_550 = arith.muli %arg1, %mul3A_549 : i32
    %add3A_551 = arith.constant 80 : i32
    %add3A_552 = arith.addi %mul3A_550, %add3A_551 : i32
    %dma_wait3A_553 = arith.constant 0 : i32
    %dma_wait3A_554 = arith.constant 0 : i32
    %dma_wait3A_555 = tpu.memref_slice %arg7[%arg0, %dma_wait3A_553, %dma_wait3A_554] : memref<2x10240x128xf32, #tpu.memory_space<hbm>> -> memref<1x10240x128xf32, #tpu.memory_space<hbm>>
    %dma_wait3A_556 = tpu.memref_squeeze %dma_wait3A_555 : memref<1x10240x128xf32, #tpu.memory_space<hbm>> -> memref<10240x128xf32, #tpu.memory_space<hbm>>
    %dma_wait3A_557 = arith.constant 0 : i32
    %dma_wait3A_558 = tpu.memref_slice %dma_wait3A_556[%add3A_552, %dma_wait3A_557] : memref<10240x128xf32, #tpu.memory_space<hbm>> -> memref<80x128xf32, #tpu.memory_space<hbm>>
    %dma_wait3A_559 = arith.constant 0 : i32
    %dma_wait3A_560 = arith.constant 0 : i32
    %dma_wait3A_561 = tpu.memref_slice %arg7[%arg0, %dma_wait3A_559, %dma_wait3A_560] : memref<2x10240x128xf32, #tpu.memory_space<hbm>> -> memref<1x10240x128xf32, #tpu.memory_space<hbm>>
    %dma_wait3A_562 = tpu.memref_squeeze %dma_wait3A_561 : memref<1x10240x128xf32, #tpu.memory_space<hbm>> -> memref<10240x128xf32, #tpu.memory_space<hbm>>
    %dma_wait3A_563 = arith.constant 0 : i32
    %dma_wait3A_564 = tpu.memref_slice %dma_wait3A_562[%add3A_552, %dma_wait3A_563] : memref<10240x128xf32, #tpu.memory_space<hbm>> -> memref<80x128xf32, #tpu.memory_space<hbm>>
    tpu.wait_dma2 semaphore(%arg19 : memref<!tpu.dma_semaphore, #tpu.memory_space<semaphore_mem>>) src(%arg15 : memref<80x128xf32, #tpu.memory_space<vmem>>) dst(%dma_wait3A_564 : memref<80x128xf32, #tpu.memory_space<hbm>>)
    %mul3A_565 = arith.constant 640 : i32
    %mul3A_566 = arith.muli %arg1, %mul3A_565 : i32
    %add3A_567 = arith.constant 320 : i32
    %add3A_568 = arith.addi %mul3A_566, %add3A_567 : i32
    "tpu.region"() ({
      %run_scoped3A = tpu.sem_alloc : memref<!tpu.dma_semaphore, #tpu.memory_space<semaphore_mem>>
      %dma_start3A_725 = arith.constant 0 : i32
      %dma_start3A_726 = tpu.memref_slice %arg17[%add3A_568, %dma_start3A_725] : memref<10240x128xf32, #tpu.memory_space<vmem_shared>> -> memref<80x128xf32, #tpu.memory_space<vmem_shared>>
      %dma_start3A_727 = arith.constant 0 : i32
      %dma_start3A_728 = tpu.memref_slice %arg17[%add3A_568, %dma_start3A_727] : memref<10240x128xf32, #tpu.memory_space<vmem_shared>> -> memref<80x128xf32, #tpu.memory_space<vmem_shared>>
      tpu.enqueue_dma source(%dma_start3A_728 : memref<80x128xf32, #tpu.memory_space<vmem_shared>>) target(%arg15 : memref<80x128xf32, #tpu.memory_space<vmem>>) target_semaphore(%run_scoped3A : memref<!tpu.dma_semaphore, #tpu.memory_space<semaphore_mem>>)
      %dma_wait3A_729 = arith.constant 0 : i32
      %dma_wait3A_730 = tpu.memref_slice %arg17[%add3A_568, %dma_wait3A_729] : memref<10240x128xf32, #tpu.memory_space<vmem_shared>> -> memref<80x128xf32, #tpu.memory_space<vmem_shared>>
      %dma_wait3A_731 = arith.constant 0 : i32
      %dma_wait3A_732 = tpu.memref_slice %arg17[%add3A_568, %dma_wait3A_731] : memref<10240x128xf32, #tpu.memory_space<vmem_shared>> -> memref<80x128xf32, #tpu.memory_space<vmem_shared>>
      tpu.wait_dma2 semaphore(%run_scoped3A : memref<!tpu.dma_semaphore, #tpu.memory_space<semaphore_mem>>) src(%dma_wait3A_732 : memref<80x128xf32, #tpu.memory_space<vmem_shared>>) dst(%arg15 : memref<80x128xf32, #tpu.memory_space<vmem>>)
      tpu.yield
    }) : () -> ()
    %dma_start3A_569 = arith.constant 0 : i32
    %dma_start3A_570 = arith.constant 0 : i32
    %dma_start3A_571 = tpu.memref_slice %arg7[%arg0, %dma_start3A_569, %dma_start3A_570] : memref<2x10240x128xf32, #tpu.memory_space<hbm>> -> memref<1x10240x128xf32, #tpu.memory_space<hbm>>
    %dma_start3A_572 = tpu.memref_squeeze %dma_start3A_571 : memref<1x10240x128xf32, #tpu.memory_space<hbm>> -> memref<10240x128xf32, #tpu.memory_space<hbm>>
    %dma_start3A_573 = arith.constant 0 : i32
    %dma_start3A_574 = tpu.memref_slice %dma_start3A_572[%add3A_568, %dma_start3A_573] : memref<10240x128xf32, #tpu.memory_space<hbm>> -> memref<80x128xf32, #tpu.memory_space<hbm>>
    %dma_start3A_575 = arith.constant 0 : i32
    %dma_start3A_576 = arith.constant 0 : i32
    %dma_start3A_577 = tpu.memref_slice %arg7[%arg0, %dma_start3A_575, %dma_start3A_576] : memref<2x10240x128xf32, #tpu.memory_space<hbm>> -> memref<1x10240x128xf32, #tpu.memory_space<hbm>>
    %dma_start3A_578 = tpu.memref_squeeze %dma_start3A_577 : memref<1x10240x128xf32, #tpu.memory_space<hbm>> -> memref<10240x128xf32, #tpu.memory_space<hbm>>
    %dma_start3A_579 = arith.constant 0 : i32
    %dma_start3A_580 = tpu.memref_slice %dma_start3A_578[%add3A_568, %dma_start3A_579] : memref<10240x128xf32, #tpu.memory_space<hbm>> -> memref<80x128xf32, #tpu.memory_space<hbm>>
    tpu.enqueue_dma source(%arg15 : memref<80x128xf32, #tpu.memory_space<vmem>>) target(%dma_start3A_580 : memref<80x128xf32, #tpu.memory_space<hbm>>) target_semaphore(%arg19 : memref<!tpu.dma_semaphore, #tpu.memory_space<semaphore_mem>>)
    %mul3A_581 = arith.constant 640 : i32
    %mul3A_582 = arith.muli %arg1, %mul3A_581 : i32
    %add3A_583 = arith.constant 160 : i32
    %add3A_584 = arith.addi %mul3A_582, %add3A_583 : i32
    %dma_wait3A_585 = arith.constant 0 : i32
    %dma_wait3A_586 = arith.constant 0 : i32
    %dma_wait3A_587 = tpu.memref_slice %arg7[%arg0, %dma_wait3A_585, %dma_wait3A_586] : memref<2x10240x128xf32, #tpu.memory_space<hbm>> -> memref<1x10240x128xf32, #tpu.memory_space<hbm>>
    %dma_wait3A_588 = tpu.memref_squeeze %dma_wait3A_587 : memref<1x10240x128xf32, #tpu.memory_space<hbm>> -> memref<10240x128xf32, #tpu.memory_space<hbm>>
    %dma_wait3A_589 = arith.constant 0 : i32
    %dma_wait3A_590 = tpu.memref_slice %dma_wait3A_588[%add3A_584, %dma_wait3A_589] : memref<10240x128xf32, #tpu.memory_space<hbm>> -> memref<80x128xf32, #tpu.memory_space<hbm>>
    %dma_wait3A_591 = arith.constant 0 : i32
    %dma_wait3A_592 = arith.constant 0 : i32
    %dma_wait3A_593 = tpu.memref_slice %arg7[%arg0, %dma_wait3A_591, %dma_wait3A_592] : memref<2x10240x128xf32, #tpu.memory_space<hbm>> -> memref<1x10240x128xf32, #tpu.memory_space<hbm>>
    %dma_wait3A_594 = tpu.memref_squeeze %dma_wait3A_593 : memref<1x10240x128xf32, #tpu.memory_space<hbm>> -> memref<10240x128xf32, #tpu.memory_space<hbm>>
    %dma_wait3A_595 = arith.constant 0 : i32
    %dma_wait3A_596 = tpu.memref_slice %dma_wait3A_594[%add3A_584, %dma_wait3A_595] : memref<10240x128xf32, #tpu.memory_space<hbm>> -> memref<80x128xf32, #tpu.memory_space<hbm>>
    tpu.wait_dma2 semaphore(%arg20 : memref<!tpu.dma_semaphore, #tpu.memory_space<semaphore_mem>>) src(%arg16 : memref<80x128xf32, #tpu.memory_space<vmem>>) dst(%dma_wait3A_596 : memref<80x128xf32, #tpu.memory_space<hbm>>)
    %mul3A_597 = arith.constant 640 : i32
    %mul3A_598 = arith.muli %arg1, %mul3A_597 : i32
    %add3A_599 = arith.constant 400 : i32
    %add3A_600 = arith.addi %mul3A_598, %add3A_599 : i32
    "tpu.region"() ({
      %run_scoped3A = tpu.sem_alloc : memref<!tpu.dma_semaphore, #tpu.memory_space<semaphore_mem>>
      %dma_start3A_725 = arith.constant 0 : i32
      %dma_start3A_726 = tpu.memref_slice %arg17[%add3A_600, %dma_start3A_725] : memref<10240x128xf32, #tpu.memory_space<vmem_shared>> -> memref<80x128xf32, #tpu.memory_space<vmem_shared>>
      %dma_start3A_727 = arith.constant 0 : i32
      %dma_start3A_728 = tpu.memref_slice %arg17[%add3A_600, %dma_start3A_727] : memref<10240x128xf32, #tpu.memory_space<vmem_shared>> -> memref<80x128xf32, #tpu.memory_space<vmem_shared>>
      tpu.enqueue_dma source(%dma_start3A_728 : memref<80x128xf32, #tpu.memory_space<vmem_shared>>) target(%arg16 : memref<80x128xf32, #tpu.memory_space<vmem>>) target_semaphore(%run_scoped3A : memref<!tpu.dma_semaphore, #tpu.memory_space<semaphore_mem>>)
      %dma_wait3A_729 = arith.constant 0 : i32
      %dma_wait3A_730 = tpu.memref_slice %arg17[%add3A_600, %dma_wait3A_729] : memref<10240x128xf32, #tpu.memory_space<vmem_shared>> -> memref<80x128xf32, #tpu.memory_space<vmem_shared>>
      %dma_wait3A_731 = arith.constant 0 : i32
      %dma_wait3A_732 = tpu.memref_slice %arg17[%add3A_600, %dma_wait3A_731] : memref<10240x128xf32, #tpu.memory_space<vmem_shared>> -> memref<80x128xf32, #tpu.memory_space<vmem_shared>>
      tpu.wait_dma2 semaphore(%run_scoped3A : memref<!tpu.dma_semaphore, #tpu.memory_space<semaphore_mem>>) src(%dma_wait3A_732 : memref<80x128xf32, #tpu.memory_space<vmem_shared>>) dst(%arg16 : memref<80x128xf32, #tpu.memory_space<vmem>>)
      tpu.yield
    }) : () -> ()
    %dma_start3A_601 = arith.constant 0 : i32
    %dma_start3A_602 = arith.constant 0 : i32
    %dma_start3A_603 = tpu.memref_slice %arg7[%arg0, %dma_start3A_601, %dma_start3A_602] : memref<2x10240x128xf32, #tpu.memory_space<hbm>> -> memref<1x10240x128xf32, #tpu.memory_space<hbm>>
    %dma_start3A_604 = tpu.memref_squeeze %dma_start3A_603 : memref<1x10240x128xf32, #tpu.memory_space<hbm>> -> memref<10240x128xf32, #tpu.memory_space<hbm>>
    %dma_start3A_605 = arith.constant 0 : i32
    %dma_start3A_606 = tpu.memref_slice %dma_start3A_604[%add3A_600, %dma_start3A_605] : memref<10240x128xf32, #tpu.memory_space<hbm>> -> memref<80x128xf32, #tpu.memory_space<hbm>>
    %dma_start3A_607 = arith.constant 0 : i32
    %dma_start3A_608 = arith.constant 0 : i32
    %dma_start3A_609 = tpu.memref_slice %arg7[%arg0, %dma_start3A_607, %dma_start3A_608] : memref<2x10240x128xf32, #tpu.memory_space<hbm>> -> memref<1x10240x128xf32, #tpu.memory_space<hbm>>
    %dma_start3A_610 = tpu.memref_squeeze %dma_start3A_609 : memref<1x10240x128xf32, #tpu.memory_space<hbm>> -> memref<10240x128xf32, #tpu.memory_space<hbm>>
    %dma_start3A_611 = arith.constant 0 : i32
    %dma_start3A_612 = tpu.memref_slice %dma_start3A_610[%add3A_600, %dma_start3A_611] : memref<10240x128xf32, #tpu.memory_space<hbm>> -> memref<80x128xf32, #tpu.memory_space<hbm>>
    tpu.enqueue_dma source(%arg16 : memref<80x128xf32, #tpu.memory_space<vmem>>) target(%dma_start3A_612 : memref<80x128xf32, #tpu.memory_space<hbm>>) target_semaphore(%arg20 : memref<!tpu.dma_semaphore, #tpu.memory_space<semaphore_mem>>)
    %mul3A_613 = arith.constant 640 : i32
    %mul3A_614 = arith.muli %arg1, %mul3A_613 : i32
    %add3A_615 = arith.constant 240 : i32
    %add3A_616 = arith.addi %mul3A_614, %add3A_615 : i32
    %dma_wait3A_617 = arith.constant 0 : i32
    %dma_wait3A_618 = arith.constant 0 : i32
    %dma_wait3A_619 = tpu.memref_slice %arg7[%arg0, %dma_wait3A_617, %dma_wait3A_618] : memref<2x10240x128xf32, #tpu.memory_space<hbm>> -> memref<1x10240x128xf32, #tpu.memory_space<hbm>>
    %dma_wait3A_620 = tpu.memref_squeeze %dma_wait3A_619 : memref<1x10240x128xf32, #tpu.memory_space<hbm>> -> memref<10240x128xf32, #tpu.memory_space<hbm>>
    %dma_wait3A_621 = arith.constant 0 : i32
    %dma_wait3A_622 = tpu.memref_slice %dma_wait3A_620[%add3A_616, %dma_wait3A_621] : memref<10240x128xf32, #tpu.memory_space<hbm>> -> memref<80x128xf32, #tpu.memory_space<hbm>>
    %dma_wait3A_623 = arith.constant 0 : i32
    %dma_wait3A_624 = arith.constant 0 : i32
    %dma_wait3A_625 = tpu.memref_slice %arg7[%arg0, %dma_wait3A_623, %dma_wait3A_624] : memref<2x10240x128xf32, #tpu.memory_space<hbm>> -> memref<1x10240x128xf32, #tpu.memory_space<hbm>>
    %dma_wait3A_626 = tpu.memref_squeeze %dma_wait3A_625 : memref<1x10240x128xf32, #tpu.memory_space<hbm>> -> memref<10240x128xf32, #tpu.memory_space<hbm>>
    %dma_wait3A_627 = arith.constant 0 : i32
    %dma_wait3A_628 = tpu.memref_slice %dma_wait3A_626[%add3A_616, %dma_wait3A_627] : memref<10240x128xf32, #tpu.memory_space<hbm>> -> memref<80x128xf32, #tpu.memory_space<hbm>>
    tpu.wait_dma2 semaphore(%arg18 : memref<!tpu.dma_semaphore, #tpu.memory_space<semaphore_mem>>) src(%arg14 : memref<80x128xf32, #tpu.memory_space<vmem>>) dst(%dma_wait3A_628 : memref<80x128xf32, #tpu.memory_space<hbm>>)
    %mul3A_629 = arith.constant 640 : i32
    %mul3A_630 = arith.muli %arg1, %mul3A_629 : i32
    %add3A_631 = arith.constant 480 : i32
    %add3A_632 = arith.addi %mul3A_630, %add3A_631 : i32
    "tpu.region"() ({
      %run_scoped3A = tpu.sem_alloc : memref<!tpu.dma_semaphore, #tpu.memory_space<semaphore_mem>>
      %dma_start3A_725 = arith.constant 0 : i32
      %dma_start3A_726 = tpu.memref_slice %arg17[%add3A_632, %dma_start3A_725] : memref<10240x128xf32, #tpu.memory_space<vmem_shared>> -> memref<80x128xf32, #tpu.memory_space<vmem_shared>>
      %dma_start3A_727 = arith.constant 0 : i32
      %dma_start3A_728 = tpu.memref_slice %arg17[%add3A_632, %dma_start3A_727] : memref<10240x128xf32, #tpu.memory_space<vmem_shared>> -> memref<80x128xf32, #tpu.memory_space<vmem_shared>>
      tpu.enqueue_dma source(%dma_start3A_728 : memref<80x128xf32, #tpu.memory_space<vmem_shared>>) target(%arg14 : memref<80x128xf32, #tpu.memory_space<vmem>>) target_semaphore(%run_scoped3A : memref<!tpu.dma_semaphore, #tpu.memory_space<semaphore_mem>>)
      %dma_wait3A_729 = arith.constant 0 : i32
      %dma_wait3A_730 = tpu.memref_slice %arg17[%add3A_632, %dma_wait3A_729] : memref<10240x128xf32, #tpu.memory_space<vmem_shared>> -> memref<80x128xf32, #tpu.memory_space<vmem_shared>>
      %dma_wait3A_731 = arith.constant 0 : i32
      %dma_wait3A_732 = tpu.memref_slice %arg17[%add3A_632, %dma_wait3A_731] : memref<10240x128xf32, #tpu.memory_space<vmem_shared>> -> memref<80x128xf32, #tpu.memory_space<vmem_shared>>
      tpu.wait_dma2 semaphore(%run_scoped3A : memref<!tpu.dma_semaphore, #tpu.memory_space<semaphore_mem>>) src(%dma_wait3A_732 : memref<80x128xf32, #tpu.memory_space<vmem_shared>>) dst(%arg14 : memref<80x128xf32, #tpu.memory_space<vmem>>)
      tpu.yield
    }) : () -> ()
    %dma_start3A_633 = arith.constant 0 : i32
    %dma_start3A_634 = arith.constant 0 : i32
    %dma_start3A_635 = tpu.memref_slice %arg7[%arg0, %dma_start3A_633, %dma_start3A_634] : memref<2x10240x128xf32, #tpu.memory_space<hbm>> -> memref<1x10240x128xf32, #tpu.memory_space<hbm>>
    %dma_start3A_636 = tpu.memref_squeeze %dma_start3A_635 : memref<1x10240x128xf32, #tpu.memory_space<hbm>> -> memref<10240x128xf32, #tpu.memory_space<hbm>>
    %dma_start3A_637 = arith.constant 0 : i32
    %dma_start3A_638 = tpu.memref_slice %dma_start3A_636[%add3A_632, %dma_start3A_637] : memref<10240x128xf32, #tpu.memory_space<hbm>> -> memref<80x128xf32, #tpu.memory_space<hbm>>
    %dma_start3A_639 = arith.constant 0 : i32
    %dma_start3A_640 = arith.constant 0 : i32
    %dma_start3A_641 = tpu.memref_slice %arg7[%arg0, %dma_start3A_639, %dma_start3A_640] : memref<2x10240x128xf32, #tpu.memory_space<hbm>> -> memref<1x10240x128xf32, #tpu.memory_space<hbm>>
    %dma_start3A_642 = tpu.memref_squeeze %dma_start3A_641 : memref<1x10240x128xf32, #tpu.memory_space<hbm>> -> memref<10240x128xf32, #tpu.memory_space<hbm>>
    %dma_start3A_643 = arith.constant 0 : i32
    %dma_start3A_644 = tpu.memref_slice %dma_start3A_642[%add3A_632, %dma_start3A_643] : memref<10240x128xf32, #tpu.memory_space<hbm>> -> memref<80x128xf32, #tpu.memory_space<hbm>>
    tpu.enqueue_dma source(%arg14 : memref<80x128xf32, #tpu.memory_space<vmem>>) target(%dma_start3A_644 : memref<80x128xf32, #tpu.memory_space<hbm>>) target_semaphore(%arg18 : memref<!tpu.dma_semaphore, #tpu.memory_space<semaphore_mem>>)
    %mul3A_645 = arith.constant 640 : i32
    %mul3A_646 = arith.muli %arg1, %mul3A_645 : i32
    %add3A_647 = arith.constant 320 : i32
    %add3A_648 = arith.addi %mul3A_646, %add3A_647 : i32
    %dma_wait3A_649 = arith.constant 0 : i32
    %dma_wait3A_650 = arith.constant 0 : i32
    %dma_wait3A_651 = tpu.memref_slice %arg7[%arg0, %dma_wait3A_649, %dma_wait3A_650] : memref<2x10240x128xf32, #tpu.memory_space<hbm>> -> memref<1x10240x128xf32, #tpu.memory_space<hbm>>
    %dma_wait3A_652 = tpu.memref_squeeze %dma_wait3A_651 : memref<1x10240x128xf32, #tpu.memory_space<hbm>> -> memref<10240x128xf32, #tpu.memory_space<hbm>>
    %dma_wait3A_653 = arith.constant 0 : i32
    %dma_wait3A_654 = tpu.memref_slice %dma_wait3A_652[%add3A_648, %dma_wait3A_653] : memref<10240x128xf32, #tpu.memory_space<hbm>> -> memref<80x128xf32, #tpu.memory_space<hbm>>
    %dma_wait3A_655 = arith.constant 0 : i32
    %dma_wait3A_656 = arith.constant 0 : i32
    %dma_wait3A_657 = tpu.memref_slice %arg7[%arg0, %dma_wait3A_655, %dma_wait3A_656] : memref<2x10240x128xf32, #tpu.memory_space<hbm>> -> memref<1x10240x128xf32, #tpu.memory_space<hbm>>
    %dma_wait3A_658 = tpu.memref_squeeze %dma_wait3A_657 : memref<1x10240x128xf32, #tpu.memory_space<hbm>> -> memref<10240x128xf32, #tpu.memory_space<hbm>>
    %dma_wait3A_659 = arith.constant 0 : i32
    %dma_wait3A_660 = tpu.memref_slice %dma_wait3A_658[%add3A_648, %dma_wait3A_659] : memref<10240x128xf32, #tpu.memory_space<hbm>> -> memref<80x128xf32, #tpu.memory_space<hbm>>
    tpu.wait_dma2 semaphore(%arg19 : memref<!tpu.dma_semaphore, #tpu.memory_space<semaphore_mem>>) src(%arg15 : memref<80x128xf32, #tpu.memory_space<vmem>>) dst(%dma_wait3A_660 : memref<80x128xf32, #tpu.memory_space<hbm>>)
    %mul3A_661 = arith.constant 640 : i32
    %mul3A_662 = arith.muli %arg1, %mul3A_661 : i32
    %add3A_663 = arith.constant 560 : i32
    %add3A_664 = arith.addi %mul3A_662, %add3A_663 : i32
    "tpu.region"() ({
      %run_scoped3A = tpu.sem_alloc : memref<!tpu.dma_semaphore, #tpu.memory_space<semaphore_mem>>
      %dma_start3A_725 = arith.constant 0 : i32
      %dma_start3A_726 = tpu.memref_slice %arg17[%add3A_664, %dma_start3A_725] : memref<10240x128xf32, #tpu.memory_space<vmem_shared>> -> memref<80x128xf32, #tpu.memory_space<vmem_shared>>
      %dma_start3A_727 = arith.constant 0 : i32
      %dma_start3A_728 = tpu.memref_slice %arg17[%add3A_664, %dma_start3A_727] : memref<10240x128xf32, #tpu.memory_space<vmem_shared>> -> memref<80x128xf32, #tpu.memory_space<vmem_shared>>
      tpu.enqueue_dma source(%dma_start3A_728 : memref<80x128xf32, #tpu.memory_space<vmem_shared>>) target(%arg15 : memref<80x128xf32, #tpu.memory_space<vmem>>) target_semaphore(%run_scoped3A : memref<!tpu.dma_semaphore, #tpu.memory_space<semaphore_mem>>)
      %dma_wait3A_729 = arith.constant 0 : i32
      %dma_wait3A_730 = tpu.memref_slice %arg17[%add3A_664, %dma_wait3A_729] : memref<10240x128xf32, #tpu.memory_space<vmem_shared>> -> memref<80x128xf32, #tpu.memory_space<vmem_shared>>
      %dma_wait3A_731 = arith.constant 0 : i32
      %dma_wait3A_732 = tpu.memref_slice %arg17[%add3A_664, %dma_wait3A_731] : memref<10240x128xf32, #tpu.memory_space<vmem_shared>> -> memref<80x128xf32, #tpu.memory_space<vmem_shared>>
      tpu.wait_dma2 semaphore(%run_scoped3A : memref<!tpu.dma_semaphore, #tpu.memory_space<semaphore_mem>>) src(%dma_wait3A_732 : memref<80x128xf32, #tpu.memory_space<vmem_shared>>) dst(%arg15 : memref<80x128xf32, #tpu.memory_space<vmem>>)
      tpu.yield
    }) : () -> ()
    %dma_start3A_665 = arith.constant 0 : i32
    %dma_start3A_666 = arith.constant 0 : i32
    %dma_start3A_667 = tpu.memref_slice %arg7[%arg0, %dma_start3A_665, %dma_start3A_666] : memref<2x10240x128xf32, #tpu.memory_space<hbm>> -> memref<1x10240x128xf32, #tpu.memory_space<hbm>>
    %dma_start3A_668 = tpu.memref_squeeze %dma_start3A_667 : memref<1x10240x128xf32, #tpu.memory_space<hbm>> -> memref<10240x128xf32, #tpu.memory_space<hbm>>
    %dma_start3A_669 = arith.constant 0 : i32
    %dma_start3A_670 = tpu.memref_slice %dma_start3A_668[%add3A_664, %dma_start3A_669] : memref<10240x128xf32, #tpu.memory_space<hbm>> -> memref<80x128xf32, #tpu.memory_space<hbm>>
    %dma_start3A_671 = arith.constant 0 : i32
    %dma_start3A_672 = arith.constant 0 : i32
    %dma_start3A_673 = tpu.memref_slice %arg7[%arg0, %dma_start3A_671, %dma_start3A_672] : memref<2x10240x128xf32, #tpu.memory_space<hbm>> -> memref<1x10240x128xf32, #tpu.memory_space<hbm>>
    %dma_start3A_674 = tpu.memref_squeeze %dma_start3A_673 : memref<1x10240x128xf32, #tpu.memory_space<hbm>> -> memref<10240x128xf32, #tpu.memory_space<hbm>>
    %dma_start3A_675 = arith.constant 0 : i32
    %dma_start3A_676 = tpu.memref_slice %dma_start3A_674[%add3A_664, %dma_start3A_675] : memref<10240x128xf32, #tpu.memory_space<hbm>> -> memref<80x128xf32, #tpu.memory_space<hbm>>
    tpu.enqueue_dma source(%arg15 : memref<80x128xf32, #tpu.memory_space<vmem>>) target(%dma_start3A_676 : memref<80x128xf32, #tpu.memory_space<hbm>>) target_semaphore(%arg19 : memref<!tpu.dma_semaphore, #tpu.memory_space<semaphore_mem>>)
    %mul3A_677 = arith.constant 640 : i32
    %mul3A_678 = arith.muli %arg1, %mul3A_677 : i32
    %add3A_679 = arith.constant 400 : i32
    %add3A_680 = arith.addi %mul3A_678, %add3A_679 : i32
    %dma_wait3A_681 = arith.constant 0 : i32
    %dma_wait3A_682 = arith.constant 0 : i32
    %dma_wait3A_683 = tpu.memref_slice %arg7[%arg0, %dma_wait3A_681, %dma_wait3A_682] : memref<2x10240x128xf32, #tpu.memory_space<hbm>> -> memref<1x10240x128xf32, #tpu.memory_space<hbm>>
    %dma_wait3A_684 = tpu.memref_squeeze %dma_wait3A_683 : memref<1x10240x128xf32, #tpu.memory_space<hbm>> -> memref<10240x128xf32, #tpu.memory_space<hbm>>
    %dma_wait3A_685 = arith.constant 0 : i32
    %dma_wait3A_686 = tpu.memref_slice %dma_wait3A_684[%add3A_680, %dma_wait3A_685] : memref<10240x128xf32, #tpu.memory_space<hbm>> -> memref<80x128xf32, #tpu.memory_space<hbm>>
    %dma_wait3A_687 = arith.constant 0 : i32
    %dma_wait3A_688 = arith.constant 0 : i32
    %dma_wait3A_689 = tpu.memref_slice %arg7[%arg0, %dma_wait3A_687, %dma_wait3A_688] : memref<2x10240x128xf32, #tpu.memory_space<hbm>> -> memref<1x10240x128xf32, #tpu.memory_space<hbm>>
    %dma_wait3A_690 = tpu.memref_squeeze %dma_wait3A_689 : memref<1x10240x128xf32, #tpu.memory_space<hbm>> -> memref<10240x128xf32, #tpu.memory_space<hbm>>
    %dma_wait3A_691 = arith.constant 0 : i32
    %dma_wait3A_692 = tpu.memref_slice %dma_wait3A_690[%add3A_680, %dma_wait3A_691] : memref<10240x128xf32, #tpu.memory_space<hbm>> -> memref<80x128xf32, #tpu.memory_space<hbm>>
    tpu.wait_dma2 semaphore(%arg20 : memref<!tpu.dma_semaphore, #tpu.memory_space<semaphore_mem>>) src(%arg16 : memref<80x128xf32, #tpu.memory_space<vmem>>) dst(%dma_wait3A_692 : memref<80x128xf32, #tpu.memory_space<hbm>>)
    %mul3A_693 = arith.constant 640 : i32
    %mul3A_694 = arith.muli %arg1, %mul3A_693 : i32
    %add3A_695 = arith.constant 480 : i32
    %add3A_696 = arith.addi %mul3A_694, %add3A_695 : i32
    %dma_wait3A_697 = arith.constant 0 : i32
    %dma_wait3A_698 = arith.constant 0 : i32
    %dma_wait3A_699 = tpu.memref_slice %arg7[%arg0, %dma_wait3A_697, %dma_wait3A_698] : memref<2x10240x128xf32, #tpu.memory_space<hbm>> -> memref<1x10240x128xf32, #tpu.memory_space<hbm>>
    %dma_wait3A_700 = tpu.memref_squeeze %dma_wait3A_699 : memref<1x10240x128xf32, #tpu.memory_space<hbm>> -> memref<10240x128xf32, #tpu.memory_space<hbm>>
    %dma_wait3A_701 = arith.constant 0 : i32
    %dma_wait3A_702 = tpu.memref_slice %dma_wait3A_700[%add3A_696, %dma_wait3A_701] : memref<10240x128xf32, #tpu.memory_space<hbm>> -> memref<80x128xf32, #tpu.memory_space<hbm>>
    %dma_wait3A_703 = arith.constant 0 : i32
    %dma_wait3A_704 = arith.constant 0 : i32
    %dma_wait3A_705 = tpu.memref_slice %arg7[%arg0, %dma_wait3A_703, %dma_wait3A_704] : memref<2x10240x128xf32, #tpu.memory_space<hbm>> -> memref<1x10240x128xf32, #tpu.memory_space<hbm>>
    %dma_wait3A_706 = tpu.memref_squeeze %dma_wait3A_705 : memref<1x10240x128xf32, #tpu.memory_space<hbm>> -> memref<10240x128xf32, #tpu.memory_space<hbm>>
    %dma_wait3A_707 = arith.constant 0 : i32
    %dma_wait3A_708 = tpu.memref_slice %dma_wait3A_706[%add3A_696, %dma_wait3A_707] : memref<10240x128xf32, #tpu.memory_space<hbm>> -> memref<80x128xf32, #tpu.memory_space<hbm>>
    tpu.wait_dma2 semaphore(%arg18 : memref<!tpu.dma_semaphore, #tpu.memory_space<semaphore_mem>>) src(%arg14 : memref<80x128xf32, #tpu.memory_space<vmem>>) dst(%dma_wait3A_708 : memref<80x128xf32, #tpu.memory_space<hbm>>)
    %mul3A_709 = arith.constant 640 : i32
    %mul3A_710 = arith.muli %arg1, %mul3A_709 : i32
    %add3A_711 = arith.constant 560 : i32
    %add3A_712 = arith.addi %mul3A_710, %add3A_711 : i32
    %dma_wait3A_713 = arith.constant 0 : i32
    %dma_wait3A_714 = arith.constant 0 : i32
    %dma_wait3A_715 = tpu.memref_slice %arg7[%arg0, %dma_wait3A_713, %dma_wait3A_714] : memref<2x10240x128xf32, #tpu.memory_space<hbm>> -> memref<1x10240x128xf32, #tpu.memory_space<hbm>>
    %dma_wait3A_716 = tpu.memref_squeeze %dma_wait3A_715 : memref<1x10240x128xf32, #tpu.memory_space<hbm>> -> memref<10240x128xf32, #tpu.memory_space<hbm>>
    %dma_wait3A_717 = arith.constant 0 : i32
    %dma_wait3A_718 = tpu.memref_slice %dma_wait3A_716[%add3A_712, %dma_wait3A_717] : memref<10240x128xf32, #tpu.memory_space<hbm>> -> memref<80x128xf32, #tpu.memory_space<hbm>>
    %dma_wait3A_719 = arith.constant 0 : i32
    %dma_wait3A_720 = arith.constant 0 : i32
    %dma_wait3A_721 = tpu.memref_slice %arg7[%arg0, %dma_wait3A_719, %dma_wait3A_720] : memref<2x10240x128xf32, #tpu.memory_space<hbm>> -> memref<1x10240x128xf32, #tpu.memory_space<hbm>>
    %dma_wait3A_722 = tpu.memref_squeeze %dma_wait3A_721 : memref<1x10240x128xf32, #tpu.memory_space<hbm>> -> memref<10240x128xf32, #tpu.memory_space<hbm>>
    %dma_wait3A_723 = arith.constant 0 : i32
    %dma_wait3A_724 = tpu.memref_slice %dma_wait3A_722[%add3A_712, %dma_wait3A_723] : memref<10240x128xf32, #tpu.memory_space<hbm>> -> memref<80x128xf32, #tpu.memory_space<hbm>>
    tpu.wait_dma2 semaphore(%arg19 : memref<!tpu.dma_semaphore, #tpu.memory_space<semaphore_mem>>) src(%arg15 : memref<80x128xf32, #tpu.memory_space<vmem>>) dst(%dma_wait3A_724 : memref<80x128xf32, #tpu.memory_space<hbm>>)
    return
  }
}

module attributes {stable_mosaic.version = 14 : i64} {
  func.func @mmbody(%arg0: i32, %arg1: memref<2x1024x128xf32, #tpu.memory_space<vmem>>, %arg2: memref<32x1024xf32, #tpu.memory_space<vmem>>, %arg3: memref<1024x128xf32, #tpu.memory_space<vmem>>, %arg4: memref<128x128xf32, #tpu.memory_space<vmem>>, %arg5: memref<128x128xf32, #tpu.memory_space<vmem>>, %arg6: memref<1x128xf32, #tpu.memory_space<vmem>>, %arg7: memref<1024x128xf32, #tpu.memory_space<vmem>>) attributes {dimension_semantics = [#tpu.dimension_semantics<arbitrary>], iteration_bounds = array<i64: 10>, scalar_prefetch = 0 : i64, scratch_operands = 0 : i64, tpu.core_type = #tpu.core_type<tc>, window_params = [{transform_indices = @transform_0, window_bounds = array<i64: 2, 1024, 128>}, {transform_indices = @transform_1, window_bounds = array<i64: 32, 1024>}, {transform_indices = @transform_2, window_bounds = array<i64: 1024, 128>}, {pipeline_mode = #tpu.pipeline_mode<synchronous>, transform_indices = @transform_3, window_bounds = array<i64: 128, 128>}, {pipeline_mode = #tpu.pipeline_mode<synchronous>, transform_indices = @transform_4, window_bounds = array<i64: 128, 128>}, {pipeline_mode = #tpu.pipeline_mode<synchronous>, transform_indices = @transform_5, window_bounds = array<i64: 1, 128>}, {transform_indices = @transform_6, window_bounds = array<i64: 1024, 128>}]} {
    %get3A = arith.constant 0 : index
    %get3A_0 = arith.constant 0 : index
    %get3A_1 = vector.load %arg2[%get3A, %get3A_0] : memref<32x1024xf32, #tpu.memory_space<vmem>>, vector<32x1024xf32>
    %reduce_sum3A = arith.constant dense<0.000000e+00> : vector<1024xf32>
    %reduce_sum3A_2 = vector.multi_reduction <add>, %get3A_1, %reduce_sum3A [0] : vector<32x1024xf32> to vector<1024xf32>
    %broadcast_in_dim3A = vector.shape_cast %reduce_sum3A_2 : vector<1024xf32> to vector<1024x1xf32>
    %get3A_3 = arith.constant 0 : index
    %get3A_4 = arith.constant 0 : index
    %get3A_5 = arith.constant 0 : index
    %get3A_6 = vector.load %arg1[%get3A_3, %get3A_4, %get3A_5] : memref<2x1024x128xf32, #tpu.memory_space<vmem>>, vector<1x1024x128xf32>
    %get3A_7 = vector.shape_cast %get3A_6 : vector<1x1024x128xf32> to vector<1024x128xf32>
    %get3A_8 = arith.constant 1 : index
    %get3A_9 = arith.constant 0 : index
    %get3A_10 = arith.constant 0 : index
    %get3A_11 = vector.load %arg1[%get3A_8, %get3A_9, %get3A_10] : memref<2x1024x128xf32, #tpu.memory_space<vmem>>, vector<1x1024x128xf32>
    %get3A_12 = vector.shape_cast %get3A_11 : vector<1x1024x128xf32> to vector<1024x128xf32>
    %add3A = arith.addf %get3A_7, %get3A_12 : vector<1024x128xf32>
    %max3A = arith.constant 1.000000e+00 : f32
    %max3A_13 = vector.broadcast %max3A : f32 to vector<1024x1xf32>
    %max3A_14 = arith.maximumf %broadcast_in_dim3A, %max3A_13 : vector<1024x1xf32>
    %div3A = vector.broadcast %max3A_14 : vector<1024x1xf32> to vector<1024x128xf32>
    %div3A_15 = arith.divf %add3A, %div3A : vector<1024x128xf32>
    %get3A_16 = arith.constant 0 : index
    %get3A_17 = arith.constant 0 : index
    %get3A_18 = vector.load %arg4[%get3A_16, %get3A_17] : memref<128x128xf32, #tpu.memory_space<vmem>>, vector<128x128xf32>
    %dot_general3A = arith.constant dense<0.000000e+00> : vector<1024x128xf32>
    %dot_general3A_19 = tpu.matmul %div3A_15, %get3A_18, %dot_general3A {dimension_numbers = #tpu.dot_dimension_numbers<[1], [0], [0], [1], [0, 0, 1, 1], [], []>, transpose_lhs_hint = false} : vector<1024x128xf32>, vector<128x128xf32>, vector<1024x128xf32> -> vector<1024x128xf32>
    %get3A_20 = arith.constant 0 : index
    %get3A_21 = arith.constant 0 : index
    %get3A_22 = vector.load %arg6[%get3A_20, %get3A_21] : memref<1x128xf32, #tpu.memory_space<vmem>>, vector<1x128xf32>
    %add3A_23 = vector.broadcast %get3A_22 : vector<1x128xf32> to vector<1024x128xf32>
    %add3A_24 = arith.addf %dot_general3A_19, %add3A_23 : vector<1024x128xf32>
    %get3A_25 = arith.constant 0 : index
    %get3A_26 = arith.constant 0 : index
    %get3A_27 = vector.load %arg3[%get3A_25, %get3A_26] : memref<1024x128xf32, #tpu.memory_space<vmem>>, vector<1024x128xf32>
    %get3A_28 = arith.constant 0 : index
    %get3A_29 = arith.constant 0 : index
    %get3A_30 = vector.load %arg5[%get3A_28, %get3A_29] : memref<128x128xf32, #tpu.memory_space<vmem>>, vector<128x128xf32>
    %dot_general3A_31 = arith.constant dense<0.000000e+00> : vector<1024x128xf32>
    %dot_general3A_32 = tpu.matmul %get3A_27, %get3A_30, %dot_general3A_31 {dimension_numbers = #tpu.dot_dimension_numbers<[1], [0], [0], [1], [0, 0, 1, 1], [], []>, transpose_lhs_hint = false} : vector<1024x128xf32>, vector<128x128xf32>, vector<1024x128xf32> -> vector<1024x128xf32>
    %add3A_33 = arith.addf %add3A_24, %dot_general3A_32 : vector<1024x128xf32>
    %max3A_34 = arith.constant 0.000000e+00 : f32
    %max3A_35 = vector.broadcast %max3A_34 : f32 to vector<1024x128xf32>
    %max3A_36 = arith.maximumf %add3A_33, %max3A_35 : vector<1024x128xf32>
    %swap3A = arith.constant 0 : index
    %swap3A_37 = arith.constant 0 : index
    %swap3A_38 = vector.load %arg7[%swap3A, %swap3A_37] : memref<1024x128xf32, #tpu.memory_space<vmem>>, vector<1024x128xf32>
    tpu.vector_store %arg7[%swap3A, %swap3A_37], %max3A_36 {strides = array<i32>} : memref<1024x128xf32, #tpu.memory_space<vmem>>, vector<1024x128xf32>,
    return
  }
  func.func @transform_0(%arg0: i32) -> (i32, i32, i32) {
    %c0_i32 = arith.constant 0 : i32
    %c0_i32_0 = arith.constant 0 : i32
    %c0_i32_1 = arith.constant 0 : i32
    return %c0_i32, %arg0, %c0_i32_0 : i32, i32, i32
  }
  func.func @transform_1(%arg0: i32) -> (i32, i32) {
    %c0_i32 = arith.constant 0 : i32
    %c0_i32_0 = arith.constant 0 : i32
    return %c0_i32, %arg0 : i32, i32
  }
  func.func @transform_2(%arg0: i32) -> (i32, i32) {
    %c0_i32 = arith.constant 0 : i32
    %c0_i32_0 = arith.constant 0 : i32
    return %arg0, %c0_i32 : i32, i32
  }
  func.func @transform_3(%arg0: i32) -> (i32, i32) {
    %c0_i32 = arith.constant 0 : i32
    %c0_i32_0 = arith.constant 0 : i32
    %c0_i32_1 = arith.constant 0 : i32
    return %c0_i32, %c0_i32_0 : i32, i32
  }
  func.func @transform_4(%arg0: i32) -> (i32, i32) {
    %c0_i32 = arith.constant 0 : i32
    %c0_i32_0 = arith.constant 0 : i32
    %c0_i32_1 = arith.constant 0 : i32
    return %c0_i32, %c0_i32_0 : i32, i32
  }
  func.func @transform_5(%arg0: i32) -> (i32, i32) {
    %c0_i32 = arith.constant 0 : i32
    %c0_i32_0 = arith.constant 0 : i32
    %c0_i32_1 = arith.constant 0 : i32
    return %c0_i32, %c0_i32_0 : i32, i32
  }
  func.func @transform_6(%arg0: i32) -> (i32, i32) {
    %c0_i32 = arith.constant 0 : i32
    %c0_i32_0 = arith.constant 0 : i32
    return %arg0, %c0_i32 : i32, i32
  }
}

module attributes {stable_mosaic.version = 14 : i64} {
  func.func @mmbody(%arg0: i32, %arg1: memref<2x1024x128xf32, #tpu.memory_space<vmem>>, %arg2: memref<32x1024xf32, #tpu.memory_space<vmem>>, %arg3: memref<1024x128xf32, #tpu.memory_space<vmem>>, %arg4: memref<128x128xf32, #tpu.memory_space<vmem>>, %arg5: memref<128x128xf32, #tpu.memory_space<vmem>>, %arg6: memref<1x128xf32, #tpu.memory_space<vmem>>, %arg7: memref<1024x128xf32, #tpu.memory_space<vmem>>) attributes {dimension_semantics = [#tpu.dimension_semantics<arbitrary>], iteration_bounds = array<i64: 10>, scalar_prefetch = 0 : i64, scratch_operands = 0 : i64, tpu.core_type = #tpu.core_type<tc>, window_params = [{transform_indices = @transform_0, window_bounds = array<i64: 2, 1024, 128>}, {transform_indices = @transform_1, window_bounds = array<i64: 32, 1024>}, {transform_indices = @transform_2, window_bounds = array<i64: 1024, 128>}, {pipeline_mode = #tpu.pipeline_mode<synchronous>, transform_indices = @transform_3, window_bounds = array<i64: 128, 128>}, {pipeline_mode = #tpu.pipeline_mode<synchronous>, transform_indices = @transform_4, window_bounds = array<i64: 128, 128>}, {pipeline_mode = #tpu.pipeline_mode<synchronous>, transform_indices = @transform_5, window_bounds = array<i64: 1, 128>}, {transform_indices = @transform_6, window_bounds = array<i64: 1024, 128>}]} {
    %get3A = arith.constant 0 : index
    %get3A_0 = arith.constant 0 : index
    %get3A_1 = vector.load %arg2[%get3A, %get3A_0] : memref<32x1024xf32, #tpu.memory_space<vmem>>, vector<32x1024xf32>
    %reduce_sum3A = arith.constant dense<0.000000e+00> : vector<1024xf32>
    %reduce_sum3A_2 = vector.multi_reduction <add>, %get3A_1, %reduce_sum3A [0] : vector<32x1024xf32> to vector<1024xf32>
    %broadcast_in_dim3A = vector.shape_cast %reduce_sum3A_2 : vector<1024xf32> to vector<1024x1xf32>
    %get3A_3 = arith.constant 0 : index
    %get3A_4 = arith.constant 0 : index
    %get3A_5 = arith.constant 0 : index
    %get3A_6 = vector.load %arg1[%get3A_3, %get3A_4, %get3A_5] : memref<2x1024x128xf32, #tpu.memory_space<vmem>>, vector<1x1024x128xf32>
    %get3A_7 = vector.shape_cast %get3A_6 : vector<1x1024x128xf32> to vector<1024x128xf32>
    %get3A_8 = arith.constant 1 : index
    %get3A_9 = arith.constant 0 : index
    %get3A_10 = arith.constant 0 : index
    %get3A_11 = vector.load %arg1[%get3A_8, %get3A_9, %get3A_10] : memref<2x1024x128xf32, #tpu.memory_space<vmem>>, vector<1x1024x128xf32>
    %get3A_12 = vector.shape_cast %get3A_11 : vector<1x1024x128xf32> to vector<1024x128xf32>
    %add3A = arith.addf %get3A_7, %get3A_12 : vector<1024x128xf32>
    %max3A = arith.constant 1.000000e+00 : f32
    %max3A_13 = vector.broadcast %max3A : f32 to vector<1024x1xf32>
    %max3A_14 = arith.maximumf %broadcast_in_dim3A, %max3A_13 : vector<1024x1xf32>
    %div3A = vector.broadcast %max3A_14 : vector<1024x1xf32> to vector<1024x128xf32>
    %div3A_15 = arith.divf %add3A, %div3A : vector<1024x128xf32>
    %get3A_16 = arith.constant 0 : index
    %get3A_17 = arith.constant 0 : index
    %get3A_18 = vector.load %arg4[%get3A_16, %get3A_17] : memref<128x128xf32, #tpu.memory_space<vmem>>, vector<128x128xf32>
    %dot_general3A = arith.constant dense<0.000000e+00> : vector<1024x128xf32>
    %dot_general3A_19 = tpu.matmul %div3A_15, %get3A_18, %dot_general3A {dimension_numbers = #tpu.dot_dimension_numbers<[1], [0], [0], [1], [0, 0, 1, 1], [], []>, transpose_lhs_hint = false} : vector<1024x128xf32>, vector<128x128xf32>, vector<1024x128xf32> -> vector<1024x128xf32>
    %get3A_20 = arith.constant 0 : index
    %get3A_21 = arith.constant 0 : index
    %get3A_22 = vector.load %arg6[%get3A_20, %get3A_21] : memref<1x128xf32, #tpu.memory_space<vmem>>, vector<1x128xf32>
    %add3A_23 = vector.broadcast %get3A_22 : vector<1x128xf32> to vector<1024x128xf32>
    %add3A_24 = arith.addf %dot_general3A_19, %add3A_23 : vector<1024x128xf32>
    %get3A_25 = arith.constant 0 : index
    %get3A_26 = arith.constant 0 : index
    %get3A_27 = vector.load %arg3[%get3A_25, %get3A_26] : memref<1024x128xf32, #tpu.memory_space<vmem>>, vector<1024x128xf32>
    %get3A_28 = arith.constant 0 : index
    %get3A_29 = arith.constant 0 : index
    %get3A_30 = vector.load %arg5[%get3A_28, %get3A_29] : memref<128x128xf32, #tpu.memory_space<vmem>>, vector<128x128xf32>
    %dot_general3A_31 = arith.constant dense<0.000000e+00> : vector<1024x128xf32>
    %dot_general3A_32 = tpu.matmul %get3A_27, %get3A_30, %dot_general3A_31 {dimension_numbers = #tpu.dot_dimension_numbers<[1], [0], [0], [1], [0, 0, 1, 1], [], []>, transpose_lhs_hint = false} : vector<1024x128xf32>, vector<128x128xf32>, vector<1024x128xf32> -> vector<1024x128xf32>
    %add3A_33 = arith.addf %add3A_24, %dot_general3A_32 : vector<1024x128xf32>
    %swap3A = arith.constant 0 : index
    %swap3A_34 = arith.constant 0 : index
    %swap3A_35 = vector.load %arg7[%swap3A, %swap3A_34] : memref<1024x128xf32, #tpu.memory_space<vmem>>, vector<1024x128xf32>
    tpu.vector_store %arg7[%swap3A, %swap3A_34], %add3A_33 {strides = array<i32>} : memref<1024x128xf32, #tpu.memory_space<vmem>>, vector<1024x128xf32>,
    return
  }
  func.func @transform_0(%arg0: i32) -> (i32, i32, i32) {
    %c0_i32 = arith.constant 0 : i32
    %c0_i32_0 = arith.constant 0 : i32
    %c0_i32_1 = arith.constant 0 : i32
    return %c0_i32, %arg0, %c0_i32_0 : i32, i32, i32
  }
  func.func @transform_1(%arg0: i32) -> (i32, i32) {
    %c0_i32 = arith.constant 0 : i32
    %c0_i32_0 = arith.constant 0 : i32
    return %c0_i32, %arg0 : i32, i32
  }
  func.func @transform_2(%arg0: i32) -> (i32, i32) {
    %c0_i32 = arith.constant 0 : i32
    %c0_i32_0 = arith.constant 0 : i32
    return %arg0, %c0_i32 : i32, i32
  }
  func.func @transform_3(%arg0: i32) -> (i32, i32) {
    %c0_i32 = arith.constant 0 : i32
    %c0_i32_0 = arith.constant 0 : i32
    %c0_i32_1 = arith.constant 0 : i32
    return %c0_i32, %c0_i32_0 : i32, i32
  }
  func.func @transform_4(%arg0: i32) -> (i32, i32) {
    %c0_i32 = arith.constant 0 : i32
    %c0_i32_0 = arith.constant 0 : i32
    %c0_i32_1 = arith.constant 0 : i32
    return %c0_i32, %c0_i32_0 : i32, i32
  }
  func.func @transform_5(%arg0: i32) -> (i32, i32) {
    %c0_i32 = arith.constant 0 : i32
    %c0_i32_0 = arith.constant 0 : i32
    %c0_i32_1 = arith.constant 0 : i32
    return %c0_i32, %c0_i32_0 : i32, i32
  }
  func.func @transform_6(%arg0: i32) -> (i32, i32) {
    %c0_i32 = arith.constant 0 : i32
    %c0_i32_0 = arith.constant 0 : i32
    return %arg0, %c0_i32 : i32, i32
  }
}

</mosaic_0001>

<sc_bundles>
// kernel: kernel.6.cloned.1.call-start
scs
__scs_entry_jumppad:
0x0: {  	(pc) =	sbr.rel $0x88, $3  }
0x1: {  	(tag) =	ssettag $0x0;
	lr =	simm.s32 $0x1  }
0x2: {  	[smem:$0x3F99] =	sst lr;
	_ =	strace $0xD0000000  }
0x3: {  	_ = 	snop  }
0x4: {  	_ = 	snop  }
0x5: {  	_ = 	snop  }
0x6: {  	_ = 	snop  }
0x7: {  	_ = 	snop  }
__scs_overlays_trampoline_lowered:
0x8: {  	[smem:$0x3FA8] =	sst s0  }
0x9: {  	[smem:$0x3FA9] =	sst s1  }
0xa: {  	[smem:$0x3FAA] =	sst s2  }
0xb: {  	[smem:$0x3FAB] =	sst s3  }
0xc: {  	[smem:$0x3FAC] =	sst s4  }
0xd: {  	[smem:$0x3FAD] =	sst s5  }
0xe: {  	[smem:$0x3FAE] =	sst s6  }
0xf: {  	[smem:$0x3FAF] =	sst s7  }
0x10: {  	[smem:$0x3FB0] =	sst s8  }
0x11: {  	[smem:$0x3FB1] =	sst s9;
	s0 =	simm.s32 @!p0 $0x0  }
0x12: {  	s1 =	sld [smem:$0x3F97];
	s0 =	simm.s32 @p0 $0x1  }
0x13: {  	[smem:$0x3FB2] =	sst s0;
	s0 =	simm.s32 @!p1 $0x0  }
0x14: {  	s2 =	sld [smem:$0x3F96];
	s0 =	simm.s32 @p1 $0x1  }
0x15: {  	[smem:$0x3FB3] =	sst s0;
	s0 =	simm.s32 @!p2 $0x0  }
0x16: {  	s3 =	sld [smem:$0x3FDB];
	s0 =	simm.s32 @p2 $0x1  }
0x17: {  	s4 =	simm.s32 $0x1BF5;
	[smem:$0x3FB5] =	sst s0  }
0x18: {  	s0 =	sld [smem:$0x3F98];
	_ =	swait.ge [sflag:s4], $0x0  }
0x19: {  	s7 =	sld [smem:$0x3F99]  }
0x1a: {  	s8 =	sadd.s32 $0xFFFFE003, lr  }
0x1b: {  	s9 =	sadd.s32 $0xFFFFFEF7, lr;
	s5 =	simm.s32 $0xFFFFFFFF;
	p2 =	slt.u32 s8, $0xFFFFF086  }
0x1c: {  	p1 =	slt.u32 s9, $0xF7A;
	s5 =	simm.s32 @!p2 $0x0  }
0x1d: {  	s5 =	simm.s32 @p1 $0x1;
	p0 =	seq.s32 s7, s2  }
0x1e: {  	s7 =	smul.u32 @!p0 $0xF7A, s2;
	p2 =	seq.s32 @!p0 s5, $0x0  }
0x1f: {  	s9 =	smul.u32 $0xF7A, s1;
	s8 =	simm.s32 @!p0 $0x1BF5;
	p2 =	por !p2, p0  }
0x20: {  	[sflag:s8] =	ssyncset.s32 @!p0 $0xFFFFF086;
	s6 =	sadd.s32 @!p0 s3, s7;
	s7 =	simm.s32 @!p0 $0x108  }
0x21: {  	s3 =	sadd.s32 s3, s9;
	s6 =	sadd.s32 @!p0 $0x88, s6;
	s7 =	simm.s32 @p2 $0x1082  }
0x22: {  	[simem:s7], [sflag:s8] =	dma.local @!p0 [hbm:s6], $0xF7A  }
0x23: {  	s9 =	sor.u32 $0xD0000000, s2;
	s6 =	simm.s32 $0x108;
	_ =	swait.ge @!p0 [sflag:s8], $0x0  }
0x24: {  	s3 =	sadd.s32 $0x88, s3;
	s6 =	simm.s32 @!p1 $0x1082;
	[sflag:s4] =	ssyncset.s32 $0xFFFFF086  }
0x25: {  	[simem:s6], [sflag:s4] =	dma.local [hbm:s3], $0xF7A  }
0x26: {  	[smem:$0x3F99] =	sst s1;
	(tag) =	ssettag s2;
	_ =	strace s9  }
0x27: {  	s1 =	sld [smem:$0x3FA9]  }
0x28: {  	s2 =	sld [smem:$0x3FAA]  }
0x29: {  	s4 =	sld [smem:$0x3FAC]  }
0x2a: {  	p0 =	seq.s32 s5, $0x0;
	s5 =	sld [smem:$0x3FAD]  }
0x2b: {  	s6 =	sld [smem:$0x3FAE]  }
0x2c: {  	s7 =	sld [smem:$0x3FAF]  }
0x2d: {  	s3 =	simm.s32 $0x108;
	s8 =	sld [smem:$0x3FB0]  }
0x2e: {  	s3 =	simm.s32 @!p0 $0x1082;
	s9 =	sld [smem:$0x3FB1]  }
0x2f: {  	lr =	sadd.s32 s0, s3;
	s0 =	sld [smem:$0x3FA8]  }
0x30: {  	s3 =	sld [smem:$0x3FAB]  }
0x31: {  	[smem:$0x3FB4] =	sst s10  }
0x32: {  	s10 =	sld [smem:$0x3FB2];
	_ =	sdelay $0x3  }
0x33: {  	p0 =	seq.s32 s10, $0x1;
	s10 =	sld [smem:$0x3FB4];
	_ =	sdelay $0x3  }
0x34: {  	[smem:$0x3FB4] =	sst s10  }
0x35: {  	s10 =	sld [smem:$0x3FB3];
	_ =	sdelay $0x3  }
0x36: {  	p1 =	seq.s32 s10, $0x1;
	s10 =	sld [smem:$0x3FB4];
	_ =	sdelay $0x3  }
0x37: {  	[smem:$0x3FB4] =	sst s10  }
0x38: {  	s10 =	sld [smem:$0x3FB5]  }
0x39: {  	_ = 	snop;
	(pc) =	sbr.ind lr, $3  }
0x3a: {  	_ = 	snop  }
0x3b: {  	_ = 	snop  }
0x3c: {  	p2 =	seq.s32 s10, $0x1;
	s10 =	sld [smem:$0x3FB4]  }
0x3d: {  	_ =	shalt  }
0x3e: {  	_ =	shalt  }
0x3f: {  	_ =	shalt  }
0x40: {  	_ =	shalt  }
0x41: {  	_ =	shalt  }
0x42: {  	_ =	shalt  }
0x43: {  	_ =	shalt  }
0x44: {  	_ =	shalt  }
0x45: {  	_ =	shalt  }
0x46: {  	_ =	shalt  }
0x47: {  	_ =	shalt  }
0x48: {  	_ =	shalt  }
0x49: {  	_ =	shalt  }
0x4a: {  	_ =	shalt  }
0x4b: {  	_ =	shalt  }
0x4c: {  	_ =	shalt  }
0x4d: {  	_ =	shalt  }
0x4e: {  	_ =	shalt  }
0x4f: {  	_ =	shalt  }
0x50: {  	_ =	shalt  }
0x51: {  	_ =	shalt  }
0x52: {  	_ =	shalt  }
0x53: {  	_ =	shalt  }
0x54: {  	_ =	shalt  }
0x55: {  	_ =	shalt  }
0x56: {  	_ =	shalt  }
0x57: {  	_ =	shalt  }
0x58: {  	_ =	shalt  }
0x59: {  	_ =	shalt  }
0x5a: {  	_ =	shalt  }
0x5b: {  	_ =	shalt  }
0x5c: {  	_ =	shalt  }
0x5d: {  	_ =	shalt  }
0x5e: {  	_ =	shalt  }
0x5f: {  	_ =	shalt  }
0x60: {  	_ =	shalt  }
0x61: {  	_ =	shalt  }
0x62: {  	_ =	shalt  }
0x63: {  	_ =	shalt  }
0x64: {  	_ =	shalt  }
0x65: {  	_ =	shalt  }
0x66: {  	_ =	shalt  }
0x67: {  	_ =	shalt  }
0x68: {  	_ =	shalt  }
0x69: {  	_ =	shalt  }
0x6a: {  	_ =	shalt  }
0x6b: {  	_ =	shalt  }
0x6c: {  	_ =	shalt  }
0x6d: {  	_ =	shalt  }
0x6e: {  	_ =	shalt  }
0x6f: {  	_ =	shalt  }
0x70: {  	_ =	shalt  }
0x71: {  	_ =	shalt  }
0x72: {  	_ =	shalt  }
0x73: {  	_ =	shalt  }
0x74: {  	_ =	shalt  }
0x75: {  	_ =	shalt  }
0x76: {  	_ =	shalt  }
0x77: {  	_ =	shalt  }
0x78: {  	_ =	shalt  }
0x79: {  	_ =	shalt  }
0x7a: {  	_ =	shalt  }
0x7b: {  	_ =	shalt  }
0x7c: {  	_ =	shalt  }
0x7d: {  	_ =	shalt  }
0x7e: {  	_ =	shalt  }
0x7f: {  	_ =	shalt  }
0x80: {  	_ =	shalt  }
0x81: {  	_ =	shalt  }
0x82: {  	_ =	shalt  }
0x83: {  	_ =	shalt  }
0x84: {  	_ =	shalt  }
0x85: {  	_ =	shalt  }
0x86: {  	_ =	shalt  }
0x87: {  	_ =	shalt  }
.Lfunc_end0:
.L_simem_size_0:
called_computation_lowered:
.L_overlay_start_0:
0x88: {  	s2 =	sld [smem:$0x3FD9]  }
0x89: {  	s3 =	sld [smem:$0x3FFE];
	_ =	sdelay $0x1  }
0x8a: {  	s1 =	srdreg.scid  }
0x8b: {  	s0 =	sand.u32 $0x1, s1  }
0x8c: {  	s17 =	sshll.u32 s0, $0xA;
	s2 =	sadd.s32 s3, s2  }
0x8d: {  	s2 =	sadd.s32 s2, s17  }
0x8e: {  	[smem:$0x3FC0] =	sst s2  }
0x8f: {  	_ = 	snop  }
0x90: {  	s2 =	sld [smem:$0x3FC9];
	(tm) =	ssettm $0x1  }
0x91: {  	s18 =	sld [smem:$0x3FFB];
	_ =	sdelay $0x3  }
0x92: {  	_ =	strace s18  }
0x93: {  	s3 =	sld [smem:$0x3FFC];
	_ =	sdelay $0x3  }
0x94: {  	_ =	strace s3  }
0x95: {  	s3 =	sld [smem:$0x3FFD];
	_ =	sdelay $0x3  }
0x96: {  	_ =	strace s3  }
0x97: {  	_ =	strace $0x8FFFFFFF  }
0x98: {  	s19 =	sld [smem:$0x3FDB];
	_ =	sdelay $0x1  }
0x99: {  	s4 =	simm.s32 $_scs_section_size  }
0x9a: {  	s5 =	simm.s32 $_size__tile_overlayer_lowered;
	s6 =	simm.s32 $_tile_overlayer_lowered  }
0x9b: {  	s22 =	simm.s32 $0x1BFF;
	s21 =	sshll.u32 s6, $0x1;
	s3 =	sadd.s32 s4, s19  }
0x9c: {  	s7 =	simm.s32 $0x0;
	s20 =	sshll.u32 s5, $0x1;
	s5 =	sadd.s32 s21, s3  }
0x9d: {  	[timem:s7], [sflag:s22] =	dma.local [hbm:s5], s20  }
0x9e: {  	_ =	swait.ge [sflag:s22], s20  }
0x9f: {  	s4 =	ssub.s32 $0x0, s20;
	[sflag:s22] =	ssyncset.done $0x0  }
0xa0: {  	[sflag:s22] =	ssyncadd.s32 s4;
	_ =	sdelay $0x1  }
0xa1: {  	s23 =	simm.s32 $0x1B8B  }
0xa2: {  	_ =	swait.ge [sflag:s23], $0x1  }
0xa3: {  	[sflag:s23] =	ssyncset.done $0x0  }
0xa4: {  	s25 =	simm.s32 $0x1B8E;
	s24 =	sld [smem:$0x3FFE];
	[sflag:s23] =	ssyncadd.s32 $0xFFFFFFFF  }
0xa5: {  	s26 =	simm.s32 $execute0_lowered;
	[smem:$0x3FD2] =	sst s25  }
0xa6: {  	s5 =	sshll.u32 s26, $0x1;
	_ =	strace $0x80000046;
	[dreg:$0x1] =	wrdreg $0xFFFFFFFF  }
0xa7: {  	s28 =	simm.s32 $_size_execute0_lowered;
	s3 =	sadd.s32 s3, s5;
	[dreg:$0x0] =	wrdreg $0x0  }
0xa8: {  	s5 =	sshll.u32 s28, $0x1;
	[dreg:$0x2] =	wrdreg s3  }
0xa9: {  	[dreg:$0x3] =	wrdreg s5  }
0xaa: {  	[dreg:$0x4] =	wrdreg $0xC0  }
0xab: {  	_ =	task [dreg:s7], $0x5FFFF  }
0xac: {  	[dreg:$0x1] =	wrdreg $0xFFFFFFFF  }
0xad: {  	[dreg:$0x0] =	wrdreg $0x60  }
0xae: {  	[dreg:$0x2] =	wrdreg s2  }
0xaf: {  	[dreg:$0x3] =	wrdreg s24  }
0xb0: {  	[dreg:$0x4] =	wrdreg $0x7B000  }
0xb1: {  	[dreg:$0x5] =	wrdreg $0x9  }
0xb2: {  	_ =	task.clear_ibuf [dreg:s7], $0x6FFFF;
	_ =	strace $0x90000046  }
0xb3: {  	s29 =	simm.s32 $0x9;
	_ =	strace $0x80000048  }
0xb4: {  	_ =	swait.ge [sflag:s29], $0x1  }
0xb5: {  	[sflag:s29] =	ssyncadd.s32 $0xFFFFFFFF  }
0xb6: {  	_ =	strace $0x90000048  }
0xb7: {  	_ =	sfence  }
0xb8: {  	s30 =	sld [smem:$0x0];
	_ =	sdelay $0x2  }
0xb9: {  	s31 =	sshll.u32 s1, $0xD;
	s1 =	sshrl.u32 s1, $0x2  }
0xba: {  	s3 =	sand.u32 $0x4000, s31;
	s1 =	sadd.s32 s1, s30  }
0xbb: {  	s0 =	sor.u32 s3, s0;
	s1 =	sshll.u32 s1, $0x11  }
0xbc: {  	s0 =	sor.u32 s1, s0  }
0xbd: {  	s0 =	sadd.s32 $0x8F2B, s0  }
0xbe: {  	[sflag:s0] =	ssyncadd.remote.s32 $0x1  }
0xbf: {  	_ =	sfence.sel $0xFFFF  }
0xc0: {  	[dreg:$0x0] =	wrdreg $0xFFFFFFFF;
	(pc) =	sbr.abs _section_cstart, $3  }
0xc1: {  	[dreg:$0x1] =	wrdreg $0xFFFFFFFF  }
0xc2: {  	_ =	task.clear_ibuf [dreg:s7], $0x2FFFF;
	_ =	strace $0x9FFFFFFF  }
0xc3: {  	(tm) =	ssettm $0x7FFFFFFF  }
tec
execute0_lowered:
.L_overlay_start_1:
0x0: {  	(tag) =	ssettag $0x1  }
0x1: {  	s1 =	rddreg [dreg:$0x0]  }
0x2: {  	s0 =	rddreg [dreg:$0x1]  }
0x3: {  	s2 =	srdreg.scid;
	s16 =	stileid.u32  }
0x4: {  	s3 =	rddreg [dreg:$0x2];
	s4 =	simm.s32 $0x0;
	s28 =	simm.s32 $0x1BB00  }
0x5: {  	s29 =	simm.s32 $0x300;
	s31 =	simm.s32 $0x1;
	s2 =	sand.u32 $0x1, s2  }
0x6: {  	s5 =	sshll.u32 s16, $0x1;
	[smem:$0x7FF] =	sst s4;
	s9 =	smul.u32 $0x280, s16  }
0x7: {  	s8 =	sshrl.u32 s16, $0x2;
	s26 =	sadd.s32 $0x21800, s0;
	s7 =	smul.u32 $0x28000, s2  }
0x8: {  	s5 =	sor.u32 s2, s5;
	_ =	strace $0x80000047;
	s8 =	smul.u32 $0x14000, s8  }
0x9: {  	s2 =	ssub.s32 $0x2, s2;
	[dreg:$0xc] =	wrdreg s26;
	s6 =	smul.u32 $0x7D0, s5  }
0xa: {  	s5 =	sshll.u32 s5, $0x7;
	s15 =	sshrl.u32 s2, $0x1;
	s10 =	sor.u32 $0x50, s9  }
0xb: {  	s11 =	sadd.s32 $0xA0, s9;
	s12 =	sadd.s32 $0xF0, s9;
	s13 =	sadd.s32 $0x140, s9  }
0xc: {  	s14 =	sadd.s32 $0x190, s9;
	s7 =	sadd.s32 s7, s0;
	s5 =	sand.u32 $0x380, s5  }
0xd: {  	s2 =	ssub.s32 s2, s15;
	s15 =	sadd.s32 $0x1E0, s9;
	s9 =	sadd.s32 $0x230, s9  }
0xe: {  	s17 =	sshll.u32 s10, $0x4;
	s18 =	sshll.u32 s11, $0x4;
	s19 =	sshll.u32 s12, $0x4  }
0xf: {  	s20 =	sshll.u32 s13, $0x4;
	s21 =	sshll.u32 s14, $0x4;
	s6 =	sadd.s32 s6, s0  }
0x10: {  	s5 =	sor.u32 s8, s5;
	s8 =	smul.u32 $0x50000, s16;
	s7 =	sadd.s32 $0x22400, s7  }
0x11: {  	s16 =	smul.u32 $0x2800, s16;
	s22 =	sshll.u32 s15, $0x4;
	s26 =	smax.u32 s2, $0x1  }
0x12: {  	s23 =	sshll.u32 s9, $0x4;
	s17 =	sadd.s32 s17, s7;
	[dreg:$0x17] =	wrdreg s26  }
0x13: {  	s2 =	simm.s32 $0x4;
	s18 =	sadd.s32 s18, s7;
	[dreg:$0x5] =	wrdreg s17  }
0x14: {  	s5 =	sshrl.u32 s5, $0x3;
	s19 =	sadd.s32 s19, s7;
	[dreg:$0x6] =	wrdreg s18  }
0x15: {  	s20 =	sadd.s32 s20, s7;
	s24 =	sadd.s32 s21, s7;
	[dreg:$0x7] =	wrdreg s19  }
0x16: {  	s25 =	sadd.s32 s22, s7;
	s21 =	sshll.u32 s14, $0x7;
	[dreg:$0x8] =	wrdreg s20  }
0x17: {  	s14 =	simm.s32 $0x7;
	s26 =	simm.s32 $0x8;
	[dreg:$0x9] =	wrdreg s24  }
0x18: {  	s16 =	sadd.s32 s16, s7;
	[dreg:$0xa] =	wrdreg s25;
	s7 =	sadd.s32 s23, s7  }
0x19: {  	s5 =	sadd.s32 s5, s0;
	s8 =	sshrl.u32 s8, $0x2;
	s0 =	sadd.s32 $0x21E00, s0  }
0x1a: {  	s17 =	sshll.u32 s11, $0x7;
	s18 =	sshll.u32 s12, $0x7;
	s20 =	sshll.u32 s13, $0x7  }
0x1b: {  	s23 =	sshll.u32 s15, $0x7;
	s30 =	sadd.s32 s21, s3;
	s24 =	sshll.u32 s9, $0x7  }
0x1c: {  	s21 =	simm.s32 $0xA;
	s9 =	simm.s32 $0x2B00;
	[dreg:$0x4] =	wrdreg s16  }
0x1d: {  	s11 =	simm.s32 $0x280;
	s12 =	simm.s32 $0x6;
	[dreg:$0xb] =	wrdreg s7  }
0x1e: {  	s13 =	simm.s32 $0x5300;
	s15 =	simm.s32 $0x3;
	[dreg:$0xd] =	wrdreg s0  }
0x1f: {  	s22 =	sadd.s32 s8, s3;
	s19 =	sadd.s32 s18, s3;
	[dreg:$0x13] =	wrdreg s30  }
0x20: {  	s16 =	sshll.u32 s10, $0x7;
	s25 =	sadd.s32 $0x72400, s5;
	[dreg:$0x11] =	wrdreg s19  }
0x21: {  	s5 =	simm.s32 $0x50;
	s18 =	simm.s32 $0x0;
	[dreg:$0x16] =	wrdreg s25  }
0x22: {  	s7 =	simm.s32 $0x200;
	s8 =	simm.s32 $0x5;
	[dreg:$0x18] =	wrdreg s18  }
0x23: {  	s10 =	simm.s32 $0x100;
	s0 =	sadd.s32 s16, s3;
	[dreg:$0xe] =	wrdreg s22  }
0x24: {  	s19 =	sadd.s32 s23, s3;
	s23 =	sadd.s32 $0x11E00, s6;
	[dreg:$0xf] =	wrdreg s0  }
0x25: {  	s25 =	simm.s32 $0x2;
	s0 =	sadd.s32 s17, s3;
	[dreg:$0x14] =	wrdreg s19  }
0x26: {  	s16 =	simm.s32 $0x9;
	s17 =	sadd.s32 s20, s3;
	[dreg:$0x10] =	wrdreg s0  }
0x27: {  	s20 =	sadd.s32 s24, s3;
	s24 =	sadd.s32 $0x2400, s6;
	[dreg:$0x12] =	wrdreg s17  }
0x28: {  	v0 =	vimm.f32 $1.000000000e+00;
	s6 =	simm.s32 $0x80;
	s0 =	simm.s32 $0x180;
	[dreg:$0x15] =	wrdreg s20  }
.LBB2_1:
0x29: {  	s18 =	rddreg [dreg:$0xd]  }
0x2a: {  	[tilespmem:s28], [sflag:$0x4] =	stream.linear.gather [hbm4b:s18+s4], $0x2800, $0x38;
	[tilespmem:$0x1E300] =	vst v63  }
0x2b: {  	s18 =	rddreg [dreg:$0xc]  }
0x2c: {  	[tilespmem:s29], [sflag:$0xA] =	stream.linear.gather [hbm4b:s18+s4], $0x2800, $0x38;
	[tilespmem:$0x1E300] =	vst v63  }
0x2d: {  	_ =	swait.ge [sflag:s21], $0x2800  }
0x2e: {  	[sflag:s21] =	ssyncset.done $0x0  }
0x2f: {  	[sflag:s21] =	ssyncadd.s32 $0xFFFFD800  }
0x30: {  	[spmem:s22] =	stream.linear.scatter [tilespmem:s29], [sflag:$0x1], $0x2800, $0x38;
	[tilespmem:$0x1E300] =	vst v63  }
0x31: {  	s22 =	rddreg [dreg:$0xf]  }
0x32: {  	[spmem:s22] =	stream.linear.scatter [tilespmem:s29], [sflag:$0x1], $0x2800, $0x38;
	[tilespmem:$0x1E300] =	vst v63  }
0x33: {  	s21 =	rddreg [dreg:$0x10]  }
0x34: {  	[spmem:s21] =	stream.linear.scatter [tilespmem:s29], [sflag:$0x1], $0x2800, $0x38;
	[tilespmem:$0x1E300] =	vst v63  }
0x35: {  	s22 =	rddreg [dreg:$0x11]  }
0x36: {  	[spmem:s22] =	stream.linear.scatter [tilespmem:s29], [sflag:$0x1], $0x2800, $0x38;
	[tilespmem:$0x1E300] =	vst v63  }
0x37: {  	_ = 	snop  }
0x38: {  	[spmem:s17] =	stream.linear.scatter [tilespmem:s29], [sflag:$0x1], $0x2800, $0x38;
	[tilespmem:$0x1E300] =	vst v63  }
0x39: {  	_ = 	snop  }
0x3a: {  	[spmem:s30] =	stream.linear.scatter [tilespmem:s29], [sflag:$0x1], $0x2800, $0x38;
	[tilespmem:$0x1E300] =	vst v63  }
0x3b: {  	_ = 	snop  }
0x3c: {  	[spmem:s19] =	stream.linear.scatter [tilespmem:s29], [sflag:$0x1], $0x2800, $0x38;
	[tilespmem:$0x1E300] =	vst v63  }
0x3d: {  	_ = 	snop  }
0x3e: {  	[spmem:s20] =	stream.linear.scatter [tilespmem:s29], [sflag:$0x1], $0x2800, $0x38;
	[tilespmem:$0x1E300] =	vst v63  }
0x3f: {  	_ =	swait.ge [sflag:s31], $0x2800  }
0x40: {  	[sflag:s31] =	ssyncset.done $0x0  }
0x41: {  	[sflag:s31] =	ssyncadd.s32 $0xFFFFD800  }
0x42: {  	_ =	swait.ge [sflag:s31], $0x2800  }
0x43: {  	[sflag:s31] =	ssyncset.done $0x0  }
0x44: {  	[sflag:s31] =	ssyncadd.s32 $0xFFFFD800  }
0x45: {  	_ =	swait.ge [sflag:s31], $0x2800  }
0x46: {  	[sflag:s31] =	ssyncset.done $0x0  }
0x47: {  	[sflag:s31] =	ssyncadd.s32 $0xFFFFD800  }
0x48: {  	_ =	swait.ge [sflag:s31], $0x2800  }
0x49: {  	[sflag:s31] =	ssyncset.done $0x0  }
0x4a: {  	[sflag:s31] =	ssyncadd.s32 $0xFFFFD800  }
0x4b: {  	_ =	swait.ge [sflag:s31], $0x2800  }
0x4c: {  	[sflag:s31] =	ssyncset.done $0x0  }
0x4d: {  	[sflag:s31] =	ssyncadd.s32 $0xFFFFD800  }
0x4e: {  	_ =	swait.ge [sflag:s31], $0x2800  }
0x4f: {  	[sflag:s31] =	ssyncset.done $0x0  }
0x50: {  	[sflag:s31] =	ssyncadd.s32 $0xFFFFD800  }
0x51: {  	_ =	swait.ge [sflag:s31], $0x2800  }
0x52: {  	[sflag:s31] =	ssyncset.done $0x0  }
0x53: {  	[sflag:s31] =	ssyncadd.s32 $0xFFFFD800  }
0x54: {  	_ =	swait.ge [sflag:s31], $0x2800  }
0x55: {  	[sflag:s31] =	ssyncset.done $0x0  }
0x56: {  	[sflag:s31] =	ssyncadd.s32 $0xFFFFD800  }
0x57: {  	_ =	swait.ge [sflag:s2], $0x2800  }
0x58: {  	[sflag:s2] =	ssyncset.done $0x0  }
0x59: {  	[sflag:s2] =	ssyncadd.s32 $0xFFFFD800  }
0x5a: {  	[bflag:$0x0] =	sbarrier.arrive $0xFFFF  }
0x5b: {  	[tilespmem:s4], [sflag:$0x4] =	stream.linear.gather [hbm4b:s23+s4], $0x80, $0x38;
	[tilespmem:$0x1E300] =	vst v63  }
0x5c: {  	_ = 	snop  }
0x5d: {  	[tilespmem:s0], [sflag:$0x4] =	stream.linear.gather [hbm4b:s24+s4], $0x80, $0x38;
	[tilespmem:$0x1E300] =	vst v63  }
0x5e: {  	_ =	swait.ge [sflag:s2], $0x80  }
0x5f: {  	[sflag:s2] =	ssyncset.done $0x0  }
0x60: {  	[sflag:s2] =	ssyncadd.s32 $0xFFFFFF80  }
0x61: {  	_ =	swait.ge [sflag:s2], $0x80  }
0x62: {  	[sflag:s2] =	ssyncset.done $0x0  }
0x63: {  	[sflag:s2] =	ssyncadd.s32 $0xFFFFFF80  }
0x64: {  	[tilespmem:s29], [sflag:$0x1] =	stream.indirect.gather [hbm4b:s1+s5], $0x80, s4, s5, $0xb8;
	[tilespmem:$0x1E300] =	vst v63  }
0x65: {  	s20 =	sadd.s32 $0x10, s23  }
0x66: {  	[tilespmem:s6], [sflag:$0x5] =	stream.linear.gather [hbm4b:s20+s4], $0x80, $0x38;
	[tilespmem:$0x1E300] =	vst v63  }
0x67: {  	s21 =	sadd.s32 $0x10, s24  }
0x68: {  	[tilespmem:s7], [sflag:$0x5] =	stream.linear.gather [hbm4b:s21+s4], $0x80, $0x38;
	[tilespmem:$0x1E300] =	vst v63  }
0x69: {  	_ =	swait.ge [sflag:s8], $0x80  }
0x6a: {  	[sflag:s8] =	ssyncset.done $0x0  }
0x6b: {  	[sflag:s8] =	ssyncadd.s32 $0xFFFFFF80  }
0x6c: {  	_ =	swait.ge [sflag:s8], $0x80  }
0x6d: {  	[sflag:s8] =	ssyncset.done $0x0  }
0x6e: {  	[sflag:s8] =	ssyncadd.s32 $0xFFFFFF80  }
0x6f: {  	[tilespmem:s9], [sflag:$0x2] =	stream.indirect.gather [hbm4b:s1+s5], $0x80, s6, s5, $0xb8;
	[tilespmem:$0x1E300] =	vst v63  }
0x70: {  	s22 =	sadd.s32 $0x20, s23  }
0x71: {  	[tilespmem:s10], [sflag:$0x6] =	stream.linear.gather [hbm4b:s22+s4], $0x80, $0x38;
	[tilespmem:$0x1E300] =	vst v63  }
0x72: {  	s30 =	sadd.s32 $0x20, s24  }
0x73: {  	[tilespmem:s11], [sflag:$0x6] =	stream.linear.gather [hbm4b:s30+s4], $0x80, $0x38;
	[tilespmem:$0x1E300] =	vst v63  }
0x74: {  	_ =	swait.ge [sflag:s31], $0x2800  }
0x75: {  	[sflag:s31] =	ssyncset.done $0x0  }
0x76: {  	[sflag:s31] =	ssyncadd.s32 $0xFFFFD800  }
0x77: {  	[spmem:s3] =	stream.indirect.scatter.add.f32 [tilespmem:s29], [sflag:$0x7], $0x80, s0, s5, $0xb8;
	[tilespmem:$0x1E300] =	vst v63  }
0x78: {  	v1 =	vld [tilespmem:$0x180];
	_ =	sdelay $0x7  }
0x79: {  	[tilespmem:v1+s28+$0x0] =	vst.idx.add.f32.msk $0xffff, v0  }
0x7a: {  	v1 =	vld [tilespmem:$0x190];
	_ =	sdelay $0x7  }
0x7b: {  	[tilespmem:v1+s28+$0x0] =	vst.idx.add.f32.msk $0xffff, v0  }
0x7c: {  	v1 =	vld [tilespmem:$0x1A0];
	_ =	sdelay $0x7  }
0x7d: {  	[tilespmem:v1+s28+$0x0] =	vst.idx.add.f32.msk $0xffff, v0  }
0x7e: {  	v1 =	vld [tilespmem:$0x1B0];
	_ =	sdelay $0x7  }
0x7f: {  	[tilespmem:v1+s28+$0x0] =	vst.idx.add.f32.msk $0xffff, v0  }
0x80: {  	v1 =	vld [tilespmem:$0x1C0];
	_ =	sdelay $0x7  }
0x81: {  	s18 =	sadd.s32 $0x40, s24;
	s19 =	sadd.s32 $0x40, s23;
	s20 =	simm.s32 $0x0;
	[tilespmem:v1+s28+$0x0] =	vst.idx.add.f32.msk $0xffff, v0  }
.LBB2_2:
0x82: {  	_ =	swait.ge [sflag:s12], $0x80  }
0x83: {  	[sflag:s12] =	ssyncset.done $0x0  }
0x84: {  	[sflag:s12] =	ssyncadd.s32 $0xFFFFFF80  }
0x85: {  	_ =	swait.ge [sflag:s12], $0x80  }
0x86: {  	[sflag:s12] =	ssyncset.done $0x0  }
0x87: {  	[sflag:s12] =	ssyncadd.s32 $0xFFFFFF80  }
0x88: {  	[tilespmem:s13], [sflag:$0x3] =	stream.indirect.gather [hbm4b:s1+s5], $0x80, s10, s5, $0xb8;
	[tilespmem:$0x1E300] =	vst v63  }
0x89: {  	_ =	swait.ge [sflag:s14], $0x2800  }
0x8a: {  	[sflag:s14] =	ssyncset.done $0x0  }
0x8b: {  	s21 =	sadd.s32 $0xFFFFFFF0, s19;
	[sflag:s14] =	ssyncadd.s32 $0xFFFFD800  }
0x8c: {  	[tilespmem:s4], [sflag:$0x4] =	stream.linear.gather [hbm4b:s21+s4], $0x80, $0x38;
	[tilespmem:$0x1E300] =	vst v63  }
0x8d: {  	s22 =	sadd.s32 $0xFFFFFFF0, s18  }
0x8e: {  	[tilespmem:s0], [sflag:$0x4] =	stream.linear.gather [hbm4b:s22+s4], $0x80, $0x38;
	[tilespmem:$0x1E300] =	vst v63  }
0x8f: {  	_ =	swait.ge [sflag:s25], $0x2800  }
0x90: {  	[sflag:s25] =	ssyncset.done $0x0  }
0x91: {  	[sflag:s25] =	ssyncadd.s32 $0xFFFFD800  }
0x92: {  	[spmem:s3] =	stream.indirect.scatter.add.f32 [tilespmem:s9], [sflag:$0x8], $0x80, s7, s5, $0xb8;
	[tilespmem:$0x1E300] =	vst v63  }
0x93: {  	v1 =	vld [tilespmem:$0x200];
	_ =	sdelay $0x7  }
0x94: {  	[tilespmem:v1+s28+$0x0] =	vst.idx.add.f32.msk $0xffff, v0  }
0x95: {  	v1 =	vld [tilespmem:$0x210];
	_ =	sdelay $0x7  }
0x96: {  	[tilespmem:v1+s28+$0x0] =	vst.idx.add.f32.msk $0xffff, v0  }
0x97: {  	v1 =	vld [tilespmem:$0x220];
	_ =	sdelay $0x7  }
0x98: {  	[tilespmem:v1+s28+$0x0] =	vst.idx.add.f32.msk $0xffff, v0  }
0x99: {  	v1 =	vld [tilespmem:$0x230];
	_ =	sdelay $0x7  }
0x9a: {  	[tilespmem:v1+s28+$0x0] =	vst.idx.add.f32.msk $0xffff, v0  }
0x9b: {  	v1 =	vld [tilespmem:$0x240];
	_ =	sdelay $0x7  }
0x9c: {  	[tilespmem:v1+s28+$0x0] =	vst.idx.add.f32.msk $0xffff, v0  }
0x9d: {  	_ =	swait.ge [sflag:s2], $0x80  }
0x9e: {  	[sflag:s2] =	ssyncset.done $0x0  }
0x9f: {  	[sflag:s2] =	ssyncadd.s32 $0xFFFFFF80  }
0xa0: {  	_ =	swait.ge [sflag:s2], $0x80  }
0xa1: {  	[sflag:s2] =	ssyncset.done $0x0  }
0xa2: {  	[sflag:s2] =	ssyncadd.s32 $0xFFFFFF80  }
0xa3: {  	[tilespmem:s29], [sflag:$0x1] =	stream.indirect.gather [hbm4b:s1+s5], $0x80, s4, s5, $0xb8;
	[tilespmem:$0x1E300] =	vst v63  }
0xa4: {  	_ =	swait.ge [sflag:s26], $0x2800  }
0xa5: {  	[sflag:s26] =	ssyncset.done $0x0  }
0xa6: {  	[sflag:s26] =	ssyncadd.s32 $0xFFFFD800  }
0xa7: {  	[tilespmem:s6], [sflag:$0x5] =	stream.linear.gather [hbm4b:s19+s4], $0x80, $0x38;
	[tilespmem:$0x1E300] =	vst v63  }
0xa8: {  	_ = 	snop  }
0xa9: {  	[tilespmem:s7], [sflag:$0x5] =	stream.linear.gather [hbm4b:s18+s4], $0x80, $0x38;
	[tilespmem:$0x1E300] =	vst v63  }
0xaa: {  	_ =	swait.ge [sflag:s15], $0x2800  }
0xab: {  	[sflag:s15] =	ssyncset.done $0x0  }
0xac: {  	[sflag:s15] =	ssyncadd.s32 $0xFFFFD800  }
0xad: {  	[spmem:s3] =	stream.indirect.scatter.add.f32 [tilespmem:s13], [sflag:$0x9], $0x80, s11, s5, $0xb8;
	[tilespmem:$0x1E300] =	vst v63  }
0xae: {  	v1 =	vld [tilespmem:$0x280];
	_ =	sdelay $0x7  }
0xaf: {  	[tilespmem:v1+s28+$0x0] =	vst.idx.add.f32.msk $0xffff, v0  }
0xb0: {  	v1 =	vld [tilespmem:$0x290];
	_ =	sdelay $0x7  }
0xb1: {  	[tilespmem:v1+s28+$0x0] =	vst.idx.add.f32.msk $0xffff, v0  }
0xb2: {  	v1 =	vld [tilespmem:$0x2A0];
	_ =	sdelay $0x7  }
0xb3: {  	[tilespmem:v1+s28+$0x0] =	vst.idx.add.f32.msk $0xffff, v0  }
0xb4: {  	v1 =	vld [tilespmem:$0x2B0];
	_ =	sdelay $0x7  }
0xb5: {  	[tilespmem:v1+s28+$0x0] =	vst.idx.add.f32.msk $0xffff, v0  }
0xb6: {  	v1 =	vld [tilespmem:$0x2C0];
	_ =	sdelay $0x7  }
0xb7: {  	[tilespmem:v1+s28+$0x0] =	vst.idx.add.f32.msk $0xffff, v0  }
0xb8: {  	_ =	swait.ge [sflag:s8], $0x80  }
0xb9: {  	[sflag:s8] =	ssyncset.done $0x0  }
0xba: {  	[sflag:s8] =	ssyncadd.s32 $0xFFFFFF80  }
0xbb: {  	_ =	swait.ge [sflag:s8], $0x80  }
0xbc: {  	[sflag:s8] =	ssyncset.done $0x0  }
0xbd: {  	s30 =	smin.u32 s20, $0x77;
	[sflag:s8] =	ssyncadd.s32 $0xFFFFFF80  }
0xbe: {  	[tilespmem:s9], [sflag:$0x2] =	stream.indirect.gather [hbm4b:s1+s5], $0x80, s6, s5, $0xb8;
	[tilespmem:$0x1E300] =	vst v63  }
0xbf: {  	s21 =	sshll.u32 s30, $0x4;
	_ =	swait.ge [sflag:s16], $0x2800  }
0xc0: {  	s21 =	sadd.s32 $0x50, s21;
	[sflag:s16] =	ssyncset.done $0x0  }
0xc1: {  	s22 =	sadd.s32 s23, s21;
	[sflag:s16] =	ssyncadd.s32 $0xFFFFD800  }
0xc2: {  	[tilespmem:s10], [sflag:$0x6] =	stream.linear.gather [hbm4b:s22+s4], $0x80, $0x38;
	[tilespmem:$0x1E300] =	vst v63  }
0xc3: {  	s21 =	sadd.s32 s24, s21  }
0xc4: {  	[tilespmem:s11], [sflag:$0x6] =	stream.linear.gather [hbm4b:s21+s4], $0x80, $0x38;
	[tilespmem:$0x1E300] =	vst v63  }
0xc5: {  	_ =	swait.ge [sflag:s31], $0x2800  }
0xc6: {  	[sflag:s31] =	ssyncset.done $0x0  }
0xc7: {  	[sflag:s31] =	ssyncadd.s32 $0xFFFFD800  }
0xc8: {  	[spmem:s3] =	stream.indirect.scatter.add.f32 [tilespmem:s29], [sflag:$0x7], $0x80, s0, s5, $0xb8;
	[tilespmem:$0x1E300] =	vst v63  }
0xc9: {  	v1 =	vld [tilespmem:$0x180];
	_ =	sdelay $0x7  }
0xca: {  	[tilespmem:v1+s28+$0x0] =	vst.idx.add.f32.msk $0xffff, v0  }
0xcb: {  	v1 =	vld [tilespmem:$0x190];
	_ =	sdelay $0x7  }
0xcc: {  	[tilespmem:v1+s28+$0x0] =	vst.idx.add.f32.msk $0xffff, v0  }
0xcd: {  	v1 =	vld [tilespmem:$0x1A0];
	_ =	sdelay $0x7  }
0xce: {  	[tilespmem:v1+s28+$0x0] =	vst.idx.add.f32.msk $0xffff, v0  }
0xcf: {  	v1 =	vld [tilespmem:$0x1B0];
	_ =	sdelay $0x7  }
0xd0: {  	[tilespmem:v1+s28+$0x0] =	vst.idx.add.f32.msk $0xffff, v0  }
0xd1: {  	v1 =	vld [tilespmem:$0x1C0];
	_ =	sdelay $0x2  }
0xd2: {  	p0 =	sne.s32 s20, $0x78  }
.Ltmp0:
0xd3: {  	_ = 	snop;
	(pc) =	sbr.rel @p0 .LBB2_2-.Ltmp0, $2  }
0xd4: {  	_ =	sdelay $0x2  }
0xd5: {  	s20 =	sadd.s32 $0x3, s20;
	s19 =	sadd.s32 $0x30, s19;
	s18 =	sadd.s32 $0x30, s18;
	[tilespmem:v1+s28+$0x0] =	vst.idx.add.f32.msk $0xffff, v0  }
0xd6: {  	_ =	swait.ge [sflag:s14], $0x2800  }
0xd7: {  	[sflag:s14] =	ssyncset.done $0x0  }
0xd8: {  	[sflag:s14] =	ssyncadd.s32 $0xFFFFD800  }
0xd9: {  	_ =	swait.ge [sflag:s25], $0x2800  }
0xda: {  	[sflag:s25] =	ssyncset.done $0x0  }
0xdb: {  	[sflag:s25] =	ssyncadd.s32 $0xFFFFD800  }
0xdc: {  	[spmem:s3] =	stream.indirect.scatter.add.f32 [tilespmem:s9], [sflag:$0x8], $0x80, s7, s5, $0xb8;
	[tilespmem:$0x1E300] =	vst v63  }
0xdd: {  	v1 =	vld [tilespmem:$0x200];
	_ =	sdelay $0x7  }
0xde: {  	[tilespmem:v1+s28+$0x0] =	vst.idx.add.f32.msk $0xffff, v0  }
0xdf: {  	v1 =	vld [tilespmem:$0x210];
	_ =	sdelay $0x7  }
0xe0: {  	[tilespmem:v1+s28+$0x0] =	vst.idx.add.f32.msk $0xffff, v0  }
0xe1: {  	v1 =	vld [tilespmem:$0x220];
	_ =	sdelay $0x7  }
0xe2: {  	[tilespmem:v1+s28+$0x0] =	vst.idx.add.f32.msk $0xffff, v0  }
0xe3: {  	v1 =	vld [tilespmem:$0x230];
	_ =	sdelay $0x7  }
0xe4: {  	[tilespmem:v1+s28+$0x0] =	vst.idx.add.f32.msk $0xffff, v0  }
0xe5: {  	v1 =	vld [tilespmem:$0x240];
	_ =	sdelay $0x7  }
0xe6: {  	[tilespmem:v1+s28+$0x0] =	vst.idx.add.f32.msk $0xffff, v0  }
0xe7: {  	_ =	swait.ge [sflag:s26], $0x2800  }
0xe8: {  	[sflag:s26] =	ssyncset.done $0x0  }
0xe9: {  	[sflag:s26] =	ssyncadd.s32 $0xFFFFD800  }
0xea: {  	_ =	swait.ge [sflag:s12], $0x80  }
0xeb: {  	[sflag:s12] =	ssyncset.done $0x0  }
0xec: {  	[sflag:s12] =	ssyncadd.s32 $0xFFFFFF80  }
0xed: {  	_ =	swait.ge [sflag:s12], $0x80  }
0xee: {  	[sflag:s12] =	ssyncset.done $0x0  }
0xef: {  	[sflag:s12] =	ssyncadd.s32 $0xFFFFFF80  }
0xf0: {  	[bflag:$0x0] =	sbarrier.arrive $0xFFFF  }
0xf1: {  	s18 =	simm.s32 $0x400;
	s17 =	rddreg [dreg:$0x16]  }
0xf2: {  	[hbm4b:s17+s6] =	stream.strided.scatter [tilespmem:s28], [sflag:$0x4], $0x2800, s18, s6, $0x38;
	[tilespmem:$0x1E300] =	vst v63  }
0xf3: {  	s21 =	simm.s32 $0xA;
	s22 =	rddreg [dreg:$0xe]  }
0xf4: {  	[tilespmem:s29], [sflag:$0xA] =	stream.linear.gather [spmem:s22], $0x2800, $0x38;
	[tilespmem:$0x1E300] =	vst v63  }
0xf5: {  	_ =	swait.ge [sflag:s21], $0x2800  }
0xf6: {  	[sflag:s21] =	ssyncset.done $0x0  }
0xf7: {  	s17 =	rddreg [dreg:$0x4];
	[sflag:s21] =	ssyncadd.s32 $0xFFFFD800  }
0xf8: {  	[hbm4b:s17+s4] =	stream.linear.scatter [tilespmem:s29], [sflag:$0x1], $0x2800, $0x38;
	[tilespmem:$0x1E300] =	vst v63  }
0xf9: {  	s19 =	rddreg [dreg:$0xf]  }
0xfa: {  	[tilespmem:s9], [sflag:$0xA] =	stream.linear.gather [spmem:s19], $0x2800, $0x38;
	[tilespmem:$0x1E300] =	vst v63  }
0xfb: {  	_ =	swait.ge [sflag:s21], $0x2800  }
0xfc: {  	[sflag:s21] =	ssyncset.done $0x0  }
0xfd: {  	s20 =	rddreg [dreg:$0x5];
	[sflag:s21] =	ssyncadd.s32 $0xFFFFD800  }
0xfe: {  	[hbm4b:s20+s4] =	stream.linear.scatter [tilespmem:s9], [sflag:$0x2], $0x2800, $0x38;
	[tilespmem:$0x1E300] =	vst v63  }
0xff: {  	s22 =	rddreg [dreg:$0x10]  }
0x100: {  	[tilespmem:s13], [sflag:$0xA] =	stream.linear.gather [spmem:s22], $0x2800, $0x38;
	[tilespmem:$0x1E300] =	vst v63  }
0x101: {  	_ =	swait.ge [sflag:s21], $0x2800  }
0x102: {  	[sflag:s21] =	ssyncset.done $0x0  }
0x103: {  	s17 =	rddreg [dreg:$0x6];
	[sflag:s21] =	ssyncadd.s32 $0xFFFFD800  }
0x104: {  	[hbm4b:s17+s4] =	stream.linear.scatter [tilespmem:s13], [sflag:$0x3], $0x2800, $0x38;
	[tilespmem:$0x1E300] =	vst v63  }
0x105: {  	_ =	swait.ge [sflag:s31], $0x2800  }
0x106: {  	[sflag:s31] =	ssyncset.done $0x0  }
0x107: {  	s19 =	rddreg [dreg:$0x11];
	[sflag:s31] =	ssyncadd.s32 $0xFFFFD800  }
0x108: {  	[tilespmem:s29], [sflag:$0xA] =	stream.linear.gather [spmem:s19], $0x2800, $0x38;
	[tilespmem:$0x1E300] =	vst v63  }
0x109: {  	_ =	swait.ge [sflag:s21], $0x2800  }
0x10a: {  	[sflag:s21] =	ssyncset.done $0x0  }
0x10b: {  	s20 =	rddreg [dreg:$0x7];
	[sflag:s21] =	ssyncadd.s32 $0xFFFFD800  }
0x10c: {  	[hbm4b:s20+s4] =	stream.linear.scatter [tilespmem:s29], [sflag:$0x1], $0x2800, $0x38;
	[tilespmem:$0x1E300] =	vst v63  }
0x10d: {  	_ =	swait.ge [sflag:s25], $0x2800  }
0x10e: {  	[sflag:s25] =	ssyncset.done $0x0  }
0x10f: {  	s17 =	rddreg [dreg:$0x12];
	[sflag:s25] =	ssyncadd.s32 $0xFFFFD800  }
0x110: {  	[tilespmem:s9], [sflag:$0xA] =	stream.linear.gather [spmem:s17], $0x2800, $0x38;
	[tilespmem:$0x1E300] =	vst v63  }
0x111: {  	_ =	swait.ge [sflag:s21], $0x2800  }
0x112: {  	[sflag:s21] =	ssyncset.done $0x0  }
0x113: {  	s22 =	rddreg [dreg:$0x8];
	[sflag:s21] =	ssyncadd.s32 $0xFFFFD800  }
0x114: {  	[hbm4b:s22+s4] =	stream.linear.scatter [tilespmem:s9], [sflag:$0x2], $0x2800, $0x38;
	[tilespmem:$0x1E300] =	vst v63  }
0x115: {  	_ =	swait.ge [sflag:s15], $0x2800  }
0x116: {  	[sflag:s15] =	ssyncset.done $0x0  }
0x117: {  	s30 =	rddreg [dreg:$0x13];
	[sflag:s15] =	ssyncadd.s32 $0xFFFFD800  }
0x118: {  	[tilespmem:s13], [sflag:$0xA] =	stream.linear.gather [spmem:s30], $0x2800, $0x38;
	[tilespmem:$0x1E300] =	vst v63  }
0x119: {  	_ =	swait.ge [sflag:s21], $0x2800  }
0x11a: {  	[sflag:s21] =	ssyncset.done $0x0  }
0x11b: {  	s19 =	rddreg [dreg:$0x9];
	[sflag:s21] =	ssyncadd.s32 $0xFFFFD800  }
0x11c: {  	[hbm4b:s19+s4] =	stream.linear.scatter [tilespmem:s13], [sflag:$0x3], $0x2800, $0x38;
	[tilespmem:$0x1E300] =	vst v63  }
0x11d: {  	_ =	swait.ge [sflag:s31], $0x2800  }
0x11e: {  	[sflag:s31] =	ssyncset.done $0x0  }
0x11f: {  	s19 =	rddreg [dreg:$0x14];
	[sflag:s31] =	ssyncadd.s32 $0xFFFFD800  }
0x120: {  	[tilespmem:s29], [sflag:$0xA] =	stream.linear.gather [spmem:s19], $0x2800, $0x38;
	[tilespmem:$0x1E300] =	vst v63  }
0x121: {  	_ =	swait.ge [sflag:s21], $0x2800  }
0x122: {  	[sflag:s21] =	ssyncset.done $0x0  }
0x123: {  	s20 =	rddreg [dreg:$0xa];
	[sflag:s21] =	ssyncadd.s32 $0xFFFFD800  }
0x124: {  	[hbm4b:s20+s4] =	stream.linear.scatter [tilespmem:s29], [sflag:$0x1], $0x2800, $0x38;
	[tilespmem:$0x1E300] =	vst v63  }
0x125: {  	_ =	swait.ge [sflag:s25], $0x2800  }
0x126: {  	[sflag:s25] =	ssyncset.done $0x0  }
0x127: {  	s20 =	rddreg [dreg:$0x15];
	[sflag:s25] =	ssyncadd.s32 $0xFFFFD800  }
0x128: {  	[tilespmem:s9], [sflag:$0xA] =	stream.linear.gather [spmem:s20], $0x2800, $0x38;
	[tilespmem:$0x1E300] =	vst v63  }
0x129: {  	_ =	swait.ge [sflag:s21], $0x2800  }
0x12a: {  	[sflag:s21] =	ssyncset.done $0x0  }
0x12b: {  	s22 =	rddreg [dreg:$0xb];
	[sflag:s21] =	ssyncadd.s32 $0xFFFFD800  }
0x12c: {  	[hbm4b:s22+s4] =	stream.linear.scatter [tilespmem:s9], [sflag:$0x2], $0x2800, $0x38;
	[tilespmem:$0x1E300] =	vst v63  }
0x12d: {  	_ =	swait.ge [sflag:s15], $0x2800  }
0x12e: {  	[sflag:s15] =	ssyncset.done $0x0  }
0x12f: {  	[sflag:s15] =	ssyncadd.s32 $0xFFFFD800  }
0x130: {  	_ =	swait.ge [sflag:s31], $0x2800  }
0x131: {  	[sflag:s31] =	ssyncset.done $0x0  }
0x132: {  	[sflag:s31] =	ssyncadd.s32 $0xFFFFD800  }
0x133: {  	_ =	swait.ge [sflag:s25], $0x2800  }
0x134: {  	[sflag:s25] =	ssyncset.done $0x0  }
0x135: {  	[sflag:s25] =	ssyncadd.s32 $0xFFFFD800  }
0x136: {  	_ =	swait.ge [sflag:s2], $0x2800  }
0x137: {  	s22 =	rddreg [dreg:$0x18]  }
0x138: {  	s18 =	rddreg [dreg:$0x17];
	s22 =	sadd.s32 $0x1, s22  }
0x139: {  	p0 =	sne.s32 s22, s18  }
.Ltmp1:
0x13a: {  	_ = 	snop;
	(pc) =	sbr.rel @p0 .LBB2_1-.Ltmp1, $3  }
0x13b: {  	_ =	sdelay $0x1  }
0x13c: {  	[sflag:s2] =	ssyncset.done $0x0;
	[dreg:$0x18] =	wrdreg s22  }
0x13d: {  	[sflag:s2] =	ssyncadd.s32 $0xFFFFD800;
	s22 =	rddreg [dreg:$0xe]  }
0x13e: {  	_ =	sfence.sel $0x180000  }
0x13f: {  	[bflag:$0x0] =	sbarrier.arrive $0xFFFF  }
0x140: {  	_ =	strace $0x90000047  }
0x141: {  	s0 =	stileid.u32;
	[bflag:$0x2] =	sbarrier.arrive $0xFFFF  }
0x142: {  	p0 =	sne.s32 s0, $0x0;
	s0 =	rddreg [dreg:$0x3]  }
0x143: {  	s0 =	sadd.s32 @!p0 $0x100000, s0  }
0x144: {  	[sflag:s0] =	ssyncadd.tile.s32 @!p0 $0x1;
	_ =	shalt  }
.Lfunc_end2:
_tile_overlayer_lowered:
.L_overlay_start_2:
0x145: {  	(tag) =	ssettag $0x2  }
0x146: {  	s0 =	rddreg [dreg:$0x0];
	s2 =	stileid.u32  }
0x147: {  	s1 =	rddreg [dreg:$0x1];
	p0 =	sne.s32 s2, $0x0  }
0x148: {  	s3 =	rddreg [dreg:$0x2];
	[bflag:$0x3] =	sbarrier.arrive $0xFFFF;
	s2 =	simm.s32 @!p0 $0x1C0A  }
0x149: {  	[timem:s3], [sflag:s2] =	dma.local @!p0 [hbm:s0], s1  }
0x14a: {  	s0 =	simm.s32 @!p0 $0xA  }
0x14b: {  	_ =	swait.ge @!p0 [sflag:s0], s1  }
0x14c: {  	s1 =	ssub.s32 @!p0 $0x0, s1;
	[sflag:s0] =	ssyncset.done @!p0 $0x0  }
0x14d: {  	[sflag:s0] =	ssyncadd.s32 @!p0 s1  }
0x14e: {  	[bflag:$0x3] =	sbarrier.arrive $0xFFFF  }
0x14f: {  	_ =	shalt  }

// kernel: kernel.9.cloned.1.call-start
scs
__scs_entry_jumppad:
0x0: {  	(pc) =	sbr.rel $0x88, $3  }
0x1: {  	(tag) =	ssettag $0x0;
	lr =	simm.s32 $0x1  }
0x2: {  	[smem:$0x3F99] =	sst lr;
	_ =	strace $0xD0000000  }
0x3: {  	_ = 	snop  }
0x4: {  	_ = 	snop  }
0x5: {  	_ = 	snop  }
0x6: {  	_ = 	snop  }
0x7: {  	_ = 	snop  }
__scs_overlays_trampoline_lowered:
0x8: {  	[smem:$0x3FA8] =	sst s0  }
0x9: {  	[smem:$0x3FA9] =	sst s1  }
0xa: {  	[smem:$0x3FAA] =	sst s2  }
0xb: {  	[smem:$0x3FAB] =	sst s3  }
0xc: {  	[smem:$0x3FAC] =	sst s4  }
0xd: {  	[smem:$0x3FAD] =	sst s5  }
0xe: {  	[smem:$0x3FAE] =	sst s6  }
0xf: {  	[smem:$0x3FAF] =	sst s7  }
0x10: {  	[smem:$0x3FB0] =	sst s8  }
0x11: {  	[smem:$0x3FB1] =	sst s9;
	s0 =	simm.s32 @!p0 $0x0  }
0x12: {  	s1 =	sld [smem:$0x3F97];
	s0 =	simm.s32 @p0 $0x1  }
0x13: {  	[smem:$0x3FB2] =	sst s0;
	s0 =	simm.s32 @!p1 $0x0  }
0x14: {  	s2 =	sld [smem:$0x3F96];
	s0 =	simm.s32 @p1 $0x1  }
0x15: {  	[smem:$0x3FB3] =	sst s0;
	s0 =	simm.s32 @!p2 $0x0  }
0x16: {  	s3 =	sld [smem:$0x3FDB];
	s0 =	simm.s32 @p2 $0x1  }
0x17: {  	s4 =	simm.s32 $0x1BF5;
	[smem:$0x3FB5] =	sst s0  }
0x18: {  	s0 =	sld [smem:$0x3F98];
	_ =	swait.ge [sflag:s4], $0x0  }
0x19: {  	s7 =	sld [smem:$0x3F99]  }
0x1a: {  	s8 =	sadd.s32 $0xFFFFE003, lr  }
0x1b: {  	s9 =	sadd.s32 $0xFFFFFEF7, lr;
	s5 =	simm.s32 $0xFFFFFFFF;
	p2 =	slt.u32 s8, $0xFFFFF086  }
0x1c: {  	p1 =	slt.u32 s9, $0xF7A;
	s5 =	simm.s32 @!p2 $0x0  }
0x1d: {  	s5 =	simm.s32 @p1 $0x1;
	p0 =	seq.s32 s7, s2  }
0x1e: {  	s7 =	smul.u32 @!p0 $0xF7A, s2;
	p2 =	seq.s32 @!p0 s5, $0x0  }
0x1f: {  	s9 =	smul.u32 $0xF7A, s1;
	s8 =	simm.s32 @!p0 $0x1BF5;
	p2 =	por !p2, p0  }
0x20: {  	[sflag:s8] =	ssyncset.s32 @!p0 $0xFFFFF086;
	s6 =	sadd.s32 @!p0 s3, s7;
	s7 =	simm.s32 @!p0 $0x108  }
0x21: {  	s3 =	sadd.s32 s3, s9;
	s6 =	sadd.s32 @!p0 $0x88, s6;
	s7 =	simm.s32 @p2 $0x1082  }
0x22: {  	[simem:s7], [sflag:s8] =	dma.local @!p0 [hbm:s6], $0xF7A  }
0x23: {  	s9 =	sor.u32 $0xD0000000, s2;
	s6 =	simm.s32 $0x108;
	_ =	swait.ge @!p0 [sflag:s8], $0x0  }
0x24: {  	s3 =	sadd.s32 $0x88, s3;
	s6 =	simm.s32 @!p1 $0x1082;
	[sflag:s4] =	ssyncset.s32 $0xFFFFF086  }
0x25: {  	[simem:s6], [sflag:s4] =	dma.local [hbm:s3], $0xF7A  }
0x26: {  	[smem:$0x3F99] =	sst s1;
	(tag) =	ssettag s2;
	_ =	strace s9  }
0x27: {  	s1 =	sld [smem:$0x3FA9]  }
0x28: {  	s2 =	sld [smem:$0x3FAA]  }
0x29: {  	s4 =	sld [smem:$0x3FAC]  }
0x2a: {  	p0 =	seq.s32 s5, $0x0;
	s5 =	sld [smem:$0x3FAD]  }
0x2b: {  	s6 =	sld [smem:$0x3FAE]  }
0x2c: {  	s7 =	sld [smem:$0x3FAF]  }
0x2d: {  	s3 =	simm.s32 $0x108;
	s8 =	sld [smem:$0x3FB0]  }
0x2e: {  	s3 =	simm.s32 @!p0 $0x1082;
	s9 =	sld [smem:$0x3FB1]  }
0x2f: {  	lr =	sadd.s32 s0, s3;
	s0 =	sld [smem:$0x3FA8]  }
0x30: {  	s3 =	sld [smem:$0x3FAB]  }
0x31: {  	[smem:$0x3FB4] =	sst s10  }
0x32: {  	s10 =	sld [smem:$0x3FB2];
	_ =	sdelay $0x3  }
0x33: {  	p0 =	seq.s32 s10, $0x1;
	s10 =	sld [smem:$0x3FB4];
	_ =	sdelay $0x3  }
0x34: {  	[smem:$0x3FB4] =	sst s10  }
0x35: {  	s10 =	sld [smem:$0x3FB3];
	_ =	sdelay $0x3  }
0x36: {  	p1 =	seq.s32 s10, $0x1;
	s10 =	sld [smem:$0x3FB4];
	_ =	sdelay $0x3  }
0x37: {  	[smem:$0x3FB4] =	sst s10  }
0x38: {  	s10 =	sld [smem:$0x3FB5]  }
0x39: {  	_ = 	snop;
	(pc) =	sbr.ind lr, $3  }
0x3a: {  	_ = 	snop  }
0x3b: {  	_ = 	snop  }
0x3c: {  	p2 =	seq.s32 s10, $0x1;
	s10 =	sld [smem:$0x3FB4]  }
0x3d: {  	_ =	shalt  }
0x3e: {  	_ =	shalt  }
0x3f: {  	_ =	shalt  }
0x40: {  	_ =	shalt  }
0x41: {  	_ =	shalt  }
0x42: {  	_ =	shalt  }
0x43: {  	_ =	shalt  }
0x44: {  	_ =	shalt  }
0x45: {  	_ =	shalt  }
0x46: {  	_ =	shalt  }
0x47: {  	_ =	shalt  }
0x48: {  	_ =	shalt  }
0x49: {  	_ =	shalt  }
0x4a: {  	_ =	shalt  }
0x4b: {  	_ =	shalt  }
0x4c: {  	_ =	shalt  }
0x4d: {  	_ =	shalt  }
0x4e: {  	_ =	shalt  }
0x4f: {  	_ =	shalt  }
0x50: {  	_ =	shalt  }
0x51: {  	_ =	shalt  }
0x52: {  	_ =	shalt  }
0x53: {  	_ =	shalt  }
0x54: {  	_ =	shalt  }
0x55: {  	_ =	shalt  }
0x56: {  	_ =	shalt  }
0x57: {  	_ =	shalt  }
0x58: {  	_ =	shalt  }
0x59: {  	_ =	shalt  }
0x5a: {  	_ =	shalt  }
0x5b: {  	_ =	shalt  }
0x5c: {  	_ =	shalt  }
0x5d: {  	_ =	shalt  }
0x5e: {  	_ =	shalt  }
0x5f: {  	_ =	shalt  }
0x60: {  	_ =	shalt  }
0x61: {  	_ =	shalt  }
0x62: {  	_ =	shalt  }
0x63: {  	_ =	shalt  }
0x64: {  	_ =	shalt  }
0x65: {  	_ =	shalt  }
0x66: {  	_ =	shalt  }
0x67: {  	_ =	shalt  }
0x68: {  	_ =	shalt  }
0x69: {  	_ =	shalt  }
0x6a: {  	_ =	shalt  }
0x6b: {  	_ =	shalt  }
0x6c: {  	_ =	shalt  }
0x6d: {  	_ =	shalt  }
0x6e: {  	_ =	shalt  }
0x6f: {  	_ =	shalt  }
0x70: {  	_ =	shalt  }
0x71: {  	_ =	shalt  }
0x72: {  	_ =	shalt  }
0x73: {  	_ =	shalt  }
0x74: {  	_ =	shalt  }
0x75: {  	_ =	shalt  }
0x76: {  	_ =	shalt  }
0x77: {  	_ =	shalt  }
0x78: {  	_ =	shalt  }
0x79: {  	_ =	shalt  }
0x7a: {  	_ =	shalt  }
0x7b: {  	_ =	shalt  }
0x7c: {  	_ =	shalt  }
0x7d: {  	_ =	shalt  }
0x7e: {  	_ =	shalt  }
0x7f: {  	_ =	shalt  }
0x80: {  	_ =	shalt  }
0x81: {  	_ =	shalt  }
0x82: {  	_ =	shalt  }
0x83: {  	_ =	shalt  }
0x84: {  	_ =	shalt  }
0x85: {  	_ =	shalt  }
0x86: {  	_ =	shalt  }
0x87: {  	_ =	shalt  }
.Lfunc_end0:
.L_simem_size_0:
called_computation.1_lowered:
.L_overlay_start_0:
0x88: {  	s2 =	sld [smem:$0x3FD9]  }
0x89: {  	s3 =	sld [smem:$0x3FFE];
	_ =	sdelay $0x1  }
0x8a: {  	s1 =	srdreg.scid  }
0x8b: {  	s0 =	sand.u32 $0x1, s1  }
0x8c: {  	s17 =	sshll.u32 s0, $0xA;
	s2 =	sadd.s32 s3, s2  }
0x8d: {  	s2 =	sadd.s32 s2, s17  }
0x8e: {  	[smem:$0x3FC0] =	sst s2  }
0x8f: {  	_ = 	snop  }
0x90: {  	s2 =	sld [smem:$0x3FD0];
	(tm) =	ssettm $0x1  }
0x91: {  	s18 =	sld [smem:$0x3FFB];
	_ =	sdelay $0x3  }
0x92: {  	_ =	strace s18  }
0x93: {  	s3 =	sld [smem:$0x3FFC];
	_ =	sdelay $0x3  }
0x94: {  	_ =	strace s3  }
0x95: {  	s3 =	sld [smem:$0x3FFD];
	_ =	sdelay $0x3  }
0x96: {  	_ =	strace s3  }
0x97: {  	_ =	strace $0x8FFFFFFF  }
0x98: {  	s19 =	sld [smem:$0x3FDB];
	_ =	sdelay $0x1  }
0x99: {  	s4 =	simm.s32 $_scs_section_size  }
0x9a: {  	s5 =	simm.s32 $_size__tile_overlayer_lowered;
	s6 =	simm.s32 $_tile_overlayer_lowered  }
0x9b: {  	s22 =	simm.s32 $0x1BFF;
	s21 =	sshll.u32 s6, $0x1;
	s3 =	sadd.s32 s4, s19  }
0x9c: {  	s7 =	simm.s32 $0x0;
	s20 =	sshll.u32 s5, $0x1;
	s5 =	sadd.s32 s21, s3  }
0x9d: {  	[timem:s7], [sflag:s22] =	dma.local [hbm:s5], s20  }
0x9e: {  	_ =	swait.ge [sflag:s22], s20  }
0x9f: {  	s4 =	ssub.s32 $0x0, s20;
	[sflag:s22] =	ssyncset.done $0x0  }
0xa0: {  	[sflag:s22] =	ssyncadd.s32 s4;
	_ =	sdelay $0x1  }
0xa1: {  	s23 =	simm.s32 $0x1B8B  }
0xa2: {  	_ =	swait.ge [sflag:s23], $0x1  }
0xa3: {  	[sflag:s23] =	ssyncset.done $0x0  }
0xa4: {  	s25 =	simm.s32 $0x1B8E;
	s24 =	sld [smem:$0x3FFE];
	[sflag:s23] =	ssyncadd.s32 $0xFFFFFFFF  }
0xa5: {  	s26 =	simm.s32 $execute0_lowered;
	[smem:$0x3FD2] =	sst s25  }
0xa6: {  	s5 =	sshll.u32 s26, $0x1;
	_ =	strace $0x80000049;
	[dreg:$0x1] =	wrdreg $0xFFFFFFFF  }
0xa7: {  	s28 =	simm.s32 $_size_execute0_lowered;
	s3 =	sadd.s32 s3, s5;
	[dreg:$0x0] =	wrdreg $0x0  }
0xa8: {  	s5 =	sshll.u32 s28, $0x1;
	[dreg:$0x2] =	wrdreg s3  }
0xa9: {  	[dreg:$0x3] =	wrdreg s5  }
0xaa: {  	[dreg:$0x4] =	wrdreg $0xC0  }
0xab: {  	_ =	task [dreg:s7], $0x5FFFF  }
0xac: {  	[dreg:$0x1] =	wrdreg $0xFFFFFFFF  }
0xad: {  	[dreg:$0x0] =	wrdreg $0x60  }
0xae: {  	[dreg:$0x2] =	wrdreg s2  }
0xaf: {  	[dreg:$0x3] =	wrdreg s24  }
0xb0: {  	[dreg:$0x4] =	wrdreg $0x7B000  }
0xb1: {  	[dreg:$0x5] =	wrdreg $0x9  }
0xb2: {  	_ =	task.clear_ibuf [dreg:s7], $0x6FFFF;
	_ =	strace $0x90000049  }
0xb3: {  	s29 =	simm.s32 $0x9;
	_ =	strace $0x8000004B  }
0xb4: {  	_ =	swait.ge [sflag:s29], $0x1  }
0xb5: {  	[sflag:s29] =	ssyncadd.s32 $0xFFFFFFFF  }
0xb6: {  	_ =	strace $0x9000004B  }
0xb7: {  	_ =	sfence  }
0xb8: {  	s30 =	sld [smem:$0x0];
	_ =	sdelay $0x2  }
0xb9: {  	s31 =	sshll.u32 s1, $0xD;
	s1 =	sshrl.u32 s1, $0x2  }
0xba: {  	s3 =	sand.u32 $0x4000, s31;
	s1 =	sadd.s32 s1, s30  }
0xbb: {  	s0 =	sor.u32 s3, s0;
	s1 =	sshll.u32 s1, $0x11  }
0xbc: {  	s0 =	sor.u32 s1, s0  }
0xbd: {  	s0 =	sadd.s32 $0x8F2B, s0  }
0xbe: {  	[sflag:s0] =	ssyncadd.remote.s32 $0x1  }
0xbf: {  	_ =	sfence.sel $0xFFFF  }
0xc0: {  	[dreg:$0x0] =	wrdreg $0xFFFFFFFF;
	(pc) =	sbr.abs _section_cstart, $3  }
0xc1: {  	[dreg:$0x1] =	wrdreg $0xFFFFFFFF  }
0xc2: {  	_ =	task.clear_ibuf [dreg:s7], $0x2FFFF;
	_ =	strace $0x9FFFFFFF  }
0xc3: {  	(tm) =	ssettm $0x7FFFFFFF  }
tec
execute0_lowered:
.L_overlay_start_1:
0x0: {  	(tag) =	ssettag $0x1  }
0x1: {  	s1 =	rddreg [dreg:$0x0];
	s0 =	srdreg.scid  }
0x2: {  	s17 =	stileid.u32;
	s2 =	rddreg [dreg:$0x1]  }
0x3: {  	s3 =	rddreg [dreg:$0x2];
	s28 =	simm.s32 $0x1;
	s29 =	simm.s32 $0x180  }
0x4: {  	s30 =	simm.s32 $0x4;
	s31 =	simm.s32 $0x50;
	s7 =	smul.u32 $0x280, s17  }
0x5: {  	s0 =	sand.u32 $0x1, s0;
	s4 =	sshll.u32 s17, $0x1;
	s18 =	smul.u32 $0x50000, s17  }
0x6: {  	s8 =	sadd.s32 $0x21800, s2;
	s5 =	sor.u32 s0, s4;
	s6 =	smul.u32 $0x28000, s0  }
0x7: {  	s4 =	simm.s32 $0x0;
	s0 =	ssub.s32 $0x2, s0;
	s5 =	smul.u32 $0x7D0, s5  }
0x8: {  	[smem:$0x7FF] =	sst s4;
	s19 =	sshrl.u32 s0, $0x1;
	s9 =	sor.u32 $0x50, s7  }
0x9: {  	s20 =	sshrl.u32 s18, $0x2;
	s10 =	sadd.s32 $0xF0, s7;
	s11 =	sadd.s32 $0x140, s7  }
0xa: {  	s25 =	sadd.s32 $0x190, s7;
	s16 =	sadd.s32 $0x1E0, s7;
	_ =	strace $0x8000004A  }
0xb: {  	[dreg:$0x4] =	wrdreg s8;
	s0 =	ssub.s32 s0, s19;
	s21 =	sshll.u32 s9, $0x7  }
0xc: {  	s18 =	sadd.s32 s20, s3;
	s23 =	sshll.u32 s10, $0x7;
	s12 =	sshll.u32 s11, $0x7  }
0xd: {  	s9 =	sshll.u32 s9, $0x4;
	s10 =	sshll.u32 s10, $0x4;
	s11 =	sshll.u32 s11, $0x4  }
0xe: {  	s5 =	sadd.s32 s5, s2;
	s2 =	sadd.s32 s6, s2;
	s19 =	sadd.s32 s21, s3  }
0xf: {  	s6 =	sadd.s32 $0xA0, s7;
	s8 =	sadd.s32 s23, s3;
	s24 =	sadd.s32 s12, s3  }
0x10: {  	s21 =	sadd.s32 $0x230, s7;
	s23 =	sshll.u32 s16, $0x7;
	s16 =	sshll.u32 s16, $0x4  }
0x11: {  	s0 =	smax.u32 s0, $0x1;
	s22 =	sshll.u32 s6, $0x7;
	[dreg:$0x7] =	wrdreg s8  }
0x12: {  	[dreg:$0x8] =	wrdreg s24;
	s15 =	sshll.u32 s21, $0x7;
	s26 =	sadd.s32 s23, s3  }
0x13: {  	s14 =	sadd.s32 $0x11E00, s5;
	s2 =	sadd.s32 $0x22400, s2;
	s24 =	smul.u32 $0x2800, s17  }
0x14: {  	s6 =	sshll.u32 s6, $0x4;
	s8 =	sshll.u32 s25, $0x4;
	[dreg:$0xd] =	wrdreg s0  }
0x15: {  	s0 =	simm.s32 $0x200;
	s17 =	simm.s32 $0x100;
	s20 =	sadd.s32 s22, s3  }
0x16: {  	s22 =	sshll.u32 s25, $0x7;
	s12 =	sadd.s32 s9, s2;
	[dreg:$0xb] =	wrdreg s26  }
0x17: {  	s25 =	sshll.u32 s21, $0x4;
	s21 =	sadd.s32 s10, s2;
	[dreg:$0xf] =	wrdreg s12  }
0x18: {  	s13 =	sadd.s32 s15, s3;
	s23 =	sadd.s32 s8, s2;
	[dreg:$0x11] =	wrdreg s21  }
0x19: {  	s15 =	sadd.s32 $0x2400, s5;
	s8 =	simm.s32 $0x0;
	[dreg:$0x13] =	wrdreg s23  }
0x1a: {  	s10 =	smov.u32 s19;
	s9 =	simm.s32 $0xA;
	[dreg:$0x16] =	wrdreg s8  }
0x1b: {  	s19 =	simm.s32 $0x6;
	s7 =	sadd.s32 s22, s3;
	[dreg:$0x5] =	wrdreg s10  }
0x1c: {  	s5 =	sadd.s32 s24, s2;
	s12 =	smov.u32 s18;
	[dreg:$0xc] =	wrdreg s13  }
0x1d: {  	s18 =	sadd.s32 s6, s2;
	s22 =	sadd.s32 s11, s2;
	[dreg:$0xe] =	wrdreg s5  }
0x1e: {  	s11 =	smov.u32 s20;
	s24 =	sadd.s32 s16, s2;
	[dreg:$0x10] =	wrdreg s18  }
0x1f: {  	s25 =	sadd.s32 s25, s2;
	s2 =	simm.s32 $0x80;
	[dreg:$0x12] =	wrdreg s22  }
0x20: {  	s16 =	simm.s32 $0x2B00;
	s20 =	simm.s32 $0x5300;
	[dreg:$0x14] =	wrdreg s24  }
0x21: {  	s21 =	simm.s32 $0x7;
	s23 =	simm.s32 $0x8;
	[dreg:$0x15] =	wrdreg s25  }
0x22: {  	s6 =	simm.s32 $0x9;
	s25 =	simm.s32 $0x300;
	[dreg:$0x6] =	wrdreg s11  }
0x23: {  	s5 =	simm.s32 $0x5;
	s18 =	simm.s32 $0x280;
	[dreg:$0x9] =	wrdreg s12  }
0x24: {  	s22 =	simm.s32 $0x2;
	s24 =	simm.s32 $0x3;
	[dreg:$0xa] =	wrdreg s7  }
.LBB2_1:
0x25: {  	s8 =	rddreg [dreg:$0x4]  }
0x26: {  	[tilespmem:s25], [sflag:$0xA] =	stream.linear.gather [hbm4b:s8+s4], $0x2800, $0x38;
	[tilespmem:$0x1BB00] =	vst v63  }
0x27: {  	_ =	swait.ge [sflag:s9], $0x2800  }
0x28: {  	[sflag:s9] =	ssyncset.done $0x0  }
0x29: {  	[sflag:s9] =	ssyncadd.s32 $0xFFFFD800  }
0x2a: {  	[spmem:s12] =	stream.linear.scatter [tilespmem:s25], [sflag:$0x1], $0x2800, $0x38;
	[tilespmem:$0x1BB00] =	vst v63  }
0x2b: {  	_ = 	snop  }
0x2c: {  	[spmem:s10] =	stream.linear.scatter [tilespmem:s25], [sflag:$0x1], $0x2800, $0x38;
	[tilespmem:$0x1BB00] =	vst v63  }
0x2d: {  	_ = 	snop  }
0x2e: {  	[spmem:s11] =	stream.linear.scatter [tilespmem:s25], [sflag:$0x1], $0x2800, $0x38;
	[tilespmem:$0x1BB00] =	vst v63  }
0x2f: {  	s9 =	rddreg [dreg:$0x7]  }
0x30: {  	[spmem:s9] =	stream.linear.scatter [tilespmem:s25], [sflag:$0x1], $0x2800, $0x38;
	[tilespmem:$0x1BB00] =	vst v63  }
0x31: {  	s10 =	rddreg [dreg:$0x8]  }
0x32: {  	[spmem:s10] =	stream.linear.scatter [tilespmem:s25], [sflag:$0x1], $0x2800, $0x38;
	[tilespmem:$0x1BB00] =	vst v63  }
0x33: {  	_ = 	snop  }
0x34: {  	[spmem:s7] =	stream.linear.scatter [tilespmem:s25], [sflag:$0x1], $0x2800, $0x38;
	[tilespmem:$0x1BB00] =	vst v63  }
0x35: {  	_ = 	snop  }
0x36: {  	[spmem:s26] =	stream.linear.scatter [tilespmem:s25], [sflag:$0x1], $0x2800, $0x38;
	[tilespmem:$0x1BB00] =	vst v63  }
0x37: {  	_ = 	snop  }
0x38: {  	[spmem:s13] =	stream.linear.scatter [tilespmem:s25], [sflag:$0x1], $0x2800, $0x38;
	[tilespmem:$0x1BB00] =	vst v63  }
0x39: {  	_ =	swait.ge [sflag:s28], $0x2800  }
0x3a: {  	[sflag:s28] =	ssyncset.done $0x0  }
0x3b: {  	[sflag:s28] =	ssyncadd.s32 $0xFFFFD800  }
0x3c: {  	_ =	swait.ge [sflag:s28], $0x2800  }
0x3d: {  	[sflag:s28] =	ssyncset.done $0x0  }
0x3e: {  	[sflag:s28] =	ssyncadd.s32 $0xFFFFD800  }
0x3f: {  	_ =	swait.ge [sflag:s28], $0x2800  }
0x40: {  	[sflag:s28] =	ssyncset.done $0x0  }
0x41: {  	[sflag:s28] =	ssyncadd.s32 $0xFFFFD800  }
0x42: {  	_ =	swait.ge [sflag:s28], $0x2800  }
0x43: {  	[sflag:s28] =	ssyncset.done $0x0  }
0x44: {  	[sflag:s28] =	ssyncadd.s32 $0xFFFFD800  }
0x45: {  	_ =	swait.ge [sflag:s28], $0x2800  }
0x46: {  	[sflag:s28] =	ssyncset.done $0x0  }
0x47: {  	[sflag:s28] =	ssyncadd.s32 $0xFFFFD800  }
0x48: {  	_ =	swait.ge [sflag:s28], $0x2800  }
0x49: {  	[sflag:s28] =	ssyncset.done $0x0  }
0x4a: {  	[sflag:s28] =	ssyncadd.s32 $0xFFFFD800  }
0x4b: {  	_ =	swait.ge [sflag:s28], $0x2800  }
0x4c: {  	[sflag:s28] =	ssyncset.done $0x0  }
0x4d: {  	[sflag:s28] =	ssyncadd.s32 $0xFFFFD800  }
0x4e: {  	_ =	swait.ge [sflag:s28], $0x2800  }
0x4f: {  	[sflag:s28] =	ssyncset.done $0x0  }
0x50: {  	[sflag:s28] =	ssyncadd.s32 $0xFFFFD800  }
0x51: {  	[bflag:$0x0] =	sbarrier.arrive $0xFFFF  }
0x52: {  	[tilespmem:s4], [sflag:$0x4] =	stream.linear.gather [hbm4b:s14+s4], $0x80, $0x38;
	[tilespmem:$0x1BB00] =	vst v63  }
0x53: {  	_ = 	snop  }
0x54: {  	[tilespmem:s29], [sflag:$0x4] =	stream.linear.gather [hbm4b:s15+s4], $0x80, $0x38;
	[tilespmem:$0x1BB00] =	vst v63  }
0x55: {  	_ =	swait.ge [sflag:s30], $0x80  }
0x56: {  	[sflag:s30] =	ssyncset.done $0x0  }
0x57: {  	[sflag:s30] =	ssyncadd.s32 $0xFFFFFF80  }
0x58: {  	_ =	swait.ge [sflag:s30], $0x80  }
0x59: {  	[sflag:s30] =	ssyncset.done $0x0  }
0x5a: {  	[sflag:s30] =	ssyncadd.s32 $0xFFFFFF80  }
0x5b: {  	[tilespmem:s25], [sflag:$0x1] =	stream.indirect.gather [hbm4b:s1+s31], $0x80, s4, s31, $0xb8;
	[tilespmem:$0x1BB00] =	vst v63  }
0x5c: {  	s11 =	sadd.s32 $0x10, s14  }
0x5d: {  	[tilespmem:s2], [sflag:$0x5] =	stream.linear.gather [hbm4b:s11+s4], $0x80, $0x38;
	[tilespmem:$0x1BB00] =	vst v63  }
0x5e: {  	s12 =	sadd.s32 $0x10, s15  }
0x5f: {  	[tilespmem:s0], [sflag:$0x5] =	stream.linear.gather [hbm4b:s12+s4], $0x80, $0x38;
	[tilespmem:$0x1BB00] =	vst v63  }
0x60: {  	_ =	swait.ge [sflag:s5], $0x80  }
0x61: {  	[sflag:s5] =	ssyncset.done $0x0  }
0x62: {  	[sflag:s5] =	ssyncadd.s32 $0xFFFFFF80  }
0x63: {  	_ =	swait.ge [sflag:s5], $0x80  }
0x64: {  	[sflag:s5] =	ssyncset.done $0x0  }
0x65: {  	[sflag:s5] =	ssyncadd.s32 $0xFFFFFF80  }
0x66: {  	[tilespmem:s16], [sflag:$0x2] =	stream.indirect.gather [hbm4b:s1+s31], $0x80, s2, s31, $0xb8;
	[tilespmem:$0x1BB00] =	vst v63  }
0x67: {  	s13 =	sadd.s32 $0x20, s14  }
0x68: {  	[tilespmem:s17], [sflag:$0x6] =	stream.linear.gather [hbm4b:s13+s4], $0x80, $0x38;
	[tilespmem:$0x1BB00] =	vst v63  }
0x69: {  	s26 =	sadd.s32 $0x20, s15  }
0x6a: {  	[tilespmem:s18], [sflag:$0x6] =	stream.linear.gather [hbm4b:s26+s4], $0x80, $0x38;
	[tilespmem:$0x1BB00] =	vst v63  }
0x6b: {  	_ =	swait.ge [sflag:s28], $0x2800  }
0x6c: {  	[sflag:s28] =	ssyncset.done $0x0  }
0x6d: {  	[sflag:s28] =	ssyncadd.s32 $0xFFFFD800  }
0x6e: {  	[spmem:s3] =	stream.indirect.scatter.add.f32 [tilespmem:s25], [sflag:$0x7], $0x80, s29, s31, $0xb8;
	[tilespmem:$0x1BB00] =	vst v63  }
0x6f: {  	_ =	swait.ge [sflag:s19], $0x80  }
0x70: {  	[sflag:s19] =	ssyncset.done $0x0  }
0x71: {  	[sflag:s19] =	ssyncadd.s32 $0xFFFFFF80  }
0x72: {  	_ =	swait.ge [sflag:s19], $0x80  }
0x73: {  	[sflag:s19] =	ssyncset.done $0x0  }
0x74: {  	[sflag:s19] =	ssyncadd.s32 $0xFFFFFF80  }
0x75: {  	[tilespmem:s20], [sflag:$0x3] =	stream.indirect.gather [hbm4b:s1+s31], $0x80, s17, s31, $0xb8;
	[tilespmem:$0x1BB00] =	vst v63  }
0x76: {  	_ =	swait.ge [sflag:s21], $0x2800  }
0x77: {  	s10 =	sadd.s32 $0x40, s14;
	[sflag:s21] =	ssyncset.done $0x0  }
0x78: {  	s7 =	sadd.s32 $0x40, s15;
	s11 =	sadd.s32 $0xFFFFFFF0, s10;
	[sflag:s21] =	ssyncadd.s32 $0xFFFFD800  }
0x79: {  	[tilespmem:s4], [sflag:$0x4] =	stream.linear.gather [hbm4b:s11+s4], $0x80, $0x38;
	[tilespmem:$0x1BB00] =	vst v63  }
0x7a: {  	s12 =	sadd.s32 $0xFFFFFFF0, s7  }
0x7b: {  	[tilespmem:s29], [sflag:$0x4] =	stream.linear.gather [hbm4b:s12+s4], $0x80, $0x38;
	[tilespmem:$0x1BB00] =	vst v63  }
0x7c: {  	_ =	swait.ge [sflag:s22], $0x2800  }
0x7d: {  	[sflag:s22] =	ssyncset.done $0x0  }
0x7e: {  	[sflag:s22] =	ssyncadd.s32 $0xFFFFD800  }
0x7f: {  	[spmem:s3] =	stream.indirect.scatter.add.f32 [tilespmem:s16], [sflag:$0x8], $0x80, s0, s31, $0xb8;
	[tilespmem:$0x1BB00] =	vst v63  }
0x80: {  	_ =	swait.ge [sflag:s30], $0x80  }
0x81: {  	[sflag:s30] =	ssyncset.done $0x0  }
0x82: {  	[sflag:s30] =	ssyncadd.s32 $0xFFFFFF80  }
0x83: {  	_ =	swait.ge [sflag:s30], $0x80  }
0x84: {  	[sflag:s30] =	ssyncset.done $0x0  }
0x85: {  	[sflag:s30] =	ssyncadd.s32 $0xFFFFFF80  }
0x86: {  	[tilespmem:s25], [sflag:$0x1] =	stream.indirect.gather [hbm4b:s1+s31], $0x80, s4, s31, $0xb8;
	[tilespmem:$0x1BB00] =	vst v63  }
0x87: {  	_ =	swait.ge [sflag:s23], $0x2800  }
0x88: {  	[sflag:s23] =	ssyncset.done $0x0  }
0x89: {  	[sflag:s23] =	ssyncadd.s32 $0xFFFFD800  }
0x8a: {  	[tilespmem:s2], [sflag:$0x5] =	stream.linear.gather [hbm4b:s10+s4], $0x80, $0x38;
	[tilespmem:$0x1BB00] =	vst v63  }
0x8b: {  	_ = 	snop  }
0x8c: {  	[tilespmem:s0], [sflag:$0x5] =	stream.linear.gather [hbm4b:s7+s4], $0x80, $0x38;
	[tilespmem:$0x1BB00] =	vst v63  }
0x8d: {  	_ =	swait.ge [sflag:s24], $0x2800  }
0x8e: {  	[sflag:s24] =	ssyncset.done $0x0  }
0x8f: {  	[sflag:s24] =	ssyncadd.s32 $0xFFFFD800  }
0x90: {  	[spmem:s3] =	stream.indirect.scatter.add.f32 [tilespmem:s20], [sflag:$0x9], $0x80, s18, s31, $0xb8;
	[tilespmem:$0x1BB00] =	vst v63  }
0x91: {  	_ =	swait.ge [sflag:s5], $0x80  }
0x92: {  	[sflag:s5] =	ssyncset.done $0x0  }
0x93: {  	[sflag:s5] =	ssyncadd.s32 $0xFFFFFF80  }
0x94: {  	_ =	swait.ge [sflag:s5], $0x80  }
0x95: {  	[sflag:s5] =	ssyncset.done $0x0  }
0x96: {  	s13 =	smin.u32 s4, $0x77;
	[sflag:s5] =	ssyncadd.s32 $0xFFFFFF80  }
0x97: {  	[tilespmem:s16], [sflag:$0x2] =	stream.indirect.gather [hbm4b:s1+s31], $0x80, s2, s31, $0xb8;
	[tilespmem:$0x1BB00] =	vst v63  }
0x98: {  	s8 =	sshll.u32 s13, $0x4;
	_ =	swait.ge [sflag:s6], $0x2800  }
0x99: {  	s8 =	sadd.s32 $0x50, s8;
	[sflag:s6] =	ssyncset.done $0x0  }
0x9a: {  	s26 =	sadd.s32 s14, s8;
	[sflag:s6] =	ssyncadd.s32 $0xFFFFD800  }
0x9b: {  	[tilespmem:s17], [sflag:$0x6] =	stream.linear.gather [hbm4b:s26+s4], $0x80, $0x38;
	[tilespmem:$0x1BB00] =	vst v63  }
0x9c: {  	s8 =	sadd.s32 s15, s8  }
0x9d: {  	[tilespmem:s18], [sflag:$0x6] =	stream.linear.gather [hbm4b:s8+s4], $0x80, $0x38;
	[tilespmem:$0x1BB00] =	vst v63  }
0x9e: {  	_ =	swait.ge [sflag:s28], $0x2800  }
0x9f: {  	s9 =	sadd.s32 $0x30, s7;
	[sflag:s28] =	ssyncset.done $0x0  }
0xa0: {  	s10 =	sadd.s32 $0x30, s10;
	s8 =	simm.s32 $0x3;
	[sflag:s28] =	ssyncadd.s32 $0xFFFFD800  }
.LBB2_2:
0xa1: {  	[spmem:s3] =	stream.indirect.scatter.add.f32 [tilespmem:s25], [sflag:$0x7], $0x80, s29, s31, $0xb8;
	[tilespmem:$0x1BB00] =	vst v63  }
0xa2: {  	s11 =	smov.u32 s8  }
0xa3: {  	p0 =	sne.s32 s8, $0x78;
	s8 =	sadd.s32 $0x3, s8;
	_ =	swait.ge [sflag:s19], $0x80  }
0xa4: {  	[sflag:s19] =	ssyncset.done $0x0  }
0xa5: {  	[sflag:s19] =	ssyncadd.s32 $0xFFFFFF80  }
0xa6: {  	_ =	swait.ge [sflag:s19], $0x80  }
0xa7: {  	[sflag:s19] =	ssyncset.done $0x0  }
0xa8: {  	[sflag:s19] =	ssyncadd.s32 $0xFFFFFF80  }
0xa9: {  	[tilespmem:s20], [sflag:$0x3] =	stream.indirect.gather [hbm4b:s1+s31], $0x80, s17, s31, $0xb8;
	[tilespmem:$0x1BB00] =	vst v63  }
0xaa: {  	_ =	swait.ge [sflag:s21], $0x2800  }
0xab: {  	[sflag:s21] =	ssyncset.done $0x0  }
0xac: {  	s12 =	sadd.s32 $0xFFFFFFF0, s10;
	[sflag:s21] =	ssyncadd.s32 $0xFFFFD800  }
0xad: {  	[tilespmem:s4], [sflag:$0x4] =	stream.linear.gather [hbm4b:s12+s4], $0x80, $0x38;
	[tilespmem:$0x1BB00] =	vst v63  }
0xae: {  	s12 =	sadd.s32 $0xFFFFFFF0, s9  }
0xaf: {  	[tilespmem:s29], [sflag:$0x4] =	stream.linear.gather [hbm4b:s12+s4], $0x80, $0x38;
	[tilespmem:$0x1BB00] =	vst v63  }
0xb0: {  	_ =	swait.ge [sflag:s22], $0x2800  }
0xb1: {  	[sflag:s22] =	ssyncset.done $0x0  }
0xb2: {  	[sflag:s22] =	ssyncadd.s32 $0xFFFFD800  }
0xb3: {  	[spmem:s3] =	stream.indirect.scatter.add.f32 [tilespmem:s16], [sflag:$0x8], $0x80, s0, s31, $0xb8;
	[tilespmem:$0x1BB00] =	vst v63  }
0xb4: {  	_ =	swait.ge [sflag:s30], $0x80  }
0xb5: {  	[sflag:s30] =	ssyncset.done $0x0  }
0xb6: {  	[sflag:s30] =	ssyncadd.s32 $0xFFFFFF80  }
0xb7: {  	_ =	swait.ge [sflag:s30], $0x80  }
0xb8: {  	[sflag:s30] =	ssyncset.done $0x0  }
0xb9: {  	[sflag:s30] =	ssyncadd.s32 $0xFFFFFF80  }
0xba: {  	[tilespmem:s25], [sflag:$0x1] =	stream.indirect.gather [hbm4b:s1+s31], $0x80, s4, s31, $0xb8;
	[tilespmem:$0x1BB00] =	vst v63  }
0xbb: {  	_ =	swait.ge [sflag:s23], $0x2800  }
0xbc: {  	[sflag:s23] =	ssyncset.done $0x0  }
0xbd: {  	[sflag:s23] =	ssyncadd.s32 $0xFFFFD800  }
0xbe: {  	[tilespmem:s2], [sflag:$0x5] =	stream.linear.gather [hbm4b:s10+s4], $0x80, $0x38;
	[tilespmem:$0x1BB00] =	vst v63  }
0xbf: {  	_ = 	snop  }
0xc0: {  	[tilespmem:s0], [sflag:$0x5] =	stream.linear.gather [hbm4b:s9+s4], $0x80, $0x38;
	[tilespmem:$0x1BB00] =	vst v63  }
0xc1: {  	_ =	swait.ge [sflag:s24], $0x2800  }
0xc2: {  	[sflag:s24] =	ssyncset.done $0x0  }
0xc3: {  	[sflag:s24] =	ssyncadd.s32 $0xFFFFD800  }
0xc4: {  	[spmem:s3] =	stream.indirect.scatter.add.f32 [tilespmem:s20], [sflag:$0x9], $0x80, s18, s31, $0xb8;
	[tilespmem:$0x1BB00] =	vst v63  }
0xc5: {  	_ =	swait.ge [sflag:s5], $0x80  }
0xc6: {  	[sflag:s5] =	ssyncset.done $0x0  }
0xc7: {  	[sflag:s5] =	ssyncadd.s32 $0xFFFFFF80  }
0xc8: {  	_ =	swait.ge [sflag:s5], $0x80  }
0xc9: {  	[sflag:s5] =	ssyncset.done $0x0  }
0xca: {  	s11 =	smin.u32 s11, $0x77;
	[sflag:s5] =	ssyncadd.s32 $0xFFFFFF80  }
0xcb: {  	[tilespmem:s16], [sflag:$0x2] =	stream.indirect.gather [hbm4b:s1+s31], $0x80, s2, s31, $0xb8;
	[tilespmem:$0x1BB00] =	vst v63  }
0xcc: {  	s11 =	sshll.u32 s11, $0x4;
	_ =	swait.ge [sflag:s6], $0x2800  }
0xcd: {  	s11 =	sadd.s32 $0x50, s11;
	[sflag:s6] =	ssyncset.done $0x0  }
0xce: {  	s12 =	sadd.s32 s14, s11;
	[sflag:s6] =	ssyncadd.s32 $0xFFFFD800  }
0xcf: {  	[tilespmem:s17], [sflag:$0x6] =	stream.linear.gather [hbm4b:s12+s4], $0x80, $0x38;
	[tilespmem:$0x1BB00] =	vst v63  }
.Ltmp0:
0xd0: {  	s11 =	sadd.s32 s15, s11;
	(pc) =	sbr.rel @p0 .LBB2_2-.Ltmp0, $4  }
0xd1: {  	[tilespmem:s18], [sflag:$0x6] =	stream.linear.gather [hbm4b:s11+s4], $0x80, $0x38;
	[tilespmem:$0x1BB00] =	vst v63  }
0xd2: {  	_ =	swait.ge [sflag:s28], $0x2800  }
0xd3: {  	[sflag:s28] =	ssyncset.done $0x0  }
0xd4: {  	s10 =	sadd.s32 $0x30, s10;
	s9 =	sadd.s32 $0x30, s9;
	[sflag:s28] =	ssyncadd.s32 $0xFFFFD800  }
0xd5: {  	[spmem:s3] =	stream.indirect.scatter.add.f32 [tilespmem:s25], [sflag:$0x7], $0x80, s29, s31, $0xb8;
	[tilespmem:$0x1BB00] =	vst v63  }
0xd6: {  	_ =	swait.ge [sflag:s21], $0x2800  }
0xd7: {  	[sflag:s21] =	ssyncset.done $0x0  }
0xd8: {  	[sflag:s21] =	ssyncadd.s32 $0xFFFFD800  }
0xd9: {  	_ =	swait.ge [sflag:s22], $0x2800  }
0xda: {  	[sflag:s22] =	ssyncset.done $0x0  }
0xdb: {  	[sflag:s22] =	ssyncadd.s32 $0xFFFFD800  }
0xdc: {  	[spmem:s3] =	stream.indirect.scatter.add.f32 [tilespmem:s16], [sflag:$0x8], $0x80, s0, s31, $0xb8;
	[tilespmem:$0x1BB00] =	vst v63  }
0xdd: {  	_ =	swait.ge [sflag:s23], $0x2800  }
0xde: {  	[sflag:s23] =	ssyncset.done $0x0  }
0xdf: {  	[sflag:s23] =	ssyncadd.s32 $0xFFFFD800  }
0xe0: {  	_ =	swait.ge [sflag:s19], $0x80  }
0xe1: {  	[sflag:s19] =	ssyncset.done $0x0  }
0xe2: {  	[sflag:s19] =	ssyncadd.s32 $0xFFFFFF80  }
0xe3: {  	_ =	swait.ge [sflag:s19], $0x80  }
0xe4: {  	[sflag:s19] =	ssyncset.done $0x0  }
0xe5: {  	[sflag:s19] =	ssyncadd.s32 $0xFFFFFF80  }
0xe6: {  	[bflag:$0x0] =	sbarrier.arrive $0xFFFF  }
0xe7: {  	s9 =	simm.s32 $0xA;
	s7 =	rddreg [dreg:$0x9]  }
0xe8: {  	[tilespmem:s25], [sflag:$0xA] =	stream.linear.gather [spmem:s7], $0x2800, $0x38;
	[tilespmem:$0x1BB00] =	vst v63  }
0xe9: {  	_ =	swait.ge [sflag:s9], $0x2800  }
0xea: {  	[sflag:s9] =	ssyncset.done $0x0  }
0xeb: {  	s10 =	rddreg [dreg:$0xe];
	[sflag:s9] =	ssyncadd.s32 $0xFFFFD800  }
0xec: {  	[hbm4b:s10+s4] =	stream.linear.scatter [tilespmem:s25], [sflag:$0x1], $0x2800, $0x38;
	[tilespmem:$0x1BB00] =	vst v63  }
0xed: {  	s10 =	rddreg [dreg:$0x5]  }
0xee: {  	[tilespmem:s16], [sflag:$0xA] =	stream.linear.gather [spmem:s10], $0x2800, $0x38;
	[tilespmem:$0x1BB00] =	vst v63  }
0xef: {  	_ =	swait.ge [sflag:s9], $0x2800  }
0xf0: {  	[sflag:s9] =	ssyncset.done $0x0  }
0xf1: {  	s11 =	rddreg [dreg:$0xf];
	[sflag:s9] =	ssyncadd.s32 $0xFFFFD800  }
0xf2: {  	[hbm4b:s11+s4] =	stream.linear.scatter [tilespmem:s16], [sflag:$0x2], $0x2800, $0x38;
	[tilespmem:$0x1BB00] =	vst v63  }
0xf3: {  	s11 =	rddreg [dreg:$0x6]  }
0xf4: {  	[tilespmem:s20], [sflag:$0xA] =	stream.linear.gather [spmem:s11], $0x2800, $0x38;
	[tilespmem:$0x1BB00] =	vst v63  }
0xf5: {  	_ =	swait.ge [sflag:s9], $0x2800  }
0xf6: {  	[sflag:s9] =	ssyncset.done $0x0  }
0xf7: {  	s12 =	rddreg [dreg:$0x10];
	[sflag:s9] =	ssyncadd.s32 $0xFFFFD800  }
0xf8: {  	[hbm4b:s12+s4] =	stream.linear.scatter [tilespmem:s20], [sflag:$0x3], $0x2800, $0x38;
	[tilespmem:$0x1BB00] =	vst v63  }
0xf9: {  	_ =	swait.ge [sflag:s28], $0x2800  }
0xfa: {  	[sflag:s28] =	ssyncset.done $0x0  }
0xfb: {  	s13 =	rddreg [dreg:$0x7];
	[sflag:s28] =	ssyncadd.s32 $0xFFFFD800  }
0xfc: {  	[tilespmem:s25], [sflag:$0xA] =	stream.linear.gather [spmem:s13], $0x2800, $0x38;
	[tilespmem:$0x1BB00] =	vst v63  }
0xfd: {  	_ =	swait.ge [sflag:s9], $0x2800  }
0xfe: {  	[sflag:s9] =	ssyncset.done $0x0  }
0xff: {  	s26 =	rddreg [dreg:$0x11];
	[sflag:s9] =	ssyncadd.s32 $0xFFFFD800  }
0x100: {  	[hbm4b:s26+s4] =	stream.linear.scatter [tilespmem:s25], [sflag:$0x1], $0x2800, $0x38;
	[tilespmem:$0x1BB00] =	vst v63  }
0x101: {  	_ =	swait.ge [sflag:s22], $0x2800  }
0x102: {  	[sflag:s22] =	ssyncset.done $0x0  }
0x103: {  	s8 =	rddreg [dreg:$0x8];
	[sflag:s22] =	ssyncadd.s32 $0xFFFFD800  }
0x104: {  	[tilespmem:s16], [sflag:$0xA] =	stream.linear.gather [spmem:s8], $0x2800, $0x38;
	[tilespmem:$0x1BB00] =	vst v63  }
0x105: {  	_ =	swait.ge [sflag:s9], $0x2800  }
0x106: {  	[sflag:s9] =	ssyncset.done $0x0  }
0x107: {  	s12 =	rddreg [dreg:$0x12];
	[sflag:s9] =	ssyncadd.s32 $0xFFFFD800  }
0x108: {  	[hbm4b:s12+s4] =	stream.linear.scatter [tilespmem:s16], [sflag:$0x2], $0x2800, $0x38;
	[tilespmem:$0x1BB00] =	vst v63  }
0x109: {  	_ =	swait.ge [sflag:s24], $0x2800  }
0x10a: {  	[sflag:s24] =	ssyncset.done $0x0  }
0x10b: {  	s7 =	rddreg [dreg:$0xa];
	[sflag:s24] =	ssyncadd.s32 $0xFFFFD800  }
0x10c: {  	[tilespmem:s20], [sflag:$0xA] =	stream.linear.gather [spmem:s7], $0x2800, $0x38;
	[tilespmem:$0x1BB00] =	vst v63  }
0x10d: {  	_ =	swait.ge [sflag:s9], $0x2800  }
0x10e: {  	[sflag:s9] =	ssyncset.done $0x0  }
0x10f: {  	s8 =	rddreg [dreg:$0x13];
	[sflag:s9] =	ssyncadd.s32 $0xFFFFD800  }
0x110: {  	[hbm4b:s8+s4] =	stream.linear.scatter [tilespmem:s20], [sflag:$0x3], $0x2800, $0x38;
	[tilespmem:$0x1BB00] =	vst v63  }
0x111: {  	_ =	swait.ge [sflag:s28], $0x2800  }
0x112: {  	[sflag:s28] =	ssyncset.done $0x0  }
0x113: {  	s26 =	rddreg [dreg:$0xb];
	[sflag:s28] =	ssyncadd.s32 $0xFFFFD800  }
0x114: {  	[tilespmem:s25], [sflag:$0xA] =	stream.linear.gather [spmem:s26], $0x2800, $0x38;
	[tilespmem:$0x1BB00] =	vst v63  }
0x115: {  	_ =	swait.ge [sflag:s9], $0x2800  }
0x116: {  	[sflag:s9] =	ssyncset.done $0x0  }
0x117: {  	s13 =	rddreg [dreg:$0x14];
	[sflag:s9] =	ssyncadd.s32 $0xFFFFD800  }
0x118: {  	[hbm4b:s13+s4] =	stream.linear.scatter [tilespmem:s25], [sflag:$0x1], $0x2800, $0x38;
	[tilespmem:$0x1BB00] =	vst v63  }
0x119: {  	_ =	swait.ge [sflag:s22], $0x2800  }
0x11a: {  	[sflag:s22] =	ssyncset.done $0x0  }
0x11b: {  	s13 =	rddreg [dreg:$0xc];
	[sflag:s22] =	ssyncadd.s32 $0xFFFFD800  }
0x11c: {  	[tilespmem:s16], [sflag:$0xA] =	stream.linear.gather [spmem:s13], $0x2800, $0x38;
	[tilespmem:$0x1BB00] =	vst v63  }
0x11d: {  	_ =	swait.ge [sflag:s9], $0x2800  }
0x11e: {  	[sflag:s9] =	ssyncset.done $0x0  }
0x11f: {  	s12 =	rddreg [dreg:$0x15];
	[sflag:s9] =	ssyncadd.s32 $0xFFFFD800  }
0x120: {  	[hbm4b:s12+s4] =	stream.linear.scatter [tilespmem:s16], [sflag:$0x2], $0x2800, $0x38;
	[tilespmem:$0x1BB00] =	vst v63  }
0x121: {  	_ =	swait.ge [sflag:s24], $0x2800  }
0x122: {  	[sflag:s24] =	ssyncset.done $0x0  }
0x123: {  	[sflag:s24] =	ssyncadd.s32 $0xFFFFD800  }
0x124: {  	_ =	swait.ge [sflag:s28], $0x2800  }
0x125: {  	[sflag:s28] =	ssyncset.done $0x0  }
0x126: {  	[sflag:s28] =	ssyncadd.s32 $0xFFFFD800  }
0x127: {  	_ =	swait.ge [sflag:s22], $0x2800  }
0x128: {  	s12 =	rddreg [dreg:$0x16]  }
0x129: {  	s8 =	rddreg [dreg:$0xd];
	s12 =	sadd.s32 $0x1, s12  }
0x12a: {  	p0 =	sne.s32 s12, s8  }
.Ltmp1:
0x12b: {  	_ = 	snop;
	(pc) =	sbr.rel @p0 .LBB2_1-.Ltmp1, $3  }
0x12c: {  	_ =	sdelay $0x1  }
0x12d: {  	[sflag:s22] =	ssyncset.done $0x0;
	[dreg:$0x16] =	wrdreg s12  }
0x12e: {  	[sflag:s22] =	ssyncadd.s32 $0xFFFFD800;
	s12 =	rddreg [dreg:$0x9]  }
0x12f: {  	_ =	sfence.sel $0x180000  }
0x130: {  	[bflag:$0x0] =	sbarrier.arrive $0xFFFF  }
0x131: {  	_ =	strace $0x9000004A  }
0x132: {  	s0 =	stileid.u32;
	[bflag:$0x2] =	sbarrier.arrive $0xFFFF  }
0x133: {  	p0 =	sne.s32 s0, $0x0;
	s0 =	rddreg [dreg:$0x3]  }
0x134: {  	s0 =	sadd.s32 @!p0 $0x100000, s0  }
0x135: {  	[sflag:s0] =	ssyncadd.tile.s32 @!p0 $0x1;
	_ =	shalt  }
.Lfunc_end2:
_tile_overlayer_lowered:
.L_overlay_start_2:
0x136: {  	(tag) =	ssettag $0x2  }
0x137: {  	s0 =	rddreg [dreg:$0x0];
	s2 =	stileid.u32  }
0x138: {  	s1 =	rddreg [dreg:$0x1];
	p0 =	sne.s32 s2, $0x0  }
0x139: {  	s3 =	rddreg [dreg:$0x2];
	[bflag:$0x3] =	sbarrier.arrive $0xFFFF;
	s2 =	simm.s32 @!p0 $0x1C0A  }
0x13a: {  	[timem:s3], [sflag:s2] =	dma.local @!p0 [hbm:s0], s1  }
0x13b: {  	s0 =	simm.s32 @!p0 $0xA  }
0x13c: {  	_ =	swait.ge @!p0 [sflag:s0], s1  }
0x13d: {  	s1 =	ssub.s32 @!p0 $0x0, s1;
	[sflag:s0] =	ssyncset.done @!p0 $0x0  }
0x13e: {  	[sflag:s0] =	ssyncadd.s32 @!p0 s1  }
0x13f: {  	[bflag:$0x3] =	sbarrier.arrive $0xFFFF  }
0x140: {  	_ =	shalt  }

</sc_bundles>
